<compile_context>
chip_gen: v7x
topology: tpu7x:2x2x1
jax: 0.10.2.dev20260603
libtpu: 0.0.44.dev20260713+nightly
codegen_flags: <defaults>
</compile_context>

<pallas_src>
import math

import jax
import jax.numpy as jnp
from jax import lax
from jax.experimental import pallas as pl
from jax.experimental.pallas import tpu as pltpu
from jax.experimental.pallas import tpu_sc as plsc

N_CORES = 2
N_SUBCORES = 16
NW = N_CORES * N_SUBCORES
L = 16
CHUNK = 800
SUB = 800
G = CHUNK // SUB
GROUPS = CHUNK // L

S3 = math.sqrt(3.0)
S5 = math.sqrt(5.0)
S15 = math.sqrt(15.0)


def _rsqrt(s2):
    i = plsc.bitcast(s2, jnp.int32)
    i = jnp.int32(0x5F3759DF) - jnp.right_shift(i, 1)
    r = plsc.bitcast(i, jnp.float32)
    half = jnp.float32(0.5) * s2
    for _ in range(3):
        r = r * (jnp.float32(1.5) - half * r * r)
    return r


def _sh_body(ei_hbm, pos_hbm, out_hbm, idx_s, idx_d, idx2_s, idx2_d,
             rows_s, rows_d, out_v, sem_rows):
    n_edges = out_hbm.shape[0] // 9
    n_chunks = n_edges // CHUNK
    wid = lax.axis_index("s") * N_CORES + lax.axis_index("c")
    n_mine = lax.convert_element_type(n_chunks // NW, jnp.int32)

    lane = lax.iota(jnp.int32, L)
    lane9 = lane * jnp.int32(9)
    ones = jnp.ones((L,), jnp.float32)

    def chunk_base(k):
        return (wid + k * NW) * CHUNK

    def stage(k, b):
        base = chunk_base(k)
        pltpu.sync_copy(ei_hbm.at[jnp.int32(0), pl.ds(base, CHUNK)], idx_s[b])
        pltpu.sync_copy(ei_hbm.at[jnp.int32(1), pl.ds(base, CHUNK)], idx_d[b])

        def fill_body(i, _):
            p = (i * L + lane) * jnp.int32(2)
            plsc.store_scatter(idx2_s[b], [p],
                               idx_s[b][pl.ds(i * L, L)] * jnp.int32(2))
            plsc.store_scatter(idx2_d[b], [p],
                               idx_d[b][pl.ds(i * L, L)] * jnp.int32(2))
            return jnp.int32(0)

        lax.fori_loop(jnp.int32(0), jnp.int32(GROUPS), fill_body, jnp.int32(0))

        for g in range(G):
            sl_idx = pl.ds(g * SUB * 2, SUB * 2)
            sl_dst = pl.ds(g * SUB, SUB * 2)
            pltpu.async_copy(pos_hbm.at[idx2_s[b].at[sl_idx]],
                             rows_s[b].at[sl_dst], sem_rows[0])
            pltpu.async_copy(pos_hbm.at[idx2_d[b].at[sl_idx]],
                             rows_d[b].at[sl_dst], sem_rows[0])

    def process(k, b):
        for g in range(G):
            sl_idx = pl.ds(g * SUB * 2, SUB * 2)
            sl_dst = pl.ds(g * SUB, SUB * 2)
            pltpu.make_async_copy(pos_hbm.at[idx2_s[b].at[sl_idx]],
                                  rows_s[b].at[sl_dst], sem_rows[0]).wait()
            pltpu.make_async_copy(pos_hbm.at[idx2_d[b].at[sl_idx]],
                                  rows_d[b].at[sl_dst], sem_rows[0]).wait()

        rs = rows_s[b]
        rd = rows_d[b]
        ov = out_v[b]
        c0 = jnp.zeros((L,), jnp.int32)
        c1 = c0 + jnp.int32(1)
        c2 = c0 + jnp.int32(2)

        def group_body(i, _):
            e = i * L + lane
            sx = plsc.load_gather(rs, [e, c0])
            sy = plsc.load_gather(rs, [e, c1])
            sz = plsc.load_gather(rs, [e, c2])
            dx = plsc.load_gather(rd, [e, c0])
            dy = plsc.load_gather(rd, [e, c1])
            dz = plsc.load_gather(rd, [e, c2])
            x = sx - dx
            y = sy - dy
            z = sz - dz
            s2 = x * x + y * y + z * z
            r = jnp.minimum(_rsqrt(s2), jnp.float32(1e12))
            ux = x * r
            uy = y * r
            uz = z * r
            x2 = ux * ux
            y2 = uy * uy
            z2 = uz * uz
            sh = [
                ones,
                S3 * ux,
                S3 * uy,
                S3 * uz,
                S15 * ux * uz,
                S15 * ux * uy,
                S5 * (y2 - jnp.float32(0.5) * (x2 + z2)),
                S15 * uy * uz,
                (S15 / 2.0) * (z2 - x2),
            ]
            o9 = i * (L * 9) + lane9
            for c in range(9):
                plsc.store_scatter(ov, [o9 + jnp.int32(c)], sh[c])
            return jnp.int32(0)

        lax.fori_loop(jnp.int32(0), jnp.int32(GROUPS), group_body, jnp.int32(0))
        pltpu.sync_copy(ov, out_hbm.at[pl.ds(chunk_base(k) * 9, CHUNK * 9)])

    stage(jnp.int32(0), 0)

    def pair_body(kk, _):
        k = kk * jnp.int32(2)
        stage(k + jnp.int32(1), 1)
        process(k, 0)
        stage(k + jnp.int32(2), 0)
        process(k + jnp.int32(1), 1)
        return jnp.int32(0)

    n_pairs = n_mine // jnp.int32(2) - jnp.int32(1)
    lax.fori_loop(jnp.int32(0), n_pairs, pair_body, jnp.int32(0))

    k_last = n_mine - jnp.int32(2)
    stage(k_last + jnp.int32(1), 1)
    process(k_last, 0)
    process(k_last + jnp.int32(1), 1)


def kernel(pos, edge_index):
    n_edges = edge_index.shape[1]
    ei = edge_index.astype(jnp.int32)
    pos4 = jnp.pad(pos.astype(jnp.float32), ((0, 0), (0, 1)))
    call = pl.kernel(
        _sh_body,
        out_type=jax.ShapeDtypeStruct((n_edges * 9,), jnp.float32),
        mesh=plsc.VectorSubcoreMesh(core_axis_name="c", subcore_axis_name="s"),
        compiler_params=pltpu.CompilerParams(
            needs_layout_passes=False, use_tc_tiling_on_sc=False),
        scratch_types=[
            [pltpu.VMEM((CHUNK,), jnp.int32)] * 2,
            [pltpu.VMEM((CHUNK,), jnp.int32)] * 2,
            [pltpu.VMEM((CHUNK * 2,), jnp.int32)] * 2,
            [pltpu.VMEM((CHUNK * 2,), jnp.int32)] * 2,
            [pltpu.VMEM((CHUNK + SUB, 4), jnp.float32)] * 2,
            [pltpu.VMEM((CHUNK + SUB, 4), jnp.float32)] * 2,
            [pltpu.VMEM((CHUNK * 9,), jnp.float32)] * 2,
            [pltpu.SemaphoreType.DMA] * 2,
        ],
    )
    return call(ei, pos4).reshape(n_edges, 9)

# --- scband reference (transcript-rebuilt; emitter-appended) ---
"""Pipeline reference for scband-spherical-harmonic-edge-attrs-49976239456302 (READ-ONLY COPY).

The authoritative reference and input builder live on the scoring server;
editing this copy changes nothing except your own understanding.
"""

import jax
jax.config.update("jax_enable_x64", True)
import jax.numpy as jnp
import numpy as np
import math

N_NODES = 100000
N_EDGES = 6400000


def _spherical_harmonics_lmax2(unit):
    # e3nn 'component'-normalized real spherical harmonics up to lmax=2,
    # evaluated on unit vectors (e3nn x,y,z ordering and basis conventions).
    x = unit[..., 0]
    y = unit[..., 1]
    z = unit[..., 2]
    s3 = math.sqrt(3.0)
    s5 = math.sqrt(5.0)
    s15 = math.sqrt(15.0)
    sh_0_0 = jnp.ones_like(x)
    sh_1_0 = s3 * x
    sh_1_1 = s3 * y
    sh_1_2 = s3 * z
    x2 = x * x
    y2 = y * y
    z2 = z * z
    sh_2_0 = s15 * x * z
    sh_2_1 = s15 * x * y
    sh_2_2 = s5 * (y2 - 0.5 * (x2 + z2))
    sh_2_3 = s15 * y * z
    sh_2_4 = (s15 / 2.0) * (z2 - x2)
    return jnp.stack(
        [sh_0_0, sh_1_0, sh_1_1, sh_1_2, sh_2_0, sh_2_1, sh_2_2, sh_2_3, sh_2_4],
        axis=-1,
    )


def setup_inputs(seed: int = 0) -> dict:
    key = jax.random.key(seed)
    k1, k2 = jax.random.split(key)
    pos = jax.random.normal(k1, (N_NODES, 3), dtype=jnp.float32)
    edge_index = jax.random.randint(k2, (2, N_EDGES), 0, N_NODES, dtype=jnp.int64)
    return {"pos": pos, "edge_index": edge_index}


def reference(pos, edge_index):
    # edge vectors: pos[src] - pos[dst]
    src = jnp.take(pos, edge_index[0], axis=0)
    dst = jnp.take(pos, edge_index[1], axis=0)
    edge_vectors = src - dst
    # edge_sh_normalize=True: normalize vectors to unit length (eps-guarded like F.normalize)
    norm = jnp.linalg.norm(edge_vectors, axis=-1, keepdims=True)
    unit = edge_vectors / jnp.maximum(norm, 1e-12)
    edge_sh = _spherical_harmonics_lmax2(unit)
    return edge_sh

if __name__ == "__main__":
    import jax
    _d = setup_inputs()
    print(jax.jit(kernel)(*tuple(_d.values())))

</pallas_src>

<mosaic_0001>
#map = affine_map<(d0, d1) -> (0, 0)>
#map1 = affine_map<(d0, d1) -> (0)>
module attributes {stable_mosaic.version = 14 : i64} {
  func.func @_sh_body(%arg0: i32, %arg1: i32, %arg2: memref<2x6400000xi32, #tpu.memory_space<hbm>>, %arg3: memref<100000x4xf32, #tpu.memory_space<hbm>>, %arg4: memref<57600000xf32, #tpu.memory_space<hbm>>, %arg5: memref<800xi32, #tpu.memory_space<vmem>>, %arg6: memref<800xi32, #tpu.memory_space<vmem>>, %arg7: memref<800xi32, #tpu.memory_space<vmem>>, %arg8: memref<800xi32, #tpu.memory_space<vmem>>, %arg9: memref<1600xi32, #tpu.memory_space<vmem>>, %arg10: memref<1600xi32, #tpu.memory_space<vmem>>, %arg11: memref<1600xi32, #tpu.memory_space<vmem>>, %arg12: memref<1600xi32, #tpu.memory_space<vmem>>, %arg13: memref<1600x4xf32, #tpu.memory_space<vmem>>, %arg14: memref<1600x4xf32, #tpu.memory_space<vmem>>, %arg15: memref<1600x4xf32, #tpu.memory_space<vmem>>, %arg16: memref<1600x4xf32, #tpu.memory_space<vmem>>, %arg17: memref<7200xf32, #tpu.memory_space<vmem>>, %arg18: memref<7200xf32, #tpu.memory_space<vmem>>, %arg19: memref<!tpu.dma_semaphore, #tpu.memory_space<semaphore_mem>>, %arg20: memref<!tpu.dma_semaphore, #tpu.memory_space<semaphore_mem>>) attributes {dimension_semantics = [#tpu.dimension_semantics<core_parallel>, #tpu.dimension_semantics<subcore_parallel>], iteration_bounds = array<i64: 2, 16>, scalar_prefetch = 0 : i64, scratch_operands = 16 : i64, tpu.core_type = #tpu.core_type<sc_vector_subcore>, window_params = [{transform_indices = #map}, {transform_indices = #map}, {transform_indices = #map1}]} {
    %mul3A = arith.constant 2 : i32
    %mul3A_0 = arith.muli %arg1, %mul3A : i32
    %add3A = arith.addi %mul3A_0, %arg0 : i32
    %iota3A = tpu.iota {dimensions = array<i32: 0>} : vector<16xi32>
    %mul3A_1 = arith.constant 9 : i32
    %mul3A_2 = vector.broadcast %mul3A_1 : i32 to vector<16xi32>
    %mul3A_3 = arith.muli %iota3A, %mul3A_2 : vector<16xi32>
    %broadcast_in_dim3A = arith.constant 1.000000e+00 : f32
    %broadcast_in_dim3A_4 = vector.broadcast %broadcast_in_dim3A : f32 to vector<16xf32>
    %mul3A_5 = arith.constant 0 : i32
    %mul3A_6 = arith.constant 32 : i32
    %mul3A_7 = arith.muli %mul3A_5, %mul3A_6 : i32
    %add3A_8 = arith.addi %add3A, %mul3A_7 : i32
    %mul3A_9 = arith.constant 800 : i32
    %mul3A_10 = arith.muli %add3A_8, %mul3A_9 : i32
    %run_scoped3A = arith.constant 0 : i32
    "tpu.region"() ({
      %run_scoped3A_200 = tpu.sem_alloc : memref<!tpu.dma_semaphore, #tpu.memory_space<semaphore_mem>>
      %dma_start3A_201 = tpu.memref_slice %arg2[%run_scoped3A, %mul3A_10] : memref<2x6400000xi32, #tpu.memory_space<hbm>> -> memref<1x800xi32, #tpu.memory_space<hbm>>
      %dma_start3A_202 = tpu.memref_squeeze %dma_start3A_201 : memref<1x800xi32, #tpu.memory_space<hbm>> -> memref<800xi32, #tpu.memory_space<hbm>>
      %dma_start3A_203 = tpu.memref_slice %arg2[%run_scoped3A, %mul3A_10] : memref<2x6400000xi32, #tpu.memory_space<hbm>> -> memref<1x800xi32, #tpu.memory_space<hbm>>
      %dma_start3A_204 = tpu.memref_squeeze %dma_start3A_203 : memref<1x800xi32, #tpu.memory_space<hbm>> -> memref<800xi32, #tpu.memory_space<hbm>>
      tpu.enqueue_dma source(%dma_start3A_204 : memref<800xi32, #tpu.memory_space<hbm>>) target(%arg5 : memref<800xi32, #tpu.memory_space<vmem>>) target_semaphore(%run_scoped3A_200 : memref<!tpu.dma_semaphore, #tpu.memory_space<semaphore_mem>>)
      %dma_wait3A_205 = tpu.memref_slice %arg2[%run_scoped3A, %mul3A_10] : memref<2x6400000xi32, #tpu.memory_space<hbm>> -> memref<1x800xi32, #tpu.memory_space<hbm>>
      %dma_wait3A_206 = tpu.memref_squeeze %dma_wait3A_205 : memref<1x800xi32, #tpu.memory_space<hbm>> -> memref<800xi32, #tpu.memory_space<hbm>>
      %dma_wait3A_207 = tpu.memref_slice %arg2[%run_scoped3A, %mul3A_10] : memref<2x6400000xi32, #tpu.memory_space<hbm>> -> memref<1x800xi32, #tpu.memory_space<hbm>>
      %dma_wait3A_208 = tpu.memref_squeeze %dma_wait3A_207 : memref<1x800xi32, #tpu.memory_space<hbm>> -> memref<800xi32, #tpu.memory_space<hbm>>
      tpu.wait_dma2 semaphore(%run_scoped3A_200 : memref<!tpu.dma_semaphore, #tpu.memory_space<semaphore_mem>>) src(%dma_wait3A_208 : memref<800xi32, #tpu.memory_space<hbm>>) dst(%arg5 : memref<800xi32, #tpu.memory_space<vmem>>)
      tpu.yield
    }) : () -> ()
    %run_scoped3A_11 = arith.constant 1 : i32
    "tpu.region"() ({
      %run_scoped3A_200 = tpu.sem_alloc : memref<!tpu.dma_semaphore, #tpu.memory_space<semaphore_mem>>
      %dma_start3A_201 = tpu.memref_slice %arg2[%run_scoped3A_11, %mul3A_10] : memref<2x6400000xi32, #tpu.memory_space<hbm>> -> memref<1x800xi32, #tpu.memory_space<hbm>>
      %dma_start3A_202 = tpu.memref_squeeze %dma_start3A_201 : memref<1x800xi32, #tpu.memory_space<hbm>> -> memref<800xi32, #tpu.memory_space<hbm>>
      %dma_start3A_203 = tpu.memref_slice %arg2[%run_scoped3A_11, %mul3A_10] : memref<2x6400000xi32, #tpu.memory_space<hbm>> -> memref<1x800xi32, #tpu.memory_space<hbm>>
      %dma_start3A_204 = tpu.memref_squeeze %dma_start3A_203 : memref<1x800xi32, #tpu.memory_space<hbm>> -> memref<800xi32, #tpu.memory_space<hbm>>
      tpu.enqueue_dma source(%dma_start3A_204 : memref<800xi32, #tpu.memory_space<hbm>>) target(%arg7 : memref<800xi32, #tpu.memory_space<vmem>>) target_semaphore(%run_scoped3A_200 : memref<!tpu.dma_semaphore, #tpu.memory_space<semaphore_mem>>)
      %dma_wait3A_205 = tpu.memref_slice %arg2[%run_scoped3A_11, %mul3A_10] : memref<2x6400000xi32, #tpu.memory_space<hbm>> -> memref<1x800xi32, #tpu.memory_space<hbm>>
      %dma_wait3A_206 = tpu.memref_squeeze %dma_wait3A_205 : memref<1x800xi32, #tpu.memory_space<hbm>> -> memref<800xi32, #tpu.memory_space<hbm>>
      %dma_wait3A_207 = tpu.memref_slice %arg2[%run_scoped3A_11, %mul3A_10] : memref<2x6400000xi32, #tpu.memory_space<hbm>> -> memref<1x800xi32, #tpu.memory_space<hbm>>
      %dma_wait3A_208 = tpu.memref_squeeze %dma_wait3A_207 : memref<1x800xi32, #tpu.memory_space<hbm>> -> memref<800xi32, #tpu.memory_space<hbm>>
      tpu.wait_dma2 semaphore(%run_scoped3A_200 : memref<!tpu.dma_semaphore, #tpu.memory_space<semaphore_mem>>) src(%dma_wait3A_208 : memref<800xi32, #tpu.memory_space<hbm>>) dst(%arg7 : memref<800xi32, #tpu.memory_space<vmem>>)
      tpu.yield
    }) : () -> ()
    %while3A = arith.constant 0 : i32
    %while3A_12 = arith.constant 50 : i32
    %while3A_13 = arith.constant 0 : i32
    %while3A_14 = arith.subi %while3A_12, %while3A : i32
    %while3A_15 = arith.addi %while3A, %while3A_14 : i32
    %while3A_16 = arith.constant 1 : i32
    %while3A_17 = arith.divsi %while3A_14, %while3A_16 : i32
    %while3A_18 = arith.muli %while3A_17, %while3A_16 : i32
    %while3A_19 = arith.addi %while3A, %while3A_18 : i32
    %while3A_20 = arith.constant 1 : i32
    %while3A_21 = scf.for %while3A_200 = %while3A to %while3A_19 step %while3A_20 iter_args(%while3A_201 = %while3A_13) -> (i32)  : i32 {
      %mul3A_202 = arith.constant 16 : i32
      %mul3A_203 = arith.muli %while3A_200, %mul3A_202 : i32
      %add3A_204 = vector.broadcast %mul3A_203 : i32 to vector<16xi32>
      %add3A_205 = arith.addi %add3A_204, %iota3A : vector<16xi32>
      %mul3A_206 = arith.constant 2 : i32
      %mul3A_207 = vector.broadcast %mul3A_206 : i32 to vector<16xi32>
      %mul3A_208 = arith.muli %add3A_205, %mul3A_207 : vector<16xi32>
      %mul3A_209 = arith.constant 16 : i32
      %mul3A_210 = arith.muli %while3A_200, %mul3A_209 : i32
      %get3A = arith.index_cast %mul3A_210 : i32 to index
      %get3A_211 = tpu.vector_load %arg5[%get3A] {strides = array<i32>} : memref<800xi32, #tpu.memory_space<vmem>>, vector<16xi32>,
      %mul3A_212 = arith.constant 2 : i32
      %mul3A_213 = vector.broadcast %mul3A_212 : i32 to vector<16xi32>
      %mul3A_214 = arith.muli %get3A_211, %mul3A_213 : vector<16xi32>
      tpu.vector_store_idx %arg9[%mul3A_208], %mul3A_214 : memref<1600xi32, #tpu.memory_space<vmem>>[vector<16xi32>], vector<16xi32>,
      %mul3A_215 = arith.constant 16 : i32
      %mul3A_216 = arith.muli %while3A_200, %mul3A_215 : i32
      %get3A_217 = arith.index_cast %mul3A_216 : i32 to index
      %get3A_218 = tpu.vector_load %arg7[%get3A_217] {strides = array<i32>} : memref<800xi32, #tpu.memory_space<vmem>>, vector<16xi32>,
      %mul3A_219 = arith.constant 2 : i32
      %mul3A_220 = vector.broadcast %mul3A_219 : i32 to vector<16xi32>
      %mul3A_221 = arith.muli %get3A_218, %mul3A_220 : vector<16xi32>
      tpu.vector_store_idx %arg11[%mul3A_208], %mul3A_221 : memref<1600xi32, #tpu.memory_space<vmem>>[vector<16xi32>], vector<16xi32>,
      %while3A_222 = arith.constant 0 : i32
      scf.yield %while3A_222 : i32
    }
    %while3A_22 = arith.constant 1 : i32
    %while3A_23 = scf.for %while3A_200 = %while3A_19 to %while3A_15 step %while3A_22 iter_args(%while3A_201 = %while3A_21) -> (i32)  : i32 {
      %mul3A_202 = arith.constant 16 : i32
      %mul3A_203 = arith.muli %while3A_200, %mul3A_202 : i32
      %add3A_204 = vector.broadcast %mul3A_203 : i32 to vector<16xi32>
      %add3A_205 = arith.addi %add3A_204, %iota3A : vector<16xi32>
      %mul3A_206 = arith.constant 2 : i32
      %mul3A_207 = vector.broadcast %mul3A_206 : i32 to vector<16xi32>
      %mul3A_208 = arith.muli %add3A_205, %mul3A_207 : vector<16xi32>
      %mul3A_209 = arith.constant 16 : i32
      %mul3A_210 = arith.muli %while3A_200, %mul3A_209 : i32
      %get3A = arith.index_cast %mul3A_210 : i32 to index
      %get3A_211 = tpu.vector_load %arg5[%get3A] {strides = array<i32>} : memref<800xi32, #tpu.memory_space<vmem>>, vector<16xi32>,
      %mul3A_212 = arith.constant 2 : i32
      %mul3A_213 = vector.broadcast %mul3A_212 : i32 to vector<16xi32>
      %mul3A_214 = arith.muli %get3A_211, %mul3A_213 : vector<16xi32>
      tpu.vector_store_idx %arg9[%mul3A_208], %mul3A_214 : memref<1600xi32, #tpu.memory_space<vmem>>[vector<16xi32>], vector<16xi32>,
      %mul3A_215 = arith.constant 16 : i32
      %mul3A_216 = arith.muli %while3A_200, %mul3A_215 : i32
      %get3A_217 = arith.index_cast %mul3A_216 : i32 to index
      %get3A_218 = tpu.vector_load %arg7[%get3A_217] {strides = array<i32>} : memref<800xi32, #tpu.memory_space<vmem>>, vector<16xi32>,
      %mul3A_219 = arith.constant 2 : i32
      %mul3A_220 = vector.broadcast %mul3A_219 : i32 to vector<16xi32>
      %mul3A_221 = arith.muli %get3A_218, %mul3A_220 : vector<16xi32>
      tpu.vector_store_idx %arg11[%mul3A_208], %mul3A_221 : memref<1600xi32, #tpu.memory_space<vmem>>[vector<16xi32>], vector<16xi32>,
      %while3A_222 = arith.constant 0 : i32
      scf.yield %while3A_222 : i32
    }
    %dma_start3A = arith.constant 0 : i32
    %dma_start3A_24 = arith.constant 0 : i32
    %dma_start3A_25 = tpu.memref_slice %arg13[%dma_start3A, %dma_start3A_24] : memref<1600x4xf32, #tpu.memory_space<vmem>> -> memref<1600x4xf32, #tpu.memory_space<vmem>>
    %dma_start3A_26 = arith.constant 0 : i32
    %dma_start3A_27 = tpu.memref_slice %arg9[%dma_start3A_26] : memref<1600xi32, #tpu.memory_space<vmem>> -> memref<1600xi32, #tpu.memory_space<vmem>>
    %dma_start3A_28 = arith.constant 0 : i32
    %dma_start3A_29 = arith.constant 0 : i32
    %dma_start3A_30 = tpu.memref_slice %arg3[%dma_start3A_28, %dma_start3A_29] : memref<100000x4xf32, #tpu.memory_space<hbm>> -> memref<100000x4xf32, #tpu.memory_space<hbm>>
    tpu.enqueue_indirect_dma source(%dma_start3A_30 : memref<100000x4xf32, #tpu.memory_space<hbm>>) target(%dma_start3A_25 : memref<1600x4xf32, #tpu.memory_space<vmem>>) offsets(%dma_start3A_27 : memref<1600xi32, #tpu.memory_space<vmem>>) semaphore(%arg19 : memref<!tpu.dma_semaphore, #tpu.memory_space<semaphore_mem>>)
    %dma_start3A_31 = arith.constant 0 : i32
    %dma_start3A_32 = arith.constant 0 : i32
    %dma_start3A_33 = tpu.memref_slice %arg15[%dma_start3A_31, %dma_start3A_32] : memref<1600x4xf32, #tpu.memory_space<vmem>> -> memref<1600x4xf32, #tpu.memory_space<vmem>>
    %dma_start3A_34 = arith.constant 0 : i32
    %dma_start3A_35 = tpu.memref_slice %arg11[%dma_start3A_34] : memref<1600xi32, #tpu.memory_space<vmem>> -> memref<1600xi32, #tpu.memory_space<vmem>>
    %dma_start3A_36 = arith.constant 0 : i32
    %dma_start3A_37 = arith.constant 0 : i32
    %dma_start3A_38 = tpu.memref_slice %arg3[%dma_start3A_36, %dma_start3A_37] : memref<100000x4xf32, #tpu.memory_space<hbm>> -> memref<100000x4xf32, #tpu.memory_space<hbm>>
    tpu.enqueue_indirect_dma source(%dma_start3A_38 : memref<100000x4xf32, #tpu.memory_space<hbm>>) target(%dma_start3A_33 : memref<1600x4xf32, #tpu.memory_space<vmem>>) offsets(%dma_start3A_35 : memref<1600xi32, #tpu.memory_space<vmem>>) semaphore(%arg19 : memref<!tpu.dma_semaphore, #tpu.memory_space<semaphore_mem>>)
    %jit3A = arith.constant 250 : i32
    %jit3A_39 = arith.constant 2 : i32
    %div3A = arith.divsi %jit3A, %jit3A_39 : i32
    %sign3A = arith.constant 0 : i32
    %sign3A_40 = arith.cmpi sgt, %jit3A, %sign3A : i32
    %sign3A_41 = arith.extui %sign3A_40 : i1 to i32
    %sign3A_42 = arith.constant 0 : i32
    %sign3A_43 = arith.cmpi slt, %jit3A, %sign3A_42 : i32
    %sign3A_44 = arith.extui %sign3A_43 : i1 to i32
    %sign3A_45 = arith.subi %sign3A_41, %sign3A_44 : i32
    %sign3A_46 = arith.constant 0 : i32
    %sign3A_47 = arith.cmpi sgt, %jit3A_39, %sign3A_46 : i32
    %sign3A_48 = arith.extui %sign3A_47 : i1 to i32
    %sign3A_49 = arith.constant 0 : i32
    %sign3A_50 = arith.cmpi slt, %jit3A_39, %sign3A_49 : i32
    %sign3A_51 = arith.extui %sign3A_50 : i1 to i32
    %sign3A_52 = arith.subi %sign3A_48, %sign3A_51 : i32
    %ne3A = arith.cmpi ne, %sign3A_45, %sign3A_52 : i32
    %rem3A = arith.remsi %jit3A, %jit3A_39 : i32
    %ne3A_53 = arith.constant 0 : i32
    %ne3A_54 = arith.cmpi ne, %rem3A, %ne3A_53 : i32
    %and3A = arith.andi %ne3A, %ne3A_54 : i1
    %sub3A = arith.constant 1 : i32
    %sub3A_55 = arith.subi %div3A, %sub3A : i32
    %select_n3A = arith.select %and3A, %sub3A_55, %div3A : i32
    %sub3A_56 = arith.constant 1 : i32
    %sub3A_57 = arith.subi %select_n3A, %sub3A_56 : i32
    %while3A_58 = arith.constant 0 : i32
    %while3A_59 = arith.constant 0 : i32
    %while3A_60 = arith.subi %sub3A_57, %while3A_58 : i32
    %while3A_61 = arith.addi %while3A_58, %while3A_60 : i32
    %while3A_62 = arith.constant 1 : i32
    %while3A_63 = arith.divsi %while3A_60, %while3A_62 : i32
    %while3A_64 = arith.muli %while3A_63, %while3A_62 : i32
    %while3A_65 = arith.addi %while3A_58, %while3A_64 : i32
    %while3A_66 = arith.constant 1 : i32
    %while3A_67 = scf.for %while3A_200 = %while3A_58 to %while3A_65 step %while3A_66 iter_args(%while3A_201 = %while3A_59) -> (i32)  : i32 {
      %mul3A_202 = arith.constant 2 : i32
      %mul3A_203 = arith.muli %while3A_200, %mul3A_202 : i32
      %add3A_204 = arith.constant 1 : i32
      %add3A_205 = arith.addi %mul3A_203, %add3A_204 : i32
      %mul3A_206 = arith.constant 32 : i32
      %mul3A_207 = arith.muli %add3A_205, %mul3A_206 : i32
      %add3A_208 = arith.addi %add3A, %mul3A_207 : i32
      %mul3A_209 = arith.constant 800 : i32
      %mul3A_210 = arith.muli %add3A_208, %mul3A_209 : i32
      %run_scoped3A_211 = arith.constant 0 : i32
      "tpu.region"() ({
        %run_scoped3A_371 = tpu.sem_alloc : memref<!tpu.dma_semaphore, #tpu.memory_space<semaphore_mem>>
        %dma_start3A_372 = tpu.memref_slice %arg2[%run_scoped3A_211, %mul3A_210] : memref<2x6400000xi32, #tpu.memory_space<hbm>> -> memref<1x800xi32, #tpu.memory_space<hbm>>
        %dma_start3A_373 = tpu.memref_squeeze %dma_start3A_372 : memref<1x800xi32, #tpu.memory_space<hbm>> -> memref<800xi32, #tpu.memory_space<hbm>>
        %dma_start3A_374 = tpu.memref_slice %arg2[%run_scoped3A_211, %mul3A_210] : memref<2x6400000xi32, #tpu.memory_space<hbm>> -> memref<1x800xi32, #tpu.memory_space<hbm>>
        %dma_start3A_375 = tpu.memref_squeeze %dma_start3A_374 : memref<1x800xi32, #tpu.memory_space<hbm>> -> memref<800xi32, #tpu.memory_space<hbm>>
        tpu.enqueue_dma source(%dma_start3A_375 : memref<800xi32, #tpu.memory_space<hbm>>) target(%arg6 : memref<800xi32, #tpu.memory_space<vmem>>) target_semaphore(%run_scoped3A_371 : memref<!tpu.dma_semaphore, #tpu.memory_space<semaphore_mem>>)
        %dma_wait3A_376 = tpu.memref_slice %arg2[%run_scoped3A_211, %mul3A_210] : memref<2x6400000xi32, #tpu.memory_space<hbm>> -> memref<1x800xi32, #tpu.memory_space<hbm>>
        %dma_wait3A_377 = tpu.memref_squeeze %dma_wait3A_376 : memref<1x800xi32, #tpu.memory_space<hbm>> -> memref<800xi32, #tpu.memory_space<hbm>>
        %dma_wait3A_378 = tpu.memref_slice %arg2[%run_scoped3A_211, %mul3A_210] : memref<2x6400000xi32, #tpu.memory_space<hbm>> -> memref<1x800xi32, #tpu.memory_space<hbm>>
        %dma_wait3A_379 = tpu.memref_squeeze %dma_wait3A_378 : memref<1x800xi32, #tpu.memory_space<hbm>> -> memref<800xi32, #tpu.memory_space<hbm>>
        tpu.wait_dma2 semaphore(%run_scoped3A_371 : memref<!tpu.dma_semaphore, #tpu.memory_space<semaphore_mem>>) src(%dma_wait3A_379 : memref<800xi32, #tpu.memory_space<hbm>>) dst(%arg6 : memref<800xi32, #tpu.memory_space<vmem>>)
        tpu.yield
      }) : () -> ()
      %run_scoped3A_212 = arith.constant 1 : i32
      "tpu.region"() ({
        %run_scoped3A_371 = tpu.sem_alloc : memref<!tpu.dma_semaphore, #tpu.memory_space<semaphore_mem>>
        %dma_start3A_372 = tpu.memref_slice %arg2[%run_scoped3A_212, %mul3A_210] : memref<2x6400000xi32, #tpu.memory_space<hbm>> -> memref<1x800xi32, #tpu.memory_space<hbm>>
        %dma_start3A_373 = tpu.memref_squeeze %dma_start3A_372 : memref<1x800xi32, #tpu.memory_space<hbm>> -> memref<800xi32, #tpu.memory_space<hbm>>
        %dma_start3A_374 = tpu.memref_slice %arg2[%run_scoped3A_212, %mul3A_210] : memref<2x6400000xi32, #tpu.memory_space<hbm>> -> memref<1x800xi32, #tpu.memory_space<hbm>>
        %dma_start3A_375 = tpu.memref_squeeze %dma_start3A_374 : memref<1x800xi32, #tpu.memory_space<hbm>> -> memref<800xi32, #tpu.memory_space<hbm>>
        tpu.enqueue_dma source(%dma_start3A_375 : memref<800xi32, #tpu.memory_space<hbm>>) target(%arg8 : memref<800xi32, #tpu.memory_space<vmem>>) target_semaphore(%run_scoped3A_371 : memref<!tpu.dma_semaphore, #tpu.memory_space<semaphore_mem>>)
        %dma_wait3A_376 = tpu.memref_slice %arg2[%run_scoped3A_212, %mul3A_210] : memref<2x6400000xi32, #tpu.memory_space<hbm>> -> memref<1x800xi32, #tpu.memory_space<hbm>>
        %dma_wait3A_377 = tpu.memref_squeeze %dma_wait3A_376 : memref<1x800xi32, #tpu.memory_space<hbm>> -> memref<800xi32, #tpu.memory_space<hbm>>
        %dma_wait3A_378 = tpu.memref_slice %arg2[%run_scoped3A_212, %mul3A_210] : memref<2x6400000xi32, #tpu.memory_space<hbm>> -> memref<1x800xi32, #tpu.memory_space<hbm>>
        %dma_wait3A_379 = tpu.memref_squeeze %dma_wait3A_378 : memref<1x800xi32, #tpu.memory_space<hbm>> -> memref<800xi32, #tpu.memory_space<hbm>>
        tpu.wait_dma2 semaphore(%run_scoped3A_371 : memref<!tpu.dma_semaphore, #tpu.memory_space<semaphore_mem>>) src(%dma_wait3A_379 : memref<800xi32, #tpu.memory_space<hbm>>) dst(%arg8 : memref<800xi32, #tpu.memory_space<vmem>>)
        tpu.yield
      }) : () -> ()
      %while3A_213 = arith.constant 0 : i32
      %while3A_214 = arith.constant 50 : i32
      %while3A_215 = arith.constant 0 : i32
      %while3A_216 = arith.subi %while3A_214, %while3A_213 : i32
      %while3A_217 = arith.addi %while3A_213, %while3A_216 : i32
      %while3A_218 = arith.constant 1 : i32
      %while3A_219 = arith.divsi %while3A_216, %while3A_218 : i32
      %while3A_220 = arith.muli %while3A_219, %while3A_218 : i32
      %while3A_221 = arith.addi %while3A_213, %while3A_220 : i32
      %while3A_222 = arith.constant 1 : i32
      %while3A_223 = scf.for %while3A_371 = %while3A_213 to %while3A_221 step %while3A_222 iter_args(%while3A_372 = %while3A_215) -> (i32)  : i32 {
        %mul3A_373 = arith.constant 16 : i32
        %mul3A_374 = arith.muli %while3A_371, %mul3A_373 : i32
        %add3A_375 = vector.broadcast %mul3A_374 : i32 to vector<16xi32>
        %add3A_376 = arith.addi %add3A_375, %iota3A : vector<16xi32>
        %mul3A_377 = arith.constant 2 : i32
        %mul3A_378 = vector.broadcast %mul3A_377 : i32 to vector<16xi32>
        %mul3A_379 = arith.muli %add3A_376, %mul3A_378 : vector<16xi32>
        %mul3A_380 = arith.constant 16 : i32
        %mul3A_381 = arith.muli %while3A_371, %mul3A_380 : i32
        %get3A = arith.index_cast %mul3A_381 : i32 to index
        %get3A_382 = tpu.vector_load %arg6[%get3A] {strides = array<i32>} : memref<800xi32, #tpu.memory_space<vmem>>, vector<16xi32>,
        %mul3A_383 = arith.constant 2 : i32
        %mul3A_384 = vector.broadcast %mul3A_383 : i32 to vector<16xi32>
        %mul3A_385 = arith.muli %get3A_382, %mul3A_384 : vector<16xi32>
        tpu.vector_store_idx %arg10[%mul3A_379], %mul3A_385 : memref<1600xi32, #tpu.memory_space<vmem>>[vector<16xi32>], vector<16xi32>,
        %mul3A_386 = arith.constant 16 : i32
        %mul3A_387 = arith.muli %while3A_371, %mul3A_386 : i32
        %get3A_388 = arith.index_cast %mul3A_387 : i32 to index
        %get3A_389 = tpu.vector_load %arg8[%get3A_388] {strides = array<i32>} : memref<800xi32, #tpu.memory_space<vmem>>, vector<16xi32>,
        %mul3A_390 = arith.constant 2 : i32
        %mul3A_391 = vector.broadcast %mul3A_390 : i32 to vector<16xi32>
        %mul3A_392 = arith.muli %get3A_389, %mul3A_391 : vector<16xi32>
        tpu.vector_store_idx %arg12[%mul3A_379], %mul3A_392 : memref<1600xi32, #tpu.memory_space<vmem>>[vector<16xi32>], vector<16xi32>,
        %while3A_393 = arith.constant 0 : i32
        scf.yield %while3A_393 : i32
      }
      %while3A_224 = arith.constant 1 : i32
      %while3A_225 = scf.for %while3A_371 = %while3A_221 to %while3A_217 step %while3A_224 iter_args(%while3A_372 = %while3A_223) -> (i32)  : i32 {
        %mul3A_373 = arith.constant 16 : i32
        %mul3A_374 = arith.muli %while3A_371, %mul3A_373 : i32
        %add3A_375 = vector.broadcast %mul3A_374 : i32 to vector<16xi32>
        %add3A_376 = arith.addi %add3A_375, %iota3A : vector<16xi32>
        %mul3A_377 = arith.constant 2 : i32
        %mul3A_378 = vector.broadcast %mul3A_377 : i32 to vector<16xi32>
        %mul3A_379 = arith.muli %add3A_376, %mul3A_378 : vector<16xi32>
        %mul3A_380 = arith.constant 16 : i32
        %mul3A_381 = arith.muli %while3A_371, %mul3A_380 : i32
        %get3A = arith.index_cast %mul3A_381 : i32 to index
        %get3A_382 = tpu.vector_load %arg6[%get3A] {strides = array<i32>} : memref<800xi32, #tpu.memory_space<vmem>>, vector<16xi32>,
        %mul3A_383 = arith.constant 2 : i32
        %mul3A_384 = vector.broadcast %mul3A_383 : i32 to vector<16xi32>
        %mul3A_385 = arith.muli %get3A_382, %mul3A_384 : vector<16xi32>
        tpu.vector_store_idx %arg10[%mul3A_379], %mul3A_385 : memref<1600xi32, #tpu.memory_space<vmem>>[vector<16xi32>], vector<16xi32>,
        %mul3A_386 = arith.constant 16 : i32
        %mul3A_387 = arith.muli %while3A_371, %mul3A_386 : i32
        %get3A_388 = arith.index_cast %mul3A_387 : i32 to index
        %get3A_389 = tpu.vector_load %arg8[%get3A_388] {strides = array<i32>} : memref<800xi32, #tpu.memory_space<vmem>>, vector<16xi32>,
        %mul3A_390 = arith.constant 2 : i32
        %mul3A_391 = vector.broadcast %mul3A_390 : i32 to vector<16xi32>
        %mul3A_392 = arith.muli %get3A_389, %mul3A_391 : vector<16xi32>
        tpu.vector_store_idx %arg12[%mul3A_379], %mul3A_392 : memref<1600xi32, #tpu.memory_space<vmem>>[vector<16xi32>], vector<16xi32>,
        %while3A_393 = arith.constant 0 : i32
        scf.yield %while3A_393 : i32
      }
      %dma_start3A_226 = arith.constant 0 : i32
      %dma_start3A_227 = arith.constant 0 : i32
      %dma_start3A_228 = tpu.memref_slice %arg14[%dma_start3A_226, %dma_start3A_227] : memref<1600x4xf32, #tpu.memory_space<vmem>> -> memref<1600x4xf32, #tpu.memory_space<vmem>>
      %dma_start3A_229 = arith.constant 0 : i32
      %dma_start3A_230 = tpu.memref_slice %arg10[%dma_start3A_229] : memref<1600xi32, #tpu.memory_space<vmem>> -> memref<1600xi32, #tpu.memory_space<vmem>>
      %dma_start3A_231 = arith.constant 0 : i32
      %dma_start3A_232 = arith.constant 0 : i32
      %dma_start3A_233 = tpu.memref_slice %arg3[%dma_start3A_231, %dma_start3A_232] : memref<100000x4xf32, #tpu.memory_space<hbm>> -> memref<100000x4xf32, #tpu.memory_space<hbm>>
      tpu.enqueue_indirect_dma source(%dma_start3A_233 : memref<100000x4xf32, #tpu.memory_space<hbm>>) target(%dma_start3A_228 : memref<1600x4xf32, #tpu.memory_space<vmem>>) offsets(%dma_start3A_230 : memref<1600xi32, #tpu.memory_space<vmem>>) semaphore(%arg19 : memref<!tpu.dma_semaphore, #tpu.memory_space<semaphore_mem>>)
      %dma_start3A_234 = arith.constant 0 : i32
      %dma_start3A_235 = arith.constant 0 : i32
      %dma_start3A_236 = tpu.memref_slice %arg16[%dma_start3A_234, %dma_start3A_235] : memref<1600x4xf32, #tpu.memory_space<vmem>> -> memref<1600x4xf32, #tpu.memory_space<vmem>>
      %dma_start3A_237 = arith.constant 0 : i32
      %dma_start3A_238 = tpu.memref_slice %arg12[%dma_start3A_237] : memref<1600xi32, #tpu.memory_space<vmem>> -> memref<1600xi32, #tpu.memory_space<vmem>>
      %dma_start3A_239 = arith.constant 0 : i32
      %dma_start3A_240 = arith.constant 0 : i32
      %dma_start3A_241 = tpu.memref_slice %arg3[%dma_start3A_239, %dma_start3A_240] : memref<100000x4xf32, #tpu.memory_space<hbm>> -> memref<100000x4xf32, #tpu.memory_space<hbm>>
      tpu.enqueue_indirect_dma source(%dma_start3A_241 : memref<100000x4xf32, #tpu.memory_space<hbm>>) target(%dma_start3A_236 : memref<1600x4xf32, #tpu.memory_space<vmem>>) offsets(%dma_start3A_238 : memref<1600xi32, #tpu.memory_space<vmem>>) semaphore(%arg19 : memref<!tpu.dma_semaphore, #tpu.memory_space<semaphore_mem>>)
      %dma_wait3A_242 = arith.constant 0 : i32
      %dma_wait3A_243 = arith.constant 0 : i32
      %dma_wait3A_244 = tpu.memref_slice %arg13[%dma_wait3A_242, %dma_wait3A_243] : memref<1600x4xf32, #tpu.memory_space<vmem>> -> memref<1600x4xf32, #tpu.memory_space<vmem>>
      %dma_wait3A_245 = arith.constant 0 : i32
      %dma_wait3A_246 = tpu.memref_slice %arg9[%dma_wait3A_245] : memref<1600xi32, #tpu.memory_space<vmem>> -> memref<1600xi32, #tpu.memory_space<vmem>>
      %dma_wait3A_247 = arith.constant 0 : i32
      %dma_wait3A_248 = arith.constant 0 : i32
      %dma_wait3A_249 = tpu.memref_slice %arg3[%dma_wait3A_247, %dma_wait3A_248] : memref<100000x4xf32, #tpu.memory_space<hbm>> -> memref<100000x4xf32, #tpu.memory_space<hbm>>
      tpu.wait_indirect_dma semaphore(%arg19 : memref<!tpu.dma_semaphore, #tpu.memory_space<semaphore_mem>>) src(%dma_wait3A_249 : memref<100000x4xf32, #tpu.memory_space<hbm>>) dst(%dma_wait3A_244 : memref<1600x4xf32, #tpu.memory_space<vmem>>)
      %dma_wait3A_250 = arith.constant 0 : i32
      %dma_wait3A_251 = arith.constant 0 : i32
      %dma_wait3A_252 = tpu.memref_slice %arg15[%dma_wait3A_250, %dma_wait3A_251] : memref<1600x4xf32, #tpu.memory_space<vmem>> -> memref<1600x4xf32, #tpu.memory_space<vmem>>
      %dma_wait3A_253 = arith.constant 0 : i32
      %dma_wait3A_254 = tpu.memref_slice %arg11[%dma_wait3A_253] : memref<1600xi32, #tpu.memory_space<vmem>> -> memref<1600xi32, #tpu.memory_space<vmem>>
      %dma_wait3A_255 = arith.constant 0 : i32
      %dma_wait3A_256 = arith.constant 0 : i32
      %dma_wait3A_257 = tpu.memref_slice %arg3[%dma_wait3A_255, %dma_wait3A_256] : memref<100000x4xf32, #tpu.memory_space<hbm>> -> memref<100000x4xf32, #tpu.memory_space<hbm>>
      tpu.wait_indirect_dma semaphore(%arg19 : memref<!tpu.dma_semaphore, #tpu.memory_space<semaphore_mem>>) src(%dma_wait3A_257 : memref<100000x4xf32, #tpu.memory_space<hbm>>) dst(%dma_wait3A_252 : memref<1600x4xf32, #tpu.memory_space<vmem>>)
      %broadcast_in_dim3A_258 = arith.constant 0 : i32
      %broadcast_in_dim3A_259 = vector.broadcast %broadcast_in_dim3A_258 : i32 to vector<16xi32>
      %add3A_260 = arith.constant 1 : i32
      %add3A_261 = vector.broadcast %add3A_260 : i32 to vector<16xi32>
      %add3A_262 = arith.addi %broadcast_in_dim3A_259, %add3A_261 : vector<16xi32>
      %add3A_263 = arith.constant 2 : i32
      %add3A_264 = vector.broadcast %add3A_263 : i32 to vector<16xi32>
      %add3A_265 = arith.addi %broadcast_in_dim3A_259, %add3A_264 : vector<16xi32>
      %while3A_266 = arith.constant 0 : i32
      %while3A_267 = arith.constant 50 : i32
      %while3A_268 = arith.constant 0 : i32
      %while3A_269 = arith.subi %while3A_267, %while3A_266 : i32
      %while3A_270 = arith.addi %while3A_266, %while3A_269 : i32
      %while3A_271 = arith.constant 1 : i32
      %while3A_272 = arith.divsi %while3A_269, %while3A_271 : i32
      %while3A_273 = arith.muli %while3A_272, %while3A_271 : i32
      %while3A_274 = arith.addi %while3A_266, %while3A_273 : i32
      %while3A_275 = arith.constant 1 : i32
      %while3A_276 = scf.for %while3A_371 = %while3A_266 to %while3A_274 step %while3A_275 iter_args(%while3A_372 = %while3A_268) -> (i32)  : i32 {
        %mul3A_373 = arith.constant 16 : i32
        %mul3A_374 = arith.muli %while3A_371, %mul3A_373 : i32
        %add3A_375 = vector.broadcast %mul3A_374 : i32 to vector<16xi32>
        %add3A_376 = arith.addi %add3A_375, %iota3A : vector<16xi32>
        %gather3A = tpu.vector_load_idx %arg13[%add3A_376, %broadcast_in_dim3A_259] : memref<1600x4xf32, #tpu.memory_space<vmem>>[vector<16xi32>, vector<16xi32>], vector<16xf32>,
        %gather3A_377 = tpu.vector_load_idx %arg13[%add3A_376, %add3A_262] : memref<1600x4xf32, #tpu.memory_space<vmem>>[vector<16xi32>, vector<16xi32>], vector<16xf32>,
        %gather3A_378 = tpu.vector_load_idx %arg13[%add3A_376, %add3A_265] : memref<1600x4xf32, #tpu.memory_space<vmem>>[vector<16xi32>, vector<16xi32>], vector<16xf32>,
        %gather3A_379 = tpu.vector_load_idx %arg15[%add3A_376, %broadcast_in_dim3A_259] : memref<1600x4xf32, #tpu.memory_space<vmem>>[vector<16xi32>, vector<16xi32>], vector<16xf32>,
        %gather3A_380 = tpu.vector_load_idx %arg15[%add3A_376, %add3A_262] : memref<1600x4xf32, #tpu.memory_space<vmem>>[vector<16xi32>, vector<16xi32>], vector<16xf32>,
        %gather3A_381 = tpu.vector_load_idx %arg15[%add3A_376, %add3A_265] : memref<1600x4xf32, #tpu.memory_space<vmem>>[vector<16xi32>, vector<16xi32>], vector<16xf32>,
        %sub3A_382 = arith.subf %gather3A, %gather3A_379 : vector<16xf32>
        %sub3A_383 = arith.subf %gather3A_377, %gather3A_380 : vector<16xf32>
        %sub3A_384 = arith.subf %gather3A_378, %gather3A_381 : vector<16xf32>
        %mul3A_385 = arith.mulf %sub3A_382, %sub3A_382 : vector<16xf32>
        %mul3A_386 = arith.mulf %sub3A_383, %sub3A_383 : vector<16xf32>
        %add3A_387 = arith.addf %mul3A_385, %mul3A_386 : vector<16xf32>
        %mul3A_388 = arith.mulf %sub3A_384, %sub3A_384 : vector<16xf32>
        %add3A_389 = arith.addf %add3A_387, %mul3A_388 : vector<16xf32>
        %bitcast3A = vector.bitcast %add3A_389 : vector<16xf32> to vector<16xi32>
        %shift_right_arithmetic3A = arith.constant 1 : i32
        %shift_right_arithmetic3A_390 = vector.broadcast %shift_right_arithmetic3A : i32 to vector<16xi32>
        %shift_right_arithmetic3A_391 = arith.shrsi %bitcast3A, %shift_right_arithmetic3A_390 : vector<16xi32>
        %sub3A_392 = arith.constant 1597463007 : i32
        %sub3A_393 = vector.broadcast %sub3A_392 : i32 to vector<16xi32>
        %sub3A_394 = arith.subi %sub3A_393, %shift_right_arithmetic3A_391 : vector<16xi32>
        %bitcast3A_395 = vector.bitcast %sub3A_394 : vector<16xi32> to vector<16xf32>
        %mul3A_396 = arith.constant 5.000000e-01 : f32
        %mul3A_397 = vector.broadcast %mul3A_396 : f32 to vector<16xf32>
        %mul3A_398 = arith.mulf %mul3A_397, %add3A_389 : vector<16xf32>
        %mul3A_399 = arith.mulf %mul3A_398, %bitcast3A_395 : vector<16xf32>
        %mul3A_400 = arith.mulf %mul3A_399, %bitcast3A_395 : vector<16xf32>
        %sub3A_401 = arith.constant 1.500000e+00 : f32
        %sub3A_402 = vector.broadcast %sub3A_401 : f32 to vector<16xf32>
        %sub3A_403 = arith.subf %sub3A_402, %mul3A_400 : vector<16xf32>
        %mul3A_404 = arith.mulf %bitcast3A_395, %sub3A_403 : vector<16xf32>
        %mul3A_405 = arith.mulf %mul3A_398, %mul3A_404 : vector<16xf32>
        %mul3A_406 = arith.mulf %mul3A_405, %mul3A_404 : vector<16xf32>
        %sub3A_407 = arith.constant 1.500000e+00 : f32
        %sub3A_408 = vector.broadcast %sub3A_407 : f32 to vector<16xf32>
        %sub3A_409 = arith.subf %sub3A_408, %mul3A_406 : vector<16xf32>
        %mul3A_410 = arith.mulf %mul3A_404, %sub3A_409 : vector<16xf32>
        %mul3A_411 = arith.mulf %mul3A_398, %mul3A_410 : vector<16xf32>
        %mul3A_412 = arith.mulf %mul3A_411, %mul3A_410 : vector<16xf32>
        %sub3A_413 = arith.constant 1.500000e+00 : f32
        %sub3A_414 = vector.broadcast %sub3A_413 : f32 to vector<16xf32>
        %sub3A_415 = arith.subf %sub3A_414, %mul3A_412 : vector<16xf32>
        %mul3A_416 = arith.mulf %mul3A_410, %sub3A_415 : vector<16xf32>
        %min3A = arith.constant 9.99999995E+11 : f32
        %min3A_417 = vector.broadcast %min3A : f32 to vector<16xf32>
        %min3A_418 = arith.minimumf %mul3A_416, %min3A_417 : vector<16xf32>
        %mul3A_419 = arith.mulf %sub3A_382, %min3A_418 : vector<16xf32>
        %mul3A_420 = arith.mulf %sub3A_383, %min3A_418 : vector<16xf32>
        %mul3A_421 = arith.mulf %sub3A_384, %min3A_418 : vector<16xf32>
        %mul3A_422 = arith.mulf %mul3A_419, %mul3A_419 : vector<16xf32>
        %mul3A_423 = arith.mulf %mul3A_420, %mul3A_420 : vector<16xf32>
        %mul3A_424 = arith.mulf %mul3A_421, %mul3A_421 : vector<16xf32>
        %mul3A_425 = arith.constant 1.73205078 : f32
        %mul3A_426 = vector.broadcast %mul3A_425 : f32 to vector<16xf32>
        %mul3A_427 = arith.mulf %mul3A_426, %mul3A_419 : vector<16xf32>
        %mul3A_428 = arith.constant 1.73205078 : f32
        %mul3A_429 = vector.broadcast %mul3A_428 : f32 to vector<16xf32>
        %mul3A_430 = arith.mulf %mul3A_429, %mul3A_420 : vector<16xf32>
        %mul3A_431 = arith.constant 1.73205078 : f32
        %mul3A_432 = vector.broadcast %mul3A_431 : f32 to vector<16xf32>
        %mul3A_433 = arith.mulf %mul3A_432, %mul3A_421 : vector<16xf32>
        %mul3A_434 = arith.constant 3.87298346 : f32
        %mul3A_435 = vector.broadcast %mul3A_434 : f32 to vector<16xf32>
        %mul3A_436 = arith.mulf %mul3A_435, %mul3A_419 : vector<16xf32>
        %mul3A_437 = arith.mulf %mul3A_436, %mul3A_421 : vector<16xf32>
        %mul3A_438 = arith.constant 3.87298346 : f32
        %mul3A_439 = vector.broadcast %mul3A_438 : f32 to vector<16xf32>
        %mul3A_440 = arith.mulf %mul3A_439, %mul3A_419 : vector<16xf32>
        %mul3A_441 = arith.mulf %mul3A_440, %mul3A_420 : vector<16xf32>
        %add3A_442 = arith.addf %mul3A_422, %mul3A_424 : vector<16xf32>
        %mul3A_443 = arith.constant 5.000000e-01 : f32
        %mul3A_444 = vector.broadcast %mul3A_443 : f32 to vector<16xf32>
        %mul3A_445 = arith.mulf %mul3A_444, %add3A_442 : vector<16xf32>
        %sub3A_446 = arith.subf %mul3A_423, %mul3A_445 : vector<16xf32>
        %mul3A_447 = arith.constant 2.23606801 : f32
        %mul3A_448 = vector.broadcast %mul3A_447 : f32 to vector<16xf32>
        %mul3A_449 = arith.mulf %mul3A_448, %sub3A_446 : vector<16xf32>
        %mul3A_450 = arith.constant 3.87298346 : f32
        %mul3A_451 = vector.broadcast %mul3A_450 : f32 to vector<16xf32>
        %mul3A_452 = arith.mulf %mul3A_451, %mul3A_420 : vector<16xf32>
        %mul3A_453 = arith.mulf %mul3A_452, %mul3A_421 : vector<16xf32>
        %sub3A_454 = arith.subf %mul3A_424, %mul3A_422 : vector<16xf32>
        %mul3A_455 = arith.constant 1.93649173 : f32
        %mul3A_456 = vector.broadcast %mul3A_455 : f32 to vector<16xf32>
        %mul3A_457 = arith.mulf %mul3A_456, %sub3A_454 : vector<16xf32>
        %mul3A_458 = arith.constant 144 : i32
        %mul3A_459 = arith.muli %while3A_371, %mul3A_458 : i32
        %add3A_460 = vector.broadcast %mul3A_459 : i32 to vector<16xi32>
        %add3A_461 = arith.addi %add3A_460, %mul3A_3 : vector<16xi32>
        %add3A_462 = arith.constant 0 : i32
        %add3A_463 = vector.broadcast %add3A_462 : i32 to vector<16xi32>
        %add3A_464 = arith.addi %add3A_461, %add3A_463 : vector<16xi32>
        tpu.vector_store_idx %arg17[%add3A_464], %broadcast_in_dim3A_4 : memref<7200xf32, #tpu.memory_space<vmem>>[vector<16xi32>], vector<16xf32>,
        %add3A_465 = arith.constant 1 : i32
        %add3A_466 = vector.broadcast %add3A_465 : i32 to vector<16xi32>
        %add3A_467 = arith.addi %add3A_461, %add3A_466 : vector<16xi32>
        tpu.vector_store_idx %arg17[%add3A_467], %mul3A_427 : memref<7200xf32, #tpu.memory_space<vmem>>[vector<16xi32>], vector<16xf32>,
        %add3A_468 = arith.constant 2 : i32
        %add3A_469 = vector.broadcast %add3A_468 : i32 to vector<16xi32>
        %add3A_470 = arith.addi %add3A_461, %add3A_469 : vector<16xi32>
        tpu.vector_store_idx %arg17[%add3A_470], %mul3A_430 : memref<7200xf32, #tpu.memory_space<vmem>>[vector<16xi32>], vector<16xf32>,
        %add3A_471 = arith.constant 3 : i32
        %add3A_472 = vector.broadcast %add3A_471 : i32 to vector<16xi32>
        %add3A_473 = arith.addi %add3A_461, %add3A_472 : vector<16xi32>
        tpu.vector_store_idx %arg17[%add3A_473], %mul3A_433 : memref<7200xf32, #tpu.memory_space<vmem>>[vector<16xi32>], vector<16xf32>,
        %add3A_474 = arith.constant 4 : i32
        %add3A_475 = vector.broadcast %add3A_474 : i32 to vector<16xi32>
        %add3A_476 = arith.addi %add3A_461, %add3A_475 : vector<16xi32>
        tpu.vector_store_idx %arg17[%add3A_476], %mul3A_437 : memref<7200xf32, #tpu.memory_space<vmem>>[vector<16xi32>], vector<16xf32>,
        %add3A_477 = arith.constant 5 : i32
        %add3A_478 = vector.broadcast %add3A_477 : i32 to vector<16xi32>
        %add3A_479 = arith.addi %add3A_461, %add3A_478 : vector<16xi32>
        tpu.vector_store_idx %arg17[%add3A_479], %mul3A_441 : memref<7200xf32, #tpu.memory_space<vmem>>[vector<16xi32>], vector<16xf32>,
        %add3A_480 = arith.constant 6 : i32
        %add3A_481 = vector.broadcast %add3A_480 : i32 to vector<16xi32>
        %add3A_482 = arith.addi %add3A_461, %add3A_481 : vector<16xi32>
        tpu.vector_store_idx %arg17[%add3A_482], %mul3A_449 : memref<7200xf32, #tpu.memory_space<vmem>>[vector<16xi32>], vector<16xf32>,
        %add3A_483 = arith.constant 7 : i32
        %add3A_484 = vector.broadcast %add3A_483 : i32 to vector<16xi32>
        %add3A_485 = arith.addi %add3A_461, %add3A_484 : vector<16xi32>
        tpu.vector_store_idx %arg17[%add3A_485], %mul3A_453 : memref<7200xf32, #tpu.memory_space<vmem>>[vector<16xi32>], vector<16xf32>,
        %add3A_486 = arith.constant 8 : i32
        %add3A_487 = vector.broadcast %add3A_486 : i32 to vector<16xi32>
        %add3A_488 = arith.addi %add3A_461, %add3A_487 : vector<16xi32>
        tpu.vector_store_idx %arg17[%add3A_488], %mul3A_457 : memref<7200xf32, #tpu.memory_space<vmem>>[vector<16xi32>], vector<16xf32>,
        %while3A_489 = arith.constant 0 : i32
        scf.yield %while3A_489 : i32
      }
      %while3A_277 = arith.constant 1 : i32
      %while3A_278 = scf.for %while3A_371 = %while3A_274 to %while3A_270 step %while3A_277 iter_args(%while3A_372 = %while3A_276) -> (i32)  : i32 {
        %mul3A_373 = arith.constant 16 : i32
        %mul3A_374 = arith.muli %while3A_371, %mul3A_373 : i32
        %add3A_375 = vector.broadcast %mul3A_374 : i32 to vector<16xi32>
        %add3A_376 = arith.addi %add3A_375, %iota3A : vector<16xi32>
        %gather3A = tpu.vector_load_idx %arg13[%add3A_376, %broadcast_in_dim3A_259] : memref<1600x4xf32, #tpu.memory_space<vmem>>[vector<16xi32>, vector<16xi32>], vector<16xf32>,
        %gather3A_377 = tpu.vector_load_idx %arg13[%add3A_376, %add3A_262] : memref<1600x4xf32, #tpu.memory_space<vmem>>[vector<16xi32>, vector<16xi32>], vector<16xf32>,
        %gather3A_378 = tpu.vector_load_idx %arg13[%add3A_376, %add3A_265] : memref<1600x4xf32, #tpu.memory_space<vmem>>[vector<16xi32>, vector<16xi32>], vector<16xf32>,
        %gather3A_379 = tpu.vector_load_idx %arg15[%add3A_376, %broadcast_in_dim3A_259] : memref<1600x4xf32, #tpu.memory_space<vmem>>[vector<16xi32>, vector<16xi32>], vector<16xf32>,
        %gather3A_380 = tpu.vector_load_idx %arg15[%add3A_376, %add3A_262] : memref<1600x4xf32, #tpu.memory_space<vmem>>[vector<16xi32>, vector<16xi32>], vector<16xf32>,
        %gather3A_381 = tpu.vector_load_idx %arg15[%add3A_376, %add3A_265] : memref<1600x4xf32, #tpu.memory_space<vmem>>[vector<16xi32>, vector<16xi32>], vector<16xf32>,
        %sub3A_382 = arith.subf %gather3A, %gather3A_379 : vector<16xf32>
        %sub3A_383 = arith.subf %gather3A_377, %gather3A_380 : vector<16xf32>
        %sub3A_384 = arith.subf %gather3A_378, %gather3A_381 : vector<16xf32>
        %mul3A_385 = arith.mulf %sub3A_382, %sub3A_382 : vector<16xf32>
        %mul3A_386 = arith.mulf %sub3A_383, %sub3A_383 : vector<16xf32>
        %add3A_387 = arith.addf %mul3A_385, %mul3A_386 : vector<16xf32>
        %mul3A_388 = arith.mulf %sub3A_384, %sub3A_384 : vector<16xf32>
        %add3A_389 = arith.addf %add3A_387, %mul3A_388 : vector<16xf32>
        %bitcast3A = vector.bitcast %add3A_389 : vector<16xf32> to vector<16xi32>
        %shift_right_arithmetic3A = arith.constant 1 : i32
        %shift_right_arithmetic3A_390 = vector.broadcast %shift_right_arithmetic3A : i32 to vector<16xi32>
        %shift_right_arithmetic3A_391 = arith.shrsi %bitcast3A, %shift_right_arithmetic3A_390 : vector<16xi32>
        %sub3A_392 = arith.constant 1597463007 : i32
        %sub3A_393 = vector.broadcast %sub3A_392 : i32 to vector<16xi32>
        %sub3A_394 = arith.subi %sub3A_393, %shift_right_arithmetic3A_391 : vector<16xi32>
        %bitcast3A_395 = vector.bitcast %sub3A_394 : vector<16xi32> to vector<16xf32>
        %mul3A_396 = arith.constant 5.000000e-01 : f32
        %mul3A_397 = vector.broadcast %mul3A_396 : f32 to vector<16xf32>
        %mul3A_398 = arith.mulf %mul3A_397, %add3A_389 : vector<16xf32>
        %mul3A_399 = arith.mulf %mul3A_398, %bitcast3A_395 : vector<16xf32>
        %mul3A_400 = arith.mulf %mul3A_399, %bitcast3A_395 : vector<16xf32>
        %sub3A_401 = arith.constant 1.500000e+00 : f32
        %sub3A_402 = vector.broadcast %sub3A_401 : f32 to vector<16xf32>
        %sub3A_403 = arith.subf %sub3A_402, %mul3A_400 : vector<16xf32>
        %mul3A_404 = arith.mulf %bitcast3A_395, %sub3A_403 : vector<16xf32>
        %mul3A_405 = arith.mulf %mul3A_398, %mul3A_404 : vector<16xf32>
        %mul3A_406 = arith.mulf %mul3A_405, %mul3A_404 : vector<16xf32>
        %sub3A_407 = arith.constant 1.500000e+00 : f32
        %sub3A_408 = vector.broadcast %sub3A_407 : f32 to vector<16xf32>
        %sub3A_409 = arith.subf %sub3A_408, %mul3A_406 : vector<16xf32>
        %mul3A_410 = arith.mulf %mul3A_404, %sub3A_409 : vector<16xf32>
        %mul3A_411 = arith.mulf %mul3A_398, %mul3A_410 : vector<16xf32>
        %mul3A_412 = arith.mulf %mul3A_411, %mul3A_410 : vector<16xf32>
        %sub3A_413 = arith.constant 1.500000e+00 : f32
        %sub3A_414 = vector.broadcast %sub3A_413 : f32 to vector<16xf32>
        %sub3A_415 = arith.subf %sub3A_414, %mul3A_412 : vector<16xf32>
        %mul3A_416 = arith.mulf %mul3A_410, %sub3A_415 : vector<16xf32>
        %min3A = arith.constant 9.99999995E+11 : f32
        %min3A_417 = vector.broadcast %min3A : f32 to vector<16xf32>
        %min3A_418 = arith.minimumf %mul3A_416, %min3A_417 : vector<16xf32>
        %mul3A_419 = arith.mulf %sub3A_382, %min3A_418 : vector<16xf32>
        %mul3A_420 = arith.mulf %sub3A_383, %min3A_418 : vector<16xf32>
        %mul3A_421 = arith.mulf %sub3A_384, %min3A_418 : vector<16xf32>
        %mul3A_422 = arith.mulf %mul3A_419, %mul3A_419 : vector<16xf32>
        %mul3A_423 = arith.mulf %mul3A_420, %mul3A_420 : vector<16xf32>
        %mul3A_424 = arith.mulf %mul3A_421, %mul3A_421 : vector<16xf32>
        %mul3A_425 = arith.constant 1.73205078 : f32
        %mul3A_426 = vector.broadcast %mul3A_425 : f32 to vector<16xf32>
        %mul3A_427 = arith.mulf %mul3A_426, %mul3A_419 : vector<16xf32>
        %mul3A_428 = arith.constant 1.73205078 : f32
        %mul3A_429 = vector.broadcast %mul3A_428 : f32 to vector<16xf32>
        %mul3A_430 = arith.mulf %mul3A_429, %mul3A_420 : vector<16xf32>
        %mul3A_431 = arith.constant 1.73205078 : f32
        %mul3A_432 = vector.broadcast %mul3A_431 : f32 to vector<16xf32>
        %mul3A_433 = arith.mulf %mul3A_432, %mul3A_421 : vector<16xf32>
        %mul3A_434 = arith.constant 3.87298346 : f32
        %mul3A_435 = vector.broadcast %mul3A_434 : f32 to vector<16xf32>
        %mul3A_436 = arith.mulf %mul3A_435, %mul3A_419 : vector<16xf32>
        %mul3A_437 = arith.mulf %mul3A_436, %mul3A_421 : vector<16xf32>
        %mul3A_438 = arith.constant 3.87298346 : f32
        %mul3A_439 = vector.broadcast %mul3A_438 : f32 to vector<16xf32>
        %mul3A_440 = arith.mulf %mul3A_439, %mul3A_419 : vector<16xf32>
        %mul3A_441 = arith.mulf %mul3A_440, %mul3A_420 : vector<16xf32>
        %add3A_442 = arith.addf %mul3A_422, %mul3A_424 : vector<16xf32>
        %mul3A_443 = arith.constant 5.000000e-01 : f32
        %mul3A_444 = vector.broadcast %mul3A_443 : f32 to vector<16xf32>
        %mul3A_445 = arith.mulf %mul3A_444, %add3A_442 : vector<16xf32>
        %sub3A_446 = arith.subf %mul3A_423, %mul3A_445 : vector<16xf32>
        %mul3A_447 = arith.constant 2.23606801 : f32
        %mul3A_448 = vector.broadcast %mul3A_447 : f32 to vector<16xf32>
        %mul3A_449 = arith.mulf %mul3A_448, %sub3A_446 : vector<16xf32>
        %mul3A_450 = arith.constant 3.87298346 : f32
        %mul3A_451 = vector.broadcast %mul3A_450 : f32 to vector<16xf32>
        %mul3A_452 = arith.mulf %mul3A_451, %mul3A_420 : vector<16xf32>
        %mul3A_453 = arith.mulf %mul3A_452, %mul3A_421 : vector<16xf32>
        %sub3A_454 = arith.subf %mul3A_424, %mul3A_422 : vector<16xf32>
        %mul3A_455 = arith.constant 1.93649173 : f32
        %mul3A_456 = vector.broadcast %mul3A_455 : f32 to vector<16xf32>
        %mul3A_457 = arith.mulf %mul3A_456, %sub3A_454 : vector<16xf32>
        %mul3A_458 = arith.constant 144 : i32
        %mul3A_459 = arith.muli %while3A_371, %mul3A_458 : i32
        %add3A_460 = vector.broadcast %mul3A_459 : i32 to vector<16xi32>
        %add3A_461 = arith.addi %add3A_460, %mul3A_3 : vector<16xi32>
        %add3A_462 = arith.constant 0 : i32
        %add3A_463 = vector.broadcast %add3A_462 : i32 to vector<16xi32>
        %add3A_464 = arith.addi %add3A_461, %add3A_463 : vector<16xi32>
        tpu.vector_store_idx %arg17[%add3A_464], %broadcast_in_dim3A_4 : memref<7200xf32, #tpu.memory_space<vmem>>[vector<16xi32>], vector<16xf32>,
        %add3A_465 = arith.constant 1 : i32
        %add3A_466 = vector.broadcast %add3A_465 : i32 to vector<16xi32>
        %add3A_467 = arith.addi %add3A_461, %add3A_466 : vector<16xi32>
        tpu.vector_store_idx %arg17[%add3A_467], %mul3A_427 : memref<7200xf32, #tpu.memory_space<vmem>>[vector<16xi32>], vector<16xf32>,
        %add3A_468 = arith.constant 2 : i32
        %add3A_469 = vector.broadcast %add3A_468 : i32 to vector<16xi32>
        %add3A_470 = arith.addi %add3A_461, %add3A_469 : vector<16xi32>
        tpu.vector_store_idx %arg17[%add3A_470], %mul3A_430 : memref<7200xf32, #tpu.memory_space<vmem>>[vector<16xi32>], vector<16xf32>,
        %add3A_471 = arith.constant 3 : i32
        %add3A_472 = vector.broadcast %add3A_471 : i32 to vector<16xi32>
        %add3A_473 = arith.addi %add3A_461, %add3A_472 : vector<16xi32>
        tpu.vector_store_idx %arg17[%add3A_473], %mul3A_433 : memref<7200xf32, #tpu.memory_space<vmem>>[vector<16xi32>], vector<16xf32>,
        %add3A_474 = arith.constant 4 : i32
        %add3A_475 = vector.broadcast %add3A_474 : i32 to vector<16xi32>
        %add3A_476 = arith.addi %add3A_461, %add3A_475 : vector<16xi32>
        tpu.vector_store_idx %arg17[%add3A_476], %mul3A_437 : memref<7200xf32, #tpu.memory_space<vmem>>[vector<16xi32>], vector<16xf32>,
        %add3A_477 = arith.constant 5 : i32
        %add3A_478 = vector.broadcast %add3A_477 : i32 to vector<16xi32>
        %add3A_479 = arith.addi %add3A_461, %add3A_478 : vector<16xi32>
        tpu.vector_store_idx %arg17[%add3A_479], %mul3A_441 : memref<7200xf32, #tpu.memory_space<vmem>>[vector<16xi32>], vector<16xf32>,
        %add3A_480 = arith.constant 6 : i32
        %add3A_481 = vector.broadcast %add3A_480 : i32 to vector<16xi32>
        %add3A_482 = arith.addi %add3A_461, %add3A_481 : vector<16xi32>
        tpu.vector_store_idx %arg17[%add3A_482], %mul3A_449 : memref<7200xf32, #tpu.memory_space<vmem>>[vector<16xi32>], vector<16xf32>,
        %add3A_483 = arith.constant 7 : i32
        %add3A_484 = vector.broadcast %add3A_483 : i32 to vector<16xi32>
        %add3A_485 = arith.addi %add3A_461, %add3A_484 : vector<16xi32>
        tpu.vector_store_idx %arg17[%add3A_485], %mul3A_453 : memref<7200xf32, #tpu.memory_space<vmem>>[vector<16xi32>], vector<16xf32>,
        %add3A_486 = arith.constant 8 : i32
        %add3A_487 = vector.broadcast %add3A_486 : i32 to vector<16xi32>
        %add3A_488 = arith.addi %add3A_461, %add3A_487 : vector<16xi32>
        tpu.vector_store_idx %arg17[%add3A_488], %mul3A_457 : memref<7200xf32, #tpu.memory_space<vmem>>[vector<16xi32>], vector<16xf32>,
        %while3A_489 = arith.constant 0 : i32
        scf.yield %while3A_489 : i32
      }
      %mul3A_279 = arith.constant 32 : i32
      %mul3A_280 = arith.muli %mul3A_203, %mul3A_279 : i32
      %add3A_281 = arith.addi %add3A, %mul3A_280 : i32
      %mul3A_282 = arith.constant 800 : i32
      %mul3A_283 = arith.muli %add3A_281, %mul3A_282 : i32
      %mul3A_284 = arith.constant 9 : i32
      %mul3A_285 = arith.muli %mul3A_283, %mul3A_284 : i32
      "tpu.region"() ({
        %run_scoped3A_371 = tpu.sem_alloc : memref<!tpu.dma_semaphore, #tpu.memory_space<semaphore_mem>>
        %dma_start3A_372 = tpu.memref_slice %arg4[%mul3A_285] : memref<57600000xf32, #tpu.memory_space<hbm>> -> memref<7200xf32, #tpu.memory_space<hbm>>
        %dma_start3A_373 = tpu.memref_slice %arg4[%mul3A_285] : memref<57600000xf32, #tpu.memory_space<hbm>> -> memref<7200xf32, #tpu.memory_space<hbm>>
        tpu.enqueue_dma source(%arg17 : memref<7200xf32, #tpu.memory_space<vmem>>) target(%dma_start3A_373 : memref<7200xf32, #tpu.memory_space<hbm>>) target_semaphore(%run_scoped3A_371 : memref<!tpu.dma_semaphore, #tpu.memory_space<semaphore_mem>>)
        %dma_wait3A_374 = tpu.memref_slice %arg4[%mul3A_285] : memref<57600000xf32, #tpu.memory_space<hbm>> -> memref<7200xf32, #tpu.memory_space<hbm>>
        %dma_wait3A_375 = tpu.memref_slice %arg4[%mul3A_285] : memref<57600000xf32, #tpu.memory_space<hbm>> -> memref<7200xf32, #tpu.memory_space<hbm>>
        tpu.wait_dma2 semaphore(%run_scoped3A_371 : memref<!tpu.dma_semaphore, #tpu.memory_space<semaphore_mem>>) src(%arg17 : memref<7200xf32, #tpu.memory_space<vmem>>) dst(%dma_wait3A_375 : memref<7200xf32, #tpu.memory_space<hbm>>)
        tpu.yield
      }) : () -> ()
      %add3A_286 = arith.constant 2 : i32
      %add3A_287 = arith.addi %mul3A_203, %add3A_286 : i32
      %mul3A_288 = arith.constant 32 : i32
      %mul3A_289 = arith.muli %add3A_287, %mul3A_288 : i32
      %add3A_290 = arith.addi %add3A, %mul3A_289 : i32
      %mul3A_291 = arith.constant 800 : i32
      %mul3A_292 = arith.muli %add3A_290, %mul3A_291 : i32
      %run_scoped3A_293 = arith.constant 0 : i32
      "tpu.region"() ({
        %run_scoped3A_371 = tpu.sem_alloc : memref<!tpu.dma_semaphore, #tpu.memory_space<semaphore_mem>>
        %dma_start3A_372 = tpu.memref_slice %arg2[%run_scoped3A_293, %mul3A_292] : memref<2x6400000xi32, #tpu.memory_space<hbm>> -> memref<1x800xi32, #tpu.memory_space<hbm>>
        %dma_start3A_373 = tpu.memref_squeeze %dma_start3A_372 : memref<1x800xi32, #tpu.memory_space<hbm>> -> memref<800xi32, #tpu.memory_space<hbm>>
        %dma_start3A_374 = tpu.memref_slice %arg2[%run_scoped3A_293, %mul3A_292] : memref<2x6400000xi32, #tpu.memory_space<hbm>> -> memref<1x800xi32, #tpu.memory_space<hbm>>
        %dma_start3A_375 = tpu.memref_squeeze %dma_start3A_374 : memref<1x800xi32, #tpu.memory_space<hbm>> -> memref<800xi32, #tpu.memory_space<hbm>>
        tpu.enqueue_dma source(%dma_start3A_375 : memref<800xi32, #tpu.memory_space<hbm>>) target(%arg5 : memref<800xi32, #tpu.memory_space<vmem>>) target_semaphore(%run_scoped3A_371 : memref<!tpu.dma_semaphore, #tpu.memory_space<semaphore_mem>>)
        %dma_wait3A_376 = tpu.memref_slice %arg2[%run_scoped3A_293, %mul3A_292] : memref<2x6400000xi32, #tpu.memory_space<hbm>> -> memref<1x800xi32, #tpu.memory_space<hbm>>
        %dma_wait3A_377 = tpu.memref_squeeze %dma_wait3A_376 : memref<1x800xi32, #tpu.memory_space<hbm>> -> memref<800xi32, #tpu.memory_space<hbm>>
        %dma_wait3A_378 = tpu.memref_slice %arg2[%run_scoped3A_293, %mul3A_292] : memref<2x6400000xi32, #tpu.memory_space<hbm>> -> memref<1x800xi32, #tpu.memory_space<hbm>>
        %dma_wait3A_379 = tpu.memref_squeeze %dma_wait3A_378 : memref<1x800xi32, #tpu.memory_space<hbm>> -> memref<800xi32, #tpu.memory_space<hbm>>
        tpu.wait_dma2 semaphore(%run_scoped3A_371 : memref<!tpu.dma_semaphore, #tpu.memory_space<semaphore_mem>>) src(%dma_wait3A_379 : memref<800xi32, #tpu.memory_space<hbm>>) dst(%arg5 : memref<800xi32, #tpu.memory_space<vmem>>)
        tpu.yield
      }) : () -> ()
      %run_scoped3A_294 = arith.constant 1 : i32
      "tpu.region"() ({
        %run_scoped3A_371 = tpu.sem_alloc : memref<!tpu.dma_semaphore, #tpu.memory_space<semaphore_mem>>
        %dma_start3A_372 = tpu.memref_slice %arg2[%run_scoped3A_294, %mul3A_292] : memref<2x6400000xi32, #tpu.memory_space<hbm>> -> memref<1x800xi32, #tpu.memory_space<hbm>>
        %dma_start3A_373 = tpu.memref_squeeze %dma_start3A_372 : memref<1x800xi32, #tpu.memory_space<hbm>> -> memref<800xi32, #tpu.memory_space<hbm>>
        %dma_start3A_374 = tpu.memref_slice %arg2[%run_scoped3A_294, %mul3A_292] : memref<2x6400000xi32, #tpu.memory_space<hbm>> -> memref<1x800xi32, #tpu.memory_space<hbm>>
        %dma_start3A_375 = tpu.memref_squeeze %dma_start3A_374 : memref<1x800xi32, #tpu.memory_space<hbm>> -> memref<800xi32, #tpu.memory_space<hbm>>
        tpu.enqueue_dma source(%dma_start3A_375 : memref<800xi32, #tpu.memory_space<hbm>>) target(%arg7 : memref<800xi32, #tpu.memory_space<vmem>>) target_semaphore(%run_scoped3A_371 : memref<!tpu.dma_semaphore, #tpu.memory_space<semaphore_mem>>)
        %dma_wait3A_376 = tpu.memref_slice %arg2[%run_scoped3A_294, %mul3A_292] : memref<2x6400000xi32, #tpu.memory_space<hbm>> -> memref<1x800xi32, #tpu.memory_space<hbm>>
        %dma_wait3A_377 = tpu.memref_squeeze %dma_wait3A_376 : memref<1x800xi32, #tpu.memory_space<hbm>> -> memref<800xi32, #tpu.memory_space<hbm>>
        %dma_wait3A_378 = tpu.memref_slice %arg2[%run_scoped3A_294, %mul3A_292] : memref<2x6400000xi32, #tpu.memory_space<hbm>> -> memref<1x800xi32, #tpu.memory_space<hbm>>
        %dma_wait3A_379 = tpu.memref_squeeze %dma_wait3A_378 : memref<1x800xi32, #tpu.memory_space<hbm>> -> memref<800xi32, #tpu.memory_space<hbm>>
        tpu.wait_dma2 semaphore(%run_scoped3A_371 : memref<!tpu.dma_semaphore, #tpu.memory_space<semaphore_mem>>) src(%dma_wait3A_379 : memref<800xi32, #tpu.memory_space<hbm>>) dst(%arg7 : memref<800xi32, #tpu.memory_space<vmem>>)
        tpu.yield
      }) : () -> ()
      %while3A_295 = arith.constant 0 : i32
      %while3A_296 = arith.constant 50 : i32
      %while3A_297 = arith.constant 0 : i32
      %while3A_298 = arith.subi %while3A_296, %while3A_295 : i32
      %while3A_299 = arith.addi %while3A_295, %while3A_298 : i32
      %while3A_300 = arith.constant 1 : i32
      %while3A_301 = arith.divsi %while3A_298, %while3A_300 : i32
      %while3A_302 = arith.muli %while3A_301, %while3A_300 : i32
      %while3A_303 = arith.addi %while3A_295, %while3A_302 : i32
      %while3A_304 = arith.constant 1 : i32
      %while3A_305 = scf.for %while3A_371 = %while3A_295 to %while3A_303 step %while3A_304 iter_args(%while3A_372 = %while3A_297) -> (i32)  : i32 {
        %mul3A_373 = arith.constant 16 : i32
        %mul3A_374 = arith.muli %while3A_371, %mul3A_373 : i32
        %add3A_375 = vector.broadcast %mul3A_374 : i32 to vector<16xi32>
        %add3A_376 = arith.addi %add3A_375, %iota3A : vector<16xi32>
        %mul3A_377 = arith.constant 2 : i32
        %mul3A_378 = vector.broadcast %mul3A_377 : i32 to vector<16xi32>
        %mul3A_379 = arith.muli %add3A_376, %mul3A_378 : vector<16xi32>
        %mul3A_380 = arith.constant 16 : i32
        %mul3A_381 = arith.muli %while3A_371, %mul3A_380 : i32
        %get3A = arith.index_cast %mul3A_381 : i32 to index
        %get3A_382 = tpu.vector_load %arg5[%get3A] {strides = array<i32>} : memref<800xi32, #tpu.memory_space<vmem>>, vector<16xi32>,
        %mul3A_383 = arith.constant 2 : i32
        %mul3A_384 = vector.broadcast %mul3A_383 : i32 to vector<16xi32>
        %mul3A_385 = arith.muli %get3A_382, %mul3A_384 : vector<16xi32>
        tpu.vector_store_idx %arg9[%mul3A_379], %mul3A_385 : memref<1600xi32, #tpu.memory_space<vmem>>[vector<16xi32>], vector<16xi32>,
        %mul3A_386 = arith.constant 16 : i32
        %mul3A_387 = arith.muli %while3A_371, %mul3A_386 : i32
        %get3A_388 = arith.index_cast %mul3A_387 : i32 to index
        %get3A_389 = tpu.vector_load %arg7[%get3A_388] {strides = array<i32>} : memref<800xi32, #tpu.memory_space<vmem>>, vector<16xi32>,
        %mul3A_390 = arith.constant 2 : i32
        %mul3A_391 = vector.broadcast %mul3A_390 : i32 to vector<16xi32>
        %mul3A_392 = arith.muli %get3A_389, %mul3A_391 : vector<16xi32>
        tpu.vector_store_idx %arg11[%mul3A_379], %mul3A_392 : memref<1600xi32, #tpu.memory_space<vmem>>[vector<16xi32>], vector<16xi32>,
        %while3A_393 = arith.constant 0 : i32
        scf.yield %while3A_393 : i32
      }
      %while3A_306 = arith.constant 1 : i32
      %while3A_307 = scf.for %while3A_371 = %while3A_303 to %while3A_299 step %while3A_306 iter_args(%while3A_372 = %while3A_305) -> (i32)  : i32 {
        %mul3A_373 = arith.constant 16 : i32
        %mul3A_374 = arith.muli %while3A_371, %mul3A_373 : i32
        %add3A_375 = vector.broadcast %mul3A_374 : i32 to vector<16xi32>
        %add3A_376 = arith.addi %add3A_375, %iota3A : vector<16xi32>
        %mul3A_377 = arith.constant 2 : i32
        %mul3A_378 = vector.broadcast %mul3A_377 : i32 to vector<16xi32>
        %mul3A_379 = arith.muli %add3A_376, %mul3A_378 : vector<16xi32>
        %mul3A_380 = arith.constant 16 : i32
        %mul3A_381 = arith.muli %while3A_371, %mul3A_380 : i32
        %get3A = arith.index_cast %mul3A_381 : i32 to index
        %get3A_382 = tpu.vector_load %arg5[%get3A] {strides = array<i32>} : memref<800xi32, #tpu.memory_space<vmem>>, vector<16xi32>,
        %mul3A_383 = arith.constant 2 : i32
        %mul3A_384 = vector.broadcast %mul3A_383 : i32 to vector<16xi32>
        %mul3A_385 = arith.muli %get3A_382, %mul3A_384 : vector<16xi32>
        tpu.vector_store_idx %arg9[%mul3A_379], %mul3A_385 : memref<1600xi32, #tpu.memory_space<vmem>>[vector<16xi32>], vector<16xi32>,
        %mul3A_386 = arith.constant 16 : i32
        %mul3A_387 = arith.muli %while3A_371, %mul3A_386 : i32
        %get3A_388 = arith.index_cast %mul3A_387 : i32 to index
        %get3A_389 = tpu.vector_load %arg7[%get3A_388] {strides = array<i32>} : memref<800xi32, #tpu.memory_space<vmem>>, vector<16xi32>,
        %mul3A_390 = arith.constant 2 : i32
        %mul3A_391 = vector.broadcast %mul3A_390 : i32 to vector<16xi32>
        %mul3A_392 = arith.muli %get3A_389, %mul3A_391 : vector<16xi32>
        tpu.vector_store_idx %arg11[%mul3A_379], %mul3A_392 : memref<1600xi32, #tpu.memory_space<vmem>>[vector<16xi32>], vector<16xi32>,
        %while3A_393 = arith.constant 0 : i32
        scf.yield %while3A_393 : i32
      }
      %dma_start3A_308 = arith.constant 0 : i32
      %dma_start3A_309 = arith.constant 0 : i32
      %dma_start3A_310 = tpu.memref_slice %arg13[%dma_start3A_308, %dma_start3A_309] : memref<1600x4xf32, #tpu.memory_space<vmem>> -> memref<1600x4xf32, #tpu.memory_space<vmem>>
      %dma_start3A_311 = arith.constant 0 : i32
      %dma_start3A_312 = tpu.memref_slice %arg9[%dma_start3A_311] : memref<1600xi32, #tpu.memory_space<vmem>> -> memref<1600xi32, #tpu.memory_space<vmem>>
      %dma_start3A_313 = arith.constant 0 : i32
      %dma_start3A_314 = arith.constant 0 : i32
      %dma_start3A_315 = tpu.memref_slice %arg3[%dma_start3A_313, %dma_start3A_314] : memref<100000x4xf32, #tpu.memory_space<hbm>> -> memref<100000x4xf32, #tpu.memory_space<hbm>>
      tpu.enqueue_indirect_dma source(%dma_start3A_315 : memref<100000x4xf32, #tpu.memory_space<hbm>>) target(%dma_start3A_310 : memref<1600x4xf32, #tpu.memory_space<vmem>>) offsets(%dma_start3A_312 : memref<1600xi32, #tpu.memory_space<vmem>>) semaphore(%arg19 : memref<!tpu.dma_semaphore, #tpu.memory_space<semaphore_mem>>)
      %dma_start3A_316 = arith.constant 0 : i32
      %dma_start3A_317 = arith.constant 0 : i32
      %dma_start3A_318 = tpu.memref_slice %arg15[%dma_start3A_316, %dma_start3A_317] : memref<1600x4xf32, #tpu.memory_space<vmem>> -> memref<1600x4xf32, #tpu.memory_space<vmem>>
      %dma_start3A_319 = arith.constant 0 : i32
      %dma_start3A_320 = tpu.memref_slice %arg11[%dma_start3A_319] : memref<1600xi32, #tpu.memory_space<vmem>> -> memref<1600xi32, #tpu.memory_space<vmem>>
      %dma_start3A_321 = arith.constant 0 : i32
      %dma_start3A_322 = arith.constant 0 : i32
      %dma_start3A_323 = tpu.memref_slice %arg3[%dma_start3A_321, %dma_start3A_322] : memref<100000x4xf32, #tpu.memory_space<hbm>> -> memref<100000x4xf32, #tpu.memory_space<hbm>>
      tpu.enqueue_indirect_dma source(%dma_start3A_323 : memref<100000x4xf32, #tpu.memory_space<hbm>>) target(%dma_start3A_318 : memref<1600x4xf32, #tpu.memory_space<vmem>>) offsets(%dma_start3A_320 : memref<1600xi32, #tpu.memory_space<vmem>>) semaphore(%arg19 : memref<!tpu.dma_semaphore, #tpu.memory_space<semaphore_mem>>)
      %add3A_324 = arith.constant 1 : i32
      %add3A_325 = arith.addi %mul3A_203, %add3A_324 : i32
      %dma_wait3A_326 = arith.constant 0 : i32
      %dma_wait3A_327 = arith.constant 0 : i32
      %dma_wait3A_328 = tpu.memref_slice %arg14[%dma_wait3A_326, %dma_wait3A_327] : memref<1600x4xf32, #tpu.memory_space<vmem>> -> memref<1600x4xf32, #tpu.memory_space<vmem>>
      %dma_wait3A_329 = arith.constant 0 : i32
      %dma_wait3A_330 = tpu.memref_slice %arg10[%dma_wait3A_329] : memref<1600xi32, #tpu.memory_space<vmem>> -> memref<1600xi32, #tpu.memory_space<vmem>>
      %dma_wait3A_331 = arith.constant 0 : i32
      %dma_wait3A_332 = arith.constant 0 : i32
      %dma_wait3A_333 = tpu.memref_slice %arg3[%dma_wait3A_331, %dma_wait3A_332] : memref<100000x4xf32, #tpu.memory_space<hbm>> -> memref<100000x4xf32, #tpu.memory_space<hbm>>
      tpu.wait_indirect_dma semaphore(%arg19 : memref<!tpu.dma_semaphore, #tpu.memory_space<semaphore_mem>>) src(%dma_wait3A_333 : memref<100000x4xf32, #tpu.memory_space<hbm>>) dst(%dma_wait3A_328 : memref<1600x4xf32, #tpu.memory_space<vmem>>)
      %dma_wait3A_334 = arith.constant 0 : i32
      %dma_wait3A_335 = arith.constant 0 : i32
      %dma_wait3A_336 = tpu.memref_slice %arg16[%dma_wait3A_334, %dma_wait3A_335] : memref<1600x4xf32, #tpu.memory_space<vmem>> -> memref<1600x4xf32, #tpu.memory_space<vmem>>
      %dma_wait3A_337 = arith.constant 0 : i32
      %dma_wait3A_338 = tpu.memref_slice %arg12[%dma_wait3A_337] : memref<1600xi32, #tpu.memory_space<vmem>> -> memref<1600xi32, #tpu.memory_space<vmem>>
      %dma_wait3A_339 = arith.constant 0 : i32
      %dma_wait3A_340 = arith.constant 0 : i32
      %dma_wait3A_341 = tpu.memref_slice %arg3[%dma_wait3A_339, %dma_wait3A_340] : memref<100000x4xf32, #tpu.memory_space<hbm>> -> memref<100000x4xf32, #tpu.memory_space<hbm>>
      tpu.wait_indirect_dma semaphore(%arg19 : memref<!tpu.dma_semaphore, #tpu.memory_space<semaphore_mem>>) src(%dma_wait3A_341 : memref<100000x4xf32, #tpu.memory_space<hbm>>) dst(%dma_wait3A_336 : memref<1600x4xf32, #tpu.memory_space<vmem>>)
      %broadcast_in_dim3A_342 = arith.constant 0 : i32
      %broadcast_in_dim3A_343 = vector.broadcast %broadcast_in_dim3A_342 : i32 to vector<16xi32>
      %add3A_344 = arith.constant 1 : i32
      %add3A_345 = vector.broadcast %add3A_344 : i32 to vector<16xi32>
      %add3A_346 = arith.addi %broadcast_in_dim3A_343, %add3A_345 : vector<16xi32>
      %add3A_347 = arith.constant 2 : i32
      %add3A_348 = vector.broadcast %add3A_347 : i32 to vector<16xi32>
      %add3A_349 = arith.addi %broadcast_in_dim3A_343, %add3A_348 : vector<16xi32>
      %while3A_350 = arith.constant 0 : i32
      %while3A_351 = arith.constant 50 : i32
      %while3A_352 = arith.constant 0 : i32
      %while3A_353 = arith.subi %while3A_351, %while3A_350 : i32
      %while3A_354 = arith.addi %while3A_350, %while3A_353 : i32
      %while3A_355 = arith.constant 1 : i32
      %while3A_356 = arith.divsi %while3A_353, %while3A_355 : i32
      %while3A_357 = arith.muli %while3A_356, %while3A_355 : i32
      %while3A_358 = arith.addi %while3A_350, %while3A_357 : i32
      %while3A_359 = arith.constant 1 : i32
      %while3A_360 = scf.for %while3A_371 = %while3A_350 to %while3A_358 step %while3A_359 iter_args(%while3A_372 = %while3A_352) -> (i32)  : i32 {
        %mul3A_373 = arith.constant 16 : i32
        %mul3A_374 = arith.muli %while3A_371, %mul3A_373 : i32
        %add3A_375 = vector.broadcast %mul3A_374 : i32 to vector<16xi32>
        %add3A_376 = arith.addi %add3A_375, %iota3A : vector<16xi32>
        %gather3A = tpu.vector_load_idx %arg14[%add3A_376, %broadcast_in_dim3A_343] : memref<1600x4xf32, #tpu.memory_space<vmem>>[vector<16xi32>, vector<16xi32>], vector<16xf32>,
        %gather3A_377 = tpu.vector_load_idx %arg14[%add3A_376, %add3A_346] : memref<1600x4xf32, #tpu.memory_space<vmem>>[vector<16xi32>, vector<16xi32>], vector<16xf32>,
        %gather3A_378 = tpu.vector_load_idx %arg14[%add3A_376, %add3A_349] : memref<1600x4xf32, #tpu.memory_space<vmem>>[vector<16xi32>, vector<16xi32>], vector<16xf32>,
        %gather3A_379 = tpu.vector_load_idx %arg16[%add3A_376, %broadcast_in_dim3A_343] : memref<1600x4xf32, #tpu.memory_space<vmem>>[vector<16xi32>, vector<16xi32>], vector<16xf32>,
        %gather3A_380 = tpu.vector_load_idx %arg16[%add3A_376, %add3A_346] : memref<1600x4xf32, #tpu.memory_space<vmem>>[vector<16xi32>, vector<16xi32>], vector<16xf32>,
        %gather3A_381 = tpu.vector_load_idx %arg16[%add3A_376, %add3A_349] : memref<1600x4xf32, #tpu.memory_space<vmem>>[vector<16xi32>, vector<16xi32>], vector<16xf32>,
        %sub3A_382 = arith.subf %gather3A, %gather3A_379 : vector<16xf32>
        %sub3A_383 = arith.subf %gather3A_377, %gather3A_380 : vector<16xf32>
        %sub3A_384 = arith.subf %gather3A_378, %gather3A_381 : vector<16xf32>
        %mul3A_385 = arith.mulf %sub3A_382, %sub3A_382 : vector<16xf32>
        %mul3A_386 = arith.mulf %sub3A_383, %sub3A_383 : vector<16xf32>
        %add3A_387 = arith.addf %mul3A_385, %mul3A_386 : vector<16xf32>
        %mul3A_388 = arith.mulf %sub3A_384, %sub3A_384 : vector<16xf32>
        %add3A_389 = arith.addf %add3A_387, %mul3A_388 : vector<16xf32>
        %bitcast3A = vector.bitcast %add3A_389 : vector<16xf32> to vector<16xi32>
        %shift_right_arithmetic3A = arith.constant 1 : i32
        %shift_right_arithmetic3A_390 = vector.broadcast %shift_right_arithmetic3A : i32 to vector<16xi32>
        %shift_right_arithmetic3A_391 = arith.shrsi %bitcast3A, %shift_right_arithmetic3A_390 : vector<16xi32>
        %sub3A_392 = arith.constant 1597463007 : i32
        %sub3A_393 = vector.broadcast %sub3A_392 : i32 to vector<16xi32>
        %sub3A_394 = arith.subi %sub3A_393, %shift_right_arithmetic3A_391 : vector<16xi32>
        %bitcast3A_395 = vector.bitcast %sub3A_394 : vector<16xi32> to vector<16xf32>
        %mul3A_396 = arith.constant 5.000000e-01 : f32
        %mul3A_397 = vector.broadcast %mul3A_396 : f32 to vector<16xf32>
        %mul3A_398 = arith.mulf %mul3A_397, %add3A_389 : vector<16xf32>
        %mul3A_399 = arith.mulf %mul3A_398, %bitcast3A_395 : vector<16xf32>
        %mul3A_400 = arith.mulf %mul3A_399, %bitcast3A_395 : vector<16xf32>
        %sub3A_401 = arith.constant 1.500000e+00 : f32
        %sub3A_402 = vector.broadcast %sub3A_401 : f32 to vector<16xf32>
        %sub3A_403 = arith.subf %sub3A_402, %mul3A_400 : vector<16xf32>
        %mul3A_404 = arith.mulf %bitcast3A_395, %sub3A_403 : vector<16xf32>
        %mul3A_405 = arith.mulf %mul3A_398, %mul3A_404 : vector<16xf32>
        %mul3A_406 = arith.mulf %mul3A_405, %mul3A_404 : vector<16xf32>
        %sub3A_407 = arith.constant 1.500000e+00 : f32
        %sub3A_408 = vector.broadcast %sub3A_407 : f32 to vector<16xf32>
        %sub3A_409 = arith.subf %sub3A_408, %mul3A_406 : vector<16xf32>
        %mul3A_410 = arith.mulf %mul3A_404, %sub3A_409 : vector<16xf32>
        %mul3A_411 = arith.mulf %mul3A_398, %mul3A_410 : vector<16xf32>
        %mul3A_412 = arith.mulf %mul3A_411, %mul3A_410 : vector<16xf32>
        %sub3A_413 = arith.constant 1.500000e+00 : f32
        %sub3A_414 = vector.broadcast %sub3A_413 : f32 to vector<16xf32>
        %sub3A_415 = arith.subf %sub3A_414, %mul3A_412 : vector<16xf32>
        %mul3A_416 = arith.mulf %mul3A_410, %sub3A_415 : vector<16xf32>
        %min3A = arith.constant 9.99999995E+11 : f32
        %min3A_417 = vector.broadcast %min3A : f32 to vector<16xf32>
        %min3A_418 = arith.minimumf %mul3A_416, %min3A_417 : vector<16xf32>
        %mul3A_419 = arith.mulf %sub3A_382, %min3A_418 : vector<16xf32>
        %mul3A_420 = arith.mulf %sub3A_383, %min3A_418 : vector<16xf32>
        %mul3A_421 = arith.mulf %sub3A_384, %min3A_418 : vector<16xf32>
        %mul3A_422 = arith.mulf %mul3A_419, %mul3A_419 : vector<16xf32>
        %mul3A_423 = arith.mulf %mul3A_420, %mul3A_420 : vector<16xf32>
        %mul3A_424 = arith.mulf %mul3A_421, %mul3A_421 : vector<16xf32>
        %mul3A_425 = arith.constant 1.73205078 : f32
        %mul3A_426 = vector.broadcast %mul3A_425 : f32 to vector<16xf32>
        %mul3A_427 = arith.mulf %mul3A_426, %mul3A_419 : vector<16xf32>
        %mul3A_428 = arith.constant 1.73205078 : f32
        %mul3A_429 = vector.broadcast %mul3A_428 : f32 to vector<16xf32>
        %mul3A_430 = arith.mulf %mul3A_429, %mul3A_420 : vector<16xf32>
        %mul3A_431 = arith.constant 1.73205078 : f32
        %mul3A_432 = vector.broadcast %mul3A_431 : f32 to vector<16xf32>
        %mul3A_433 = arith.mulf %mul3A_432, %mul3A_421 : vector<16xf32>
        %mul3A_434 = arith.constant 3.87298346 : f32
        %mul3A_435 = vector.broadcast %mul3A_434 : f32 to vector<16xf32>
        %mul3A_436 = arith.mulf %mul3A_435, %mul3A_419 : vector<16xf32>
        %mul3A_437 = arith.mulf %mul3A_436, %mul3A_421 : vector<16xf32>
        %mul3A_438 = arith.constant 3.87298346 : f32
        %mul3A_439 = vector.broadcast %mul3A_438 : f32 to vector<16xf32>
        %mul3A_440 = arith.mulf %mul3A_439, %mul3A_419 : vector<16xf32>
        %mul3A_441 = arith.mulf %mul3A_440, %mul3A_420 : vector<16xf32>
        %add3A_442 = arith.addf %mul3A_422, %mul3A_424 : vector<16xf32>
        %mul3A_443 = arith.constant 5.000000e-01 : f32
        %mul3A_444 = vector.broadcast %mul3A_443 : f32 to vector<16xf32>
        %mul3A_445 = arith.mulf %mul3A_444, %add3A_442 : vector<16xf32>
        %sub3A_446 = arith.subf %mul3A_423, %mul3A_445 : vector<16xf32>
        %mul3A_447 = arith.constant 2.23606801 : f32
        %mul3A_448 = vector.broadcast %mul3A_447 : f32 to vector<16xf32>
        %mul3A_449 = arith.mulf %mul3A_448, %sub3A_446 : vector<16xf32>
        %mul3A_450 = arith.constant 3.87298346 : f32
        %mul3A_451 = vector.broadcast %mul3A_450 : f32 to vector<16xf32>
        %mul3A_452 = arith.mulf %mul3A_451, %mul3A_420 : vector<16xf32>
        %mul3A_453 = arith.mulf %mul3A_452, %mul3A_421 : vector<16xf32>
        %sub3A_454 = arith.subf %mul3A_424, %mul3A_422 : vector<16xf32>
        %mul3A_455 = arith.constant 1.93649173 : f32
        %mul3A_456 = vector.broadcast %mul3A_455 : f32 to vector<16xf32>
        %mul3A_457 = arith.mulf %mul3A_456, %sub3A_454 : vector<16xf32>
        %mul3A_458 = arith.constant 144 : i32
        %mul3A_459 = arith.muli %while3A_371, %mul3A_458 : i32
        %add3A_460 = vector.broadcast %mul3A_459 : i32 to vector<16xi32>
        %add3A_461 = arith.addi %add3A_460, %mul3A_3 : vector<16xi32>
        %add3A_462 = arith.constant 0 : i32
        %add3A_463 = vector.broadcast %add3A_462 : i32 to vector<16xi32>
        %add3A_464 = arith.addi %add3A_461, %add3A_463 : vector<16xi32>
        tpu.vector_store_idx %arg18[%add3A_464], %broadcast_in_dim3A_4 : memref<7200xf32, #tpu.memory_space<vmem>>[vector<16xi32>], vector<16xf32>,
        %add3A_465 = arith.constant 1 : i32
        %add3A_466 = vector.broadcast %add3A_465 : i32 to vector<16xi32>
        %add3A_467 = arith.addi %add3A_461, %add3A_466 : vector<16xi32>
        tpu.vector_store_idx %arg18[%add3A_467], %mul3A_427 : memref<7200xf32, #tpu.memory_space<vmem>>[vector<16xi32>], vector<16xf32>,
        %add3A_468 = arith.constant 2 : i32
        %add3A_469 = vector.broadcast %add3A_468 : i32 to vector<16xi32>
        %add3A_470 = arith.addi %add3A_461, %add3A_469 : vector<16xi32>
        tpu.vector_store_idx %arg18[%add3A_470], %mul3A_430 : memref<7200xf32, #tpu.memory_space<vmem>>[vector<16xi32>], vector<16xf32>,
        %add3A_471 = arith.constant 3 : i32
        %add3A_472 = vector.broadcast %add3A_471 : i32 to vector<16xi32>
        %add3A_473 = arith.addi %add3A_461, %add3A_472 : vector<16xi32>
        tpu.vector_store_idx %arg18[%add3A_473], %mul3A_433 : memref<7200xf32, #tpu.memory_space<vmem>>[vector<16xi32>], vector<16xf32>,
        %add3A_474 = arith.constant 4 : i32
        %add3A_475 = vector.broadcast %add3A_474 : i32 to vector<16xi32>
        %add3A_476 = arith.addi %add3A_461, %add3A_475 : vector<16xi32>
        tpu.vector_store_idx %arg18[%add3A_476], %mul3A_437 : memref<7200xf32, #tpu.memory_space<vmem>>[vector<16xi32>], vector<16xf32>,
        %add3A_477 = arith.constant 5 : i32
        %add3A_478 = vector.broadcast %add3A_477 : i32 to vector<16xi32>
        %add3A_479 = arith.addi %add3A_461, %add3A_478 : vector<16xi32>
        tpu.vector_store_idx %arg18[%add3A_479], %mul3A_441 : memref<7200xf32, #tpu.memory_space<vmem>>[vector<16xi32>], vector<16xf32>,
        %add3A_480 = arith.constant 6 : i32
        %add3A_481 = vector.broadcast %add3A_480 : i32 to vector<16xi32>
        %add3A_482 = arith.addi %add3A_461, %add3A_481 : vector<16xi32>
        tpu.vector_store_idx %arg18[%add3A_482], %mul3A_449 : memref<7200xf32, #tpu.memory_space<vmem>>[vector<16xi32>], vector<16xf32>,
        %add3A_483 = arith.constant 7 : i32
        %add3A_484 = vector.broadcast %add3A_483 : i32 to vector<16xi32>
        %add3A_485 = arith.addi %add3A_461, %add3A_484 : vector<16xi32>
        tpu.vector_store_idx %arg18[%add3A_485], %mul3A_453 : memref<7200xf32, #tpu.memory_space<vmem>>[vector<16xi32>], vector<16xf32>,
        %add3A_486 = arith.constant 8 : i32
        %add3A_487 = vector.broadcast %add3A_486 : i32 to vector<16xi32>
        %add3A_488 = arith.addi %add3A_461, %add3A_487 : vector<16xi32>
        tpu.vector_store_idx %arg18[%add3A_488], %mul3A_457 : memref<7200xf32, #tpu.memory_space<vmem>>[vector<16xi32>], vector<16xf32>,
        %while3A_489 = arith.constant 0 : i32
        scf.yield %while3A_489 : i32
      }
      %while3A_361 = arith.constant 1 : i32
      %while3A_362 = scf.for %while3A_371 = %while3A_358 to %while3A_354 step %while3A_361 iter_args(%while3A_372 = %while3A_360) -> (i32)  : i32 {
        %mul3A_373 = arith.constant 16 : i32
        %mul3A_374 = arith.muli %while3A_371, %mul3A_373 : i32
        %add3A_375 = vector.broadcast %mul3A_374 : i32 to vector<16xi32>
        %add3A_376 = arith.addi %add3A_375, %iota3A : vector<16xi32>
        %gather3A = tpu.vector_load_idx %arg14[%add3A_376, %broadcast_in_dim3A_343] : memref<1600x4xf32, #tpu.memory_space<vmem>>[vector<16xi32>, vector<16xi32>], vector<16xf32>,
        %gather3A_377 = tpu.vector_load_idx %arg14[%add3A_376, %add3A_346] : memref<1600x4xf32, #tpu.memory_space<vmem>>[vector<16xi32>, vector<16xi32>], vector<16xf32>,
        %gather3A_378 = tpu.vector_load_idx %arg14[%add3A_376, %add3A_349] : memref<1600x4xf32, #tpu.memory_space<vmem>>[vector<16xi32>, vector<16xi32>], vector<16xf32>,
        %gather3A_379 = tpu.vector_load_idx %arg16[%add3A_376, %broadcast_in_dim3A_343] : memref<1600x4xf32, #tpu.memory_space<vmem>>[vector<16xi32>, vector<16xi32>], vector<16xf32>,
        %gather3A_380 = tpu.vector_load_idx %arg16[%add3A_376, %add3A_346] : memref<1600x4xf32, #tpu.memory_space<vmem>>[vector<16xi32>, vector<16xi32>], vector<16xf32>,
        %gather3A_381 = tpu.vector_load_idx %arg16[%add3A_376, %add3A_349] : memref<1600x4xf32, #tpu.memory_space<vmem>>[vector<16xi32>, vector<16xi32>], vector<16xf32>,
        %sub3A_382 = arith.subf %gather3A, %gather3A_379 : vector<16xf32>
        %sub3A_383 = arith.subf %gather3A_377, %gather3A_380 : vector<16xf32>
        %sub3A_384 = arith.subf %gather3A_378, %gather3A_381 : vector<16xf32>
        %mul3A_385 = arith.mulf %sub3A_382, %sub3A_382 : vector<16xf32>
        %mul3A_386 = arith.mulf %sub3A_383, %sub3A_383 : vector<16xf32>
        %add3A_387 = arith.addf %mul3A_385, %mul3A_386 : vector<16xf32>
        %mul3A_388 = arith.mulf %sub3A_384, %sub3A_384 : vector<16xf32>
        %add3A_389 = arith.addf %add3A_387, %mul3A_388 : vector<16xf32>
        %bitcast3A = vector.bitcast %add3A_389 : vector<16xf32> to vector<16xi32>
        %shift_right_arithmetic3A = arith.constant 1 : i32
        %shift_right_arithmetic3A_390 = vector.broadcast %shift_right_arithmetic3A : i32 to vector<16xi32>
        %shift_right_arithmetic3A_391 = arith.shrsi %bitcast3A, %shift_right_arithmetic3A_390 : vector<16xi32>
        %sub3A_392 = arith.constant 1597463007 : i32
        %sub3A_393 = vector.broadcast %sub3A_392 : i32 to vector<16xi32>
        %sub3A_394 = arith.subi %sub3A_393, %shift_right_arithmetic3A_391 : vector<16xi32>
        %bitcast3A_395 = vector.bitcast %sub3A_394 : vector<16xi32> to vector<16xf32>
        %mul3A_396 = arith.constant 5.000000e-01 : f32
        %mul3A_397 = vector.broadcast %mul3A_396 : f32 to vector<16xf32>
        %mul3A_398 = arith.mulf %mul3A_397, %add3A_389 : vector<16xf32>
        %mul3A_399 = arith.mulf %mul3A_398, %bitcast3A_395 : vector<16xf32>
        %mul3A_400 = arith.mulf %mul3A_399, %bitcast3A_395 : vector<16xf32>
        %sub3A_401 = arith.constant 1.500000e+00 : f32
        %sub3A_402 = vector.broadcast %sub3A_401 : f32 to vector<16xf32>
        %sub3A_403 = arith.subf %sub3A_402, %mul3A_400 : vector<16xf32>
        %mul3A_404 = arith.mulf %bitcast3A_395, %sub3A_403 : vector<16xf32>
        %mul3A_405 = arith.mulf %mul3A_398, %mul3A_404 : vector<16xf32>
        %mul3A_406 = arith.mulf %mul3A_405, %mul3A_404 : vector<16xf32>
        %sub3A_407 = arith.constant 1.500000e+00 : f32
        %sub3A_408 = vector.broadcast %sub3A_407 : f32 to vector<16xf32>
        %sub3A_409 = arith.subf %sub3A_408, %mul3A_406 : vector<16xf32>
        %mul3A_410 = arith.mulf %mul3A_404, %sub3A_409 : vector<16xf32>
        %mul3A_411 = arith.mulf %mul3A_398, %mul3A_410 : vector<16xf32>
        %mul3A_412 = arith.mulf %mul3A_411, %mul3A_410 : vector<16xf32>
        %sub3A_413 = arith.constant 1.500000e+00 : f32
        %sub3A_414 = vector.broadcast %sub3A_413 : f32 to vector<16xf32>
        %sub3A_415 = arith.subf %sub3A_414, %mul3A_412 : vector<16xf32>
        %mul3A_416 = arith.mulf %mul3A_410, %sub3A_415 : vector<16xf32>
        %min3A = arith.constant 9.99999995E+11 : f32
        %min3A_417 = vector.broadcast %min3A : f32 to vector<16xf32>
        %min3A_418 = arith.minimumf %mul3A_416, %min3A_417 : vector<16xf32>
        %mul3A_419 = arith.mulf %sub3A_382, %min3A_418 : vector<16xf32>
        %mul3A_420 = arith.mulf %sub3A_383, %min3A_418 : vector<16xf32>
        %mul3A_421 = arith.mulf %sub3A_384, %min3A_418 : vector<16xf32>
        %mul3A_422 = arith.mulf %mul3A_419, %mul3A_419 : vector<16xf32>
        %mul3A_423 = arith.mulf %mul3A_420, %mul3A_420 : vector<16xf32>
        %mul3A_424 = arith.mulf %mul3A_421, %mul3A_421 : vector<16xf32>
        %mul3A_425 = arith.constant 1.73205078 : f32
        %mul3A_426 = vector.broadcast %mul3A_425 : f32 to vector<16xf32>
        %mul3A_427 = arith.mulf %mul3A_426, %mul3A_419 : vector<16xf32>
        %mul3A_428 = arith.constant 1.73205078 : f32
        %mul3A_429 = vector.broadcast %mul3A_428 : f32 to vector<16xf32>
        %mul3A_430 = arith.mulf %mul3A_429, %mul3A_420 : vector<16xf32>
        %mul3A_431 = arith.constant 1.73205078 : f32
        %mul3A_432 = vector.broadcast %mul3A_431 : f32 to vector<16xf32>
        %mul3A_433 = arith.mulf %mul3A_432, %mul3A_421 : vector<16xf32>
        %mul3A_434 = arith.constant 3.87298346 : f32
        %mul3A_435 = vector.broadcast %mul3A_434 : f32 to vector<16xf32>
        %mul3A_436 = arith.mulf %mul3A_435, %mul3A_419 : vector<16xf32>
        %mul3A_437 = arith.mulf %mul3A_436, %mul3A_421 : vector<16xf32>
        %mul3A_438 = arith.constant 3.87298346 : f32
        %mul3A_439 = vector.broadcast %mul3A_438 : f32 to vector<16xf32>
        %mul3A_440 = arith.mulf %mul3A_439, %mul3A_419 : vector<16xf32>
        %mul3A_441 = arith.mulf %mul3A_440, %mul3A_420 : vector<16xf32>
        %add3A_442 = arith.addf %mul3A_422, %mul3A_424 : vector<16xf32>
        %mul3A_443 = arith.constant 5.000000e-01 : f32
        %mul3A_444 = vector.broadcast %mul3A_443 : f32 to vector<16xf32>
        %mul3A_445 = arith.mulf %mul3A_444, %add3A_442 : vector<16xf32>
        %sub3A_446 = arith.subf %mul3A_423, %mul3A_445 : vector<16xf32>
        %mul3A_447 = arith.constant 2.23606801 : f32
        %mul3A_448 = vector.broadcast %mul3A_447 : f32 to vector<16xf32>
        %mul3A_449 = arith.mulf %mul3A_448, %sub3A_446 : vector<16xf32>
        %mul3A_450 = arith.constant 3.87298346 : f32
        %mul3A_451 = vector.broadcast %mul3A_450 : f32 to vector<16xf32>
        %mul3A_452 = arith.mulf %mul3A_451, %mul3A_420 : vector<16xf32>
        %mul3A_453 = arith.mulf %mul3A_452, %mul3A_421 : vector<16xf32>
        %sub3A_454 = arith.subf %mul3A_424, %mul3A_422 : vector<16xf32>
        %mul3A_455 = arith.constant 1.93649173 : f32
        %mul3A_456 = vector.broadcast %mul3A_455 : f32 to vector<16xf32>
        %mul3A_457 = arith.mulf %mul3A_456, %sub3A_454 : vector<16xf32>
        %mul3A_458 = arith.constant 144 : i32
        %mul3A_459 = arith.muli %while3A_371, %mul3A_458 : i32
        %add3A_460 = vector.broadcast %mul3A_459 : i32 to vector<16xi32>
        %add3A_461 = arith.addi %add3A_460, %mul3A_3 : vector<16xi32>
        %add3A_462 = arith.constant 0 : i32
        %add3A_463 = vector.broadcast %add3A_462 : i32 to vector<16xi32>
        %add3A_464 = arith.addi %add3A_461, %add3A_463 : vector<16xi32>
        tpu.vector_store_idx %arg18[%add3A_464], %broadcast_in_dim3A_4 : memref<7200xf32, #tpu.memory_space<vmem>>[vector<16xi32>], vector<16xf32>,
        %add3A_465 = arith.constant 1 : i32
        %add3A_466 = vector.broadcast %add3A_465 : i32 to vector<16xi32>
        %add3A_467 = arith.addi %add3A_461, %add3A_466 : vector<16xi32>
        tpu.vector_store_idx %arg18[%add3A_467], %mul3A_427 : memref<7200xf32, #tpu.memory_space<vmem>>[vector<16xi32>], vector<16xf32>,
        %add3A_468 = arith.constant 2 : i32
        %add3A_469 = vector.broadcast %add3A_468 : i32 to vector<16xi32>
        %add3A_470 = arith.addi %add3A_461, %add3A_469 : vector<16xi32>
        tpu.vector_store_idx %arg18[%add3A_470], %mul3A_430 : memref<7200xf32, #tpu.memory_space<vmem>>[vector<16xi32>], vector<16xf32>,
        %add3A_471 = arith.constant 3 : i32
        %add3A_472 = vector.broadcast %add3A_471 : i32 to vector<16xi32>
        %add3A_473 = arith.addi %add3A_461, %add3A_472 : vector<16xi32>
        tpu.vector_store_idx %arg18[%add3A_473], %mul3A_433 : memref<7200xf32, #tpu.memory_space<vmem>>[vector<16xi32>], vector<16xf32>,
        %add3A_474 = arith.constant 4 : i32
        %add3A_475 = vector.broadcast %add3A_474 : i32 to vector<16xi32>
        %add3A_476 = arith.addi %add3A_461, %add3A_475 : vector<16xi32>
        tpu.vector_store_idx %arg18[%add3A_476], %mul3A_437 : memref<7200xf32, #tpu.memory_space<vmem>>[vector<16xi32>], vector<16xf32>,
        %add3A_477 = arith.constant 5 : i32
        %add3A_478 = vector.broadcast %add3A_477 : i32 to vector<16xi32>
        %add3A_479 = arith.addi %add3A_461, %add3A_478 : vector<16xi32>
        tpu.vector_store_idx %arg18[%add3A_479], %mul3A_441 : memref<7200xf32, #tpu.memory_space<vmem>>[vector<16xi32>], vector<16xf32>,
        %add3A_480 = arith.constant 6 : i32
        %add3A_481 = vector.broadcast %add3A_480 : i32 to vector<16xi32>
        %add3A_482 = arith.addi %add3A_461, %add3A_481 : vector<16xi32>
        tpu.vector_store_idx %arg18[%add3A_482], %mul3A_449 : memref<7200xf32, #tpu.memory_space<vmem>>[vector<16xi32>], vector<16xf32>,
        %add3A_483 = arith.constant 7 : i32
        %add3A_484 = vector.broadcast %add3A_483 : i32 to vector<16xi32>
        %add3A_485 = arith.addi %add3A_461, %add3A_484 : vector<16xi32>
        tpu.vector_store_idx %arg18[%add3A_485], %mul3A_453 : memref<7200xf32, #tpu.memory_space<vmem>>[vector<16xi32>], vector<16xf32>,
        %add3A_486 = arith.constant 8 : i32
        %add3A_487 = vector.broadcast %add3A_486 : i32 to vector<16xi32>
        %add3A_488 = arith.addi %add3A_461, %add3A_487 : vector<16xi32>
        tpu.vector_store_idx %arg18[%add3A_488], %mul3A_457 : memref<7200xf32, #tpu.memory_space<vmem>>[vector<16xi32>], vector<16xf32>,
        %while3A_489 = arith.constant 0 : i32
        scf.yield %while3A_489 : i32
      }
      %mul3A_363 = arith.constant 32 : i32
      %mul3A_364 = arith.muli %add3A_325, %mul3A_363 : i32
      %add3A_365 = arith.addi %add3A, %mul3A_364 : i32
      %mul3A_366 = arith.constant 800 : i32
      %mul3A_367 = arith.muli %add3A_365, %mul3A_366 : i32
      %mul3A_368 = arith.constant 9 : i32
      %mul3A_369 = arith.muli %mul3A_367, %mul3A_368 : i32
      "tpu.region"() ({
        %run_scoped3A_371 = tpu.sem_alloc : memref<!tpu.dma_semaphore, #tpu.memory_space<semaphore_mem>>
        %dma_start3A_372 = tpu.memref_slice %arg4[%mul3A_369] : memref<57600000xf32, #tpu.memory_space<hbm>> -> memref<7200xf32, #tpu.memory_space<hbm>>
        %dma_start3A_373 = tpu.memref_slice %arg4[%mul3A_369] : memref<57600000xf32, #tpu.memory_space<hbm>> -> memref<7200xf32, #tpu.memory_space<hbm>>
        tpu.enqueue_dma source(%arg18 : memref<7200xf32, #tpu.memory_space<vmem>>) target(%dma_start3A_373 : memref<7200xf32, #tpu.memory_space<hbm>>) target_semaphore(%run_scoped3A_371 : memref<!tpu.dma_semaphore, #tpu.memory_space<semaphore_mem>>)
        %dma_wait3A_374 = tpu.memref_slice %arg4[%mul3A_369] : memref<57600000xf32, #tpu.memory_space<hbm>> -> memref<7200xf32, #tpu.memory_space<hbm>>
        %dma_wait3A_375 = tpu.memref_slice %arg4[%mul3A_369] : memref<57600000xf32, #tpu.memory_space<hbm>> -> memref<7200xf32, #tpu.memory_space<hbm>>
        tpu.wait_dma2 semaphore(%run_scoped3A_371 : memref<!tpu.dma_semaphore, #tpu.memory_space<semaphore_mem>>) src(%arg18 : memref<7200xf32, #tpu.memory_space<vmem>>) dst(%dma_wait3A_375 : memref<7200xf32, #tpu.memory_space<hbm>>)
        tpu.yield
      }) : () -> ()
      %while3A_370 = arith.constant 0 : i32
      scf.yield %while3A_370 : i32
    }
    %while3A_68 = arith.constant 1 : i32
    %while3A_69 = scf.for %while3A_200 = %while3A_65 to %while3A_61 step %while3A_68 iter_args(%while3A_201 = %while3A_67) -> (i32)  : i32 {
      %mul3A_202 = arith.constant 2 : i32
      %mul3A_203 = arith.muli %while3A_200, %mul3A_202 : i32
      %add3A_204 = arith.constant 1 : i32
      %add3A_205 = arith.addi %mul3A_203, %add3A_204 : i32
      %mul3A_206 = arith.constant 32 : i32
      %mul3A_207 = arith.muli %add3A_205, %mul3A_206 : i32
      %add3A_208 = arith.addi %add3A, %mul3A_207 : i32
      %mul3A_209 = arith.constant 800 : i32
      %mul3A_210 = arith.muli %add3A_208, %mul3A_209 : i32
      %run_scoped3A_211 = arith.constant 0 : i32
      "tpu.region"() ({
        %run_scoped3A_371 = tpu.sem_alloc : memref<!tpu.dma_semaphore, #tpu.memory_space<semaphore_mem>>
        %dma_start3A_372 = tpu.memref_slice %arg2[%run_scoped3A_211, %mul3A_210] : memref<2x6400000xi32, #tpu.memory_space<hbm>> -> memref<1x800xi32, #tpu.memory_space<hbm>>
        %dma_start3A_373 = tpu.memref_squeeze %dma_start3A_372 : memref<1x800xi32, #tpu.memory_space<hbm>> -> memref<800xi32, #tpu.memory_space<hbm>>
        %dma_start3A_374 = tpu.memref_slice %arg2[%run_scoped3A_211, %mul3A_210] : memref<2x6400000xi32, #tpu.memory_space<hbm>> -> memref<1x800xi32, #tpu.memory_space<hbm>>
        %dma_start3A_375 = tpu.memref_squeeze %dma_start3A_374 : memref<1x800xi32, #tpu.memory_space<hbm>> -> memref<800xi32, #tpu.memory_space<hbm>>
        tpu.enqueue_dma source(%dma_start3A_375 : memref<800xi32, #tpu.memory_space<hbm>>) target(%arg6 : memref<800xi32, #tpu.memory_space<vmem>>) target_semaphore(%run_scoped3A_371 : memref<!tpu.dma_semaphore, #tpu.memory_space<semaphore_mem>>)
        %dma_wait3A_376 = tpu.memref_slice %arg2[%run_scoped3A_211, %mul3A_210] : memref<2x6400000xi32, #tpu.memory_space<hbm>> -> memref<1x800xi32, #tpu.memory_space<hbm>>
        %dma_wait3A_377 = tpu.memref_squeeze %dma_wait3A_376 : memref<1x800xi32, #tpu.memory_space<hbm>> -> memref<800xi32, #tpu.memory_space<hbm>>
        %dma_wait3A_378 = tpu.memref_slice %arg2[%run_scoped3A_211, %mul3A_210] : memref<2x6400000xi32, #tpu.memory_space<hbm>> -> memref<1x800xi32, #tpu.memory_space<hbm>>
        %dma_wait3A_379 = tpu.memref_squeeze %dma_wait3A_378 : memref<1x800xi32, #tpu.memory_space<hbm>> -> memref<800xi32, #tpu.memory_space<hbm>>
        tpu.wait_dma2 semaphore(%run_scoped3A_371 : memref<!tpu.dma_semaphore, #tpu.memory_space<semaphore_mem>>) src(%dma_wait3A_379 : memref<800xi32, #tpu.memory_space<hbm>>) dst(%arg6 : memref<800xi32, #tpu.memory_space<vmem>>)
        tpu.yield
      }) : () -> ()
      %run_scoped3A_212 = arith.constant 1 : i32
      "tpu.region"() ({
        %run_scoped3A_371 = tpu.sem_alloc : memref<!tpu.dma_semaphore, #tpu.memory_space<semaphore_mem>>
        %dma_start3A_372 = tpu.memref_slice %arg2[%run_scoped3A_212, %mul3A_210] : memref<2x6400000xi32, #tpu.memory_space<hbm>> -> memref<1x800xi32, #tpu.memory_space<hbm>>
        %dma_start3A_373 = tpu.memref_squeeze %dma_start3A_372 : memref<1x800xi32, #tpu.memory_space<hbm>> -> memref<800xi32, #tpu.memory_space<hbm>>
        %dma_start3A_374 = tpu.memref_slice %arg2[%run_scoped3A_212, %mul3A_210] : memref<2x6400000xi32, #tpu.memory_space<hbm>> -> memref<1x800xi32, #tpu.memory_space<hbm>>
        %dma_start3A_375 = tpu.memref_squeeze %dma_start3A_374 : memref<1x800xi32, #tpu.memory_space<hbm>> -> memref<800xi32, #tpu.memory_space<hbm>>
        tpu.enqueue_dma source(%dma_start3A_375 : memref<800xi32, #tpu.memory_space<hbm>>) target(%arg8 : memref<800xi32, #tpu.memory_space<vmem>>) target_semaphore(%run_scoped3A_371 : memref<!tpu.dma_semaphore, #tpu.memory_space<semaphore_mem>>)
        %dma_wait3A_376 = tpu.memref_slice %arg2[%run_scoped3A_212, %mul3A_210] : memref<2x6400000xi32, #tpu.memory_space<hbm>> -> memref<1x800xi32, #tpu.memory_space<hbm>>
        %dma_wait3A_377 = tpu.memref_squeeze %dma_wait3A_376 : memref<1x800xi32, #tpu.memory_space<hbm>> -> memref<800xi32, #tpu.memory_space<hbm>>
        %dma_wait3A_378 = tpu.memref_slice %arg2[%run_scoped3A_212, %mul3A_210] : memref<2x6400000xi32, #tpu.memory_space<hbm>> -> memref<1x800xi32, #tpu.memory_space<hbm>>
        %dma_wait3A_379 = tpu.memref_squeeze %dma_wait3A_378 : memref<1x800xi32, #tpu.memory_space<hbm>> -> memref<800xi32, #tpu.memory_space<hbm>>
        tpu.wait_dma2 semaphore(%run_scoped3A_371 : memref<!tpu.dma_semaphore, #tpu.memory_space<semaphore_mem>>) src(%dma_wait3A_379 : memref<800xi32, #tpu.memory_space<hbm>>) dst(%arg8 : memref<800xi32, #tpu.memory_space<vmem>>)
        tpu.yield
      }) : () -> ()
      %while3A_213 = arith.constant 0 : i32
      %while3A_214 = arith.constant 50 : i32
      %while3A_215 = arith.constant 0 : i32
      %while3A_216 = arith.subi %while3A_214, %while3A_213 : i32
      %while3A_217 = arith.addi %while3A_213, %while3A_216 : i32
      %while3A_218 = arith.constant 1 : i32
      %while3A_219 = arith.divsi %while3A_216, %while3A_218 : i32
      %while3A_220 = arith.muli %while3A_219, %while3A_218 : i32
      %while3A_221 = arith.addi %while3A_213, %while3A_220 : i32
      %while3A_222 = arith.constant 1 : i32
      %while3A_223 = scf.for %while3A_371 = %while3A_213 to %while3A_221 step %while3A_222 iter_args(%while3A_372 = %while3A_215) -> (i32)  : i32 {
        %mul3A_373 = arith.constant 16 : i32
        %mul3A_374 = arith.muli %while3A_371, %mul3A_373 : i32
        %add3A_375 = vector.broadcast %mul3A_374 : i32 to vector<16xi32>
        %add3A_376 = arith.addi %add3A_375, %iota3A : vector<16xi32>
        %mul3A_377 = arith.constant 2 : i32
        %mul3A_378 = vector.broadcast %mul3A_377 : i32 to vector<16xi32>
        %mul3A_379 = arith.muli %add3A_376, %mul3A_378 : vector<16xi32>
        %mul3A_380 = arith.constant 16 : i32
        %mul3A_381 = arith.muli %while3A_371, %mul3A_380 : i32
        %get3A = arith.index_cast %mul3A_381 : i32 to index
        %get3A_382 = tpu.vector_load %arg6[%get3A] {strides = array<i32>} : memref<800xi32, #tpu.memory_space<vmem>>, vector<16xi32>,
        %mul3A_383 = arith.constant 2 : i32
        %mul3A_384 = vector.broadcast %mul3A_383 : i32 to vector<16xi32>
        %mul3A_385 = arith.muli %get3A_382, %mul3A_384 : vector<16xi32>
        tpu.vector_store_idx %arg10[%mul3A_379], %mul3A_385 : memref<1600xi32, #tpu.memory_space<vmem>>[vector<16xi32>], vector<16xi32>,
        %mul3A_386 = arith.constant 16 : i32
        %mul3A_387 = arith.muli %while3A_371, %mul3A_386 : i32
        %get3A_388 = arith.index_cast %mul3A_387 : i32 to index
        %get3A_389 = tpu.vector_load %arg8[%get3A_388] {strides = array<i32>} : memref<800xi32, #tpu.memory_space<vmem>>, vector<16xi32>,
        %mul3A_390 = arith.constant 2 : i32
        %mul3A_391 = vector.broadcast %mul3A_390 : i32 to vector<16xi32>
        %mul3A_392 = arith.muli %get3A_389, %mul3A_391 : vector<16xi32>
        tpu.vector_store_idx %arg12[%mul3A_379], %mul3A_392 : memref<1600xi32, #tpu.memory_space<vmem>>[vector<16xi32>], vector<16xi32>,
        %while3A_393 = arith.constant 0 : i32
        scf.yield %while3A_393 : i32
      }
      %while3A_224 = arith.constant 1 : i32
      %while3A_225 = scf.for %while3A_371 = %while3A_221 to %while3A_217 step %while3A_224 iter_args(%while3A_372 = %while3A_223) -> (i32)  : i32 {
        %mul3A_373 = arith.constant 16 : i32
        %mul3A_374 = arith.muli %while3A_371, %mul3A_373 : i32
        %add3A_375 = vector.broadcast %mul3A_374 : i32 to vector<16xi32>
        %add3A_376 = arith.addi %add3A_375, %iota3A : vector<16xi32>
        %mul3A_377 = arith.constant 2 : i32
        %mul3A_378 = vector.broadcast %mul3A_377 : i32 to vector<16xi32>
        %mul3A_379 = arith.muli %add3A_376, %mul3A_378 : vector<16xi32>
        %mul3A_380 = arith.constant 16 : i32
        %mul3A_381 = arith.muli %while3A_371, %mul3A_380 : i32
        %get3A = arith.index_cast %mul3A_381 : i32 to index
        %get3A_382 = tpu.vector_load %arg6[%get3A] {strides = array<i32>} : memref<800xi32, #tpu.memory_space<vmem>>, vector<16xi32>,
        %mul3A_383 = arith.constant 2 : i32
        %mul3A_384 = vector.broadcast %mul3A_383 : i32 to vector<16xi32>
        %mul3A_385 = arith.muli %get3A_382, %mul3A_384 : vector<16xi32>
        tpu.vector_store_idx %arg10[%mul3A_379], %mul3A_385 : memref<1600xi32, #tpu.memory_space<vmem>>[vector<16xi32>], vector<16xi32>,
        %mul3A_386 = arith.constant 16 : i32
        %mul3A_387 = arith.muli %while3A_371, %mul3A_386 : i32
        %get3A_388 = arith.index_cast %mul3A_387 : i32 to index
        %get3A_389 = tpu.vector_load %arg8[%get3A_388] {strides = array<i32>} : memref<800xi32, #tpu.memory_space<vmem>>, vector<16xi32>,
        %mul3A_390 = arith.constant 2 : i32
        %mul3A_391 = vector.broadcast %mul3A_390 : i32 to vector<16xi32>
        %mul3A_392 = arith.muli %get3A_389, %mul3A_391 : vector<16xi32>
        tpu.vector_store_idx %arg12[%mul3A_379], %mul3A_392 : memref<1600xi32, #tpu.memory_space<vmem>>[vector<16xi32>], vector<16xi32>,
        %while3A_393 = arith.constant 0 : i32
        scf.yield %while3A_393 : i32
      }
      %dma_start3A_226 = arith.constant 0 : i32
      %dma_start3A_227 = arith.constant 0 : i32
      %dma_start3A_228 = tpu.memref_slice %arg14[%dma_start3A_226, %dma_start3A_227] : memref<1600x4xf32, #tpu.memory_space<vmem>> -> memref<1600x4xf32, #tpu.memory_space<vmem>>
      %dma_start3A_229 = arith.constant 0 : i32
      %dma_start3A_230 = tpu.memref_slice %arg10[%dma_start3A_229] : memref<1600xi32, #tpu.memory_space<vmem>> -> memref<1600xi32, #tpu.memory_space<vmem>>
      %dma_start3A_231 = arith.constant 0 : i32
      %dma_start3A_232 = arith.constant 0 : i32
      %dma_start3A_233 = tpu.memref_slice %arg3[%dma_start3A_231, %dma_start3A_232] : memref<100000x4xf32, #tpu.memory_space<hbm>> -> memref<100000x4xf32, #tpu.memory_space<hbm>>
      tpu.enqueue_indirect_dma source(%dma_start3A_233 : memref<100000x4xf32, #tpu.memory_space<hbm>>) target(%dma_start3A_228 : memref<1600x4xf32, #tpu.memory_space<vmem>>) offsets(%dma_start3A_230 : memref<1600xi32, #tpu.memory_space<vmem>>) semaphore(%arg19 : memref<!tpu.dma_semaphore, #tpu.memory_space<semaphore_mem>>)
      %dma_start3A_234 = arith.constant 0 : i32
      %dma_start3A_235 = arith.constant 0 : i32
      %dma_start3A_236 = tpu.memref_slice %arg16[%dma_start3A_234, %dma_start3A_235] : memref<1600x4xf32, #tpu.memory_space<vmem>> -> memref<1600x4xf32, #tpu.memory_space<vmem>>
      %dma_start3A_237 = arith.constant 0 : i32
      %dma_start3A_238 = tpu.memref_slice %arg12[%dma_start3A_237] : memref<1600xi32, #tpu.memory_space<vmem>> -> memref<1600xi32, #tpu.memory_space<vmem>>
      %dma_start3A_239 = arith.constant 0 : i32
      %dma_start3A_240 = arith.constant 0 : i32
      %dma_start3A_241 = tpu.memref_slice %arg3[%dma_start3A_239, %dma_start3A_240] : memref<100000x4xf32, #tpu.memory_space<hbm>> -> memref<100000x4xf32, #tpu.memory_space<hbm>>
      tpu.enqueue_indirect_dma source(%dma_start3A_241 : memref<100000x4xf32, #tpu.memory_space<hbm>>) target(%dma_start3A_236 : memref<1600x4xf32, #tpu.memory_space<vmem>>) offsets(%dma_start3A_238 : memref<1600xi32, #tpu.memory_space<vmem>>) semaphore(%arg19 : memref<!tpu.dma_semaphore, #tpu.memory_space<semaphore_mem>>)
      %dma_wait3A_242 = arith.constant 0 : i32
      %dma_wait3A_243 = arith.constant 0 : i32
      %dma_wait3A_244 = tpu.memref_slice %arg13[%dma_wait3A_242, %dma_wait3A_243] : memref<1600x4xf32, #tpu.memory_space<vmem>> -> memref<1600x4xf32, #tpu.memory_space<vmem>>
      %dma_wait3A_245 = arith.constant 0 : i32
      %dma_wait3A_246 = tpu.memref_slice %arg9[%dma_wait3A_245] : memref<1600xi32, #tpu.memory_space<vmem>> -> memref<1600xi32, #tpu.memory_space<vmem>>
      %dma_wait3A_247 = arith.constant 0 : i32
      %dma_wait3A_248 = arith.constant 0 : i32
      %dma_wait3A_249 = tpu.memref_slice %arg3[%dma_wait3A_247, %dma_wait3A_248] : memref<100000x4xf32, #tpu.memory_space<hbm>> -> memref<100000x4xf32, #tpu.memory_space<hbm>>
      tpu.wait_indirect_dma semaphore(%arg19 : memref<!tpu.dma_semaphore, #tpu.memory_space<semaphore_mem>>) src(%dma_wait3A_249 : memref<100000x4xf32, #tpu.memory_space<hbm>>) dst(%dma_wait3A_244 : memref<1600x4xf32, #tpu.memory_space<vmem>>)
      %dma_wait3A_250 = arith.constant 0 : i32
      %dma_wait3A_251 = arith.constant 0 : i32
      %dma_wait3A_252 = tpu.memref_slice %arg15[%dma_wait3A_250, %dma_wait3A_251] : memref<1600x4xf32, #tpu.memory_space<vmem>> -> memref<1600x4xf32, #tpu.memory_space<vmem>>
      %dma_wait3A_253 = arith.constant 0 : i32
      %dma_wait3A_254 = tpu.memref_slice %arg11[%dma_wait3A_253] : memref<1600xi32, #tpu.memory_space<vmem>> -> memref<1600xi32, #tpu.memory_space<vmem>>
      %dma_wait3A_255 = arith.constant 0 : i32
      %dma_wait3A_256 = arith.constant 0 : i32
      %dma_wait3A_257 = tpu.memref_slice %arg3[%dma_wait3A_255, %dma_wait3A_256] : memref<100000x4xf32, #tpu.memory_space<hbm>> -> memref<100000x4xf32, #tpu.memory_space<hbm>>
      tpu.wait_indirect_dma semaphore(%arg19 : memref<!tpu.dma_semaphore, #tpu.memory_space<semaphore_mem>>) src(%dma_wait3A_257 : memref<100000x4xf32, #tpu.memory_space<hbm>>) dst(%dma_wait3A_252 : memref<1600x4xf32, #tpu.memory_space<vmem>>)
      %broadcast_in_dim3A_258 = arith.constant 0 : i32
      %broadcast_in_dim3A_259 = vector.broadcast %broadcast_in_dim3A_258 : i32 to vector<16xi32>
      %add3A_260 = arith.constant 1 : i32
      %add3A_261 = vector.broadcast %add3A_260 : i32 to vector<16xi32>
      %add3A_262 = arith.addi %broadcast_in_dim3A_259, %add3A_261 : vector<16xi32>
      %add3A_263 = arith.constant 2 : i32
      %add3A_264 = vector.broadcast %add3A_263 : i32 to vector<16xi32>
      %add3A_265 = arith.addi %broadcast_in_dim3A_259, %add3A_264 : vector<16xi32>
      %while3A_266 = arith.constant 0 : i32
      %while3A_267 = arith.constant 50 : i32
      %while3A_268 = arith.constant 0 : i32
      %while3A_269 = arith.subi %while3A_267, %while3A_266 : i32
      %while3A_270 = arith.addi %while3A_266, %while3A_269 : i32
      %while3A_271 = arith.constant 1 : i32
      %while3A_272 = arith.divsi %while3A_269, %while3A_271 : i32
      %while3A_273 = arith.muli %while3A_272, %while3A_271 : i32
      %while3A_274 = arith.addi %while3A_266, %while3A_273 : i32
      %while3A_275 = arith.constant 1 : i32
      %while3A_276 = scf.for %while3A_371 = %while3A_266 to %while3A_274 step %while3A_275 iter_args(%while3A_372 = %while3A_268) -> (i32)  : i32 {
        %mul3A_373 = arith.constant 16 : i32
        %mul3A_374 = arith.muli %while3A_371, %mul3A_373 : i32
        %add3A_375 = vector.broadcast %mul3A_374 : i32 to vector<16xi32>
        %add3A_376 = arith.addi %add3A_375, %iota3A : vector<16xi32>
        %gather3A = tpu.vector_load_idx %arg13[%add3A_376, %broadcast_in_dim3A_259] : memref<1600x4xf32, #tpu.memory_space<vmem>>[vector<16xi32>, vector<16xi32>], vector<16xf32>,
        %gather3A_377 = tpu.vector_load_idx %arg13[%add3A_376, %add3A_262] : memref<1600x4xf32, #tpu.memory_space<vmem>>[vector<16xi32>, vector<16xi32>], vector<16xf32>,
        %gather3A_378 = tpu.vector_load_idx %arg13[%add3A_376, %add3A_265] : memref<1600x4xf32, #tpu.memory_space<vmem>>[vector<16xi32>, vector<16xi32>], vector<16xf32>,
        %gather3A_379 = tpu.vector_load_idx %arg15[%add3A_376, %broadcast_in_dim3A_259] : memref<1600x4xf32, #tpu.memory_space<vmem>>[vector<16xi32>, vector<16xi32>], vector<16xf32>,
        %gather3A_380 = tpu.vector_load_idx %arg15[%add3A_376, %add3A_262] : memref<1600x4xf32, #tpu.memory_space<vmem>>[vector<16xi32>, vector<16xi32>], vector<16xf32>,
        %gather3A_381 = tpu.vector_load_idx %arg15[%add3A_376, %add3A_265] : memref<1600x4xf32, #tpu.memory_space<vmem>>[vector<16xi32>, vector<16xi32>], vector<16xf32>,
        %sub3A_382 = arith.subf %gather3A, %gather3A_379 : vector<16xf32>
        %sub3A_383 = arith.subf %gather3A_377, %gather3A_380 : vector<16xf32>
        %sub3A_384 = arith.subf %gather3A_378, %gather3A_381 : vector<16xf32>
        %mul3A_385 = arith.mulf %sub3A_382, %sub3A_382 : vector<16xf32>
        %mul3A_386 = arith.mulf %sub3A_383, %sub3A_383 : vector<16xf32>
        %add3A_387 = arith.addf %mul3A_385, %mul3A_386 : vector<16xf32>
        %mul3A_388 = arith.mulf %sub3A_384, %sub3A_384 : vector<16xf32>
        %add3A_389 = arith.addf %add3A_387, %mul3A_388 : vector<16xf32>
        %bitcast3A = vector.bitcast %add3A_389 : vector<16xf32> to vector<16xi32>
        %shift_right_arithmetic3A = arith.constant 1 : i32
        %shift_right_arithmetic3A_390 = vector.broadcast %shift_right_arithmetic3A : i32 to vector<16xi32>
        %shift_right_arithmetic3A_391 = arith.shrsi %bitcast3A, %shift_right_arithmetic3A_390 : vector<16xi32>
        %sub3A_392 = arith.constant 1597463007 : i32
        %sub3A_393 = vector.broadcast %sub3A_392 : i32 to vector<16xi32>
        %sub3A_394 = arith.subi %sub3A_393, %shift_right_arithmetic3A_391 : vector<16xi32>
        %bitcast3A_395 = vector.bitcast %sub3A_394 : vector<16xi32> to vector<16xf32>
        %mul3A_396 = arith.constant 5.000000e-01 : f32
        %mul3A_397 = vector.broadcast %mul3A_396 : f32 to vector<16xf32>
        %mul3A_398 = arith.mulf %mul3A_397, %add3A_389 : vector<16xf32>
        %mul3A_399 = arith.mulf %mul3A_398, %bitcast3A_395 : vector<16xf32>
        %mul3A_400 = arith.mulf %mul3A_399, %bitcast3A_395 : vector<16xf32>
        %sub3A_401 = arith.constant 1.500000e+00 : f32
        %sub3A_402 = vector.broadcast %sub3A_401 : f32 to vector<16xf32>
        %sub3A_403 = arith.subf %sub3A_402, %mul3A_400 : vector<16xf32>
        %mul3A_404 = arith.mulf %bitcast3A_395, %sub3A_403 : vector<16xf32>
        %mul3A_405 = arith.mulf %mul3A_398, %mul3A_404 : vector<16xf32>
        %mul3A_406 = arith.mulf %mul3A_405, %mul3A_404 : vector<16xf32>
        %sub3A_407 = arith.constant 1.500000e+00 : f32
        %sub3A_408 = vector.broadcast %sub3A_407 : f32 to vector<16xf32>
        %sub3A_409 = arith.subf %sub3A_408, %mul3A_406 : vector<16xf32>
        %mul3A_410 = arith.mulf %mul3A_404, %sub3A_409 : vector<16xf32>
        %mul3A_411 = arith.mulf %mul3A_398, %mul3A_410 : vector<16xf32>
        %mul3A_412 = arith.mulf %mul3A_411, %mul3A_410 : vector<16xf32>
        %sub3A_413 = arith.constant 1.500000e+00 : f32
        %sub3A_414 = vector.broadcast %sub3A_413 : f32 to vector<16xf32>
        %sub3A_415 = arith.subf %sub3A_414, %mul3A_412 : vector<16xf32>
        %mul3A_416 = arith.mulf %mul3A_410, %sub3A_415 : vector<16xf32>
        %min3A = arith.constant 9.99999995E+11 : f32
        %min3A_417 = vector.broadcast %min3A : f32 to vector<16xf32>
        %min3A_418 = arith.minimumf %mul3A_416, %min3A_417 : vector<16xf32>
        %mul3A_419 = arith.mulf %sub3A_382, %min3A_418 : vector<16xf32>
        %mul3A_420 = arith.mulf %sub3A_383, %min3A_418 : vector<16xf32>
        %mul3A_421 = arith.mulf %sub3A_384, %min3A_418 : vector<16xf32>
        %mul3A_422 = arith.mulf %mul3A_419, %mul3A_419 : vector<16xf32>
        %mul3A_423 = arith.mulf %mul3A_420, %mul3A_420 : vector<16xf32>
        %mul3A_424 = arith.mulf %mul3A_421, %mul3A_421 : vector<16xf32>
        %mul3A_425 = arith.constant 1.73205078 : f32
        %mul3A_426 = vector.broadcast %mul3A_425 : f32 to vector<16xf32>
        %mul3A_427 = arith.mulf %mul3A_426, %mul3A_419 : vector<16xf32>
        %mul3A_428 = arith.constant 1.73205078 : f32
        %mul3A_429 = vector.broadcast %mul3A_428 : f32 to vector<16xf32>
        %mul3A_430 = arith.mulf %mul3A_429, %mul3A_420 : vector<16xf32>
        %mul3A_431 = arith.constant 1.73205078 : f32
        %mul3A_432 = vector.broadcast %mul3A_431 : f32 to vector<16xf32>
        %mul3A_433 = arith.mulf %mul3A_432, %mul3A_421 : vector<16xf32>
        %mul3A_434 = arith.constant 3.87298346 : f32
        %mul3A_435 = vector.broadcast %mul3A_434 : f32 to vector<16xf32>
        %mul3A_436 = arith.mulf %mul3A_435, %mul3A_419 : vector<16xf32>
        %mul3A_437 = arith.mulf %mul3A_436, %mul3A_421 : vector<16xf32>
        %mul3A_438 = arith.constant 3.87298346 : f32
        %mul3A_439 = vector.broadcast %mul3A_438 : f32 to vector<16xf32>
        %mul3A_440 = arith.mulf %mul3A_439, %mul3A_419 : vector<16xf32>
        %mul3A_441 = arith.mulf %mul3A_440, %mul3A_420 : vector<16xf32>
        %add3A_442 = arith.addf %mul3A_422, %mul3A_424 : vector<16xf32>
        %mul3A_443 = arith.constant 5.000000e-01 : f32
        %mul3A_444 = vector.broadcast %mul3A_443 : f32 to vector<16xf32>
        %mul3A_445 = arith.mulf %mul3A_444, %add3A_442 : vector<16xf32>
        %sub3A_446 = arith.subf %mul3A_423, %mul3A_445 : vector<16xf32>
        %mul3A_447 = arith.constant 2.23606801 : f32
        %mul3A_448 = vector.broadcast %mul3A_447 : f32 to vector<16xf32>
        %mul3A_449 = arith.mulf %mul3A_448, %sub3A_446 : vector<16xf32>
        %mul3A_450 = arith.constant 3.87298346 : f32
        %mul3A_451 = vector.broadcast %mul3A_450 : f32 to vector<16xf32>
        %mul3A_452 = arith.mulf %mul3A_451, %mul3A_420 : vector<16xf32>
        %mul3A_453 = arith.mulf %mul3A_452, %mul3A_421 : vector<16xf32>
        %sub3A_454 = arith.subf %mul3A_424, %mul3A_422 : vector<16xf32>
        %mul3A_455 = arith.constant 1.93649173 : f32
        %mul3A_456 = vector.broadcast %mul3A_455 : f32 to vector<16xf32>
        %mul3A_457 = arith.mulf %mul3A_456, %sub3A_454 : vector<16xf32>
        %mul3A_458 = arith.constant 144 : i32
        %mul3A_459 = arith.muli %while3A_371, %mul3A_458 : i32
        %add3A_460 = vector.broadcast %mul3A_459 : i32 to vector<16xi32>
        %add3A_461 = arith.addi %add3A_460, %mul3A_3 : vector<16xi32>
        %add3A_462 = arith.constant 0 : i32
        %add3A_463 = vector.broadcast %add3A_462 : i32 to vector<16xi32>
        %add3A_464 = arith.addi %add3A_461, %add3A_463 : vector<16xi32>
        tpu.vector_store_idx %arg17[%add3A_464], %broadcast_in_dim3A_4 : memref<7200xf32, #tpu.memory_space<vmem>>[vector<16xi32>], vector<16xf32>,
        %add3A_465 = arith.constant 1 : i32
        %add3A_466 = vector.broadcast %add3A_465 : i32 to vector<16xi32>
        %add3A_467 = arith.addi %add3A_461, %add3A_466 : vector<16xi32>
        tpu.vector_store_idx %arg17[%add3A_467], %mul3A_427 : memref<7200xf32, #tpu.memory_space<vmem>>[vector<16xi32>], vector<16xf32>,
        %add3A_468 = arith.constant 2 : i32
        %add3A_469 = vector.broadcast %add3A_468 : i32 to vector<16xi32>
        %add3A_470 = arith.addi %add3A_461, %add3A_469 : vector<16xi32>
        tpu.vector_store_idx %arg17[%add3A_470], %mul3A_430 : memref<7200xf32, #tpu.memory_space<vmem>>[vector<16xi32>], vector<16xf32>,
        %add3A_471 = arith.constant 3 : i32
        %add3A_472 = vector.broadcast %add3A_471 : i32 to vector<16xi32>
        %add3A_473 = arith.addi %add3A_461, %add3A_472 : vector<16xi32>
        tpu.vector_store_idx %arg17[%add3A_473], %mul3A_433 : memref<7200xf32, #tpu.memory_space<vmem>>[vector<16xi32>], vector<16xf32>,
        %add3A_474 = arith.constant 4 : i32
        %add3A_475 = vector.broadcast %add3A_474 : i32 to vector<16xi32>
        %add3A_476 = arith.addi %add3A_461, %add3A_475 : vector<16xi32>
        tpu.vector_store_idx %arg17[%add3A_476], %mul3A_437 : memref<7200xf32, #tpu.memory_space<vmem>>[vector<16xi32>], vector<16xf32>,
        %add3A_477 = arith.constant 5 : i32
        %add3A_478 = vector.broadcast %add3A_477 : i32 to vector<16xi32>
        %add3A_479 = arith.addi %add3A_461, %add3A_478 : vector<16xi32>
        tpu.vector_store_idx %arg17[%add3A_479], %mul3A_441 : memref<7200xf32, #tpu.memory_space<vmem>>[vector<16xi32>], vector<16xf32>,
        %add3A_480 = arith.constant 6 : i32
        %add3A_481 = vector.broadcast %add3A_480 : i32 to vector<16xi32>
        %add3A_482 = arith.addi %add3A_461, %add3A_481 : vector<16xi32>
        tpu.vector_store_idx %arg17[%add3A_482], %mul3A_449 : memref<7200xf32, #tpu.memory_space<vmem>>[vector<16xi32>], vector<16xf32>,
        %add3A_483 = arith.constant 7 : i32
        %add3A_484 = vector.broadcast %add3A_483 : i32 to vector<16xi32>
        %add3A_485 = arith.addi %add3A_461, %add3A_484 : vector<16xi32>
        tpu.vector_store_idx %arg17[%add3A_485], %mul3A_453 : memref<7200xf32, #tpu.memory_space<vmem>>[vector<16xi32>], vector<16xf32>,
        %add3A_486 = arith.constant 8 : i32
        %add3A_487 = vector.broadcast %add3A_486 : i32 to vector<16xi32>
        %add3A_488 = arith.addi %add3A_461, %add3A_487 : vector<16xi32>
        tpu.vector_store_idx %arg17[%add3A_488], %mul3A_457 : memref<7200xf32, #tpu.memory_space<vmem>>[vector<16xi32>], vector<16xf32>,
        %while3A_489 = arith.constant 0 : i32
        scf.yield %while3A_489 : i32
      }
      %while3A_277 = arith.constant 1 : i32
      %while3A_278 = scf.for %while3A_371 = %while3A_274 to %while3A_270 step %while3A_277 iter_args(%while3A_372 = %while3A_276) -> (i32)  : i32 {
        %mul3A_373 = arith.constant 16 : i32
        %mul3A_374 = arith.muli %while3A_371, %mul3A_373 : i32
        %add3A_375 = vector.broadcast %mul3A_374 : i32 to vector<16xi32>
        %add3A_376 = arith.addi %add3A_375, %iota3A : vector<16xi32>
        %gather3A = tpu.vector_load_idx %arg13[%add3A_376, %broadcast_in_dim3A_259] : memref<1600x4xf32, #tpu.memory_space<vmem>>[vector<16xi32>, vector<16xi32>], vector<16xf32>,
        %gather3A_377 = tpu.vector_load_idx %arg13[%add3A_376, %add3A_262] : memref<1600x4xf32, #tpu.memory_space<vmem>>[vector<16xi32>, vector<16xi32>], vector<16xf32>,
        %gather3A_378 = tpu.vector_load_idx %arg13[%add3A_376, %add3A_265] : memref<1600x4xf32, #tpu.memory_space<vmem>>[vector<16xi32>, vector<16xi32>], vector<16xf32>,
        %gather3A_379 = tpu.vector_load_idx %arg15[%add3A_376, %broadcast_in_dim3A_259] : memref<1600x4xf32, #tpu.memory_space<vmem>>[vector<16xi32>, vector<16xi32>], vector<16xf32>,
        %gather3A_380 = tpu.vector_load_idx %arg15[%add3A_376, %add3A_262] : memref<1600x4xf32, #tpu.memory_space<vmem>>[vector<16xi32>, vector<16xi32>], vector<16xf32>,
        %gather3A_381 = tpu.vector_load_idx %arg15[%add3A_376, %add3A_265] : memref<1600x4xf32, #tpu.memory_space<vmem>>[vector<16xi32>, vector<16xi32>], vector<16xf32>,
        %sub3A_382 = arith.subf %gather3A, %gather3A_379 : vector<16xf32>
        %sub3A_383 = arith.subf %gather3A_377, %gather3A_380 : vector<16xf32>
        %sub3A_384 = arith.subf %gather3A_378, %gather3A_381 : vector<16xf32>
        %mul3A_385 = arith.mulf %sub3A_382, %sub3A_382 : vector<16xf32>
        %mul3A_386 = arith.mulf %sub3A_383, %sub3A_383 : vector<16xf32>
        %add3A_387 = arith.addf %mul3A_385, %mul3A_386 : vector<16xf32>
        %mul3A_388 = arith.mulf %sub3A_384, %sub3A_384 : vector<16xf32>
        %add3A_389 = arith.addf %add3A_387, %mul3A_388 : vector<16xf32>
        %bitcast3A = vector.bitcast %add3A_389 : vector<16xf32> to vector<16xi32>
        %shift_right_arithmetic3A = arith.constant 1 : i32
        %shift_right_arithmetic3A_390 = vector.broadcast %shift_right_arithmetic3A : i32 to vector<16xi32>
        %shift_right_arithmetic3A_391 = arith.shrsi %bitcast3A, %shift_right_arithmetic3A_390 : vector<16xi32>
        %sub3A_392 = arith.constant 1597463007 : i32
        %sub3A_393 = vector.broadcast %sub3A_392 : i32 to vector<16xi32>
        %sub3A_394 = arith.subi %sub3A_393, %shift_right_arithmetic3A_391 : vector<16xi32>
        %bitcast3A_395 = vector.bitcast %sub3A_394 : vector<16xi32> to vector<16xf32>
        %mul3A_396 = arith.constant 5.000000e-01 : f32
        %mul3A_397 = vector.broadcast %mul3A_396 : f32 to vector<16xf32>
        %mul3A_398 = arith.mulf %mul3A_397, %add3A_389 : vector<16xf32>
        %mul3A_399 = arith.mulf %mul3A_398, %bitcast3A_395 : vector<16xf32>
        %mul3A_400 = arith.mulf %mul3A_399, %bitcast3A_395 : vector<16xf32>
        %sub3A_401 = arith.constant 1.500000e+00 : f32
        %sub3A_402 = vector.broadcast %sub3A_401 : f32 to vector<16xf32>
        %sub3A_403 = arith.subf %sub3A_402, %mul3A_400 : vector<16xf32>
        %mul3A_404 = arith.mulf %bitcast3A_395, %sub3A_403 : vector<16xf32>
        %mul3A_405 = arith.mulf %mul3A_398, %mul3A_404 : vector<16xf32>
        %mul3A_406 = arith.mulf %mul3A_405, %mul3A_404 : vector<16xf32>
        %sub3A_407 = arith.constant 1.500000e+00 : f32
        %sub3A_408 = vector.broadcast %sub3A_407 : f32 to vector<16xf32>
        %sub3A_409 = arith.subf %sub3A_408, %mul3A_406 : vector<16xf32>
        %mul3A_410 = arith.mulf %mul3A_404, %sub3A_409 : vector<16xf32>
        %mul3A_411 = arith.mulf %mul3A_398, %mul3A_410 : vector<16xf32>
        %mul3A_412 = arith.mulf %mul3A_411, %mul3A_410 : vector<16xf32>
        %sub3A_413 = arith.constant 1.500000e+00 : f32
        %sub3A_414 = vector.broadcast %sub3A_413 : f32 to vector<16xf32>
        %sub3A_415 = arith.subf %sub3A_414, %mul3A_412 : vector<16xf32>
        %mul3A_416 = arith.mulf %mul3A_410, %sub3A_415 : vector<16xf32>
        %min3A = arith.constant 9.99999995E+11 : f32
        %min3A_417 = vector.broadcast %min3A : f32 to vector<16xf32>
        %min3A_418 = arith.minimumf %mul3A_416, %min3A_417 : vector<16xf32>
        %mul3A_419 = arith.mulf %sub3A_382, %min3A_418 : vector<16xf32>
        %mul3A_420 = arith.mulf %sub3A_383, %min3A_418 : vector<16xf32>
        %mul3A_421 = arith.mulf %sub3A_384, %min3A_418 : vector<16xf32>
        %mul3A_422 = arith.mulf %mul3A_419, %mul3A_419 : vector<16xf32>
        %mul3A_423 = arith.mulf %mul3A_420, %mul3A_420 : vector<16xf32>
        %mul3A_424 = arith.mulf %mul3A_421, %mul3A_421 : vector<16xf32>
        %mul3A_425 = arith.constant 1.73205078 : f32
        %mul3A_426 = vector.broadcast %mul3A_425 : f32 to vector<16xf32>
        %mul3A_427 = arith.mulf %mul3A_426, %mul3A_419 : vector<16xf32>
        %mul3A_428 = arith.constant 1.73205078 : f32
        %mul3A_429 = vector.broadcast %mul3A_428 : f32 to vector<16xf32>
        %mul3A_430 = arith.mulf %mul3A_429, %mul3A_420 : vector<16xf32>
        %mul3A_431 = arith.constant 1.73205078 : f32
        %mul3A_432 = vector.broadcast %mul3A_431 : f32 to vector<16xf32>
        %mul3A_433 = arith.mulf %mul3A_432, %mul3A_421 : vector<16xf32>
        %mul3A_434 = arith.constant 3.87298346 : f32
        %mul3A_435 = vector.broadcast %mul3A_434 : f32 to vector<16xf32>
        %mul3A_436 = arith.mulf %mul3A_435, %mul3A_419 : vector<16xf32>
        %mul3A_437 = arith.mulf %mul3A_436, %mul3A_421 : vector<16xf32>
        %mul3A_438 = arith.constant 3.87298346 : f32
        %mul3A_439 = vector.broadcast %mul3A_438 : f32 to vector<16xf32>
        %mul3A_440 = arith.mulf %mul3A_439, %mul3A_419 : vector<16xf32>
        %mul3A_441 = arith.mulf %mul3A_440, %mul3A_420 : vector<16xf32>
        %add3A_442 = arith.addf %mul3A_422, %mul3A_424 : vector<16xf32>
        %mul3A_443 = arith.constant 5.000000e-01 : f32
        %mul3A_444 = vector.broadcast %mul3A_443 : f32 to vector<16xf32>
        %mul3A_445 = arith.mulf %mul3A_444, %add3A_442 : vector<16xf32>
        %sub3A_446 = arith.subf %mul3A_423, %mul3A_445 : vector<16xf32>
        %mul3A_447 = arith.constant 2.23606801 : f32
        %mul3A_448 = vector.broadcast %mul3A_447 : f32 to vector<16xf32>
        %mul3A_449 = arith.mulf %mul3A_448, %sub3A_446 : vector<16xf32>
        %mul3A_450 = arith.constant 3.87298346 : f32
        %mul3A_451 = vector.broadcast %mul3A_450 : f32 to vector<16xf32>
        %mul3A_452 = arith.mulf %mul3A_451, %mul3A_420 : vector<16xf32>
        %mul3A_453 = arith.mulf %mul3A_452, %mul3A_421 : vector<16xf32>
        %sub3A_454 = arith.subf %mul3A_424, %mul3A_422 : vector<16xf32>
        %mul3A_455 = arith.constant 1.93649173 : f32
        %mul3A_456 = vector.broadcast %mul3A_455 : f32 to vector<16xf32>
        %mul3A_457 = arith.mulf %mul3A_456, %sub3A_454 : vector<16xf32>
        %mul3A_458 = arith.constant 144 : i32
        %mul3A_459 = arith.muli %while3A_371, %mul3A_458 : i32
        %add3A_460 = vector.broadcast %mul3A_459 : i32 to vector<16xi32>
        %add3A_461 = arith.addi %add3A_460, %mul3A_3 : vector<16xi32>
        %add3A_462 = arith.constant 0 : i32
        %add3A_463 = vector.broadcast %add3A_462 : i32 to vector<16xi32>
        %add3A_464 = arith.addi %add3A_461, %add3A_463 : vector<16xi32>
        tpu.vector_store_idx %arg17[%add3A_464], %broadcast_in_dim3A_4 : memref<7200xf32, #tpu.memory_space<vmem>>[vector<16xi32>], vector<16xf32>,
        %add3A_465 = arith.constant 1 : i32
        %add3A_466 = vector.broadcast %add3A_465 : i32 to vector<16xi32>
        %add3A_467 = arith.addi %add3A_461, %add3A_466 : vector<16xi32>
        tpu.vector_store_idx %arg17[%add3A_467], %mul3A_427 : memref<7200xf32, #tpu.memory_space<vmem>>[vector<16xi32>], vector<16xf32>,
        %add3A_468 = arith.constant 2 : i32
        %add3A_469 = vector.broadcast %add3A_468 : i32 to vector<16xi32>
        %add3A_470 = arith.addi %add3A_461, %add3A_469 : vector<16xi32>
        tpu.vector_store_idx %arg17[%add3A_470], %mul3A_430 : memref<7200xf32, #tpu.memory_space<vmem>>[vector<16xi32>], vector<16xf32>,
        %add3A_471 = arith.constant 3 : i32
        %add3A_472 = vector.broadcast %add3A_471 : i32 to vector<16xi32>
        %add3A_473 = arith.addi %add3A_461, %add3A_472 : vector<16xi32>
        tpu.vector_store_idx %arg17[%add3A_473], %mul3A_433 : memref<7200xf32, #tpu.memory_space<vmem>>[vector<16xi32>], vector<16xf32>,
        %add3A_474 = arith.constant 4 : i32
        %add3A_475 = vector.broadcast %add3A_474 : i32 to vector<16xi32>
        %add3A_476 = arith.addi %add3A_461, %add3A_475 : vector<16xi32>
        tpu.vector_store_idx %arg17[%add3A_476], %mul3A_437 : memref<7200xf32, #tpu.memory_space<vmem>>[vector<16xi32>], vector<16xf32>,
        %add3A_477 = arith.constant 5 : i32
        %add3A_478 = vector.broadcast %add3A_477 : i32 to vector<16xi32>
        %add3A_479 = arith.addi %add3A_461, %add3A_478 : vector<16xi32>
        tpu.vector_store_idx %arg17[%add3A_479], %mul3A_441 : memref<7200xf32, #tpu.memory_space<vmem>>[vector<16xi32>], vector<16xf32>,
        %add3A_480 = arith.constant 6 : i32
        %add3A_481 = vector.broadcast %add3A_480 : i32 to vector<16xi32>
        %add3A_482 = arith.addi %add3A_461, %add3A_481 : vector<16xi32>
        tpu.vector_store_idx %arg17[%add3A_482], %mul3A_449 : memref<7200xf32, #tpu.memory_space<vmem>>[vector<16xi32>], vector<16xf32>,
        %add3A_483 = arith.constant 7 : i32
        %add3A_484 = vector.broadcast %add3A_483 : i32 to vector<16xi32>
        %add3A_485 = arith.addi %add3A_461, %add3A_484 : vector<16xi32>
        tpu.vector_store_idx %arg17[%add3A_485], %mul3A_453 : memref<7200xf32, #tpu.memory_space<vmem>>[vector<16xi32>], vector<16xf32>,
        %add3A_486 = arith.constant 8 : i32
        %add3A_487 = vector.broadcast %add3A_486 : i32 to vector<16xi32>
        %add3A_488 = arith.addi %add3A_461, %add3A_487 : vector<16xi32>
        tpu.vector_store_idx %arg17[%add3A_488], %mul3A_457 : memref<7200xf32, #tpu.memory_space<vmem>>[vector<16xi32>], vector<16xf32>,
        %while3A_489 = arith.constant 0 : i32
        scf.yield %while3A_489 : i32
      }
      %mul3A_279 = arith.constant 32 : i32
      %mul3A_280 = arith.muli %mul3A_203, %mul3A_279 : i32
      %add3A_281 = arith.addi %add3A, %mul3A_280 : i32
      %mul3A_282 = arith.constant 800 : i32
      %mul3A_283 = arith.muli %add3A_281, %mul3A_282 : i32
      %mul3A_284 = arith.constant 9 : i32
      %mul3A_285 = arith.muli %mul3A_283, %mul3A_284 : i32
      "tpu.region"() ({
        %run_scoped3A_371 = tpu.sem_alloc : memref<!tpu.dma_semaphore, #tpu.memory_space<semaphore_mem>>
        %dma_start3A_372 = tpu.memref_slice %arg4[%mul3A_285] : memref<57600000xf32, #tpu.memory_space<hbm>> -> memref<7200xf32, #tpu.memory_space<hbm>>
        %dma_start3A_373 = tpu.memref_slice %arg4[%mul3A_285] : memref<57600000xf32, #tpu.memory_space<hbm>> -> memref<7200xf32, #tpu.memory_space<hbm>>
        tpu.enqueue_dma source(%arg17 : memref<7200xf32, #tpu.memory_space<vmem>>) target(%dma_start3A_373 : memref<7200xf32, #tpu.memory_space<hbm>>) target_semaphore(%run_scoped3A_371 : memref<!tpu.dma_semaphore, #tpu.memory_space<semaphore_mem>>)
        %dma_wait3A_374 = tpu.memref_slice %arg4[%mul3A_285] : memref<57600000xf32, #tpu.memory_space<hbm>> -> memref<7200xf32, #tpu.memory_space<hbm>>
        %dma_wait3A_375 = tpu.memref_slice %arg4[%mul3A_285] : memref<57600000xf32, #tpu.memory_space<hbm>> -> memref<7200xf32, #tpu.memory_space<hbm>>
        tpu.wait_dma2 semaphore(%run_scoped3A_371 : memref<!tpu.dma_semaphore, #tpu.memory_space<semaphore_mem>>) src(%arg17 : memref<7200xf32, #tpu.memory_space<vmem>>) dst(%dma_wait3A_375 : memref<7200xf32, #tpu.memory_space<hbm>>)
        tpu.yield
      }) : () -> ()
      %add3A_286 = arith.constant 2 : i32
      %add3A_287 = arith.addi %mul3A_203, %add3A_286 : i32
      %mul3A_288 = arith.constant 32 : i32
      %mul3A_289 = arith.muli %add3A_287, %mul3A_288 : i32
      %add3A_290 = arith.addi %add3A, %mul3A_289 : i32
      %mul3A_291 = arith.constant 800 : i32
      %mul3A_292 = arith.muli %add3A_290, %mul3A_291 : i32
      %run_scoped3A_293 = arith.constant 0 : i32
      "tpu.region"() ({
        %run_scoped3A_371 = tpu.sem_alloc : memref<!tpu.dma_semaphore, #tpu.memory_space<semaphore_mem>>
        %dma_start3A_372 = tpu.memref_slice %arg2[%run_scoped3A_293, %mul3A_292] : memref<2x6400000xi32, #tpu.memory_space<hbm>> -> memref<1x800xi32, #tpu.memory_space<hbm>>
        %dma_start3A_373 = tpu.memref_squeeze %dma_start3A_372 : memref<1x800xi32, #tpu.memory_space<hbm>> -> memref<800xi32, #tpu.memory_space<hbm>>
        %dma_start3A_374 = tpu.memref_slice %arg2[%run_scoped3A_293, %mul3A_292] : memref<2x6400000xi32, #tpu.memory_space<hbm>> -> memref<1x800xi32, #tpu.memory_space<hbm>>
        %dma_start3A_375 = tpu.memref_squeeze %dma_start3A_374 : memref<1x800xi32, #tpu.memory_space<hbm>> -> memref<800xi32, #tpu.memory_space<hbm>>
        tpu.enqueue_dma source(%dma_start3A_375 : memref<800xi32, #tpu.memory_space<hbm>>) target(%arg5 : memref<800xi32, #tpu.memory_space<vmem>>) target_semaphore(%run_scoped3A_371 : memref<!tpu.dma_semaphore, #tpu.memory_space<semaphore_mem>>)
        %dma_wait3A_376 = tpu.memref_slice %arg2[%run_scoped3A_293, %mul3A_292] : memref<2x6400000xi32, #tpu.memory_space<hbm>> -> memref<1x800xi32, #tpu.memory_space<hbm>>
        %dma_wait3A_377 = tpu.memref_squeeze %dma_wait3A_376 : memref<1x800xi32, #tpu.memory_space<hbm>> -> memref<800xi32, #tpu.memory_space<hbm>>
        %dma_wait3A_378 = tpu.memref_slice %arg2[%run_scoped3A_293, %mul3A_292] : memref<2x6400000xi32, #tpu.memory_space<hbm>> -> memref<1x800xi32, #tpu.memory_space<hbm>>
        %dma_wait3A_379 = tpu.memref_squeeze %dma_wait3A_378 : memref<1x800xi32, #tpu.memory_space<hbm>> -> memref<800xi32, #tpu.memory_space<hbm>>
        tpu.wait_dma2 semaphore(%run_scoped3A_371 : memref<!tpu.dma_semaphore, #tpu.memory_space<semaphore_mem>>) src(%dma_wait3A_379 : memref<800xi32, #tpu.memory_space<hbm>>) dst(%arg5 : memref<800xi32, #tpu.memory_space<vmem>>)
        tpu.yield
      }) : () -> ()
      %run_scoped3A_294 = arith.constant 1 : i32
      "tpu.region"() ({
        %run_scoped3A_371 = tpu.sem_alloc : memref<!tpu.dma_semaphore, #tpu.memory_space<semaphore_mem>>
        %dma_start3A_372 = tpu.memref_slice %arg2[%run_scoped3A_294, %mul3A_292] : memref<2x6400000xi32, #tpu.memory_space<hbm>> -> memref<1x800xi32, #tpu.memory_space<hbm>>
        %dma_start3A_373 = tpu.memref_squeeze %dma_start3A_372 : memref<1x800xi32, #tpu.memory_space<hbm>> -> memref<800xi32, #tpu.memory_space<hbm>>
        %dma_start3A_374 = tpu.memref_slice %arg2[%run_scoped3A_294, %mul3A_292] : memref<2x6400000xi32, #tpu.memory_space<hbm>> -> memref<1x800xi32, #tpu.memory_space<hbm>>
        %dma_start3A_375 = tpu.memref_squeeze %dma_start3A_374 : memref<1x800xi32, #tpu.memory_space<hbm>> -> memref<800xi32, #tpu.memory_space<hbm>>
        tpu.enqueue_dma source(%dma_start3A_375 : memref<800xi32, #tpu.memory_space<hbm>>) target(%arg7 : memref<800xi32, #tpu.memory_space<vmem>>) target_semaphore(%run_scoped3A_371 : memref<!tpu.dma_semaphore, #tpu.memory_space<semaphore_mem>>)
        %dma_wait3A_376 = tpu.memref_slice %arg2[%run_scoped3A_294, %mul3A_292] : memref<2x6400000xi32, #tpu.memory_space<hbm>> -> memref<1x800xi32, #tpu.memory_space<hbm>>
        %dma_wait3A_377 = tpu.memref_squeeze %dma_wait3A_376 : memref<1x800xi32, #tpu.memory_space<hbm>> -> memref<800xi32, #tpu.memory_space<hbm>>
        %dma_wait3A_378 = tpu.memref_slice %arg2[%run_scoped3A_294, %mul3A_292] : memref<2x6400000xi32, #tpu.memory_space<hbm>> -> memref<1x800xi32, #tpu.memory_space<hbm>>
        %dma_wait3A_379 = tpu.memref_squeeze %dma_wait3A_378 : memref<1x800xi32, #tpu.memory_space<hbm>> -> memref<800xi32, #tpu.memory_space<hbm>>
        tpu.wait_dma2 semaphore(%run_scoped3A_371 : memref<!tpu.dma_semaphore, #tpu.memory_space<semaphore_mem>>) src(%dma_wait3A_379 : memref<800xi32, #tpu.memory_space<hbm>>) dst(%arg7 : memref<800xi32, #tpu.memory_space<vmem>>)
        tpu.yield
      }) : () -> ()
      %while3A_295 = arith.constant 0 : i32
      %while3A_296 = arith.constant 50 : i32
      %while3A_297 = arith.constant 0 : i32
      %while3A_298 = arith.subi %while3A_296, %while3A_295 : i32
      %while3A_299 = arith.addi %while3A_295, %while3A_298 : i32
      %while3A_300 = arith.constant 1 : i32
      %while3A_301 = arith.divsi %while3A_298, %while3A_300 : i32
      %while3A_302 = arith.muli %while3A_301, %while3A_300 : i32
      %while3A_303 = arith.addi %while3A_295, %while3A_302 : i32
      %while3A_304 = arith.constant 1 : i32
      %while3A_305 = scf.for %while3A_371 = %while3A_295 to %while3A_303 step %while3A_304 iter_args(%while3A_372 = %while3A_297) -> (i32)  : i32 {
        %mul3A_373 = arith.constant 16 : i32
        %mul3A_374 = arith.muli %while3A_371, %mul3A_373 : i32
        %add3A_375 = vector.broadcast %mul3A_374 : i32 to vector<16xi32>
        %add3A_376 = arith.addi %add3A_375, %iota3A : vector<16xi32>
        %mul3A_377 = arith.constant 2 : i32
        %mul3A_378 = vector.broadcast %mul3A_377 : i32 to vector<16xi32>
        %mul3A_379 = arith.muli %add3A_376, %mul3A_378 : vector<16xi32>
        %mul3A_380 = arith.constant 16 : i32
        %mul3A_381 = arith.muli %while3A_371, %mul3A_380 : i32
        %get3A = arith.index_cast %mul3A_381 : i32 to index
        %get3A_382 = tpu.vector_load %arg5[%get3A] {strides = array<i32>} : memref<800xi32, #tpu.memory_space<vmem>>, vector<16xi32>,
        %mul3A_383 = arith.constant 2 : i32
        %mul3A_384 = vector.broadcast %mul3A_383 : i32 to vector<16xi32>
        %mul3A_385 = arith.muli %get3A_382, %mul3A_384 : vector<16xi32>
        tpu.vector_store_idx %arg9[%mul3A_379], %mul3A_385 : memref<1600xi32, #tpu.memory_space<vmem>>[vector<16xi32>], vector<16xi32>,
        %mul3A_386 = arith.constant 16 : i32
        %mul3A_387 = arith.muli %while3A_371, %mul3A_386 : i32
        %get3A_388 = arith.index_cast %mul3A_387 : i32 to index
        %get3A_389 = tpu.vector_load %arg7[%get3A_388] {strides = array<i32>} : memref<800xi32, #tpu.memory_space<vmem>>, vector<16xi32>,
        %mul3A_390 = arith.constant 2 : i32
        %mul3A_391 = vector.broadcast %mul3A_390 : i32 to vector<16xi32>
        %mul3A_392 = arith.muli %get3A_389, %mul3A_391 : vector<16xi32>
        tpu.vector_store_idx %arg11[%mul3A_379], %mul3A_392 : memref<1600xi32, #tpu.memory_space<vmem>>[vector<16xi32>], vector<16xi32>,
        %while3A_393 = arith.constant 0 : i32
        scf.yield %while3A_393 : i32
      }
      %while3A_306 = arith.constant 1 : i32
      %while3A_307 = scf.for %while3A_371 = %while3A_303 to %while3A_299 step %while3A_306 iter_args(%while3A_372 = %while3A_305) -> (i32)  : i32 {
        %mul3A_373 = arith.constant 16 : i32
        %mul3A_374 = arith.muli %while3A_371, %mul3A_373 : i32
        %add3A_375 = vector.broadcast %mul3A_374 : i32 to vector<16xi32>
        %add3A_376 = arith.addi %add3A_375, %iota3A : vector<16xi32>
        %mul3A_377 = arith.constant 2 : i32
        %mul3A_378 = vector.broadcast %mul3A_377 : i32 to vector<16xi32>
        %mul3A_379 = arith.muli %add3A_376, %mul3A_378 : vector<16xi32>
        %mul3A_380 = arith.constant 16 : i32
        %mul3A_381 = arith.muli %while3A_371, %mul3A_380 : i32
        %get3A = arith.index_cast %mul3A_381 : i32 to index
        %get3A_382 = tpu.vector_load %arg5[%get3A] {strides = array<i32>} : memref<800xi32, #tpu.memory_space<vmem>>, vector<16xi32>,
        %mul3A_383 = arith.constant 2 : i32
        %mul3A_384 = vector.broadcast %mul3A_383 : i32 to vector<16xi32>
        %mul3A_385 = arith.muli %get3A_382, %mul3A_384 : vector<16xi32>
        tpu.vector_store_idx %arg9[%mul3A_379], %mul3A_385 : memref<1600xi32, #tpu.memory_space<vmem>>[vector<16xi32>], vector<16xi32>,
        %mul3A_386 = arith.constant 16 : i32
        %mul3A_387 = arith.muli %while3A_371, %mul3A_386 : i32
        %get3A_388 = arith.index_cast %mul3A_387 : i32 to index
        %get3A_389 = tpu.vector_load %arg7[%get3A_388] {strides = array<i32>} : memref<800xi32, #tpu.memory_space<vmem>>, vector<16xi32>,
        %mul3A_390 = arith.constant 2 : i32
        %mul3A_391 = vector.broadcast %mul3A_390 : i32 to vector<16xi32>
        %mul3A_392 = arith.muli %get3A_389, %mul3A_391 : vector<16xi32>
        tpu.vector_store_idx %arg11[%mul3A_379], %mul3A_392 : memref<1600xi32, #tpu.memory_space<vmem>>[vector<16xi32>], vector<16xi32>,
        %while3A_393 = arith.constant 0 : i32
        scf.yield %while3A_393 : i32
      }
      %dma_start3A_308 = arith.constant 0 : i32
      %dma_start3A_309 = arith.constant 0 : i32
      %dma_start3A_310 = tpu.memref_slice %arg13[%dma_start3A_308, %dma_start3A_309] : memref<1600x4xf32, #tpu.memory_space<vmem>> -> memref<1600x4xf32, #tpu.memory_space<vmem>>
      %dma_start3A_311 = arith.constant 0 : i32
      %dma_start3A_312 = tpu.memref_slice %arg9[%dma_start3A_311] : memref<1600xi32, #tpu.memory_space<vmem>> -> memref<1600xi32, #tpu.memory_space<vmem>>
      %dma_start3A_313 = arith.constant 0 : i32
      %dma_start3A_314 = arith.constant 0 : i32
      %dma_start3A_315 = tpu.memref_slice %arg3[%dma_start3A_313, %dma_start3A_314] : memref<100000x4xf32, #tpu.memory_space<hbm>> -> memref<100000x4xf32, #tpu.memory_space<hbm>>
      tpu.enqueue_indirect_dma source(%dma_start3A_315 : memref<100000x4xf32, #tpu.memory_space<hbm>>) target(%dma_start3A_310 : memref<1600x4xf32, #tpu.memory_space<vmem>>) offsets(%dma_start3A_312 : memref<1600xi32, #tpu.memory_space<vmem>>) semaphore(%arg19 : memref<!tpu.dma_semaphore, #tpu.memory_space<semaphore_mem>>)
      %dma_start3A_316 = arith.constant 0 : i32
      %dma_start3A_317 = arith.constant 0 : i32
      %dma_start3A_318 = tpu.memref_slice %arg15[%dma_start3A_316, %dma_start3A_317] : memref<1600x4xf32, #tpu.memory_space<vmem>> -> memref<1600x4xf32, #tpu.memory_space<vmem>>
      %dma_start3A_319 = arith.constant 0 : i32
      %dma_start3A_320 = tpu.memref_slice %arg11[%dma_start3A_319] : memref<1600xi32, #tpu.memory_space<vmem>> -> memref<1600xi32, #tpu.memory_space<vmem>>
      %dma_start3A_321 = arith.constant 0 : i32
      %dma_start3A_322 = arith.constant 0 : i32
      %dma_start3A_323 = tpu.memref_slice %arg3[%dma_start3A_321, %dma_start3A_322] : memref<100000x4xf32, #tpu.memory_space<hbm>> -> memref<100000x4xf32, #tpu.memory_space<hbm>>
      tpu.enqueue_indirect_dma source(%dma_start3A_323 : memref<100000x4xf32, #tpu.memory_space<hbm>>) target(%dma_start3A_318 : memref<1600x4xf32, #tpu.memory_space<vmem>>) offsets(%dma_start3A_320 : memref<1600xi32, #tpu.memory_space<vmem>>) semaphore(%arg19 : memref<!tpu.dma_semaphore, #tpu.memory_space<semaphore_mem>>)
      %add3A_324 = arith.constant 1 : i32
      %add3A_325 = arith.addi %mul3A_203, %add3A_324 : i32
      %dma_wait3A_326 = arith.constant 0 : i32
      %dma_wait3A_327 = arith.constant 0 : i32
      %dma_wait3A_328 = tpu.memref_slice %arg14[%dma_wait3A_326, %dma_wait3A_327] : memref<1600x4xf32, #tpu.memory_space<vmem>> -> memref<1600x4xf32, #tpu.memory_space<vmem>>
      %dma_wait3A_329 = arith.constant 0 : i32
      %dma_wait3A_330 = tpu.memref_slice %arg10[%dma_wait3A_329] : memref<1600xi32, #tpu.memory_space<vmem>> -> memref<1600xi32, #tpu.memory_space<vmem>>
      %dma_wait3A_331 = arith.constant 0 : i32
      %dma_wait3A_332 = arith.constant 0 : i32
      %dma_wait3A_333 = tpu.memref_slice %arg3[%dma_wait3A_331, %dma_wait3A_332] : memref<100000x4xf32, #tpu.memory_space<hbm>> -> memref<100000x4xf32, #tpu.memory_space<hbm>>
      tpu.wait_indirect_dma semaphore(%arg19 : memref<!tpu.dma_semaphore, #tpu.memory_space<semaphore_mem>>) src(%dma_wait3A_333 : memref<100000x4xf32, #tpu.memory_space<hbm>>) dst(%dma_wait3A_328 : memref<1600x4xf32, #tpu.memory_space<vmem>>)
      %dma_wait3A_334 = arith.constant 0 : i32
      %dma_wait3A_335 = arith.constant 0 : i32
      %dma_wait3A_336 = tpu.memref_slice %arg16[%dma_wait3A_334, %dma_wait3A_335] : memref<1600x4xf32, #tpu.memory_space<vmem>> -> memref<1600x4xf32, #tpu.memory_space<vmem>>
      %dma_wait3A_337 = arith.constant 0 : i32
      %dma_wait3A_338 = tpu.memref_slice %arg12[%dma_wait3A_337] : memref<1600xi32, #tpu.memory_space<vmem>> -> memref<1600xi32, #tpu.memory_space<vmem>>
      %dma_wait3A_339 = arith.constant 0 : i32
      %dma_wait3A_340 = arith.constant 0 : i32
      %dma_wait3A_341 = tpu.memref_slice %arg3[%dma_wait3A_339, %dma_wait3A_340] : memref<100000x4xf32, #tpu.memory_space<hbm>> -> memref<100000x4xf32, #tpu.memory_space<hbm>>
      tpu.wait_indirect_dma semaphore(%arg19 : memref<!tpu.dma_semaphore, #tpu.memory_space<semaphore_mem>>) src(%dma_wait3A_341 : memref<100000x4xf32, #tpu.memory_space<hbm>>) dst(%dma_wait3A_336 : memref<1600x4xf32, #tpu.memory_space<vmem>>)
      %broadcast_in_dim3A_342 = arith.constant 0 : i32
      %broadcast_in_dim3A_343 = vector.broadcast %broadcast_in_dim3A_342 : i32 to vector<16xi32>
      %add3A_344 = arith.constant 1 : i32
      %add3A_345 = vector.broadcast %add3A_344 : i32 to vector<16xi32>
      %add3A_346 = arith.addi %broadcast_in_dim3A_343, %add3A_345 : vector<16xi32>
      %add3A_347 = arith.constant 2 : i32
      %add3A_348 = vector.broadcast %add3A_347 : i32 to vector<16xi32>
      %add3A_349 = arith.addi %broadcast_in_dim3A_343, %add3A_348 : vector<16xi32>
      %while3A_350 = arith.constant 0 : i32
      %while3A_351 = arith.constant 50 : i32
      %while3A_352 = arith.constant 0 : i32
      %while3A_353 = arith.subi %while3A_351, %while3A_350 : i32
      %while3A_354 = arith.addi %while3A_350, %while3A_353 : i32
      %while3A_355 = arith.constant 1 : i32
      %while3A_356 = arith.divsi %while3A_353, %while3A_355 : i32
      %while3A_357 = arith.muli %while3A_356, %while3A_355 : i32
      %while3A_358 = arith.addi %while3A_350, %while3A_357 : i32
      %while3A_359 = arith.constant 1 : i32
      %while3A_360 = scf.for %while3A_371 = %while3A_350 to %while3A_358 step %while3A_359 iter_args(%while3A_372 = %while3A_352) -> (i32)  : i32 {
        %mul3A_373 = arith.constant 16 : i32
        %mul3A_374 = arith.muli %while3A_371, %mul3A_373 : i32
        %add3A_375 = vector.broadcast %mul3A_374 : i32 to vector<16xi32>
        %add3A_376 = arith.addi %add3A_375, %iota3A : vector<16xi32>
        %gather3A = tpu.vector_load_idx %arg14[%add3A_376, %broadcast_in_dim3A_343] : memref<1600x4xf32, #tpu.memory_space<vmem>>[vector<16xi32>, vector<16xi32>], vector<16xf32>,
        %gather3A_377 = tpu.vector_load_idx %arg14[%add3A_376, %add3A_346] : memref<1600x4xf32, #tpu.memory_space<vmem>>[vector<16xi32>, vector<16xi32>], vector<16xf32>,
        %gather3A_378 = tpu.vector_load_idx %arg14[%add3A_376, %add3A_349] : memref<1600x4xf32, #tpu.memory_space<vmem>>[vector<16xi32>, vector<16xi32>], vector<16xf32>,
        %gather3A_379 = tpu.vector_load_idx %arg16[%add3A_376, %broadcast_in_dim3A_343] : memref<1600x4xf32, #tpu.memory_space<vmem>>[vector<16xi32>, vector<16xi32>], vector<16xf32>,
        %gather3A_380 = tpu.vector_load_idx %arg16[%add3A_376, %add3A_346] : memref<1600x4xf32, #tpu.memory_space<vmem>>[vector<16xi32>, vector<16xi32>], vector<16xf32>,
        %gather3A_381 = tpu.vector_load_idx %arg16[%add3A_376, %add3A_349] : memref<1600x4xf32, #tpu.memory_space<vmem>>[vector<16xi32>, vector<16xi32>], vector<16xf32>,
        %sub3A_382 = arith.subf %gather3A, %gather3A_379 : vector<16xf32>
        %sub3A_383 = arith.subf %gather3A_377, %gather3A_380 : vector<16xf32>
        %sub3A_384 = arith.subf %gather3A_378, %gather3A_381 : vector<16xf32>
        %mul3A_385 = arith.mulf %sub3A_382, %sub3A_382 : vector<16xf32>
        %mul3A_386 = arith.mulf %sub3A_383, %sub3A_383 : vector<16xf32>
        %add3A_387 = arith.addf %mul3A_385, %mul3A_386 : vector<16xf32>
        %mul3A_388 = arith.mulf %sub3A_384, %sub3A_384 : vector<16xf32>
        %add3A_389 = arith.addf %add3A_387, %mul3A_388 : vector<16xf32>
        %bitcast3A = vector.bitcast %add3A_389 : vector<16xf32> to vector<16xi32>
        %shift_right_arithmetic3A = arith.constant 1 : i32
        %shift_right_arithmetic3A_390 = vector.broadcast %shift_right_arithmetic3A : i32 to vector<16xi32>
        %shift_right_arithmetic3A_391 = arith.shrsi %bitcast3A, %shift_right_arithmetic3A_390 : vector<16xi32>
        %sub3A_392 = arith.constant 1597463007 : i32
        %sub3A_393 = vector.broadcast %sub3A_392 : i32 to vector<16xi32>
        %sub3A_394 = arith.subi %sub3A_393, %shift_right_arithmetic3A_391 : vector<16xi32>
        %bitcast3A_395 = vector.bitcast %sub3A_394 : vector<16xi32> to vector<16xf32>
        %mul3A_396 = arith.constant 5.000000e-01 : f32
        %mul3A_397 = vector.broadcast %mul3A_396 : f32 to vector<16xf32>
        %mul3A_398 = arith.mulf %mul3A_397, %add3A_389 : vector<16xf32>
        %mul3A_399 = arith.mulf %mul3A_398, %bitcast3A_395 : vector<16xf32>
        %mul3A_400 = arith.mulf %mul3A_399, %bitcast3A_395 : vector<16xf32>
        %sub3A_401 = arith.constant 1.500000e+00 : f32
        %sub3A_402 = vector.broadcast %sub3A_401 : f32 to vector<16xf32>
        %sub3A_403 = arith.subf %sub3A_402, %mul3A_400 : vector<16xf32>
        %mul3A_404 = arith.mulf %bitcast3A_395, %sub3A_403 : vector<16xf32>
        %mul3A_405 = arith.mulf %mul3A_398, %mul3A_404 : vector<16xf32>
        %mul3A_406 = arith.mulf %mul3A_405, %mul3A_404 : vector<16xf32>
        %sub3A_407 = arith.constant 1.500000e+00 : f32
        %sub3A_408 = vector.broadcast %sub3A_407 : f32 to vector<16xf32>
        %sub3A_409 = arith.subf %sub3A_408, %mul3A_406 : vector<16xf32>
        %mul3A_410 = arith.mulf %mul3A_404, %sub3A_409 : vector<16xf32>
        %mul3A_411 = arith.mulf %mul3A_398, %mul3A_410 : vector<16xf32>
        %mul3A_412 = arith.mulf %mul3A_411, %mul3A_410 : vector<16xf32>
        %sub3A_413 = arith.constant 1.500000e+00 : f32
        %sub3A_414 = vector.broadcast %sub3A_413 : f32 to vector<16xf32>
        %sub3A_415 = arith.subf %sub3A_414, %mul3A_412 : vector<16xf32>
        %mul3A_416 = arith.mulf %mul3A_410, %sub3A_415 : vector<16xf32>
        %min3A = arith.constant 9.99999995E+11 : f32
        %min3A_417 = vector.broadcast %min3A : f32 to vector<16xf32>
        %min3A_418 = arith.minimumf %mul3A_416, %min3A_417 : vector<16xf32>
        %mul3A_419 = arith.mulf %sub3A_382, %min3A_418 : vector<16xf32>
        %mul3A_420 = arith.mulf %sub3A_383, %min3A_418 : vector<16xf32>
        %mul3A_421 = arith.mulf %sub3A_384, %min3A_418 : vector<16xf32>
        %mul3A_422 = arith.mulf %mul3A_419, %mul3A_419 : vector<16xf32>
        %mul3A_423 = arith.mulf %mul3A_420, %mul3A_420 : vector<16xf32>
        %mul3A_424 = arith.mulf %mul3A_421, %mul3A_421 : vector<16xf32>
        %mul3A_425 = arith.constant 1.73205078 : f32
        %mul3A_426 = vector.broadcast %mul3A_425 : f32 to vector<16xf32>
        %mul3A_427 = arith.mulf %mul3A_426, %mul3A_419 : vector<16xf32>
        %mul3A_428 = arith.constant 1.73205078 : f32
        %mul3A_429 = vector.broadcast %mul3A_428 : f32 to vector<16xf32>
        %mul3A_430 = arith.mulf %mul3A_429, %mul3A_420 : vector<16xf32>
        %mul3A_431 = arith.constant 1.73205078 : f32
        %mul3A_432 = vector.broadcast %mul3A_431 : f32 to vector<16xf32>
        %mul3A_433 = arith.mulf %mul3A_432, %mul3A_421 : vector<16xf32>
        %mul3A_434 = arith.constant 3.87298346 : f32
        %mul3A_435 = vector.broadcast %mul3A_434 : f32 to vector<16xf32>
        %mul3A_436 = arith.mulf %mul3A_435, %mul3A_419 : vector<16xf32>
        %mul3A_437 = arith.mulf %mul3A_436, %mul3A_421 : vector<16xf32>
        %mul3A_438 = arith.constant 3.87298346 : f32
        %mul3A_439 = vector.broadcast %mul3A_438 : f32 to vector<16xf32>
        %mul3A_440 = arith.mulf %mul3A_439, %mul3A_419 : vector<16xf32>
        %mul3A_441 = arith.mulf %mul3A_440, %mul3A_420 : vector<16xf32>
        %add3A_442 = arith.addf %mul3A_422, %mul3A_424 : vector<16xf32>
        %mul3A_443 = arith.constant 5.000000e-01 : f32
        %mul3A_444 = vector.broadcast %mul3A_443 : f32 to vector<16xf32>
        %mul3A_445 = arith.mulf %mul3A_444, %add3A_442 : vector<16xf32>
        %sub3A_446 = arith.subf %mul3A_423, %mul3A_445 : vector<16xf32>
        %mul3A_447 = arith.constant 2.23606801 : f32
        %mul3A_448 = vector.broadcast %mul3A_447 : f32 to vector<16xf32>
        %mul3A_449 = arith.mulf %mul3A_448, %sub3A_446 : vector<16xf32>
        %mul3A_450 = arith.constant 3.87298346 : f32
        %mul3A_451 = vector.broadcast %mul3A_450 : f32 to vector<16xf32>
        %mul3A_452 = arith.mulf %mul3A_451, %mul3A_420 : vector<16xf32>
        %mul3A_453 = arith.mulf %mul3A_452, %mul3A_421 : vector<16xf32>
        %sub3A_454 = arith.subf %mul3A_424, %mul3A_422 : vector<16xf32>
        %mul3A_455 = arith.constant 1.93649173 : f32
        %mul3A_456 = vector.broadcast %mul3A_455 : f32 to vector<16xf32>
        %mul3A_457 = arith.mulf %mul3A_456, %sub3A_454 : vector<16xf32>
        %mul3A_458 = arith.constant 144 : i32
        %mul3A_459 = arith.muli %while3A_371, %mul3A_458 : i32
        %add3A_460 = vector.broadcast %mul3A_459 : i32 to vector<16xi32>
        %add3A_461 = arith.addi %add3A_460, %mul3A_3 : vector<16xi32>
        %add3A_462 = arith.constant 0 : i32
        %add3A_463 = vector.broadcast %add3A_462 : i32 to vector<16xi32>
        %add3A_464 = arith.addi %add3A_461, %add3A_463 : vector<16xi32>
        tpu.vector_store_idx %arg18[%add3A_464], %broadcast_in_dim3A_4 : memref<7200xf32, #tpu.memory_space<vmem>>[vector<16xi32>], vector<16xf32>,
        %add3A_465 = arith.constant 1 : i32
        %add3A_466 = vector.broadcast %add3A_465 : i32 to vector<16xi32>
        %add3A_467 = arith.addi %add3A_461, %add3A_466 : vector<16xi32>
        tpu.vector_store_idx %arg18[%add3A_467], %mul3A_427 : memref<7200xf32, #tpu.memory_space<vmem>>[vector<16xi32>], vector<16xf32>,
        %add3A_468 = arith.constant 2 : i32
        %add3A_469 = vector.broadcast %add3A_468 : i32 to vector<16xi32>
        %add3A_470 = arith.addi %add3A_461, %add3A_469 : vector<16xi32>
        tpu.vector_store_idx %arg18[%add3A_470], %mul3A_430 : memref<7200xf32, #tpu.memory_space<vmem>>[vector<16xi32>], vector<16xf32>,
        %add3A_471 = arith.constant 3 : i32
        %add3A_472 = vector.broadcast %add3A_471 : i32 to vector<16xi32>
        %add3A_473 = arith.addi %add3A_461, %add3A_472 : vector<16xi32>
        tpu.vector_store_idx %arg18[%add3A_473], %mul3A_433 : memref<7200xf32, #tpu.memory_space<vmem>>[vector<16xi32>], vector<16xf32>,
        %add3A_474 = arith.constant 4 : i32
        %add3A_475 = vector.broadcast %add3A_474 : i32 to vector<16xi32>
        %add3A_476 = arith.addi %add3A_461, %add3A_475 : vector<16xi32>
        tpu.vector_store_idx %arg18[%add3A_476], %mul3A_437 : memref<7200xf32, #tpu.memory_space<vmem>>[vector<16xi32>], vector<16xf32>,
        %add3A_477 = arith.constant 5 : i32
        %add3A_478 = vector.broadcast %add3A_477 : i32 to vector<16xi32>
        %add3A_479 = arith.addi %add3A_461, %add3A_478 : vector<16xi32>
        tpu.vector_store_idx %arg18[%add3A_479], %mul3A_441 : memref<7200xf32, #tpu.memory_space<vmem>>[vector<16xi32>], vector<16xf32>,
        %add3A_480 = arith.constant 6 : i32
        %add3A_481 = vector.broadcast %add3A_480 : i32 to vector<16xi32>
        %add3A_482 = arith.addi %add3A_461, %add3A_481 : vector<16xi32>
        tpu.vector_store_idx %arg18[%add3A_482], %mul3A_449 : memref<7200xf32, #tpu.memory_space<vmem>>[vector<16xi32>], vector<16xf32>,
        %add3A_483 = arith.constant 7 : i32
        %add3A_484 = vector.broadcast %add3A_483 : i32 to vector<16xi32>
        %add3A_485 = arith.addi %add3A_461, %add3A_484 : vector<16xi32>
        tpu.vector_store_idx %arg18[%add3A_485], %mul3A_453 : memref<7200xf32, #tpu.memory_space<vmem>>[vector<16xi32>], vector<16xf32>,
        %add3A_486 = arith.constant 8 : i32
        %add3A_487 = vector.broadcast %add3A_486 : i32 to vector<16xi32>
        %add3A_488 = arith.addi %add3A_461, %add3A_487 : vector<16xi32>
        tpu.vector_store_idx %arg18[%add3A_488], %mul3A_457 : memref<7200xf32, #tpu.memory_space<vmem>>[vector<16xi32>], vector<16xf32>,
        %while3A_489 = arith.constant 0 : i32
        scf.yield %while3A_489 : i32
      }
      %while3A_361 = arith.constant 1 : i32
      %while3A_362 = scf.for %while3A_371 = %while3A_358 to %while3A_354 step %while3A_361 iter_args(%while3A_372 = %while3A_360) -> (i32)  : i32 {
        %mul3A_373 = arith.constant 16 : i32
        %mul3A_374 = arith.muli %while3A_371, %mul3A_373 : i32
        %add3A_375 = vector.broadcast %mul3A_374 : i32 to vector<16xi32>
        %add3A_376 = arith.addi %add3A_375, %iota3A : vector<16xi32>
        %gather3A = tpu.vector_load_idx %arg14[%add3A_376, %broadcast_in_dim3A_343] : memref<1600x4xf32, #tpu.memory_space<vmem>>[vector<16xi32>, vector<16xi32>], vector<16xf32>,
        %gather3A_377 = tpu.vector_load_idx %arg14[%add3A_376, %add3A_346] : memref<1600x4xf32, #tpu.memory_space<vmem>>[vector<16xi32>, vector<16xi32>], vector<16xf32>,
        %gather3A_378 = tpu.vector_load_idx %arg14[%add3A_376, %add3A_349] : memref<1600x4xf32, #tpu.memory_space<vmem>>[vector<16xi32>, vector<16xi32>], vector<16xf32>,
        %gather3A_379 = tpu.vector_load_idx %arg16[%add3A_376, %broadcast_in_dim3A_343] : memref<1600x4xf32, #tpu.memory_space<vmem>>[vector<16xi32>, vector<16xi32>], vector<16xf32>,
        %gather3A_380 = tpu.vector_load_idx %arg16[%add3A_376, %add3A_346] : memref<1600x4xf32, #tpu.memory_space<vmem>>[vector<16xi32>, vector<16xi32>], vector<16xf32>,
        %gather3A_381 = tpu.vector_load_idx %arg16[%add3A_376, %add3A_349] : memref<1600x4xf32, #tpu.memory_space<vmem>>[vector<16xi32>, vector<16xi32>], vector<16xf32>,
        %sub3A_382 = arith.subf %gather3A, %gather3A_379 : vector<16xf32>
        %sub3A_383 = arith.subf %gather3A_377, %gather3A_380 : vector<16xf32>
        %sub3A_384 = arith.subf %gather3A_378, %gather3A_381 : vector<16xf32>
        %mul3A_385 = arith.mulf %sub3A_382, %sub3A_382 : vector<16xf32>
        %mul3A_386 = arith.mulf %sub3A_383, %sub3A_383 : vector<16xf32>
        %add3A_387 = arith.addf %mul3A_385, %mul3A_386 : vector<16xf32>
        %mul3A_388 = arith.mulf %sub3A_384, %sub3A_384 : vector<16xf32>
        %add3A_389 = arith.addf %add3A_387, %mul3A_388 : vector<16xf32>
        %bitcast3A = vector.bitcast %add3A_389 : vector<16xf32> to vector<16xi32>
        %shift_right_arithmetic3A = arith.constant 1 : i32
        %shift_right_arithmetic3A_390 = vector.broadcast %shift_right_arithmetic3A : i32 to vector<16xi32>
        %shift_right_arithmetic3A_391 = arith.shrsi %bitcast3A, %shift_right_arithmetic3A_390 : vector<16xi32>
        %sub3A_392 = arith.constant 1597463007 : i32
        %sub3A_393 = vector.broadcast %sub3A_392 : i32 to vector<16xi32>
        %sub3A_394 = arith.subi %sub3A_393, %shift_right_arithmetic3A_391 : vector<16xi32>
        %bitcast3A_395 = vector.bitcast %sub3A_394 : vector<16xi32> to vector<16xf32>
        %mul3A_396 = arith.constant 5.000000e-01 : f32
        %mul3A_397 = vector.broadcast %mul3A_396 : f32 to vector<16xf32>
        %mul3A_398 = arith.mulf %mul3A_397, %add3A_389 : vector<16xf32>
        %mul3A_399 = arith.mulf %mul3A_398, %bitcast3A_395 : vector<16xf32>
        %mul3A_400 = arith.mulf %mul3A_399, %bitcast3A_395 : vector<16xf32>
        %sub3A_401 = arith.constant 1.500000e+00 : f32
        %sub3A_402 = vector.broadcast %sub3A_401 : f32 to vector<16xf32>
        %sub3A_403 = arith.subf %sub3A_402, %mul3A_400 : vector<16xf32>
        %mul3A_404 = arith.mulf %bitcast3A_395, %sub3A_403 : vector<16xf32>
        %mul3A_405 = arith.mulf %mul3A_398, %mul3A_404 : vector<16xf32>
        %mul3A_406 = arith.mulf %mul3A_405, %mul3A_404 : vector<16xf32>
        %sub3A_407 = arith.constant 1.500000e+00 : f32
        %sub3A_408 = vector.broadcast %sub3A_407 : f32 to vector<16xf32>
        %sub3A_409 = arith.subf %sub3A_408, %mul3A_406 : vector<16xf32>
        %mul3A_410 = arith.mulf %mul3A_404, %sub3A_409 : vector<16xf32>
        %mul3A_411 = arith.mulf %mul3A_398, %mul3A_410 : vector<16xf32>
        %mul3A_412 = arith.mulf %mul3A_411, %mul3A_410 : vector<16xf32>
        %sub3A_413 = arith.constant 1.500000e+00 : f32
        %sub3A_414 = vector.broadcast %sub3A_413 : f32 to vector<16xf32>
        %sub3A_415 = arith.subf %sub3A_414, %mul3A_412 : vector<16xf32>
        %mul3A_416 = arith.mulf %mul3A_410, %sub3A_415 : vector<16xf32>
        %min3A = arith.constant 9.99999995E+11 : f32
        %min3A_417 = vector.broadcast %min3A : f32 to vector<16xf32>
        %min3A_418 = arith.minimumf %mul3A_416, %min3A_417 : vector<16xf32>
        %mul3A_419 = arith.mulf %sub3A_382, %min3A_418 : vector<16xf32>
        %mul3A_420 = arith.mulf %sub3A_383, %min3A_418 : vector<16xf32>
        %mul3A_421 = arith.mulf %sub3A_384, %min3A_418 : vector<16xf32>
        %mul3A_422 = arith.mulf %mul3A_419, %mul3A_419 : vector<16xf32>
        %mul3A_423 = arith.mulf %mul3A_420, %mul3A_420 : vector<16xf32>
        %mul3A_424 = arith.mulf %mul3A_421, %mul3A_421 : vector<16xf32>
        %mul3A_425 = arith.constant 1.73205078 : f32
        %mul3A_426 = vector.broadcast %mul3A_425 : f32 to vector<16xf32>
        %mul3A_427 = arith.mulf %mul3A_426, %mul3A_419 : vector<16xf32>
        %mul3A_428 = arith.constant 1.73205078 : f32
        %mul3A_429 = vector.broadcast %mul3A_428 : f32 to vector<16xf32>
        %mul3A_430 = arith.mulf %mul3A_429, %mul3A_420 : vector<16xf32>
        %mul3A_431 = arith.constant 1.73205078 : f32
        %mul3A_432 = vector.broadcast %mul3A_431 : f32 to vector<16xf32>
        %mul3A_433 = arith.mulf %mul3A_432, %mul3A_421 : vector<16xf32>
        %mul3A_434 = arith.constant 3.87298346 : f32
        %mul3A_435 = vector.broadcast %mul3A_434 : f32 to vector<16xf32>
        %mul3A_436 = arith.mulf %mul3A_435, %mul3A_419 : vector<16xf32>
        %mul3A_437 = arith.mulf %mul3A_436, %mul3A_421 : vector<16xf32>
        %mul3A_438 = arith.constant 3.87298346 : f32
        %mul3A_439 = vector.broadcast %mul3A_438 : f32 to vector<16xf32>
        %mul3A_440 = arith.mulf %mul3A_439, %mul3A_419 : vector<16xf32>
        %mul3A_441 = arith.mulf %mul3A_440, %mul3A_420 : vector<16xf32>
        %add3A_442 = arith.addf %mul3A_422, %mul3A_424 : vector<16xf32>
        %mul3A_443 = arith.constant 5.000000e-01 : f32
        %mul3A_444 = vector.broadcast %mul3A_443 : f32 to vector<16xf32>
        %mul3A_445 = arith.mulf %mul3A_444, %add3A_442 : vector<16xf32>
        %sub3A_446 = arith.subf %mul3A_423, %mul3A_445 : vector<16xf32>
        %mul3A_447 = arith.constant 2.23606801 : f32
        %mul3A_448 = vector.broadcast %mul3A_447 : f32 to vector<16xf32>
        %mul3A_449 = arith.mulf %mul3A_448, %sub3A_446 : vector<16xf32>
        %mul3A_450 = arith.constant 3.87298346 : f32
        %mul3A_451 = vector.broadcast %mul3A_450 : f32 to vector<16xf32>
        %mul3A_452 = arith.mulf %mul3A_451, %mul3A_420 : vector<16xf32>
        %mul3A_453 = arith.mulf %mul3A_452, %mul3A_421 : vector<16xf32>
        %sub3A_454 = arith.subf %mul3A_424, %mul3A_422 : vector<16xf32>
        %mul3A_455 = arith.constant 1.93649173 : f32
        %mul3A_456 = vector.broadcast %mul3A_455 : f32 to vector<16xf32>
        %mul3A_457 = arith.mulf %mul3A_456, %sub3A_454 : vector<16xf32>
        %mul3A_458 = arith.constant 144 : i32
        %mul3A_459 = arith.muli %while3A_371, %mul3A_458 : i32
        %add3A_460 = vector.broadcast %mul3A_459 : i32 to vector<16xi32>
        %add3A_461 = arith.addi %add3A_460, %mul3A_3 : vector<16xi32>
        %add3A_462 = arith.constant 0 : i32
        %add3A_463 = vector.broadcast %add3A_462 : i32 to vector<16xi32>
        %add3A_464 = arith.addi %add3A_461, %add3A_463 : vector<16xi32>
        tpu.vector_store_idx %arg18[%add3A_464], %broadcast_in_dim3A_4 : memref<7200xf32, #tpu.memory_space<vmem>>[vector<16xi32>], vector<16xf32>,
        %add3A_465 = arith.constant 1 : i32
        %add3A_466 = vector.broadcast %add3A_465 : i32 to vector<16xi32>
        %add3A_467 = arith.addi %add3A_461, %add3A_466 : vector<16xi32>
        tpu.vector_store_idx %arg18[%add3A_467], %mul3A_427 : memref<7200xf32, #tpu.memory_space<vmem>>[vector<16xi32>], vector<16xf32>,
        %add3A_468 = arith.constant 2 : i32
        %add3A_469 = vector.broadcast %add3A_468 : i32 to vector<16xi32>
        %add3A_470 = arith.addi %add3A_461, %add3A_469 : vector<16xi32>
        tpu.vector_store_idx %arg18[%add3A_470], %mul3A_430 : memref<7200xf32, #tpu.memory_space<vmem>>[vector<16xi32>], vector<16xf32>,
        %add3A_471 = arith.constant 3 : i32
        %add3A_472 = vector.broadcast %add3A_471 : i32 to vector<16xi32>
        %add3A_473 = arith.addi %add3A_461, %add3A_472 : vector<16xi32>
        tpu.vector_store_idx %arg18[%add3A_473], %mul3A_433 : memref<7200xf32, #tpu.memory_space<vmem>>[vector<16xi32>], vector<16xf32>,
        %add3A_474 = arith.constant 4 : i32
        %add3A_475 = vector.broadcast %add3A_474 : i32 to vector<16xi32>
        %add3A_476 = arith.addi %add3A_461, %add3A_475 : vector<16xi32>
        tpu.vector_store_idx %arg18[%add3A_476], %mul3A_437 : memref<7200xf32, #tpu.memory_space<vmem>>[vector<16xi32>], vector<16xf32>,
        %add3A_477 = arith.constant 5 : i32
        %add3A_478 = vector.broadcast %add3A_477 : i32 to vector<16xi32>
        %add3A_479 = arith.addi %add3A_461, %add3A_478 : vector<16xi32>
        tpu.vector_store_idx %arg18[%add3A_479], %mul3A_441 : memref<7200xf32, #tpu.memory_space<vmem>>[vector<16xi32>], vector<16xf32>,
        %add3A_480 = arith.constant 6 : i32
        %add3A_481 = vector.broadcast %add3A_480 : i32 to vector<16xi32>
        %add3A_482 = arith.addi %add3A_461, %add3A_481 : vector<16xi32>
        tpu.vector_store_idx %arg18[%add3A_482], %mul3A_449 : memref<7200xf32, #tpu.memory_space<vmem>>[vector<16xi32>], vector<16xf32>,
        %add3A_483 = arith.constant 7 : i32
        %add3A_484 = vector.broadcast %add3A_483 : i32 to vector<16xi32>
        %add3A_485 = arith.addi %add3A_461, %add3A_484 : vector<16xi32>
        tpu.vector_store_idx %arg18[%add3A_485], %mul3A_453 : memref<7200xf32, #tpu.memory_space<vmem>>[vector<16xi32>], vector<16xf32>,
        %add3A_486 = arith.constant 8 : i32
        %add3A_487 = vector.broadcast %add3A_486 : i32 to vector<16xi32>
        %add3A_488 = arith.addi %add3A_461, %add3A_487 : vector<16xi32>
        tpu.vector_store_idx %arg18[%add3A_488], %mul3A_457 : memref<7200xf32, #tpu.memory_space<vmem>>[vector<16xi32>], vector<16xf32>,
        %while3A_489 = arith.constant 0 : i32
        scf.yield %while3A_489 : i32
      }
      %mul3A_363 = arith.constant 32 : i32
      %mul3A_364 = arith.muli %add3A_325, %mul3A_363 : i32
      %add3A_365 = arith.addi %add3A, %mul3A_364 : i32
      %mul3A_366 = arith.constant 800 : i32
      %mul3A_367 = arith.muli %add3A_365, %mul3A_366 : i32
      %mul3A_368 = arith.constant 9 : i32
      %mul3A_369 = arith.muli %mul3A_367, %mul3A_368 : i32
      "tpu.region"() ({
        %run_scoped3A_371 = tpu.sem_alloc : memref<!tpu.dma_semaphore, #tpu.memory_space<semaphore_mem>>
        %dma_start3A_372 = tpu.memref_slice %arg4[%mul3A_369] : memref<57600000xf32, #tpu.memory_space<hbm>> -> memref<7200xf32, #tpu.memory_space<hbm>>
        %dma_start3A_373 = tpu.memref_slice %arg4[%mul3A_369] : memref<57600000xf32, #tpu.memory_space<hbm>> -> memref<7200xf32, #tpu.memory_space<hbm>>
        tpu.enqueue_dma source(%arg18 : memref<7200xf32, #tpu.memory_space<vmem>>) target(%dma_start3A_373 : memref<7200xf32, #tpu.memory_space<hbm>>) target_semaphore(%run_scoped3A_371 : memref<!tpu.dma_semaphore, #tpu.memory_space<semaphore_mem>>)
        %dma_wait3A_374 = tpu.memref_slice %arg4[%mul3A_369] : memref<57600000xf32, #tpu.memory_space<hbm>> -> memref<7200xf32, #tpu.memory_space<hbm>>
        %dma_wait3A_375 = tpu.memref_slice %arg4[%mul3A_369] : memref<57600000xf32, #tpu.memory_space<hbm>> -> memref<7200xf32, #tpu.memory_space<hbm>>
        tpu.wait_dma2 semaphore(%run_scoped3A_371 : memref<!tpu.dma_semaphore, #tpu.memory_space<semaphore_mem>>) src(%arg18 : memref<7200xf32, #tpu.memory_space<vmem>>) dst(%dma_wait3A_375 : memref<7200xf32, #tpu.memory_space<hbm>>)
        tpu.yield
      }) : () -> ()
      %while3A_370 = arith.constant 0 : i32
      scf.yield %while3A_370 : i32
    }
    %sub3A_70 = arith.constant 250 : i32
    %sub3A_71 = arith.constant 2 : i32
    %sub3A_72 = arith.subi %sub3A_70, %sub3A_71 : i32
    %add3A_73 = arith.constant 1 : i32
    %add3A_74 = arith.addi %sub3A_72, %add3A_73 : i32
    %mul3A_75 = arith.constant 32 : i32
    %mul3A_76 = arith.muli %add3A_74, %mul3A_75 : i32
    %add3A_77 = arith.addi %add3A, %mul3A_76 : i32
    %mul3A_78 = arith.constant 800 : i32
    %mul3A_79 = arith.muli %add3A_77, %mul3A_78 : i32
    %run_scoped3A_80 = arith.constant 0 : i32
    "tpu.region"() ({
      %run_scoped3A_200 = tpu.sem_alloc : memref<!tpu.dma_semaphore, #tpu.memory_space<semaphore_mem>>
      %dma_start3A_201 = tpu.memref_slice %arg2[%run_scoped3A_80, %mul3A_79] : memref<2x6400000xi32, #tpu.memory_space<hbm>> -> memref<1x800xi32, #tpu.memory_space<hbm>>
      %dma_start3A_202 = tpu.memref_squeeze %dma_start3A_201 : memref<1x800xi32, #tpu.memory_space<hbm>> -> memref<800xi32, #tpu.memory_space<hbm>>
      %dma_start3A_203 = tpu.memref_slice %arg2[%run_scoped3A_80, %mul3A_79] : memref<2x6400000xi32, #tpu.memory_space<hbm>> -> memref<1x800xi32, #tpu.memory_space<hbm>>
      %dma_start3A_204 = tpu.memref_squeeze %dma_start3A_203 : memref<1x800xi32, #tpu.memory_space<hbm>> -> memref<800xi32, #tpu.memory_space<hbm>>
      tpu.enqueue_dma source(%dma_start3A_204 : memref<800xi32, #tpu.memory_space<hbm>>) target(%arg6 : memref<800xi32, #tpu.memory_space<vmem>>) target_semaphore(%run_scoped3A_200 : memref<!tpu.dma_semaphore, #tpu.memory_space<semaphore_mem>>)
      %dma_wait3A_205 = tpu.memref_slice %arg2[%run_scoped3A_80, %mul3A_79] : memref<2x6400000xi32, #tpu.memory_space<hbm>> -> memref<1x800xi32, #tpu.memory_space<hbm>>
      %dma_wait3A_206 = tpu.memref_squeeze %dma_wait3A_205 : memref<1x800xi32, #tpu.memory_space<hbm>> -> memref<800xi32, #tpu.memory_space<hbm>>
      %dma_wait3A_207 = tpu.memref_slice %arg2[%run_scoped3A_80, %mul3A_79] : memref<2x6400000xi32, #tpu.memory_space<hbm>> -> memref<1x800xi32, #tpu.memory_space<hbm>>
      %dma_wait3A_208 = tpu.memref_squeeze %dma_wait3A_207 : memref<1x800xi32, #tpu.memory_space<hbm>> -> memref<800xi32, #tpu.memory_space<hbm>>
      tpu.wait_dma2 semaphore(%run_scoped3A_200 : memref<!tpu.dma_semaphore, #tpu.memory_space<semaphore_mem>>) src(%dma_wait3A_208 : memref<800xi32, #tpu.memory_space<hbm>>) dst(%arg6 : memref<800xi32, #tpu.memory_space<vmem>>)
      tpu.yield
    }) : () -> ()
    %run_scoped3A_81 = arith.constant 1 : i32
    "tpu.region"() ({
      %run_scoped3A_200 = tpu.sem_alloc : memref<!tpu.dma_semaphore, #tpu.memory_space<semaphore_mem>>
      %dma_start3A_201 = tpu.memref_slice %arg2[%run_scoped3A_81, %mul3A_79] : memref<2x6400000xi32, #tpu.memory_space<hbm>> -> memref<1x800xi32, #tpu.memory_space<hbm>>
      %dma_start3A_202 = tpu.memref_squeeze %dma_start3A_201 : memref<1x800xi32, #tpu.memory_space<hbm>> -> memref<800xi32, #tpu.memory_space<hbm>>
      %dma_start3A_203 = tpu.memref_slice %arg2[%run_scoped3A_81, %mul3A_79] : memref<2x6400000xi32, #tpu.memory_space<hbm>> -> memref<1x800xi32, #tpu.memory_space<hbm>>
      %dma_start3A_204 = tpu.memref_squeeze %dma_start3A_203 : memref<1x800xi32, #tpu.memory_space<hbm>> -> memref<800xi32, #tpu.memory_space<hbm>>
      tpu.enqueue_dma source(%dma_start3A_204 : memref<800xi32, #tpu.memory_space<hbm>>) target(%arg8 : memref<800xi32, #tpu.memory_space<vmem>>) target_semaphore(%run_scoped3A_200 : memref<!tpu.dma_semaphore, #tpu.memory_space<semaphore_mem>>)
      %dma_wait3A_205 = tpu.memref_slice %arg2[%run_scoped3A_81, %mul3A_79] : memref<2x6400000xi32, #tpu.memory_space<hbm>> -> memref<1x800xi32, #tpu.memory_space<hbm>>
      %dma_wait3A_206 = tpu.memref_squeeze %dma_wait3A_205 : memref<1x800xi32, #tpu.memory_space<hbm>> -> memref<800xi32, #tpu.memory_space<hbm>>
      %dma_wait3A_207 = tpu.memref_slice %arg2[%run_scoped3A_81, %mul3A_79] : memref<2x6400000xi32, #tpu.memory_space<hbm>> -> memref<1x800xi32, #tpu.memory_space<hbm>>
      %dma_wait3A_208 = tpu.memref_squeeze %dma_wait3A_207 : memref<1x800xi32, #tpu.memory_space<hbm>> -> memref<800xi32, #tpu.memory_space<hbm>>
      tpu.wait_dma2 semaphore(%run_scoped3A_200 : memref<!tpu.dma_semaphore, #tpu.memory_space<semaphore_mem>>) src(%dma_wait3A_208 : memref<800xi32, #tpu.memory_space<hbm>>) dst(%arg8 : memref<800xi32, #tpu.memory_space<vmem>>)
      tpu.yield
    }) : () -> ()
    %while3A_82 = arith.constant 0 : i32
    %while3A_83 = arith.constant 50 : i32
    %while3A_84 = arith.constant 0 : i32
    %while3A_85 = arith.subi %while3A_83, %while3A_82 : i32
    %while3A_86 = arith.addi %while3A_82, %while3A_85 : i32
    %while3A_87 = arith.constant 1 : i32
    %while3A_88 = arith.divsi %while3A_85, %while3A_87 : i32
    %while3A_89 = arith.muli %while3A_88, %while3A_87 : i32
    %while3A_90 = arith.addi %while3A_82, %while3A_89 : i32
    %while3A_91 = arith.constant 1 : i32
    %while3A_92 = scf.for %while3A_200 = %while3A_82 to %while3A_90 step %while3A_91 iter_args(%while3A_201 = %while3A_84) -> (i32)  : i32 {
      %mul3A_202 = arith.constant 16 : i32
      %mul3A_203 = arith.muli %while3A_200, %mul3A_202 : i32
      %add3A_204 = vector.broadcast %mul3A_203 : i32 to vector<16xi32>
      %add3A_205 = arith.addi %add3A_204, %iota3A : vector<16xi32>
      %mul3A_206 = arith.constant 2 : i32
      %mul3A_207 = vector.broadcast %mul3A_206 : i32 to vector<16xi32>
      %mul3A_208 = arith.muli %add3A_205, %mul3A_207 : vector<16xi32>
      %mul3A_209 = arith.constant 16 : i32
      %mul3A_210 = arith.muli %while3A_200, %mul3A_209 : i32
      %get3A = arith.index_cast %mul3A_210 : i32 to index
      %get3A_211 = tpu.vector_load %arg6[%get3A] {strides = array<i32>} : memref<800xi32, #tpu.memory_space<vmem>>, vector<16xi32>,
      %mul3A_212 = arith.constant 2 : i32
      %mul3A_213 = vector.broadcast %mul3A_212 : i32 to vector<16xi32>
      %mul3A_214 = arith.muli %get3A_211, %mul3A_213 : vector<16xi32>
      tpu.vector_store_idx %arg10[%mul3A_208], %mul3A_214 : memref<1600xi32, #tpu.memory_space<vmem>>[vector<16xi32>], vector<16xi32>,
      %mul3A_215 = arith.constant 16 : i32
      %mul3A_216 = arith.muli %while3A_200, %mul3A_215 : i32
      %get3A_217 = arith.index_cast %mul3A_216 : i32 to index
      %get3A_218 = tpu.vector_load %arg8[%get3A_217] {strides = array<i32>} : memref<800xi32, #tpu.memory_space<vmem>>, vector<16xi32>,
      %mul3A_219 = arith.constant 2 : i32
      %mul3A_220 = vector.broadcast %mul3A_219 : i32 to vector<16xi32>
      %mul3A_221 = arith.muli %get3A_218, %mul3A_220 : vector<16xi32>
      tpu.vector_store_idx %arg12[%mul3A_208], %mul3A_221 : memref<1600xi32, #tpu.memory_space<vmem>>[vector<16xi32>], vector<16xi32>,
      %while3A_222 = arith.constant 0 : i32
      scf.yield %while3A_222 : i32
    }
    %while3A_93 = arith.constant 1 : i32
    %while3A_94 = scf.for %while3A_200 = %while3A_90 to %while3A_86 step %while3A_93 iter_args(%while3A_201 = %while3A_92) -> (i32)  : i32 {
      %mul3A_202 = arith.constant 16 : i32
      %mul3A_203 = arith.muli %while3A_200, %mul3A_202 : i32
      %add3A_204 = vector.broadcast %mul3A_203 : i32 to vector<16xi32>
      %add3A_205 = arith.addi %add3A_204, %iota3A : vector<16xi32>
      %mul3A_206 = arith.constant 2 : i32
      %mul3A_207 = vector.broadcast %mul3A_206 : i32 to vector<16xi32>
      %mul3A_208 = arith.muli %add3A_205, %mul3A_207 : vector<16xi32>
      %mul3A_209 = arith.constant 16 : i32
      %mul3A_210 = arith.muli %while3A_200, %mul3A_209 : i32
      %get3A = arith.index_cast %mul3A_210 : i32 to index
      %get3A_211 = tpu.vector_load %arg6[%get3A] {strides = array<i32>} : memref<800xi32, #tpu.memory_space<vmem>>, vector<16xi32>,
      %mul3A_212 = arith.constant 2 : i32
      %mul3A_213 = vector.broadcast %mul3A_212 : i32 to vector<16xi32>
      %mul3A_214 = arith.muli %get3A_211, %mul3A_213 : vector<16xi32>
      tpu.vector_store_idx %arg10[%mul3A_208], %mul3A_214 : memref<1600xi32, #tpu.memory_space<vmem>>[vector<16xi32>], vector<16xi32>,
      %mul3A_215 = arith.constant 16 : i32
      %mul3A_216 = arith.muli %while3A_200, %mul3A_215 : i32
      %get3A_217 = arith.index_cast %mul3A_216 : i32 to index
      %get3A_218 = tpu.vector_load %arg8[%get3A_217] {strides = array<i32>} : memref<800xi32, #tpu.memory_space<vmem>>, vector<16xi32>,
      %mul3A_219 = arith.constant 2 : i32
      %mul3A_220 = vector.broadcast %mul3A_219 : i32 to vector<16xi32>
      %mul3A_221 = arith.muli %get3A_218, %mul3A_220 : vector<16xi32>
      tpu.vector_store_idx %arg12[%mul3A_208], %mul3A_221 : memref<1600xi32, #tpu.memory_space<vmem>>[vector<16xi32>], vector<16xi32>,
      %while3A_222 = arith.constant 0 : i32
      scf.yield %while3A_222 : i32
    }
    %dma_start3A_95 = arith.constant 0 : i32
    %dma_start3A_96 = arith.constant 0 : i32
    %dma_start3A_97 = tpu.memref_slice %arg14[%dma_start3A_95, %dma_start3A_96] : memref<1600x4xf32, #tpu.memory_space<vmem>> -> memref<1600x4xf32, #tpu.memory_space<vmem>>
    %dma_start3A_98 = arith.constant 0 : i32
    %dma_start3A_99 = tpu.memref_slice %arg10[%dma_start3A_98] : memref<1600xi32, #tpu.memory_space<vmem>> -> memref<1600xi32, #tpu.memory_space<vmem>>
    %dma_start3A_100 = arith.constant 0 : i32
    %dma_start3A_101 = arith.constant 0 : i32
    %dma_start3A_102 = tpu.memref_slice %arg3[%dma_start3A_100, %dma_start3A_101] : memref<100000x4xf32, #tpu.memory_space<hbm>> -> memref<100000x4xf32, #tpu.memory_space<hbm>>
    tpu.enqueue_indirect_dma source(%dma_start3A_102 : memref<100000x4xf32, #tpu.memory_space<hbm>>) target(%dma_start3A_97 : memref<1600x4xf32, #tpu.memory_space<vmem>>) offsets(%dma_start3A_99 : memref<1600xi32, #tpu.memory_space<vmem>>) semaphore(%arg19 : memref<!tpu.dma_semaphore, #tpu.memory_space<semaphore_mem>>)
    %dma_start3A_103 = arith.constant 0 : i32
    %dma_start3A_104 = arith.constant 0 : i32
    %dma_start3A_105 = tpu.memref_slice %arg16[%dma_start3A_103, %dma_start3A_104] : memref<1600x4xf32, #tpu.memory_space<vmem>> -> memref<1600x4xf32, #tpu.memory_space<vmem>>
    %dma_start3A_106 = arith.constant 0 : i32
    %dma_start3A_107 = tpu.memref_slice %arg12[%dma_start3A_106] : memref<1600xi32, #tpu.memory_space<vmem>> -> memref<1600xi32, #tpu.memory_space<vmem>>
    %dma_start3A_108 = arith.constant 0 : i32
    %dma_start3A_109 = arith.constant 0 : i32
    %dma_start3A_110 = tpu.memref_slice %arg3[%dma_start3A_108, %dma_start3A_109] : memref<100000x4xf32, #tpu.memory_space<hbm>> -> memref<100000x4xf32, #tpu.memory_space<hbm>>
    tpu.enqueue_indirect_dma source(%dma_start3A_110 : memref<100000x4xf32, #tpu.memory_space<hbm>>) target(%dma_start3A_105 : memref<1600x4xf32, #tpu.memory_space<vmem>>) offsets(%dma_start3A_107 : memref<1600xi32, #tpu.memory_space<vmem>>) semaphore(%arg19 : memref<!tpu.dma_semaphore, #tpu.memory_space<semaphore_mem>>)
    %dma_wait3A = arith.constant 0 : i32
    %dma_wait3A_111 = arith.constant 0 : i32
    %dma_wait3A_112 = tpu.memref_slice %arg13[%dma_wait3A, %dma_wait3A_111] : memref<1600x4xf32, #tpu.memory_space<vmem>> -> memref<1600x4xf32, #tpu.memory_space<vmem>>
    %dma_wait3A_113 = arith.constant 0 : i32
    %dma_wait3A_114 = tpu.memref_slice %arg9[%dma_wait3A_113] : memref<1600xi32, #tpu.memory_space<vmem>> -> memref<1600xi32, #tpu.memory_space<vmem>>
    %dma_wait3A_115 = arith.constant 0 : i32
    %dma_wait3A_116 = arith.constant 0 : i32
    %dma_wait3A_117 = tpu.memref_slice %arg3[%dma_wait3A_115, %dma_wait3A_116] : memref<100000x4xf32, #tpu.memory_space<hbm>> -> memref<100000x4xf32, #tpu.memory_space<hbm>>
    tpu.wait_indirect_dma semaphore(%arg19 : memref<!tpu.dma_semaphore, #tpu.memory_space<semaphore_mem>>) src(%dma_wait3A_117 : memref<100000x4xf32, #tpu.memory_space<hbm>>) dst(%dma_wait3A_112 : memref<1600x4xf32, #tpu.memory_space<vmem>>)
    %dma_wait3A_118 = arith.constant 0 : i32
    %dma_wait3A_119 = arith.constant 0 : i32
    %dma_wait3A_120 = tpu.memref_slice %arg15[%dma_wait3A_118, %dma_wait3A_119] : memref<1600x4xf32, #tpu.memory_space<vmem>> -> memref<1600x4xf32, #tpu.memory_space<vmem>>
    %dma_wait3A_121 = arith.constant 0 : i32
    %dma_wait3A_122 = tpu.memref_slice %arg11[%dma_wait3A_121] : memref<1600xi32, #tpu.memory_space<vmem>> -> memref<1600xi32, #tpu.memory_space<vmem>>
    %dma_wait3A_123 = arith.constant 0 : i32
    %dma_wait3A_124 = arith.constant 0 : i32
    %dma_wait3A_125 = tpu.memref_slice %arg3[%dma_wait3A_123, %dma_wait3A_124] : memref<100000x4xf32, #tpu.memory_space<hbm>> -> memref<100000x4xf32, #tpu.memory_space<hbm>>
    tpu.wait_indirect_dma semaphore(%arg19 : memref<!tpu.dma_semaphore, #tpu.memory_space<semaphore_mem>>) src(%dma_wait3A_125 : memref<100000x4xf32, #tpu.memory_space<hbm>>) dst(%dma_wait3A_120 : memref<1600x4xf32, #tpu.memory_space<vmem>>)
    %broadcast_in_dim3A_126 = arith.constant 0 : i32
    %broadcast_in_dim3A_127 = vector.broadcast %broadcast_in_dim3A_126 : i32 to vector<16xi32>
    %add3A_128 = arith.constant 1 : i32
    %add3A_129 = vector.broadcast %add3A_128 : i32 to vector<16xi32>
    %add3A_130 = arith.addi %broadcast_in_dim3A_127, %add3A_129 : vector<16xi32>
    %add3A_131 = arith.constant 2 : i32
    %add3A_132 = vector.broadcast %add3A_131 : i32 to vector<16xi32>
    %add3A_133 = arith.addi %broadcast_in_dim3A_127, %add3A_132 : vector<16xi32>
    %while3A_134 = arith.constant 0 : i32
    %while3A_135 = arith.constant 50 : i32
    %while3A_136 = arith.constant 0 : i32
    %while3A_137 = arith.subi %while3A_135, %while3A_134 : i32
    %while3A_138 = arith.addi %while3A_134, %while3A_137 : i32
    %while3A_139 = arith.constant 1 : i32
    %while3A_140 = arith.divsi %while3A_137, %while3A_139 : i32
    %while3A_141 = arith.muli %while3A_140, %while3A_139 : i32
    %while3A_142 = arith.addi %while3A_134, %while3A_141 : i32
    %while3A_143 = arith.constant 1 : i32
    %while3A_144 = scf.for %while3A_200 = %while3A_134 to %while3A_142 step %while3A_143 iter_args(%while3A_201 = %while3A_136) -> (i32)  : i32 {
      %mul3A_202 = arith.constant 16 : i32
      %mul3A_203 = arith.muli %while3A_200, %mul3A_202 : i32
      %add3A_204 = vector.broadcast %mul3A_203 : i32 to vector<16xi32>
      %add3A_205 = arith.addi %add3A_204, %iota3A : vector<16xi32>
      %gather3A = tpu.vector_load_idx %arg13[%add3A_205, %broadcast_in_dim3A_127] : memref<1600x4xf32, #tpu.memory_space<vmem>>[vector<16xi32>, vector<16xi32>], vector<16xf32>,
      %gather3A_206 = tpu.vector_load_idx %arg13[%add3A_205, %add3A_130] : memref<1600x4xf32, #tpu.memory_space<vmem>>[vector<16xi32>, vector<16xi32>], vector<16xf32>,
      %gather3A_207 = tpu.vector_load_idx %arg13[%add3A_205, %add3A_133] : memref<1600x4xf32, #tpu.memory_space<vmem>>[vector<16xi32>, vector<16xi32>], vector<16xf32>,
      %gather3A_208 = tpu.vector_load_idx %arg15[%add3A_205, %broadcast_in_dim3A_127] : memref<1600x4xf32, #tpu.memory_space<vmem>>[vector<16xi32>, vector<16xi32>], vector<16xf32>,
      %gather3A_209 = tpu.vector_load_idx %arg15[%add3A_205, %add3A_130] : memref<1600x4xf32, #tpu.memory_space<vmem>>[vector<16xi32>, vector<16xi32>], vector<16xf32>,
      %gather3A_210 = tpu.vector_load_idx %arg15[%add3A_205, %add3A_133] : memref<1600x4xf32, #tpu.memory_space<vmem>>[vector<16xi32>, vector<16xi32>], vector<16xf32>,
      %sub3A_211 = arith.subf %gather3A, %gather3A_208 : vector<16xf32>
      %sub3A_212 = arith.subf %gather3A_206, %gather3A_209 : vector<16xf32>
      %sub3A_213 = arith.subf %gather3A_207, %gather3A_210 : vector<16xf32>
      %mul3A_214 = arith.mulf %sub3A_211, %sub3A_211 : vector<16xf32>
      %mul3A_215 = arith.mulf %sub3A_212, %sub3A_212 : vector<16xf32>
      %add3A_216 = arith.addf %mul3A_214, %mul3A_215 : vector<16xf32>
      %mul3A_217 = arith.mulf %sub3A_213, %sub3A_213 : vector<16xf32>
      %add3A_218 = arith.addf %add3A_216, %mul3A_217 : vector<16xf32>
      %bitcast3A = vector.bitcast %add3A_218 : vector<16xf32> to vector<16xi32>
      %shift_right_arithmetic3A = arith.constant 1 : i32
      %shift_right_arithmetic3A_219 = vector.broadcast %shift_right_arithmetic3A : i32 to vector<16xi32>
      %shift_right_arithmetic3A_220 = arith.shrsi %bitcast3A, %shift_right_arithmetic3A_219 : vector<16xi32>
      %sub3A_221 = arith.constant 1597463007 : i32
      %sub3A_222 = vector.broadcast %sub3A_221 : i32 to vector<16xi32>
      %sub3A_223 = arith.subi %sub3A_222, %shift_right_arithmetic3A_220 : vector<16xi32>
      %bitcast3A_224 = vector.bitcast %sub3A_223 : vector<16xi32> to vector<16xf32>
      %mul3A_225 = arith.constant 5.000000e-01 : f32
      %mul3A_226 = vector.broadcast %mul3A_225 : f32 to vector<16xf32>
      %mul3A_227 = arith.mulf %mul3A_226, %add3A_218 : vector<16xf32>
      %mul3A_228 = arith.mulf %mul3A_227, %bitcast3A_224 : vector<16xf32>
      %mul3A_229 = arith.mulf %mul3A_228, %bitcast3A_224 : vector<16xf32>
      %sub3A_230 = arith.constant 1.500000e+00 : f32
      %sub3A_231 = vector.broadcast %sub3A_230 : f32 to vector<16xf32>
      %sub3A_232 = arith.subf %sub3A_231, %mul3A_229 : vector<16xf32>
      %mul3A_233 = arith.mulf %bitcast3A_224, %sub3A_232 : vector<16xf32>
      %mul3A_234 = arith.mulf %mul3A_227, %mul3A_233 : vector<16xf32>
      %mul3A_235 = arith.mulf %mul3A_234, %mul3A_233 : vector<16xf32>
      %sub3A_236 = arith.constant 1.500000e+00 : f32
      %sub3A_237 = vector.broadcast %sub3A_236 : f32 to vector<16xf32>
      %sub3A_238 = arith.subf %sub3A_237, %mul3A_235 : vector<16xf32>
      %mul3A_239 = arith.mulf %mul3A_233, %sub3A_238 : vector<16xf32>
      %mul3A_240 = arith.mulf %mul3A_227, %mul3A_239 : vector<16xf32>
      %mul3A_241 = arith.mulf %mul3A_240, %mul3A_239 : vector<16xf32>
      %sub3A_242 = arith.constant 1.500000e+00 : f32
      %sub3A_243 = vector.broadcast %sub3A_242 : f32 to vector<16xf32>
      %sub3A_244 = arith.subf %sub3A_243, %mul3A_241 : vector<16xf32>
      %mul3A_245 = arith.mulf %mul3A_239, %sub3A_244 : vector<16xf32>
      %min3A = arith.constant 9.99999995E+11 : f32
      %min3A_246 = vector.broadcast %min3A : f32 to vector<16xf32>
      %min3A_247 = arith.minimumf %mul3A_245, %min3A_246 : vector<16xf32>
      %mul3A_248 = arith.mulf %sub3A_211, %min3A_247 : vector<16xf32>
      %mul3A_249 = arith.mulf %sub3A_212, %min3A_247 : vector<16xf32>
      %mul3A_250 = arith.mulf %sub3A_213, %min3A_247 : vector<16xf32>
      %mul3A_251 = arith.mulf %mul3A_248, %mul3A_248 : vector<16xf32>
      %mul3A_252 = arith.mulf %mul3A_249, %mul3A_249 : vector<16xf32>
      %mul3A_253 = arith.mulf %mul3A_250, %mul3A_250 : vector<16xf32>
      %mul3A_254 = arith.constant 1.73205078 : f32
      %mul3A_255 = vector.broadcast %mul3A_254 : f32 to vector<16xf32>
      %mul3A_256 = arith.mulf %mul3A_255, %mul3A_248 : vector<16xf32>
      %mul3A_257 = arith.constant 1.73205078 : f32
      %mul3A_258 = vector.broadcast %mul3A_257 : f32 to vector<16xf32>
      %mul3A_259 = arith.mulf %mul3A_258, %mul3A_249 : vector<16xf32>
      %mul3A_260 = arith.constant 1.73205078 : f32
      %mul3A_261 = vector.broadcast %mul3A_260 : f32 to vector<16xf32>
      %mul3A_262 = arith.mulf %mul3A_261, %mul3A_250 : vector<16xf32>
      %mul3A_263 = arith.constant 3.87298346 : f32
      %mul3A_264 = vector.broadcast %mul3A_263 : f32 to vector<16xf32>
      %mul3A_265 = arith.mulf %mul3A_264, %mul3A_248 : vector<16xf32>
      %mul3A_266 = arith.mulf %mul3A_265, %mul3A_250 : vector<16xf32>
      %mul3A_267 = arith.constant 3.87298346 : f32
      %mul3A_268 = vector.broadcast %mul3A_267 : f32 to vector<16xf32>
      %mul3A_269 = arith.mulf %mul3A_268, %mul3A_248 : vector<16xf32>
      %mul3A_270 = arith.mulf %mul3A_269, %mul3A_249 : vector<16xf32>
      %add3A_271 = arith.addf %mul3A_251, %mul3A_253 : vector<16xf32>
      %mul3A_272 = arith.constant 5.000000e-01 : f32
      %mul3A_273 = vector.broadcast %mul3A_272 : f32 to vector<16xf32>
      %mul3A_274 = arith.mulf %mul3A_273, %add3A_271 : vector<16xf32>
      %sub3A_275 = arith.subf %mul3A_252, %mul3A_274 : vector<16xf32>
      %mul3A_276 = arith.constant 2.23606801 : f32
      %mul3A_277 = vector.broadcast %mul3A_276 : f32 to vector<16xf32>
      %mul3A_278 = arith.mulf %mul3A_277, %sub3A_275 : vector<16xf32>
      %mul3A_279 = arith.constant 3.87298346 : f32
      %mul3A_280 = vector.broadcast %mul3A_279 : f32 to vector<16xf32>
      %mul3A_281 = arith.mulf %mul3A_280, %mul3A_249 : vector<16xf32>
      %mul3A_282 = arith.mulf %mul3A_281, %mul3A_250 : vector<16xf32>
      %sub3A_283 = arith.subf %mul3A_253, %mul3A_251 : vector<16xf32>
      %mul3A_284 = arith.constant 1.93649173 : f32
      %mul3A_285 = vector.broadcast %mul3A_284 : f32 to vector<16xf32>
      %mul3A_286 = arith.mulf %mul3A_285, %sub3A_283 : vector<16xf32>
      %mul3A_287 = arith.constant 144 : i32
      %mul3A_288 = arith.muli %while3A_200, %mul3A_287 : i32
      %add3A_289 = vector.broadcast %mul3A_288 : i32 to vector<16xi32>
      %add3A_290 = arith.addi %add3A_289, %mul3A_3 : vector<16xi32>
      %add3A_291 = arith.constant 0 : i32
      %add3A_292 = vector.broadcast %add3A_291 : i32 to vector<16xi32>
      %add3A_293 = arith.addi %add3A_290, %add3A_292 : vector<16xi32>
      tpu.vector_store_idx %arg17[%add3A_293], %broadcast_in_dim3A_4 : memref<7200xf32, #tpu.memory_space<vmem>>[vector<16xi32>], vector<16xf32>,
      %add3A_294 = arith.constant 1 : i32
      %add3A_295 = vector.broadcast %add3A_294 : i32 to vector<16xi32>
      %add3A_296 = arith.addi %add3A_290, %add3A_295 : vector<16xi32>
      tpu.vector_store_idx %arg17[%add3A_296], %mul3A_256 : memref<7200xf32, #tpu.memory_space<vmem>>[vector<16xi32>], vector<16xf32>,
      %add3A_297 = arith.constant 2 : i32
      %add3A_298 = vector.broadcast %add3A_297 : i32 to vector<16xi32>
      %add3A_299 = arith.addi %add3A_290, %add3A_298 : vector<16xi32>
      tpu.vector_store_idx %arg17[%add3A_299], %mul3A_259 : memref<7200xf32, #tpu.memory_space<vmem>>[vector<16xi32>], vector<16xf32>,
      %add3A_300 = arith.constant 3 : i32
      %add3A_301 = vector.broadcast %add3A_300 : i32 to vector<16xi32>
      %add3A_302 = arith.addi %add3A_290, %add3A_301 : vector<16xi32>
      tpu.vector_store_idx %arg17[%add3A_302], %mul3A_262 : memref<7200xf32, #tpu.memory_space<vmem>>[vector<16xi32>], vector<16xf32>,
      %add3A_303 = arith.constant 4 : i32
      %add3A_304 = vector.broadcast %add3A_303 : i32 to vector<16xi32>
      %add3A_305 = arith.addi %add3A_290, %add3A_304 : vector<16xi32>
      tpu.vector_store_idx %arg17[%add3A_305], %mul3A_266 : memref<7200xf32, #tpu.memory_space<vmem>>[vector<16xi32>], vector<16xf32>,
      %add3A_306 = arith.constant 5 : i32
      %add3A_307 = vector.broadcast %add3A_306 : i32 to vector<16xi32>
      %add3A_308 = arith.addi %add3A_290, %add3A_307 : vector<16xi32>
      tpu.vector_store_idx %arg17[%add3A_308], %mul3A_270 : memref<7200xf32, #tpu.memory_space<vmem>>[vector<16xi32>], vector<16xf32>,
      %add3A_309 = arith.constant 6 : i32
      %add3A_310 = vector.broadcast %add3A_309 : i32 to vector<16xi32>
      %add3A_311 = arith.addi %add3A_290, %add3A_310 : vector<16xi32>
      tpu.vector_store_idx %arg17[%add3A_311], %mul3A_278 : memref<7200xf32, #tpu.memory_space<vmem>>[vector<16xi32>], vector<16xf32>,
      %add3A_312 = arith.constant 7 : i32
      %add3A_313 = vector.broadcast %add3A_312 : i32 to vector<16xi32>
      %add3A_314 = arith.addi %add3A_290, %add3A_313 : vector<16xi32>
      tpu.vector_store_idx %arg17[%add3A_314], %mul3A_282 : memref<7200xf32, #tpu.memory_space<vmem>>[vector<16xi32>], vector<16xf32>,
      %add3A_315 = arith.constant 8 : i32
      %add3A_316 = vector.broadcast %add3A_315 : i32 to vector<16xi32>
      %add3A_317 = arith.addi %add3A_290, %add3A_316 : vector<16xi32>
      tpu.vector_store_idx %arg17[%add3A_317], %mul3A_286 : memref<7200xf32, #tpu.memory_space<vmem>>[vector<16xi32>], vector<16xf32>,
      %while3A_318 = arith.constant 0 : i32
      scf.yield %while3A_318 : i32
    }
    %while3A_145 = arith.constant 1 : i32
    %while3A_146 = scf.for %while3A_200 = %while3A_142 to %while3A_138 step %while3A_145 iter_args(%while3A_201 = %while3A_144) -> (i32)  : i32 {
      %mul3A_202 = arith.constant 16 : i32
      %mul3A_203 = arith.muli %while3A_200, %mul3A_202 : i32
      %add3A_204 = vector.broadcast %mul3A_203 : i32 to vector<16xi32>
      %add3A_205 = arith.addi %add3A_204, %iota3A : vector<16xi32>
      %gather3A = tpu.vector_load_idx %arg13[%add3A_205, %broadcast_in_dim3A_127] : memref<1600x4xf32, #tpu.memory_space<vmem>>[vector<16xi32>, vector<16xi32>], vector<16xf32>,
      %gather3A_206 = tpu.vector_load_idx %arg13[%add3A_205, %add3A_130] : memref<1600x4xf32, #tpu.memory_space<vmem>>[vector<16xi32>, vector<16xi32>], vector<16xf32>,
      %gather3A_207 = tpu.vector_load_idx %arg13[%add3A_205, %add3A_133] : memref<1600x4xf32, #tpu.memory_space<vmem>>[vector<16xi32>, vector<16xi32>], vector<16xf32>,
      %gather3A_208 = tpu.vector_load_idx %arg15[%add3A_205, %broadcast_in_dim3A_127] : memref<1600x4xf32, #tpu.memory_space<vmem>>[vector<16xi32>, vector<16xi32>], vector<16xf32>,
      %gather3A_209 = tpu.vector_load_idx %arg15[%add3A_205, %add3A_130] : memref<1600x4xf32, #tpu.memory_space<vmem>>[vector<16xi32>, vector<16xi32>], vector<16xf32>,
      %gather3A_210 = tpu.vector_load_idx %arg15[%add3A_205, %add3A_133] : memref<1600x4xf32, #tpu.memory_space<vmem>>[vector<16xi32>, vector<16xi32>], vector<16xf32>,
      %sub3A_211 = arith.subf %gather3A, %gather3A_208 : vector<16xf32>
      %sub3A_212 = arith.subf %gather3A_206, %gather3A_209 : vector<16xf32>
      %sub3A_213 = arith.subf %gather3A_207, %gather3A_210 : vector<16xf32>
      %mul3A_214 = arith.mulf %sub3A_211, %sub3A_211 : vector<16xf32>
      %mul3A_215 = arith.mulf %sub3A_212, %sub3A_212 : vector<16xf32>
      %add3A_216 = arith.addf %mul3A_214, %mul3A_215 : vector<16xf32>
      %mul3A_217 = arith.mulf %sub3A_213, %sub3A_213 : vector<16xf32>
      %add3A_218 = arith.addf %add3A_216, %mul3A_217 : vector<16xf32>
      %bitcast3A = vector.bitcast %add3A_218 : vector<16xf32> to vector<16xi32>
      %shift_right_arithmetic3A = arith.constant 1 : i32
      %shift_right_arithmetic3A_219 = vector.broadcast %shift_right_arithmetic3A : i32 to vector<16xi32>
      %shift_right_arithmetic3A_220 = arith.shrsi %bitcast3A, %shift_right_arithmetic3A_219 : vector<16xi32>
      %sub3A_221 = arith.constant 1597463007 : i32
      %sub3A_222 = vector.broadcast %sub3A_221 : i32 to vector<16xi32>
      %sub3A_223 = arith.subi %sub3A_222, %shift_right_arithmetic3A_220 : vector<16xi32>
      %bitcast3A_224 = vector.bitcast %sub3A_223 : vector<16xi32> to vector<16xf32>
      %mul3A_225 = arith.constant 5.000000e-01 : f32
      %mul3A_226 = vector.broadcast %mul3A_225 : f32 to vector<16xf32>
      %mul3A_227 = arith.mulf %mul3A_226, %add3A_218 : vector<16xf32>
      %mul3A_228 = arith.mulf %mul3A_227, %bitcast3A_224 : vector<16xf32>
      %mul3A_229 = arith.mulf %mul3A_228, %bitcast3A_224 : vector<16xf32>
      %sub3A_230 = arith.constant 1.500000e+00 : f32
      %sub3A_231 = vector.broadcast %sub3A_230 : f32 to vector<16xf32>
      %sub3A_232 = arith.subf %sub3A_231, %mul3A_229 : vector<16xf32>
      %mul3A_233 = arith.mulf %bitcast3A_224, %sub3A_232 : vector<16xf32>
      %mul3A_234 = arith.mulf %mul3A_227, %mul3A_233 : vector<16xf32>
      %mul3A_235 = arith.mulf %mul3A_234, %mul3A_233 : vector<16xf32>
      %sub3A_236 = arith.constant 1.500000e+00 : f32
      %sub3A_237 = vector.broadcast %sub3A_236 : f32 to vector<16xf32>
      %sub3A_238 = arith.subf %sub3A_237, %mul3A_235 : vector<16xf32>
      %mul3A_239 = arith.mulf %mul3A_233, %sub3A_238 : vector<16xf32>
      %mul3A_240 = arith.mulf %mul3A_227, %mul3A_239 : vector<16xf32>
      %mul3A_241 = arith.mulf %mul3A_240, %mul3A_239 : vector<16xf32>
      %sub3A_242 = arith.constant 1.500000e+00 : f32
      %sub3A_243 = vector.broadcast %sub3A_242 : f32 to vector<16xf32>
      %sub3A_244 = arith.subf %sub3A_243, %mul3A_241 : vector<16xf32>
      %mul3A_245 = arith.mulf %mul3A_239, %sub3A_244 : vector<16xf32>
      %min3A = arith.constant 9.99999995E+11 : f32
      %min3A_246 = vector.broadcast %min3A : f32 to vector<16xf32>
      %min3A_247 = arith.minimumf %mul3A_245, %min3A_246 : vector<16xf32>
      %mul3A_248 = arith.mulf %sub3A_211, %min3A_247 : vector<16xf32>
      %mul3A_249 = arith.mulf %sub3A_212, %min3A_247 : vector<16xf32>
      %mul3A_250 = arith.mulf %sub3A_213, %min3A_247 : vector<16xf32>
      %mul3A_251 = arith.mulf %mul3A_248, %mul3A_248 : vector<16xf32>
      %mul3A_252 = arith.mulf %mul3A_249, %mul3A_249 : vector<16xf32>
      %mul3A_253 = arith.mulf %mul3A_250, %mul3A_250 : vector<16xf32>
      %mul3A_254 = arith.constant 1.73205078 : f32
      %mul3A_255 = vector.broadcast %mul3A_254 : f32 to vector<16xf32>
      %mul3A_256 = arith.mulf %mul3A_255, %mul3A_248 : vector<16xf32>
      %mul3A_257 = arith.constant 1.73205078 : f32
      %mul3A_258 = vector.broadcast %mul3A_257 : f32 to vector<16xf32>
      %mul3A_259 = arith.mulf %mul3A_258, %mul3A_249 : vector<16xf32>
      %mul3A_260 = arith.constant 1.73205078 : f32
      %mul3A_261 = vector.broadcast %mul3A_260 : f32 to vector<16xf32>
      %mul3A_262 = arith.mulf %mul3A_261, %mul3A_250 : vector<16xf32>
      %mul3A_263 = arith.constant 3.87298346 : f32
      %mul3A_264 = vector.broadcast %mul3A_263 : f32 to vector<16xf32>
      %mul3A_265 = arith.mulf %mul3A_264, %mul3A_248 : vector<16xf32>
      %mul3A_266 = arith.mulf %mul3A_265, %mul3A_250 : vector<16xf32>
      %mul3A_267 = arith.constant 3.87298346 : f32
      %mul3A_268 = vector.broadcast %mul3A_267 : f32 to vector<16xf32>
      %mul3A_269 = arith.mulf %mul3A_268, %mul3A_248 : vector<16xf32>
      %mul3A_270 = arith.mulf %mul3A_269, %mul3A_249 : vector<16xf32>
      %add3A_271 = arith.addf %mul3A_251, %mul3A_253 : vector<16xf32>
      %mul3A_272 = arith.constant 5.000000e-01 : f32
      %mul3A_273 = vector.broadcast %mul3A_272 : f32 to vector<16xf32>
      %mul3A_274 = arith.mulf %mul3A_273, %add3A_271 : vector<16xf32>
      %sub3A_275 = arith.subf %mul3A_252, %mul3A_274 : vector<16xf32>
      %mul3A_276 = arith.constant 2.23606801 : f32
      %mul3A_277 = vector.broadcast %mul3A_276 : f32 to vector<16xf32>
      %mul3A_278 = arith.mulf %mul3A_277, %sub3A_275 : vector<16xf32>
      %mul3A_279 = arith.constant 3.87298346 : f32
      %mul3A_280 = vector.broadcast %mul3A_279 : f32 to vector<16xf32>
      %mul3A_281 = arith.mulf %mul3A_280, %mul3A_249 : vector<16xf32>
      %mul3A_282 = arith.mulf %mul3A_281, %mul3A_250 : vector<16xf32>
      %sub3A_283 = arith.subf %mul3A_253, %mul3A_251 : vector<16xf32>
      %mul3A_284 = arith.constant 1.93649173 : f32
      %mul3A_285 = vector.broadcast %mul3A_284 : f32 to vector<16xf32>
      %mul3A_286 = arith.mulf %mul3A_285, %sub3A_283 : vector<16xf32>
      %mul3A_287 = arith.constant 144 : i32
      %mul3A_288 = arith.muli %while3A_200, %mul3A_287 : i32
      %add3A_289 = vector.broadcast %mul3A_288 : i32 to vector<16xi32>
      %add3A_290 = arith.addi %add3A_289, %mul3A_3 : vector<16xi32>
      %add3A_291 = arith.constant 0 : i32
      %add3A_292 = vector.broadcast %add3A_291 : i32 to vector<16xi32>
      %add3A_293 = arith.addi %add3A_290, %add3A_292 : vector<16xi32>
      tpu.vector_store_idx %arg17[%add3A_293], %broadcast_in_dim3A_4 : memref<7200xf32, #tpu.memory_space<vmem>>[vector<16xi32>], vector<16xf32>,
      %add3A_294 = arith.constant 1 : i32
      %add3A_295 = vector.broadcast %add3A_294 : i32 to vector<16xi32>
      %add3A_296 = arith.addi %add3A_290, %add3A_295 : vector<16xi32>
      tpu.vector_store_idx %arg17[%add3A_296], %mul3A_256 : memref<7200xf32, #tpu.memory_space<vmem>>[vector<16xi32>], vector<16xf32>,
      %add3A_297 = arith.constant 2 : i32
      %add3A_298 = vector.broadcast %add3A_297 : i32 to vector<16xi32>
      %add3A_299 = arith.addi %add3A_290, %add3A_298 : vector<16xi32>
      tpu.vector_store_idx %arg17[%add3A_299], %mul3A_259 : memref<7200xf32, #tpu.memory_space<vmem>>[vector<16xi32>], vector<16xf32>,
      %add3A_300 = arith.constant 3 : i32
      %add3A_301 = vector.broadcast %add3A_300 : i32 to vector<16xi32>
      %add3A_302 = arith.addi %add3A_290, %add3A_301 : vector<16xi32>
      tpu.vector_store_idx %arg17[%add3A_302], %mul3A_262 : memref<7200xf32, #tpu.memory_space<vmem>>[vector<16xi32>], vector<16xf32>,
      %add3A_303 = arith.constant 4 : i32
      %add3A_304 = vector.broadcast %add3A_303 : i32 to vector<16xi32>
      %add3A_305 = arith.addi %add3A_290, %add3A_304 : vector<16xi32>
      tpu.vector_store_idx %arg17[%add3A_305], %mul3A_266 : memref<7200xf32, #tpu.memory_space<vmem>>[vector<16xi32>], vector<16xf32>,
      %add3A_306 = arith.constant 5 : i32
      %add3A_307 = vector.broadcast %add3A_306 : i32 to vector<16xi32>
      %add3A_308 = arith.addi %add3A_290, %add3A_307 : vector<16xi32>
      tpu.vector_store_idx %arg17[%add3A_308], %mul3A_270 : memref<7200xf32, #tpu.memory_space<vmem>>[vector<16xi32>], vector<16xf32>,
      %add3A_309 = arith.constant 6 : i32
      %add3A_310 = vector.broadcast %add3A_309 : i32 to vector<16xi32>
      %add3A_311 = arith.addi %add3A_290, %add3A_310 : vector<16xi32>
      tpu.vector_store_idx %arg17[%add3A_311], %mul3A_278 : memref<7200xf32, #tpu.memory_space<vmem>>[vector<16xi32>], vector<16xf32>,
      %add3A_312 = arith.constant 7 : i32
      %add3A_313 = vector.broadcast %add3A_312 : i32 to vector<16xi32>
      %add3A_314 = arith.addi %add3A_290, %add3A_313 : vector<16xi32>
      tpu.vector_store_idx %arg17[%add3A_314], %mul3A_282 : memref<7200xf32, #tpu.memory_space<vmem>>[vector<16xi32>], vector<16xf32>,
      %add3A_315 = arith.constant 8 : i32
      %add3A_316 = vector.broadcast %add3A_315 : i32 to vector<16xi32>
      %add3A_317 = arith.addi %add3A_290, %add3A_316 : vector<16xi32>
      tpu.vector_store_idx %arg17[%add3A_317], %mul3A_286 : memref<7200xf32, #tpu.memory_space<vmem>>[vector<16xi32>], vector<16xf32>,
      %while3A_318 = arith.constant 0 : i32
      scf.yield %while3A_318 : i32
    }
    %mul3A_147 = arith.constant 32 : i32
    %mul3A_148 = arith.muli %sub3A_72, %mul3A_147 : i32
    %add3A_149 = arith.addi %add3A, %mul3A_148 : i32
    %mul3A_150 = arith.constant 800 : i32
    %mul3A_151 = arith.muli %add3A_149, %mul3A_150 : i32
    %mul3A_152 = arith.constant 9 : i32
    %mul3A_153 = arith.muli %mul3A_151, %mul3A_152 : i32
    "tpu.region"() ({
      %run_scoped3A_200 = tpu.sem_alloc : memref<!tpu.dma_semaphore, #tpu.memory_space<semaphore_mem>>
      %dma_start3A_201 = tpu.memref_slice %arg4[%mul3A_153] : memref<57600000xf32, #tpu.memory_space<hbm>> -> memref<7200xf32, #tpu.memory_space<hbm>>
      %dma_start3A_202 = tpu.memref_slice %arg4[%mul3A_153] : memref<57600000xf32, #tpu.memory_space<hbm>> -> memref<7200xf32, #tpu.memory_space<hbm>>
      tpu.enqueue_dma source(%arg17 : memref<7200xf32, #tpu.memory_space<vmem>>) target(%dma_start3A_202 : memref<7200xf32, #tpu.memory_space<hbm>>) target_semaphore(%run_scoped3A_200 : memref<!tpu.dma_semaphore, #tpu.memory_space<semaphore_mem>>)
      %dma_wait3A_203 = tpu.memref_slice %arg4[%mul3A_153] : memref<57600000xf32, #tpu.memory_space<hbm>> -> memref<7200xf32, #tpu.memory_space<hbm>>
      %dma_wait3A_204 = tpu.memref_slice %arg4[%mul3A_153] : memref<57600000xf32, #tpu.memory_space<hbm>> -> memref<7200xf32, #tpu.memory_space<hbm>>
      tpu.wait_dma2 semaphore(%run_scoped3A_200 : memref<!tpu.dma_semaphore, #tpu.memory_space<semaphore_mem>>) src(%arg17 : memref<7200xf32, #tpu.memory_space<vmem>>) dst(%dma_wait3A_204 : memref<7200xf32, #tpu.memory_space<hbm>>)
      tpu.yield
    }) : () -> ()
    %add3A_154 = arith.constant 1 : i32
    %add3A_155 = arith.addi %sub3A_72, %add3A_154 : i32
    %dma_wait3A_156 = arith.constant 0 : i32
    %dma_wait3A_157 = arith.constant 0 : i32
    %dma_wait3A_158 = tpu.memref_slice %arg14[%dma_wait3A_156, %dma_wait3A_157] : memref<1600x4xf32, #tpu.memory_space<vmem>> -> memref<1600x4xf32, #tpu.memory_space<vmem>>
    %dma_wait3A_159 = arith.constant 0 : i32
    %dma_wait3A_160 = tpu.memref_slice %arg10[%dma_wait3A_159] : memref<1600xi32, #tpu.memory_space<vmem>> -> memref<1600xi32, #tpu.memory_space<vmem>>
    %dma_wait3A_161 = arith.constant 0 : i32
    %dma_wait3A_162 = arith.constant 0 : i32
    %dma_wait3A_163 = tpu.memref_slice %arg3[%dma_wait3A_161, %dma_wait3A_162] : memref<100000x4xf32, #tpu.memory_space<hbm>> -> memref<100000x4xf32, #tpu.memory_space<hbm>>
    tpu.wait_indirect_dma semaphore(%arg19 : memref<!tpu.dma_semaphore, #tpu.memory_space<semaphore_mem>>) src(%dma_wait3A_163 : memref<100000x4xf32, #tpu.memory_space<hbm>>) dst(%dma_wait3A_158 : memref<1600x4xf32, #tpu.memory_space<vmem>>)
    %dma_wait3A_164 = arith.constant 0 : i32
    %dma_wait3A_165 = arith.constant 0 : i32
    %dma_wait3A_166 = tpu.memref_slice %arg16[%dma_wait3A_164, %dma_wait3A_165] : memref<1600x4xf32, #tpu.memory_space<vmem>> -> memref<1600x4xf32, #tpu.memory_space<vmem>>
    %dma_wait3A_167 = arith.constant 0 : i32
    %dma_wait3A_168 = tpu.memref_slice %arg12[%dma_wait3A_167] : memref<1600xi32, #tpu.memory_space<vmem>> -> memref<1600xi32, #tpu.memory_space<vmem>>
    %dma_wait3A_169 = arith.constant 0 : i32
    %dma_wait3A_170 = arith.constant 0 : i32
    %dma_wait3A_171 = tpu.memref_slice %arg3[%dma_wait3A_169, %dma_wait3A_170] : memref<100000x4xf32, #tpu.memory_space<hbm>> -> memref<100000x4xf32, #tpu.memory_space<hbm>>
    tpu.wait_indirect_dma semaphore(%arg19 : memref<!tpu.dma_semaphore, #tpu.memory_space<semaphore_mem>>) src(%dma_wait3A_171 : memref<100000x4xf32, #tpu.memory_space<hbm>>) dst(%dma_wait3A_166 : memref<1600x4xf32, #tpu.memory_space<vmem>>)
    %broadcast_in_dim3A_172 = arith.constant 0 : i32
    %broadcast_in_dim3A_173 = vector.broadcast %broadcast_in_dim3A_172 : i32 to vector<16xi32>
    %add3A_174 = arith.constant 1 : i32
    %add3A_175 = vector.broadcast %add3A_174 : i32 to vector<16xi32>
    %add3A_176 = arith.addi %broadcast_in_dim3A_173, %add3A_175 : vector<16xi32>
    %add3A_177 = arith.constant 2 : i32
    %add3A_178 = vector.broadcast %add3A_177 : i32 to vector<16xi32>
    %add3A_179 = arith.addi %broadcast_in_dim3A_173, %add3A_178 : vector<16xi32>
    %while3A_180 = arith.constant 0 : i32
    %while3A_181 = arith.constant 50 : i32
    %while3A_182 = arith.constant 0 : i32
    %while3A_183 = arith.subi %while3A_181, %while3A_180 : i32
    %while3A_184 = arith.addi %while3A_180, %while3A_183 : i32
    %while3A_185 = arith.constant 1 : i32
    %while3A_186 = arith.divsi %while3A_183, %while3A_185 : i32
    %while3A_187 = arith.muli %while3A_186, %while3A_185 : i32
    %while3A_188 = arith.addi %while3A_180, %while3A_187 : i32
    %while3A_189 = arith.constant 1 : i32
    %while3A_190 = scf.for %while3A_200 = %while3A_180 to %while3A_188 step %while3A_189 iter_args(%while3A_201 = %while3A_182) -> (i32)  : i32 {
      %mul3A_202 = arith.constant 16 : i32
      %mul3A_203 = arith.muli %while3A_200, %mul3A_202 : i32
      %add3A_204 = vector.broadcast %mul3A_203 : i32 to vector<16xi32>
      %add3A_205 = arith.addi %add3A_204, %iota3A : vector<16xi32>
      %gather3A = tpu.vector_load_idx %arg14[%add3A_205, %broadcast_in_dim3A_173] : memref<1600x4xf32, #tpu.memory_space<vmem>>[vector<16xi32>, vector<16xi32>], vector<16xf32>,
      %gather3A_206 = tpu.vector_load_idx %arg14[%add3A_205, %add3A_176] : memref<1600x4xf32, #tpu.memory_space<vmem>>[vector<16xi32>, vector<16xi32>], vector<16xf32>,
      %gather3A_207 = tpu.vector_load_idx %arg14[%add3A_205, %add3A_179] : memref<1600x4xf32, #tpu.memory_space<vmem>>[vector<16xi32>, vector<16xi32>], vector<16xf32>,
      %gather3A_208 = tpu.vector_load_idx %arg16[%add3A_205, %broadcast_in_dim3A_173] : memref<1600x4xf32, #tpu.memory_space<vmem>>[vector<16xi32>, vector<16xi32>], vector<16xf32>,
      %gather3A_209 = tpu.vector_load_idx %arg16[%add3A_205, %add3A_176] : memref<1600x4xf32, #tpu.memory_space<vmem>>[vector<16xi32>, vector<16xi32>], vector<16xf32>,
      %gather3A_210 = tpu.vector_load_idx %arg16[%add3A_205, %add3A_179] : memref<1600x4xf32, #tpu.memory_space<vmem>>[vector<16xi32>, vector<16xi32>], vector<16xf32>,
      %sub3A_211 = arith.subf %gather3A, %gather3A_208 : vector<16xf32>
      %sub3A_212 = arith.subf %gather3A_206, %gather3A_209 : vector<16xf32>
      %sub3A_213 = arith.subf %gather3A_207, %gather3A_210 : vector<16xf32>
      %mul3A_214 = arith.mulf %sub3A_211, %sub3A_211 : vector<16xf32>
      %mul3A_215 = arith.mulf %sub3A_212, %sub3A_212 : vector<16xf32>
      %add3A_216 = arith.addf %mul3A_214, %mul3A_215 : vector<16xf32>
      %mul3A_217 = arith.mulf %sub3A_213, %sub3A_213 : vector<16xf32>
      %add3A_218 = arith.addf %add3A_216, %mul3A_217 : vector<16xf32>
      %bitcast3A = vector.bitcast %add3A_218 : vector<16xf32> to vector<16xi32>
      %shift_right_arithmetic3A = arith.constant 1 : i32
      %shift_right_arithmetic3A_219 = vector.broadcast %shift_right_arithmetic3A : i32 to vector<16xi32>
      %shift_right_arithmetic3A_220 = arith.shrsi %bitcast3A, %shift_right_arithmetic3A_219 : vector<16xi32>
      %sub3A_221 = arith.constant 1597463007 : i32
      %sub3A_222 = vector.broadcast %sub3A_221 : i32 to vector<16xi32>
      %sub3A_223 = arith.subi %sub3A_222, %shift_right_arithmetic3A_220 : vector<16xi32>
      %bitcast3A_224 = vector.bitcast %sub3A_223 : vector<16xi32> to vector<16xf32>
      %mul3A_225 = arith.constant 5.000000e-01 : f32
      %mul3A_226 = vector.broadcast %mul3A_225 : f32 to vector<16xf32>
      %mul3A_227 = arith.mulf %mul3A_226, %add3A_218 : vector<16xf32>
      %mul3A_228 = arith.mulf %mul3A_227, %bitcast3A_224 : vector<16xf32>
      %mul3A_229 = arith.mulf %mul3A_228, %bitcast3A_224 : vector<16xf32>
      %sub3A_230 = arith.constant 1.500000e+00 : f32
      %sub3A_231 = vector.broadcast %sub3A_230 : f32 to vector<16xf32>
      %sub3A_232 = arith.subf %sub3A_231, %mul3A_229 : vector<16xf32>
      %mul3A_233 = arith.mulf %bitcast3A_224, %sub3A_232 : vector<16xf32>
      %mul3A_234 = arith.mulf %mul3A_227, %mul3A_233 : vector<16xf32>
      %mul3A_235 = arith.mulf %mul3A_234, %mul3A_233 : vector<16xf32>
      %sub3A_236 = arith.constant 1.500000e+00 : f32
      %sub3A_237 = vector.broadcast %sub3A_236 : f32 to vector<16xf32>
      %sub3A_238 = arith.subf %sub3A_237, %mul3A_235 : vector<16xf32>
      %mul3A_239 = arith.mulf %mul3A_233, %sub3A_238 : vector<16xf32>
      %mul3A_240 = arith.mulf %mul3A_227, %mul3A_239 : vector<16xf32>
      %mul3A_241 = arith.mulf %mul3A_240, %mul3A_239 : vector<16xf32>
      %sub3A_242 = arith.constant 1.500000e+00 : f32
      %sub3A_243 = vector.broadcast %sub3A_242 : f32 to vector<16xf32>
      %sub3A_244 = arith.subf %sub3A_243, %mul3A_241 : vector<16xf32>
      %mul3A_245 = arith.mulf %mul3A_239, %sub3A_244 : vector<16xf32>
      %min3A = arith.constant 9.99999995E+11 : f32
      %min3A_246 = vector.broadcast %min3A : f32 to vector<16xf32>
      %min3A_247 = arith.minimumf %mul3A_245, %min3A_246 : vector<16xf32>
      %mul3A_248 = arith.mulf %sub3A_211, %min3A_247 : vector<16xf32>
      %mul3A_249 = arith.mulf %sub3A_212, %min3A_247 : vector<16xf32>
      %mul3A_250 = arith.mulf %sub3A_213, %min3A_247 : vector<16xf32>
      %mul3A_251 = arith.mulf %mul3A_248, %mul3A_248 : vector<16xf32>
      %mul3A_252 = arith.mulf %mul3A_249, %mul3A_249 : vector<16xf32>
      %mul3A_253 = arith.mulf %mul3A_250, %mul3A_250 : vector<16xf32>
      %mul3A_254 = arith.constant 1.73205078 : f32
      %mul3A_255 = vector.broadcast %mul3A_254 : f32 to vector<16xf32>
      %mul3A_256 = arith.mulf %mul3A_255, %mul3A_248 : vector<16xf32>
      %mul3A_257 = arith.constant 1.73205078 : f32
      %mul3A_258 = vector.broadcast %mul3A_257 : f32 to vector<16xf32>
      %mul3A_259 = arith.mulf %mul3A_258, %mul3A_249 : vector<16xf32>
      %mul3A_260 = arith.constant 1.73205078 : f32
      %mul3A_261 = vector.broadcast %mul3A_260 : f32 to vector<16xf32>
      %mul3A_262 = arith.mulf %mul3A_261, %mul3A_250 : vector<16xf32>
      %mul3A_263 = arith.constant 3.87298346 : f32
      %mul3A_264 = vector.broadcast %mul3A_263 : f32 to vector<16xf32>
      %mul3A_265 = arith.mulf %mul3A_264, %mul3A_248 : vector<16xf32>
      %mul3A_266 = arith.mulf %mul3A_265, %mul3A_250 : vector<16xf32>
      %mul3A_267 = arith.constant 3.87298346 : f32
      %mul3A_268 = vector.broadcast %mul3A_267 : f32 to vector<16xf32>
      %mul3A_269 = arith.mulf %mul3A_268, %mul3A_248 : vector<16xf32>
      %mul3A_270 = arith.mulf %mul3A_269, %mul3A_249 : vector<16xf32>
      %add3A_271 = arith.addf %mul3A_251, %mul3A_253 : vector<16xf32>
      %mul3A_272 = arith.constant 5.000000e-01 : f32
      %mul3A_273 = vector.broadcast %mul3A_272 : f32 to vector<16xf32>
      %mul3A_274 = arith.mulf %mul3A_273, %add3A_271 : vector<16xf32>
      %sub3A_275 = arith.subf %mul3A_252, %mul3A_274 : vector<16xf32>
      %mul3A_276 = arith.constant 2.23606801 : f32
      %mul3A_277 = vector.broadcast %mul3A_276 : f32 to vector<16xf32>
      %mul3A_278 = arith.mulf %mul3A_277, %sub3A_275 : vector<16xf32>
      %mul3A_279 = arith.constant 3.87298346 : f32
      %mul3A_280 = vector.broadcast %mul3A_279 : f32 to vector<16xf32>
      %mul3A_281 = arith.mulf %mul3A_280, %mul3A_249 : vector<16xf32>
      %mul3A_282 = arith.mulf %mul3A_281, %mul3A_250 : vector<16xf32>
      %sub3A_283 = arith.subf %mul3A_253, %mul3A_251 : vector<16xf32>
      %mul3A_284 = arith.constant 1.93649173 : f32
      %mul3A_285 = vector.broadcast %mul3A_284 : f32 to vector<16xf32>
      %mul3A_286 = arith.mulf %mul3A_285, %sub3A_283 : vector<16xf32>
      %mul3A_287 = arith.constant 144 : i32
      %mul3A_288 = arith.muli %while3A_200, %mul3A_287 : i32
      %add3A_289 = vector.broadcast %mul3A_288 : i32 to vector<16xi32>
      %add3A_290 = arith.addi %add3A_289, %mul3A_3 : vector<16xi32>
      %add3A_291 = arith.constant 0 : i32
      %add3A_292 = vector.broadcast %add3A_291 : i32 to vector<16xi32>
      %add3A_293 = arith.addi %add3A_290, %add3A_292 : vector<16xi32>
      tpu.vector_store_idx %arg18[%add3A_293], %broadcast_in_dim3A_4 : memref<7200xf32, #tpu.memory_space<vmem>>[vector<16xi32>], vector<16xf32>,
      %add3A_294 = arith.constant 1 : i32
      %add3A_295 = vector.broadcast %add3A_294 : i32 to vector<16xi32>
      %add3A_296 = arith.addi %add3A_290, %add3A_295 : vector<16xi32>
      tpu.vector_store_idx %arg18[%add3A_296], %mul3A_256 : memref<7200xf32, #tpu.memory_space<vmem>>[vector<16xi32>], vector<16xf32>,
      %add3A_297 = arith.constant 2 : i32
      %add3A_298 = vector.broadcast %add3A_297 : i32 to vector<16xi32>
      %add3A_299 = arith.addi %add3A_290, %add3A_298 : vector<16xi32>
      tpu.vector_store_idx %arg18[%add3A_299], %mul3A_259 : memref<7200xf32, #tpu.memory_space<vmem>>[vector<16xi32>], vector<16xf32>,
      %add3A_300 = arith.constant 3 : i32
      %add3A_301 = vector.broadcast %add3A_300 : i32 to vector<16xi32>
      %add3A_302 = arith.addi %add3A_290, %add3A_301 : vector<16xi32>
      tpu.vector_store_idx %arg18[%add3A_302], %mul3A_262 : memref<7200xf32, #tpu.memory_space<vmem>>[vector<16xi32>], vector<16xf32>,
      %add3A_303 = arith.constant 4 : i32
      %add3A_304 = vector.broadcast %add3A_303 : i32 to vector<16xi32>
      %add3A_305 = arith.addi %add3A_290, %add3A_304 : vector<16xi32>
      tpu.vector_store_idx %arg18[%add3A_305], %mul3A_266 : memref<7200xf32, #tpu.memory_space<vmem>>[vector<16xi32>], vector<16xf32>,
      %add3A_306 = arith.constant 5 : i32
      %add3A_307 = vector.broadcast %add3A_306 : i32 to vector<16xi32>
      %add3A_308 = arith.addi %add3A_290, %add3A_307 : vector<16xi32>
      tpu.vector_store_idx %arg18[%add3A_308], %mul3A_270 : memref<7200xf32, #tpu.memory_space<vmem>>[vector<16xi32>], vector<16xf32>,
      %add3A_309 = arith.constant 6 : i32
      %add3A_310 = vector.broadcast %add3A_309 : i32 to vector<16xi32>
      %add3A_311 = arith.addi %add3A_290, %add3A_310 : vector<16xi32>
      tpu.vector_store_idx %arg18[%add3A_311], %mul3A_278 : memref<7200xf32, #tpu.memory_space<vmem>>[vector<16xi32>], vector<16xf32>,
      %add3A_312 = arith.constant 7 : i32
      %add3A_313 = vector.broadcast %add3A_312 : i32 to vector<16xi32>
      %add3A_314 = arith.addi %add3A_290, %add3A_313 : vector<16xi32>
      tpu.vector_store_idx %arg18[%add3A_314], %mul3A_282 : memref<7200xf32, #tpu.memory_space<vmem>>[vector<16xi32>], vector<16xf32>,
      %add3A_315 = arith.constant 8 : i32
      %add3A_316 = vector.broadcast %add3A_315 : i32 to vector<16xi32>
      %add3A_317 = arith.addi %add3A_290, %add3A_316 : vector<16xi32>
      tpu.vector_store_idx %arg18[%add3A_317], %mul3A_286 : memref<7200xf32, #tpu.memory_space<vmem>>[vector<16xi32>], vector<16xf32>,
      %while3A_318 = arith.constant 0 : i32
      scf.yield %while3A_318 : i32
    }
    %while3A_191 = arith.constant 1 : i32
    %while3A_192 = scf.for %while3A_200 = %while3A_188 to %while3A_184 step %while3A_191 iter_args(%while3A_201 = %while3A_190) -> (i32)  : i32 {
      %mul3A_202 = arith.constant 16 : i32
      %mul3A_203 = arith.muli %while3A_200, %mul3A_202 : i32
      %add3A_204 = vector.broadcast %mul3A_203 : i32 to vector<16xi32>
      %add3A_205 = arith.addi %add3A_204, %iota3A : vector<16xi32>
      %gather3A = tpu.vector_load_idx %arg14[%add3A_205, %broadcast_in_dim3A_173] : memref<1600x4xf32, #tpu.memory_space<vmem>>[vector<16xi32>, vector<16xi32>], vector<16xf32>,
      %gather3A_206 = tpu.vector_load_idx %arg14[%add3A_205, %add3A_176] : memref<1600x4xf32, #tpu.memory_space<vmem>>[vector<16xi32>, vector<16xi32>], vector<16xf32>,
      %gather3A_207 = tpu.vector_load_idx %arg14[%add3A_205, %add3A_179] : memref<1600x4xf32, #tpu.memory_space<vmem>>[vector<16xi32>, vector<16xi32>], vector<16xf32>,
      %gather3A_208 = tpu.vector_load_idx %arg16[%add3A_205, %broadcast_in_dim3A_173] : memref<1600x4xf32, #tpu.memory_space<vmem>>[vector<16xi32>, vector<16xi32>], vector<16xf32>,
      %gather3A_209 = tpu.vector_load_idx %arg16[%add3A_205, %add3A_176] : memref<1600x4xf32, #tpu.memory_space<vmem>>[vector<16xi32>, vector<16xi32>], vector<16xf32>,
      %gather3A_210 = tpu.vector_load_idx %arg16[%add3A_205, %add3A_179] : memref<1600x4xf32, #tpu.memory_space<vmem>>[vector<16xi32>, vector<16xi32>], vector<16xf32>,
      %sub3A_211 = arith.subf %gather3A, %gather3A_208 : vector<16xf32>
      %sub3A_212 = arith.subf %gather3A_206, %gather3A_209 : vector<16xf32>
      %sub3A_213 = arith.subf %gather3A_207, %gather3A_210 : vector<16xf32>
      %mul3A_214 = arith.mulf %sub3A_211, %sub3A_211 : vector<16xf32>
      %mul3A_215 = arith.mulf %sub3A_212, %sub3A_212 : vector<16xf32>
      %add3A_216 = arith.addf %mul3A_214, %mul3A_215 : vector<16xf32>
      %mul3A_217 = arith.mulf %sub3A_213, %sub3A_213 : vector<16xf32>
      %add3A_218 = arith.addf %add3A_216, %mul3A_217 : vector<16xf32>
      %bitcast3A = vector.bitcast %add3A_218 : vector<16xf32> to vector<16xi32>
      %shift_right_arithmetic3A = arith.constant 1 : i32
      %shift_right_arithmetic3A_219 = vector.broadcast %shift_right_arithmetic3A : i32 to vector<16xi32>
      %shift_right_arithmetic3A_220 = arith.shrsi %bitcast3A, %shift_right_arithmetic3A_219 : vector<16xi32>
      %sub3A_221 = arith.constant 1597463007 : i32
      %sub3A_222 = vector.broadcast %sub3A_221 : i32 to vector<16xi32>
      %sub3A_223 = arith.subi %sub3A_222, %shift_right_arithmetic3A_220 : vector<16xi32>
      %bitcast3A_224 = vector.bitcast %sub3A_223 : vector<16xi32> to vector<16xf32>
      %mul3A_225 = arith.constant 5.000000e-01 : f32
      %mul3A_226 = vector.broadcast %mul3A_225 : f32 to vector<16xf32>
      %mul3A_227 = arith.mulf %mul3A_226, %add3A_218 : vector<16xf32>
      %mul3A_228 = arith.mulf %mul3A_227, %bitcast3A_224 : vector<16xf32>
      %mul3A_229 = arith.mulf %mul3A_228, %bitcast3A_224 : vector<16xf32>
      %sub3A_230 = arith.constant 1.500000e+00 : f32
      %sub3A_231 = vector.broadcast %sub3A_230 : f32 to vector<16xf32>
      %sub3A_232 = arith.subf %sub3A_231, %mul3A_229 : vector<16xf32>
      %mul3A_233 = arith.mulf %bitcast3A_224, %sub3A_232 : vector<16xf32>
      %mul3A_234 = arith.mulf %mul3A_227, %mul3A_233 : vector<16xf32>
      %mul3A_235 = arith.mulf %mul3A_234, %mul3A_233 : vector<16xf32>
      %sub3A_236 = arith.constant 1.500000e+00 : f32
      %sub3A_237 = vector.broadcast %sub3A_236 : f32 to vector<16xf32>
      %sub3A_238 = arith.subf %sub3A_237, %mul3A_235 : vector<16xf32>
      %mul3A_239 = arith.mulf %mul3A_233, %sub3A_238 : vector<16xf32>
      %mul3A_240 = arith.mulf %mul3A_227, %mul3A_239 : vector<16xf32>
      %mul3A_241 = arith.mulf %mul3A_240, %mul3A_239 : vector<16xf32>
      %sub3A_242 = arith.constant 1.500000e+00 : f32
      %sub3A_243 = vector.broadcast %sub3A_242 : f32 to vector<16xf32>
      %sub3A_244 = arith.subf %sub3A_243, %mul3A_241 : vector<16xf32>
      %mul3A_245 = arith.mulf %mul3A_239, %sub3A_244 : vector<16xf32>
      %min3A = arith.constant 9.99999995E+11 : f32
      %min3A_246 = vector.broadcast %min3A : f32 to vector<16xf32>
      %min3A_247 = arith.minimumf %mul3A_245, %min3A_246 : vector<16xf32>
      %mul3A_248 = arith.mulf %sub3A_211, %min3A_247 : vector<16xf32>
      %mul3A_249 = arith.mulf %sub3A_212, %min3A_247 : vector<16xf32>
      %mul3A_250 = arith.mulf %sub3A_213, %min3A_247 : vector<16xf32>
      %mul3A_251 = arith.mulf %mul3A_248, %mul3A_248 : vector<16xf32>
      %mul3A_252 = arith.mulf %mul3A_249, %mul3A_249 : vector<16xf32>
      %mul3A_253 = arith.mulf %mul3A_250, %mul3A_250 : vector<16xf32>
      %mul3A_254 = arith.constant 1.73205078 : f32
      %mul3A_255 = vector.broadcast %mul3A_254 : f32 to vector<16xf32>
      %mul3A_256 = arith.mulf %mul3A_255, %mul3A_248 : vector<16xf32>
      %mul3A_257 = arith.constant 1.73205078 : f32
      %mul3A_258 = vector.broadcast %mul3A_257 : f32 to vector<16xf32>
      %mul3A_259 = arith.mulf %mul3A_258, %mul3A_249 : vector<16xf32>
      %mul3A_260 = arith.constant 1.73205078 : f32
      %mul3A_261 = vector.broadcast %mul3A_260 : f32 to vector<16xf32>
      %mul3A_262 = arith.mulf %mul3A_261, %mul3A_250 : vector<16xf32>
      %mul3A_263 = arith.constant 3.87298346 : f32
      %mul3A_264 = vector.broadcast %mul3A_263 : f32 to vector<16xf32>
      %mul3A_265 = arith.mulf %mul3A_264, %mul3A_248 : vector<16xf32>
      %mul3A_266 = arith.mulf %mul3A_265, %mul3A_250 : vector<16xf32>
      %mul3A_267 = arith.constant 3.87298346 : f32
      %mul3A_268 = vector.broadcast %mul3A_267 : f32 to vector<16xf32>
      %mul3A_269 = arith.mulf %mul3A_268, %mul3A_248 : vector<16xf32>
      %mul3A_270 = arith.mulf %mul3A_269, %mul3A_249 : vector<16xf32>
      %add3A_271 = arith.addf %mul3A_251, %mul3A_253 : vector<16xf32>
      %mul3A_272 = arith.constant 5.000000e-01 : f32
      %mul3A_273 = vector.broadcast %mul3A_272 : f32 to vector<16xf32>
      %mul3A_274 = arith.mulf %mul3A_273, %add3A_271 : vector<16xf32>
      %sub3A_275 = arith.subf %mul3A_252, %mul3A_274 : vector<16xf32>
      %mul3A_276 = arith.constant 2.23606801 : f32
      %mul3A_277 = vector.broadcast %mul3A_276 : f32 to vector<16xf32>
      %mul3A_278 = arith.mulf %mul3A_277, %sub3A_275 : vector<16xf32>
      %mul3A_279 = arith.constant 3.87298346 : f32
      %mul3A_280 = vector.broadcast %mul3A_279 : f32 to vector<16xf32>
      %mul3A_281 = arith.mulf %mul3A_280, %mul3A_249 : vector<16xf32>
      %mul3A_282 = arith.mulf %mul3A_281, %mul3A_250 : vector<16xf32>
      %sub3A_283 = arith.subf %mul3A_253, %mul3A_251 : vector<16xf32>
      %mul3A_284 = arith.constant 1.93649173 : f32
      %mul3A_285 = vector.broadcast %mul3A_284 : f32 to vector<16xf32>
      %mul3A_286 = arith.mulf %mul3A_285, %sub3A_283 : vector<16xf32>
      %mul3A_287 = arith.constant 144 : i32
      %mul3A_288 = arith.muli %while3A_200, %mul3A_287 : i32
      %add3A_289 = vector.broadcast %mul3A_288 : i32 to vector<16xi32>
      %add3A_290 = arith.addi %add3A_289, %mul3A_3 : vector<16xi32>
      %add3A_291 = arith.constant 0 : i32
      %add3A_292 = vector.broadcast %add3A_291 : i32 to vector<16xi32>
      %add3A_293 = arith.addi %add3A_290, %add3A_292 : vector<16xi32>
      tpu.vector_store_idx %arg18[%add3A_293], %broadcast_in_dim3A_4 : memref<7200xf32, #tpu.memory_space<vmem>>[vector<16xi32>], vector<16xf32>,
      %add3A_294 = arith.constant 1 : i32
      %add3A_295 = vector.broadcast %add3A_294 : i32 to vector<16xi32>
      %add3A_296 = arith.addi %add3A_290, %add3A_295 : vector<16xi32>
      tpu.vector_store_idx %arg18[%add3A_296], %mul3A_256 : memref<7200xf32, #tpu.memory_space<vmem>>[vector<16xi32>], vector<16xf32>,
      %add3A_297 = arith.constant 2 : i32
      %add3A_298 = vector.broadcast %add3A_297 : i32 to vector<16xi32>
      %add3A_299 = arith.addi %add3A_290, %add3A_298 : vector<16xi32>
      tpu.vector_store_idx %arg18[%add3A_299], %mul3A_259 : memref<7200xf32, #tpu.memory_space<vmem>>[vector<16xi32>], vector<16xf32>,
      %add3A_300 = arith.constant 3 : i32
      %add3A_301 = vector.broadcast %add3A_300 : i32 to vector<16xi32>
      %add3A_302 = arith.addi %add3A_290, %add3A_301 : vector<16xi32>
      tpu.vector_store_idx %arg18[%add3A_302], %mul3A_262 : memref<7200xf32, #tpu.memory_space<vmem>>[vector<16xi32>], vector<16xf32>,
      %add3A_303 = arith.constant 4 : i32
      %add3A_304 = vector.broadcast %add3A_303 : i32 to vector<16xi32>
      %add3A_305 = arith.addi %add3A_290, %add3A_304 : vector<16xi32>
      tpu.vector_store_idx %arg18[%add3A_305], %mul3A_266 : memref<7200xf32, #tpu.memory_space<vmem>>[vector<16xi32>], vector<16xf32>,
      %add3A_306 = arith.constant 5 : i32
      %add3A_307 = vector.broadcast %add3A_306 : i32 to vector<16xi32>
      %add3A_308 = arith.addi %add3A_290, %add3A_307 : vector<16xi32>
      tpu.vector_store_idx %arg18[%add3A_308], %mul3A_270 : memref<7200xf32, #tpu.memory_space<vmem>>[vector<16xi32>], vector<16xf32>,
      %add3A_309 = arith.constant 6 : i32
      %add3A_310 = vector.broadcast %add3A_309 : i32 to vector<16xi32>
      %add3A_311 = arith.addi %add3A_290, %add3A_310 : vector<16xi32>
      tpu.vector_store_idx %arg18[%add3A_311], %mul3A_278 : memref<7200xf32, #tpu.memory_space<vmem>>[vector<16xi32>], vector<16xf32>,
      %add3A_312 = arith.constant 7 : i32
      %add3A_313 = vector.broadcast %add3A_312 : i32 to vector<16xi32>
      %add3A_314 = arith.addi %add3A_290, %add3A_313 : vector<16xi32>
      tpu.vector_store_idx %arg18[%add3A_314], %mul3A_282 : memref<7200xf32, #tpu.memory_space<vmem>>[vector<16xi32>], vector<16xf32>,
      %add3A_315 = arith.constant 8 : i32
      %add3A_316 = vector.broadcast %add3A_315 : i32 to vector<16xi32>
      %add3A_317 = arith.addi %add3A_290, %add3A_316 : vector<16xi32>
      tpu.vector_store_idx %arg18[%add3A_317], %mul3A_286 : memref<7200xf32, #tpu.memory_space<vmem>>[vector<16xi32>], vector<16xf32>,
      %while3A_318 = arith.constant 0 : i32
      scf.yield %while3A_318 : i32
    }
    %mul3A_193 = arith.constant 32 : i32
    %mul3A_194 = arith.muli %add3A_155, %mul3A_193 : i32
    %add3A_195 = arith.addi %add3A, %mul3A_194 : i32
    %mul3A_196 = arith.constant 800 : i32
    %mul3A_197 = arith.muli %add3A_195, %mul3A_196 : i32
    %mul3A_198 = arith.constant 9 : i32
    %mul3A_199 = arith.muli %mul3A_197, %mul3A_198 : i32
    "tpu.region"() ({
      %run_scoped3A_200 = tpu.sem_alloc : memref<!tpu.dma_semaphore, #tpu.memory_space<semaphore_mem>>
      %dma_start3A_201 = tpu.memref_slice %arg4[%mul3A_199] : memref<57600000xf32, #tpu.memory_space<hbm>> -> memref<7200xf32, #tpu.memory_space<hbm>>
      %dma_start3A_202 = tpu.memref_slice %arg4[%mul3A_199] : memref<57600000xf32, #tpu.memory_space<hbm>> -> memref<7200xf32, #tpu.memory_space<hbm>>
      tpu.enqueue_dma source(%arg18 : memref<7200xf32, #tpu.memory_space<vmem>>) target(%dma_start3A_202 : memref<7200xf32, #tpu.memory_space<hbm>>) target_semaphore(%run_scoped3A_200 : memref<!tpu.dma_semaphore, #tpu.memory_space<semaphore_mem>>)
      %dma_wait3A_203 = tpu.memref_slice %arg4[%mul3A_199] : memref<57600000xf32, #tpu.memory_space<hbm>> -> memref<7200xf32, #tpu.memory_space<hbm>>
      %dma_wait3A_204 = tpu.memref_slice %arg4[%mul3A_199] : memref<57600000xf32, #tpu.memory_space<hbm>> -> memref<7200xf32, #tpu.memory_space<hbm>>
      tpu.wait_dma2 semaphore(%run_scoped3A_200 : memref<!tpu.dma_semaphore, #tpu.memory_space<semaphore_mem>>) src(%arg18 : memref<7200xf32, #tpu.memory_space<vmem>>) dst(%dma_wait3A_204 : memref<7200xf32, #tpu.memory_space<hbm>>)
      tpu.yield
    }) : () -> ()
    return
  }
}

</mosaic_0001>

<sc_bundles>
// kernel: kernel.3.cloned.1.call-start
scs
__scs_entry_jumppad:
0x0: {  	(pc) =	sbr.rel $0x88, $3  }
0x1: {  	(tag) =	ssettag $0x0;
	lr =	simm.s32 $0x1  }
0x2: {  	[smem:$0x3F9F] =	sst lr;
	_ =	strace $0xD0000000  }
0x3: {  	_ = 	snop  }
0x4: {  	_ = 	snop  }
0x5: {  	_ = 	snop  }
0x6: {  	_ = 	snop  }
0x7: {  	_ = 	snop  }
__scs_overlays_trampoline_lowered:
0x8: {  	[smem:$0x3FAE] =	sst s0  }
0x9: {  	[smem:$0x3FAF] =	sst s1  }
0xa: {  	[smem:$0x3FB0] =	sst s2  }
0xb: {  	[smem:$0x3FB1] =	sst s3  }
0xc: {  	[smem:$0x3FB2] =	sst s4  }
0xd: {  	[smem:$0x3FB3] =	sst s5  }
0xe: {  	[smem:$0x3FB4] =	sst s6  }
0xf: {  	[smem:$0x3FB5] =	sst s7  }
0x10: {  	[smem:$0x3FB6] =	sst s8  }
0x11: {  	[smem:$0x3FB7] =	sst s9;
	s0 =	simm.s32 @!p0 $0x0  }
0x12: {  	s1 =	sld [smem:$0x3F9D];
	s0 =	simm.s32 @p0 $0x1  }
0x13: {  	[smem:$0x3FB8] =	sst s0;
	s0 =	simm.s32 @!p1 $0x0  }
0x14: {  	s2 =	sld [smem:$0x3F9C];
	s0 =	simm.s32 @p1 $0x1  }
0x15: {  	[smem:$0x3FB9] =	sst s0;
	s0 =	simm.s32 @!p2 $0x0  }
0x16: {  	s3 =	sld [smem:$0x3FDB];
	s0 =	simm.s32 @p2 $0x1  }
0x17: {  	s4 =	simm.s32 $0x1BF5;
	[smem:$0x3FBB] =	sst s0  }
0x18: {  	s0 =	sld [smem:$0x3F9E];
	_ =	swait.ge [sflag:s4], $0x0  }
0x19: {  	s7 =	sld [smem:$0x3F9F]  }
0x1a: {  	s8 =	sadd.s32 $0xFFFFE003, lr  }
0x1b: {  	s9 =	sadd.s32 $0xFFFFFEF7, lr;
	s5 =	simm.s32 $0xFFFFFFFF;
	p2 =	slt.u32 s8, $0xFFFFF086  }
0x1c: {  	p1 =	slt.u32 s9, $0xF7A;
	s5 =	simm.s32 @!p2 $0x0  }
0x1d: {  	s5 =	simm.s32 @p1 $0x1;
	p0 =	seq.s32 s7, s2  }
0x1e: {  	s7 =	smul.u32 @!p0 $0xF7A, s2;
	p2 =	seq.s32 @!p0 s5, $0x0  }
0x1f: {  	s9 =	smul.u32 $0xF7A, s1;
	s8 =	simm.s32 @!p0 $0x1BF5;
	p2 =	por !p2, p0  }
0x20: {  	[sflag:s8] =	ssyncset.s32 @!p0 $0xFFFFF086;
	s6 =	sadd.s32 @!p0 s3, s7;
	s7 =	simm.s32 @!p0 $0x108  }
0x21: {  	s3 =	sadd.s32 s3, s9;
	s6 =	sadd.s32 @!p0 $0x88, s6;
	s7 =	simm.s32 @p2 $0x1082  }
0x22: {  	[simem:s7], [sflag:s8] =	dma.local @!p0 [hbm:s6], $0xF7A  }
0x23: {  	s9 =	sor.u32 $0xD0000000, s2;
	s6 =	simm.s32 $0x108;
	_ =	swait.ge @!p0 [sflag:s8], $0x0  }
0x24: {  	s3 =	sadd.s32 $0x88, s3;
	s6 =	simm.s32 @!p1 $0x1082;
	[sflag:s4] =	ssyncset.s32 $0xFFFFF086  }
0x25: {  	[simem:s6], [sflag:s4] =	dma.local [hbm:s3], $0xF7A  }
0x26: {  	[smem:$0x3F9F] =	sst s1;
	(tag) =	ssettag s2;
	_ =	strace s9  }
0x27: {  	s1 =	sld [smem:$0x3FAF]  }
0x28: {  	s2 =	sld [smem:$0x3FB0]  }
0x29: {  	s4 =	sld [smem:$0x3FB2]  }
0x2a: {  	p0 =	seq.s32 s5, $0x0;
	s5 =	sld [smem:$0x3FB3]  }
0x2b: {  	s6 =	sld [smem:$0x3FB4]  }
0x2c: {  	s7 =	sld [smem:$0x3FB5]  }
0x2d: {  	s3 =	simm.s32 $0x108;
	s8 =	sld [smem:$0x3FB6]  }
0x2e: {  	s3 =	simm.s32 @!p0 $0x1082;
	s9 =	sld [smem:$0x3FB7]  }
0x2f: {  	lr =	sadd.s32 s0, s3;
	s0 =	sld [smem:$0x3FAE]  }
0x30: {  	s3 =	sld [smem:$0x3FB1]  }
0x31: {  	[smem:$0x3FBA] =	sst s10  }
0x32: {  	s10 =	sld [smem:$0x3FB8];
	_ =	sdelay $0x3  }
0x33: {  	p0 =	seq.s32 s10, $0x1;
	s10 =	sld [smem:$0x3FBA];
	_ =	sdelay $0x3  }
0x34: {  	[smem:$0x3FBA] =	sst s10  }
0x35: {  	s10 =	sld [smem:$0x3FB9];
	_ =	sdelay $0x3  }
0x36: {  	p1 =	seq.s32 s10, $0x1;
	s10 =	sld [smem:$0x3FBA];
	_ =	sdelay $0x3  }
0x37: {  	[smem:$0x3FBA] =	sst s10  }
0x38: {  	s10 =	sld [smem:$0x3FBB]  }
0x39: {  	_ = 	snop;
	(pc) =	sbr.ind lr, $3  }
0x3a: {  	_ = 	snop  }
0x3b: {  	_ = 	snop  }
0x3c: {  	p2 =	seq.s32 s10, $0x1;
	s10 =	sld [smem:$0x3FBA]  }
0x3d: {  	_ =	shalt  }
0x3e: {  	_ =	shalt  }
0x3f: {  	_ =	shalt  }
0x40: {  	_ =	shalt  }
0x41: {  	_ =	shalt  }
0x42: {  	_ =	shalt  }
0x43: {  	_ =	shalt  }
0x44: {  	_ =	shalt  }
0x45: {  	_ =	shalt  }
0x46: {  	_ =	shalt  }
0x47: {  	_ =	shalt  }
0x48: {  	_ =	shalt  }
0x49: {  	_ =	shalt  }
0x4a: {  	_ =	shalt  }
0x4b: {  	_ =	shalt  }
0x4c: {  	_ =	shalt  }
0x4d: {  	_ =	shalt  }
0x4e: {  	_ =	shalt  }
0x4f: {  	_ =	shalt  }
0x50: {  	_ =	shalt  }
0x51: {  	_ =	shalt  }
0x52: {  	_ =	shalt  }
0x53: {  	_ =	shalt  }
0x54: {  	_ =	shalt  }
0x55: {  	_ =	shalt  }
0x56: {  	_ =	shalt  }
0x57: {  	_ =	shalt  }
0x58: {  	_ =	shalt  }
0x59: {  	_ =	shalt  }
0x5a: {  	_ =	shalt  }
0x5b: {  	_ =	shalt  }
0x5c: {  	_ =	shalt  }
0x5d: {  	_ =	shalt  }
0x5e: {  	_ =	shalt  }
0x5f: {  	_ =	shalt  }
0x60: {  	_ =	shalt  }
0x61: {  	_ =	shalt  }
0x62: {  	_ =	shalt  }
0x63: {  	_ =	shalt  }
0x64: {  	_ =	shalt  }
0x65: {  	_ =	shalt  }
0x66: {  	_ =	shalt  }
0x67: {  	_ =	shalt  }
0x68: {  	_ =	shalt  }
0x69: {  	_ =	shalt  }
0x6a: {  	_ =	shalt  }
0x6b: {  	_ =	shalt  }
0x6c: {  	_ =	shalt  }
0x6d: {  	_ =	shalt  }
0x6e: {  	_ =	shalt  }
0x6f: {  	_ =	shalt  }
0x70: {  	_ =	shalt  }
0x71: {  	_ =	shalt  }
0x72: {  	_ =	shalt  }
0x73: {  	_ =	shalt  }
0x74: {  	_ =	shalt  }
0x75: {  	_ =	shalt  }
0x76: {  	_ =	shalt  }
0x77: {  	_ =	shalt  }
0x78: {  	_ =	shalt  }
0x79: {  	_ =	shalt  }
0x7a: {  	_ =	shalt  }
0x7b: {  	_ =	shalt  }
0x7c: {  	_ =	shalt  }
0x7d: {  	_ =	shalt  }
0x7e: {  	_ =	shalt  }
0x7f: {  	_ =	shalt  }
0x80: {  	_ =	shalt  }
0x81: {  	_ =	shalt  }
0x82: {  	_ =	shalt  }
0x83: {  	_ =	shalt  }
0x84: {  	_ =	shalt  }
0x85: {  	_ =	shalt  }
0x86: {  	_ =	shalt  }
0x87: {  	_ =	shalt  }
.Lfunc_end0:
.L_simem_size_0:
called_computation.2_lowered:
.L_overlay_start_0:
0x88: {  	s2 =	sld [smem:$0x3FD9]  }
0x89: {  	s3 =	sld [smem:$0x3FFE];
	_ =	sdelay $0x1  }
0x8a: {  	s1 =	srdreg.scid  }
0x8b: {  	s0 =	sand.u32 $0x1, s1  }
0x8c: {  	s17 =	sshll.u32 s0, $0xA;
	s2 =	sadd.s32 s3, s2  }
0x8d: {  	s2 =	sadd.s32 s2, s17  }
0x8e: {  	[smem:$0x3FC6] =	sst s2  }
0x8f: {  	_ = 	snop  }
0x90: {  	s2 =	sld [smem:$0x3FD0];
	(tm) =	ssettm $0x1  }
0x91: {  	s18 =	sld [smem:$0x3FFB];
	_ =	sdelay $0x3  }
0x92: {  	_ =	strace s18  }
0x93: {  	s3 =	sld [smem:$0x3FFC];
	_ =	sdelay $0x3  }
0x94: {  	_ =	strace s3  }
0x95: {  	s3 =	sld [smem:$0x3FFD];
	_ =	sdelay $0x3  }
0x96: {  	_ =	strace s3  }
0x97: {  	_ =	strace $0x8FFFFFFF  }
0x98: {  	s19 =	sld [smem:$0x3FDB];
	_ =	sdelay $0x1  }
0x99: {  	s4 =	simm.s32 $_scs_section_size  }
0x9a: {  	s5 =	simm.s32 $_size__tile_overlayer_lowered;
	s6 =	simm.s32 $_tile_overlayer_lowered  }
0x9b: {  	s22 =	simm.s32 $0x1BFF;
	s21 =	sshll.u32 s6, $0x1;
	s3 =	sadd.s32 s4, s19  }
0x9c: {  	s7 =	simm.s32 $0x0;
	s20 =	sshll.u32 s5, $0x1;
	s5 =	sadd.s32 s21, s3  }
0x9d: {  	[timem:s7], [sflag:s22] =	dma.local [hbm:s5], s20  }
0x9e: {  	_ =	swait.ge [sflag:s22], s20  }
0x9f: {  	s4 =	ssub.s32 $0x0, s20;
	[sflag:s22] =	ssyncset.done $0x0  }
0xa0: {  	[sflag:s22] =	ssyncadd.s32 s4;
	_ =	sdelay $0x1  }
0xa1: {  	s23 =	simm.s32 $0x1B8B  }
0xa2: {  	_ =	swait.ge [sflag:s23], $0x1  }
0xa3: {  	[sflag:s23] =	ssyncset.done $0x0  }
0xa4: {  	s25 =	simm.s32 $0x1B8E;
	s24 =	sld [smem:$0x3FFE];
	[sflag:s23] =	ssyncadd.s32 $0xFFFFFFFF  }
0xa5: {  	s26 =	simm.s32 $execute0_lowered;
	[smem:$0x3FD2] =	sst s25  }
0xa6: {  	s5 =	sshll.u32 s26, $0x1;
	_ =	strace $0x80000049;
	[dreg:$0x1] =	wrdreg $0xFFFFFFFF  }
0xa7: {  	s28 =	simm.s32 $_size_execute0_lowered;
	s3 =	sadd.s32 s3, s5;
	[dreg:$0x0] =	wrdreg $0x0  }
0xa8: {  	s5 =	sshll.u32 s28, $0x1;
	[dreg:$0x2] =	wrdreg s3  }
0xa9: {  	[dreg:$0x3] =	wrdreg s5  }
0xaa: {  	[dreg:$0x4] =	wrdreg $0xC0  }
0xab: {  	_ =	task [dreg:s7], $0x5FFFF  }
0xac: {  	[dreg:$0x1] =	wrdreg $0xFFFFFFFF  }
0xad: {  	[dreg:$0x0] =	wrdreg $0x60  }
0xae: {  	[dreg:$0x2] =	wrdreg s24  }
0xaf: {  	[dreg:$0x3] =	wrdreg s2  }
0xb0: {  	[dreg:$0x4] =	wrdreg $0x9  }
0xb1: {  	_ =	task.clear_ibuf [dreg:s7], $0x5FFFF;
	_ =	strace $0x90000049  }
0xb2: {  	s29 =	simm.s32 $0x9;
	_ =	strace $0x8000004B  }
0xb3: {  	_ =	swait.ge [sflag:s29], $0x1  }
0xb4: {  	[sflag:s29] =	ssyncadd.s32 $0xFFFFFFFF  }
0xb5: {  	_ =	strace $0x9000004B  }
0xb6: {  	_ =	sfence  }
0xb7: {  	s30 =	sld [smem:$0x0];
	_ =	sdelay $0x2  }
0xb8: {  	s31 =	sshll.u32 s1, $0xD;
	s1 =	sshrl.u32 s1, $0x2  }
0xb9: {  	s3 =	sand.u32 $0x4000, s31;
	s1 =	sadd.s32 s1, s30  }
0xba: {  	s0 =	sor.u32 s3, s0;
	s1 =	sshll.u32 s1, $0x11  }
0xbb: {  	s0 =	sor.u32 s1, s0  }
0xbc: {  	s0 =	sadd.s32 $0x8F2B, s0  }
0xbd: {  	[sflag:s0] =	ssyncadd.remote.s32 $0x1  }
0xbe: {  	_ =	sfence.sel $0xFFFF  }
0xbf: {  	[dreg:$0x0] =	wrdreg $0xFFFFFFFF;
	(pc) =	sbr.abs _section_cstart, $3  }
0xc0: {  	[dreg:$0x1] =	wrdreg $0xFFFFFFFF  }
0xc1: {  	_ =	task.clear_ibuf [dreg:s7], $0x2FFFF;
	_ =	strace $0x9FFFFFFF  }
0xc2: {  	(tm) =	ssettm $0x7FFFFFFF  }
0xc3: {  	_ =	shalt  }
tec
execute0_lowered:
.L_overlay_start_1:
0x0: {  	(tag) =	ssettag $0x1  }
0x1: {  	s0 =	rddreg [dreg:$0x0]  }
0x2: {  	s2 =	rddreg [dreg:$0x1]  }
0x3: {  	s1 =	srdreg.scid;
	s4 =	stileid.u32;
	s3 =	simm.s32 $0x0  }
0x4: {  	s15 =	simm.s32 $0x2;
	s16 =	simm.s32 $0xC80;
	s17 =	simm.s32 $0x1900  }
0x5: {  	s18 =	simm.s32 $0x640;
	s19 =	simm.s32 $0x2580;
	s20 =	simm.s32 $0x8980  }
0x6: {  	s21 =	simm.s32 $0x12C0;
	s28 =	simm.s32 $0x109A0;
	s29 =	simm.s32 $0x0  }
0x7: {  	v4 =	vimm.s32 $0x7654321;
	v5 =	vimm.s32 $0x10765432;
	s30 =	simm.s32 $0x0;
	s1 =	sand.u32 $0x1, s1;
	s4 =	sshll.u32 s4, $0x1  }
0x8: {  	v7 =	vimm.s32 $0x21076543;
	[smem:$0x7FF] =	sst s3;
	s5 =	sadd.s32 $0x187800, s0;
	s4 =	sor.u32 s1, s4  }
0x9: {  	v3 =	vlaneseq.u32;
	v12 =	vimm.s32 $0x32107654;
	s7 =	sadd.s32 $0x494C00, s0;
	s1 =	ssub.s32 $0x2, s1;
	s6 =	smul.u32 $0x320, s4  }
0xa: {  	v13 =	vimm.s32 $0x43210765;
	v14 =	vimm.s32 $0x54321076;
	v0 =	vmul.u32 $0x2, v3;
	s8 =	sor.u32 $0x1F20, s4;
	s10 =	sshrl.u32 s1, $0x1;
	s11 =	smul.u32 $0x1C20, s4  }
0xb: {  	v1 =	vmul.u32 $0x8, v3;
	v2 =	vmul.u32 $0x9, v3;
	v3 =	vand.u32 $0x7, v3;
	_ =	strace $0x8000004A;
	s9 =	smul.u32 $0x320, s8;
	s22 =	ssub.s32 s1, s10  }
0xc: {  	v6 =	vunpack.c.l.s4.s8 v4;
	v4 =	vimm.f32 $1.000000000e+00;
	v8 =	vunpack.c.l.s4.s8 v5;
	s8 =	smul.u32 $0x384, s8;
	s6 =	sshrl.u32 s6, $0x3;
	s11 =	sshrl.u32 s11, $0x3  }
0xd: {  	v10 =	vunpack.c.l.s4.s8 v7;
	v16 =	vunpack.c.l.s4.s8 v14;
	v14 =	vimm.s32 $0x65432107;
	s0 =	smax.u32 s22, $0x1;
	s22 =	simm.s32 $0x1F40;
	s6 =	sadd.s32 s5, s6  }
0xe: {  	v12 =	vunpack.c.l.s4.s8 v12;
	v15 =	vunpack.c.l.s4.s8 v13;
	v18 =	vunpack.c.l.s4.s8 v14;
	s24 =	sshrl.u32 s9, $0x3;
	s9 =	sor.u32 $0x40, s4;
	[dreg:$0x8] =	wrdreg s0  }
0xf: {  	v5 =	vadd.s32 $0x1, v2;
	v6 =	vunpack.c.0.s8.s32 v6;
	v7 =	vadd.s32 $0x2, v2;
	s25 =	sadd.s32 s2, s11;
	s31 =	sadd.s32 s2, s8;
	[dreg:$0x3] =	wrdreg s6  }
0x10: {  	v8 =	vunpack.c.0.s8.s32 v8;
	v9 =	vadd.s32 $0x3, v2;
	v10 =	vunpack.c.0.s8.s32 v10;
	s23 =	sadd.s32 $0xC3500, s6;
	s10 =	sadd.s32 s5, s24;
	[dreg:$0x7] =	wrdreg s31  }
0x11: {  	v11 =	vadd.s32 $0x4, v2;
	v12 =	vunpack.c.0.s8.s32 v12;
	v13 =	vadd.s32 $0x5, v2;
	s1 =	sadd.s32 $0x6CFC00, s25;
	s24 =	simm.s32 $0xBB80;
	[dreg:$0x4] =	wrdreg s23  }
0x12: {  	v14 =	vunpack.c.0.s8.s32 v15;
	v15 =	vadd.s32 $0x6, v2;
	v16 =	vunpack.c.0.s8.s32 v16;
	s25 =	simm.s32 $0x1;
	s26 =	sadd.s32 $0xC3500, s10;
	[dreg:$0x6] =	wrdreg s1  }
0x13: {  	v17 =	vadd.s32 $0x7, v2;
	v19 =	vadd.s32 $0x8, v2;
	v18 =	vunpack.c.0.s8.s32 v18;
	s23 =	simm.s32 $0x5780;
	[dreg:$0x5] =	wrdreg s26;
	s26 =	simm.s32 $0xED80  }
.LBB2_1:
0x14: {  	s0 =	rddreg [dreg:$0x3]  }
0x15: {  	[tilespmem:s3], [sflag:$0x2] =	stream.linear.gather [hbm4b:s0+s3], $0x320, $0x38;
	[tilespmem:$0x125C0] =	vst v63  }
0x16: {  	_ =	swait.ge [sflag:s15], $0x320  }
0x17: {  	[sflag:s15] =	ssyncset.done $0x0  }
0x18: {  	s31 =	rddreg [dreg:$0x4];
	[sflag:s15] =	ssyncadd.s32 $0xFFFFFCE0  }
0x19: {  	[tilespmem:s18], [sflag:$0x2] =	stream.linear.gather [hbm4b:s31+s3], $0x320, $0x38;
	[tilespmem:$0x125C0] =	vst v63  }
0x1a: {  	_ =	swait.ge [sflag:s15], $0x320  }
0x1b: {  	[sflag:s15] =	ssyncset.done $0x0  }
0x1c: {  	v20 =	vmov s3;
	[sflag:s15] =	ssyncadd.s32 $0xFFFFFCE0  }
0x1d: {  	v20 =	vshll.u32 v20, $0x1;
	v21 =	vld [tilespmem:s3+$0x0]  }
0x1e: {  	v20 =	vor.u32 v0, v20;
	_ =	sdelay $0x3  }
0x1f: {  	v21 =	vshll.u32 v21, $0x1  }
0x20: {  	[tilespmem:v20+s16+$0x0] =	vst.idx.msk $0xffff, v21  }
0x21: {  	v21 =	vld [tilespmem:s18+$0x0];
	_ =	sdelay $0x3  }
0x22: {  	s8 =	simm.s32 $0x10  }
0x23: {  	s11 =	simm.s32 $0x20;
	s1 =	simm.s32 $0x0;
	s0 =	simm.s32 $0x640;
	v21 =	vshll.u32 v21, $0x1  }
.LBB2_2:
0x24: {  	s1 =	sadd.s32 $0x10, s1  }
0x25: {  	v22 =	vmov s8;
	[tilespmem:v20+s17+$0x0] =	vst.idx.msk $0xffff, v21;
	s0 =	sadd.s32 $0x10, s0;
	s8 =	smov.u32 s11;
	s12 =	sadd.s32 $0x10, s11  }
0x26: {  	p0 =	sne.s32 s11, $0x310;
	v20 =	vshll.u32 v22, $0x1;
	v21 =	vld [tilespmem:s1+$0x0]  }
0x27: {  	v20 =	vor.u32 v0, v20;
	_ =	sdelay $0x3  }
0x28: {  	v21 =	vshll.u32 v21, $0x1  }
0x29: {  	[tilespmem:v20+s16+$0x0] =	vst.idx.msk $0xffff, v21  }
0x2a: {  	v21 =	vld [tilespmem:s0+$0x0]  }
.Ltmp0:
0x2b: {  	(pc) =	sbr.rel @p0 .LBB2_2-.Ltmp0, $2  }
0x2c: {  	_ =	sdelay $0x2  }
0x2d: {  	s11 =	smov.u32 s12;
	v21 =	vshll.u32 v21, $0x1  }
0x2e: {  	_ =	sdelay $0x3  }
0x2f: {  	v22 =	vmov s8;
	[tilespmem:v20+s17+$0x0] =	vst.idx.msk $0xffff, v21;
	s1 =	sadd.s32 $0x10, s1  }
0x30: {  	v20 =	vshll.u32 v22, $0x1;
	v21 =	vld [tilespmem:s1+$0x0]  }
0x31: {  	v20 =	vor.u32 v0, v20;
	_ =	sdelay $0x3  }
0x32: {  	v21 =	vshll.u32 v21, $0x1  }
0x33: {  	s0 =	sadd.s32 $0x10, s0;
	[tilespmem:v20+s16+$0x0] =	vst.idx.msk $0xffff, v21  }
0x34: {  	v21 =	vld [tilespmem:s0+$0x0];
	_ =	sdelay $0x4  }
0x35: {  	v21 =	vshll.u32 v21, $0x1  }
0x36: {  	[tilespmem:v20+s17+$0x0] =	vst.idx.msk $0xffff, v21  }
0x37: {  	[tilespmem:s19], [sflag:$0x1] =	stream.indirect.gather [hbm4b:s7+s18], $0x4, s16, s18, $0xb8;
	[tilespmem:$0x125C0] =	vst v63  }
0x38: {  	s31 =	simm.s32 $0x0  }
0x39: {  	[tilespmem:s20], [sflag:$0x1] =	stream.indirect.gather [hbm4b:s7+s18], $0x4, s17, s18, $0xb8;
	[tilespmem:$0x125C0] =	vst v63  }
.LBB2_4:
0x3a: {  	s1 =	sshll.u32 s31, $0x6  }
0x3b: {  	s8 =	sor.u32 s1, s4  }
0x3c: {  	s0 =	sor.u32 $0x20, s8  }
0x3d: {  	s11 =	smul.u32 $0x320, s0;
	_ =	sdelay $0x1  }
0x3e: {  	s11 =	sshrl.u32 s11, $0x3  }
0x3f: {  	s12 =	sadd.s32 s5, s11;
	s11 =	simm.s32 $0x320  }
0x40: {  	[tilespmem:s11], [sflag:$0x2] =	stream.linear.gather [hbm4b:s12+s30], $0x320, $0x38;
	[tilespmem:$0x125C0] =	vst v63  }
0x41: {  	_ =	swait.ge [sflag:s15], $0x320  }
0x42: {  	[sflag:s15] =	ssyncset.done $0x0  }
0x43: {  	s13 =	sadd.s32 $0xC3500, s12;
	s12 =	simm.s32 $0x960;
	[sflag:s15] =	ssyncadd.s32 $0xFFFFFCE0  }
0x44: {  	[tilespmem:s12], [sflag:$0x2] =	stream.linear.gather [hbm4b:s13+s30], $0x320, $0x38;
	[tilespmem:$0x125C0] =	vst v63  }
0x45: {  	_ =	swait.ge [sflag:s15], $0x320  }
0x46: {  	[sflag:s15] =	ssyncset.done $0x0  }
0x47: {  	v20 =	vmov s30;
	[sflag:s15] =	ssyncadd.s32 $0xFFFFFCE0  }
0x48: {  	v20 =	vshll.u32 v20, $0x1;
	v21 =	vld [tilespmem:s11+$0x0]  }
0x49: {  	v20 =	vor.u32 v0, v20;
	_ =	sdelay $0x3  }
0x4a: {  	v21 =	vshll.u32 v21, $0x1  }
0x4b: {  	[tilespmem:v20+s21+$0x0] =	vst.idx.msk $0xffff, v21  }
0x4c: {  	v21 =	vld [tilespmem:s12+$0x0];
	_ =	sdelay $0x4  }
0x4d: {  	s14 =	simm.s32 $0x20;
	s13 =	simm.s32 $0x10;
	v21 =	vshll.u32 v21, $0x1  }
.LBB2_5:
0x4e: {  	s11 =	sadd.s32 $0x10, s11  }
0x4f: {  	v22 =	vmov s13;
	[tilespmem:v20+s22+$0x0] =	vst.idx.msk $0xffff, v21;
	s12 =	sadd.s32 $0x10, s12;
	s13 =	smov.u32 s14;
	s6 =	sadd.s32 $0x10, s14  }
0x50: {  	p0 =	sne.s32 s14, $0x310;
	v20 =	vshll.u32 v22, $0x1;
	v21 =	vld [tilespmem:s11+$0x0]  }
0x51: {  	v20 =	vor.u32 v0, v20;
	_ =	sdelay $0x3  }
0x52: {  	v21 =	vshll.u32 v21, $0x1  }
0x53: {  	[tilespmem:v20+s21+$0x0] =	vst.idx.msk $0xffff, v21  }
0x54: {  	v21 =	vld [tilespmem:s12+$0x0]  }
.Ltmp1:
0x55: {  	(pc) =	sbr.rel @p0 .LBB2_5-.Ltmp1, $2  }
0x56: {  	_ =	sdelay $0x2  }
0x57: {  	s14 =	smov.u32 s6;
	v21 =	vshll.u32 v21, $0x1  }
0x58: {  	_ =	sdelay $0x3  }
0x59: {  	v22 =	vmov s13;
	[tilespmem:v20+s22+$0x0] =	vst.idx.msk $0xffff, v21;
	s6 =	sadd.s32 $0x10, s11  }
0x5a: {  	v20 =	vshll.u32 v22, $0x1;
	v21 =	vld [tilespmem:s6+$0x0]  }
0x5b: {  	v20 =	vor.u32 v0, v20;
	_ =	sdelay $0x3  }
0x5c: {  	v21 =	vshll.u32 v21, $0x1  }
0x5d: {  	s13 =	sadd.s32 $0x10, s12;
	[tilespmem:v20+s21+$0x0] =	vst.idx.msk $0xffff, v21  }
0x5e: {  	v21 =	vld [tilespmem:s13+$0x0];
	_ =	sdelay $0x4  }
0x5f: {  	v21 =	vshll.u32 v21, $0x1  }
0x60: {  	[tilespmem:v20+s22+$0x0] =	vst.idx.msk $0xffff, v21  }
0x61: {  	[tilespmem:s23], [sflag:$0x1] =	stream.indirect.gather [hbm4b:s7+s18], $0x4, s21, s18, $0xb8;
	[tilespmem:$0x125C0] =	vst v63  }
0x62: {  	s11 =	simm.s32 $0x0  }
0x63: {  	v20 =	vmov s11;
	[tilespmem:s24], [sflag:$0x1] =	stream.indirect.gather [hbm4b:s7+s18], $0x4, s22, s18, $0xb8;
	[tilespmem:$0x125C0] =	vst v63  }
0x64: {  	v20 =	vshll.u32 v20, $0x3;
	_ =	swait.ge [sflag:s25], $0x1900  }
0x65: {  	v20 =	vor.u32 v1, v20;
	[sflag:s25] =	ssyncset.done $0x0  }
0x66: {  	[sflag:s25] =	ssyncadd.s32 $0xFFFFE700  }
0x67: {  	v21 =	vor.u32 $0x1, v20;
	_ =	swait.ge [sflag:s25], $0x1900  }
0x68: {  	[sflag:s25] =	ssyncset.done $0x0  }
0x69: {  	v22 =	vor.u32 $0x2, v20;
	[sflag:s25] =	ssyncadd.s32 $0xFFFFE700  }
0x6a: {  	v23 =	vld.idx.msk [tilespmem:v20+s19+$0x0], $0xffff  }
0x6b: {  	v20 =	vld.idx.msk [tilespmem:v20+s20+$0x0], $0xffff  }
0x6c: {  	v24 =	vld.idx.msk [tilespmem:v21+s19+$0x0], $0xffff  }
0x6d: {  	v21 =	vld.idx.msk [tilespmem:v21+s20+$0x0], $0xffff  }
0x6e: {  	v25 =	vld.idx.msk [tilespmem:v22+s20+$0x0], $0xffff  }
0x6f: {  	v26 =	vld.idx.msk [tilespmem:v22+s19+$0x0], $0xffff;
	_ =	sdelay $0x2  }
0x70: {  	v22 =	vsub.f32 v23, v20;
	v21 =	vsub.f32 v24, v21;
	_ =	sdelay $0x1  }
0x71: {  	v24 =	vsub.f32 v26, v25;
	v20 =	vmul.f32 v22, v22;
	v23 =	vmul.f32 v21, v21;
	_ =	sdelay $0x1  }
0x72: {  	v20 =	vadd.f32 v23, v20;
	v23 =	vmul.f32 v24, v24;
	_ =	sdelay $0x1  }
0x73: {  	v20 =	vadd.f32 v23, v20;
	_ =	sdelay $0x1  }
0x74: {  	v23 =	vshra.s32 v20, $0x1;
	v25 =	vmul.f32 $5.000000000e-01, v20  }
0x75: {  	v20 =	vsub.s32 $0x5F3759DF, v23  }
0x76: {  	v23 =	vmul.f32 v20, v25;
	_ =	sdelay $0x1  }
0x77: {  	v23 =	vmul.f32 v20, v23;
	_ =	sdelay $0x1  }
0x78: {  	v23 =	vsub.f32 $1.500000000e+00, v23;
	_ =	sdelay $0x1  }
0x79: {  	v23 =	vmul.f32 v20, v23;
	_ =	sdelay $0x1  }
0x7a: {  	v20 =	vmul.f32 v23, v25;
	_ =	sdelay $0x1  }
0x7b: {  	v20 =	vmul.f32 v20, v23;
	_ =	sdelay $0x1  }
0x7c: {  	v26 =	vsub.f32 $1.500000000e+00, v20  }
0x7d: {  	v27 =	vadd.s32 s11, v13  }
0x7e: {  	v31 =	vadd.s32 s11, v11;
	v34 =	vadd.s32 s11, v5;
	v26 =	vmul.f32 v26, v23  }
0x7f: {  	v28 =	vand.u32 $0x7FF8, v27;
	v27 =	vadd.s32 s11, v17;
	v31 =	vand.u32 $0x7FF8, v31  }
0x80: {  	v30 =	vand.u32 $0x7FF8, v27;
	v27 =	vadd.s32 s11, v9;
	v25 =	vmul.f32 v26, v25  }
0x81: {  	v31 =	vor.u32 v12, v31;
	v32 =	vor.u32 v14, v28;
	v27 =	vand.u32 $0x7FF8, v27  }
0x82: {  	v27 =	vor.u32 v10, v27;
	v23 =	vadd.s32 s11, v15;
	v25 =	vmul.f32 v25, v26  }
0x83: {  	v20 =	vadd.s32 s11, v7;
	v29 =	vand.u32 $0x7FF8, v23;
	v23 =	vadd.s32 s11, v19  }
0x84: {  	s14 =	simm.s32 $0x10;
	v20 =	vand.u32 $0x7FF8, v20;
	v23 =	vand.u32 $0x7FF8, v23;
	v33 =	vsub.f32 $1.500000000e+00, v25  }
0x85: {  	v29 =	vor.u32 v16, v29;
	v25 =	vor.u32 v18, v30;
	v30 =	vmov s14  }
0x86: {  	v28 =	vshll.u32 v30, $0x3;
	v33 =	vmul.f32 v33, v26;
	v26 =	vadd.s32 s11, v2  }
0x87: {  	v23 =	vor.u32 v3, v23;
	v28 =	vor.u32 v1, v28;
	v35 =	vand.u32 $0x7FF8, v26  }
0x88: {  	s12 =	simm.s32 $0x20;
	v30 =	vor.u32 $0x1, v28;
	v26 =	vor.u32 $0x2, v28;
	v33 =	vmin.f32 v33, $9.999999950e+11  }
.LBB2_7:
0x89: {  	p0 =	sne.s32 s12, $0x310  }
0x8a: {  	v22 =	vmul.f32 v33, v22;
	v24 =	vmul.f32 v33, v24;
	v35 =	vor.u32 v3, v35;
	s11 =	sadd.s32 $0x90, s11;
	s13 =	smov.u32 s12;
	s12 =	sadd.s32 $0x10, s12  }
0x8b: {  	v34 =	vand.u32 $0x7FF8, v34;
	v37 =	vor.u32 v8, v20;
	v36 =	vadd.s32 s11, v7  }
0x8c: {  	v34 =	vor.u32 v6, v34;
	v38 =	vmul.f32 v22, v22;
	v39 =	vmul.f32 v24, v24  }
0x8d: {  	v21 =	vmul.f32 v33, v21;
	v20 =	vand.u32 $0x7FF8, v36;
	v33 =	vmul.f32 $3.872983460e+00, v22  }
0x8e: {  	v22 =	vmul.f32 $1.732050780e+00, v22;
	v36 =	vmul.f32 $1.732050780e+00, v24;
	v40 =	vadd.f32 v39, v38  }
0x8f: {  	v41 =	vmul.f32 $1.732050780e+00, v21;
	v42 =	vmul.f32 v33, v24;
	v38 =	vsub.f32 v39, v38;
	[tilespmem:v35+s26+$0x0] =	vst.idx.msk $0xffff, v4  }
0x90: {  	v39 =	vmul.f32 v21, v21;
	v35 =	vadd.s32 s11, v13;
	v40 =	vmul.f32 $5.000000000e-01, v40  }
0x91: {  	v33 =	vmul.f32 v33, v21;
	v21 =	vmul.f32 $3.872983460e+00, v21;
	v35 =	vand.u32 $0x7FF8, v35;
	[tilespmem:v34+s26+$0x0] =	vst.idx.msk $0xffff, v22  }
0x92: {  	v22 =	vadd.s32 s11, v15;
	v34 =	vadd.s32 s11, v17;
	v39 =	vsub.f32 v39, v40;
	[tilespmem:v37+s26+$0x0] =	vst.idx.msk $0xffff, v41  }
0x93: {  	v21 =	vmul.f32 v21, v24;
	v37 =	vand.u32 $0x7FF8, v22;
	v34 =	vand.u32 $0x7FF8, v34;
	[tilespmem:v27+s26+$0x0] =	vst.idx.msk $0xffff, v36  }
0x94: {  	v22 =	vadd.s32 s11, v19;
	v24 =	vmul.f32 $2.236068010e+00, v39;
	[tilespmem:v31+s26+$0x0] =	vst.idx.msk $0xffff, v42  }
0x95: {  	v31 =	vand.u32 $0x7FF8, v22;
	[tilespmem:v32+s26+$0x0] =	vst.idx.msk $0xffff, v33  }
0x96: {  	v22 =	vmul.f32 $1.936491730e+00, v38;
	[tilespmem:v29+s26+$0x0] =	vst.idx.msk $0xffff, v24  }
0x97: {  	[tilespmem:v25+s26+$0x0] =	vst.idx.msk $0xffff, v21  }
0x98: {  	[tilespmem:v23+s26+$0x0] =	vst.idx.msk $0xffff, v22  }
0x99: {  	v21 =	vld.idx.msk [tilespmem:v28+s19+$0x0], $0xffff  }
0x9a: {  	v22 =	vld.idx.msk [tilespmem:v28+s20+$0x0], $0xffff  }
0x9b: {  	v23 =	vld.idx.msk [tilespmem:v30+s19+$0x0], $0xffff  }
0x9c: {  	v24 =	vld.idx.msk [tilespmem:v30+s20+$0x0], $0xffff  }
0x9d: {  	v25 =	vld.idx.msk [tilespmem:v26+s20+$0x0], $0xffff  }
0x9e: {  	v26 =	vld.idx.msk [tilespmem:v26+s19+$0x0], $0xffff;
	_ =	sdelay $0x1  }
0x9f: {  	v22 =	vsub.f32 v21, v22;
	_ =	sdelay $0x1  }
0xa0: {  	v21 =	vsub.f32 v23, v24;
	_ =	sdelay $0x1  }
0xa1: {  	v23 =	vmul.f32 v22, v22;
	v24 =	vsub.f32 v26, v25;
	v25 =	vmul.f32 v21, v21;
	_ =	sdelay $0x1  }
0xa2: {  	v23 =	vadd.f32 v25, v23;
	v25 =	vmul.f32 v24, v24;
	_ =	sdelay $0x1  }
0xa3: {  	v23 =	vadd.f32 v25, v23;
	_ =	sdelay $0x1  }
0xa4: {  	v25 =	vshra.s32 v23, $0x1;
	v23 =	vmul.f32 $5.000000000e-01, v23  }
0xa5: {  	v25 =	vsub.s32 $0x5F3759DF, v25  }
0xa6: {  	v26 =	vmul.f32 v25, v23;
	_ =	sdelay $0x1  }
0xa7: {  	v26 =	vmul.f32 v25, v26;
	_ =	sdelay $0x1  }
0xa8: {  	v26 =	vsub.f32 $1.500000000e+00, v26;
	_ =	sdelay $0x1  }
0xa9: {  	v25 =	vmul.f32 v25, v26;
	_ =	sdelay $0x1  }
0xaa: {  	v26 =	vmul.f32 v25, v23;
	_ =	sdelay $0x1  }
0xab: {  	v26 =	vmul.f32 v26, v25;
	_ =	sdelay $0x1  }
0xac: {  	v26 =	vsub.f32 $1.500000000e+00, v26;
	_ =	sdelay $0x1  }
0xad: {  	v26 =	vmul.f32 v26, v25;
	_ =	sdelay $0x1  }
0xae: {  	v23 =	vmul.f32 v26, v23  }
0xaf: {  	v25 =	vadd.s32 s11, v9  }
0xb0: {  	v28 =	vmul.f32 v23, v26;
	v23 =	vand.u32 $0x7FF8, v25;
	v25 =	vadd.s32 s11, v11  }
0xb1: {  	v27 =	vor.u32 v10, v23;
	v25 =	vand.u32 $0x7FF8, v25;
	v23 =	vor.u32 v3, v31  }
.Ltmp2:
0xb2: {  	v28 =	vsub.f32 $1.500000000e+00, v28;
	v31 =	vor.u32 v12, v25;
	v25 =	vor.u32 v18, v34;
	(pc) =	sbr.rel @p0 .LBB2_7-.Ltmp2, $4  }
0xb3: {  	v32 =	vor.u32 v14, v35;
	v29 =	vor.u32 v16, v37;
	v30 =	vmov s13  }
0xb4: {  	v30 =	vshll.u32 v30, $0x3;
	v33 =	vmul.f32 v28, v26;
	v26 =	vadd.s32 s11, v2  }
0xb5: {  	v34 =	vadd.s32 s11, v5;
	v28 =	vor.u32 v1, v30;
	v35 =	vand.u32 $0x7FF8, v26  }
0xb6: {  	v30 =	vor.u32 $0x1, v28;
	v26 =	vor.u32 $0x2, v28;
	v33 =	vmin.f32 v33, $9.999999950e+11  }
0xb7: {  	v22 =	vmul.f32 v33, v22;
	v24 =	vmul.f32 v33, v24  }
0xb8: {  	v35 =	vor.u32 v3, v35;
	v34 =	vand.u32 $0x7FF8, v34  }
0xb9: {  	v34 =	vor.u32 v6, v34;
	v36 =	vmul.f32 v22, v22;
	v37 =	vmul.f32 v24, v24  }
0xba: {  	v20 =	vor.u32 v8, v20;
	v21 =	vmul.f32 v33, v21  }
0xbb: {  	v62 =	vmul.f32 $3.872983460e+00, v22;
	v38 =	vadd.f32 v37, v36  }
0xbc: {  	v22 =	vmul.f32 $1.732050780e+00, v22;
	v39 =	vmul.f32 $1.732050780e+00, v21  }
0xbd: {  	v63 =	vmul.f32 v21, v21;
	[tilespmem:v35+s26+$0x0] =	vst.idx.msk $0xffff, v4;
	v38 =	vmul.f32 $5.000000000e-01, v38  }
0xbe: {  	v40 =	vmul.f32 $1.732050780e+00, v24;
	[tilespmem:v34+s26+$0x0] =	vst.idx.msk $0xffff, v22  }
0xbf: {  	v22 =	vmul.f32 v62, v24;
	[tilespmem:v20+s26+$0x0] =	vst.idx.msk $0xffff, v39;
	v38 =	vsub.f32 v63, v38  }
0xc0: {  	v20 =	vmul.f32 v62, v21;
	v21 =	vmul.f32 $3.872983460e+00, v21;
	[tilespmem:v27+s26+$0x0] =	vst.idx.msk $0xffff, v40  }
0xc1: {  	v39 =	vsub.f32 v37, v36;
	[tilespmem:v31+s26+$0x0] =	vst.idx.msk $0xffff, v22;
	v40 =	vmul.f32 $2.236068010e+00, v38  }
0xc2: {  	v21 =	vmul.f32 v21, v24;
	[tilespmem:v32+s26+$0x0] =	vst.idx.msk $0xffff, v20  }
0xc3: {  	v20 =	vmul.f32 $1.936491730e+00, v39;
	[tilespmem:v29+s26+$0x0] =	vst.idx.msk $0xffff, v40  }
0xc4: {  	[tilespmem:v25+s26+$0x0] =	vst.idx.msk $0xffff, v21  }
0xc5: {  	[tilespmem:v23+s26+$0x0] =	vst.idx.msk $0xffff, v20  }
0xc6: {  	v20 =	vld.idx.msk [tilespmem:v28+s19+$0x0], $0xffff  }
0xc7: {  	v21 =	vld.idx.msk [tilespmem:v28+s20+$0x0], $0xffff  }
0xc8: {  	v22 =	vld.idx.msk [tilespmem:v30+s19+$0x0], $0xffff  }
0xc9: {  	v23 =	vld.idx.msk [tilespmem:v30+s20+$0x0], $0xffff  }
0xca: {  	v41 =	vld.idx.msk [tilespmem:v26+s20+$0x0], $0xffff  }
0xcb: {  	v25 =	vld.idx.msk [tilespmem:v26+s19+$0x0], $0xffff;
	_ =	sdelay $0x2  }
0xcc: {  	v20 =	vsub.f32 v20, v21;
	v21 =	vsub.f32 v22, v23;
	_ =	sdelay $0x1  }
0xcd: {  	v22 =	vsub.f32 v25, v41;
	v23 =	vmul.f32 v20, v20;
	v42 =	vmul.f32 v21, v21;
	_ =	sdelay $0x1  }
0xce: {  	v43 =	vmul.f32 v22, v22;
	v23 =	vadd.f32 v42, v23;
	_ =	sdelay $0x1  }
0xcf: {  	v23 =	vadd.f32 v43, v23;
	_ =	sdelay $0x1  }
0xd0: {  	v24 =	vshra.s32 v23, $0x1;
	v23 =	vmul.f32 $5.000000000e-01, v23  }
0xd1: {  	v24 =	vsub.s32 $0x5F3759DF, v24  }
0xd2: {  	v44 =	vmul.f32 v24, v23;
	_ =	sdelay $0x1  }
0xd3: {  	v25 =	vmul.f32 v24, v44;
	_ =	sdelay $0x1  }
0xd4: {  	v25 =	vsub.f32 $1.500000000e+00, v25;
	_ =	sdelay $0x1  }
0xd5: {  	v24 =	vmul.f32 v24, v25;
	_ =	sdelay $0x1  }
0xd6: {  	v25 =	vmul.f32 v24, v23;
	_ =	sdelay $0x1  }
0xd7: {  	v25 =	vmul.f32 v25, v24;
	_ =	sdelay $0x1  }
0xd8: {  	v25 =	vsub.f32 $1.500000000e+00, v25;
	_ =	sdelay $0x1  }
0xd9: {  	v24 =	vmul.f32 v25, v24;
	_ =	sdelay $0x1  }
0xda: {  	v23 =	vmul.f32 v24, v23;
	_ =	sdelay $0x1  }
0xdb: {  	s6 =	sadd.s32 $0x90, s11;
	v23 =	vmul.f32 v23, v24  }
0xdc: {  	v45 =	vadd.s32 s6, v7  }
0xdd: {  	v46 =	vadd.s32 s6, v13;
	v47 =	vadd.s32 s6, v15;
	v23 =	vsub.f32 $1.500000000e+00, v23  }
0xde: {  	v48 =	vadd.s32 s6, v17;
	v49 =	vadd.s32 s6, v19;
	v50 =	vadd.s32 s6, v9  }
0xdf: {  	v51 =	vadd.s32 s6, v2;
	v52 =	vadd.s32 s6, v5;
	v23 =	vmul.f32 v23, v24  }
0xe0: {  	v53 =	vadd.s32 s6, v11;
	v27 =	vand.u32 $0x7FF8, v47;
	v31 =	vand.u32 $0x7FF8, v52  }
0xe1: {  	v31 =	vor.u32 v6, v31;
	v29 =	vand.u32 $0x7FF8, v50;
	v23 =	vmin.f32 v23, $9.999999950e+11  }
0xe2: {  	v30 =	vand.u32 $0x7FF8, v51;
	v20 =	vmul.f32 v23, v20;
	v22 =	vmul.f32 v23, v22  }
0xe3: {  	v29 =	vor.u32 v10, v29;
	v26 =	vand.u32 $0x7FF8, v46;
	v30 =	vor.u32 v3, v30  }
0xe4: {  	v25 =	vand.u32 $0x7FF8, v45;
	v54 =	vmul.f32 v20, v20;
	v55 =	vmul.f32 v22, v22  }
0xe5: {  	v28 =	vand.u32 $0x7FF8, v48;
	v25 =	vor.u32 v8, v25;
	v21 =	vmul.f32 v23, v21  }
0xe6: {  	v23 =	vand.u32 $0x7FF8, v53;
	v56 =	vmul.f32 $3.872983460e+00, v20;
	v57 =	vadd.f32 v55, v54  }
0xe7: {  	v23 =	vor.u32 v12, v23;
	v20 =	vmul.f32 $1.732050780e+00, v20;
	v58 =	vmul.f32 $1.732050780e+00, v21  }
0xe8: {  	v26 =	vor.u32 v14, v26;
	[tilespmem:v30+s26+$0x0] =	vst.idx.msk $0xffff, v4;
	v59 =	vmul.f32 v21, v21;
	v35 =	vmul.f32 $5.000000000e-01, v57  }
0xe9: {  	v27 =	vor.u32 v16, v27;
	v28 =	vor.u32 v18, v28;
	v60 =	vmul.f32 $1.732050780e+00, v22;
	[tilespmem:v31+s26+$0x0] =	vst.idx.msk $0xffff, v20  }
0xea: {  	v20 =	vand.u32 $0x7FF8, v49;
	v61 =	vmul.f32 v56, v22;
	[tilespmem:v25+s26+$0x0] =	vst.idx.msk $0xffff, v58;
	v30 =	vsub.f32 v59, v35  }
0xeb: {  	v62 =	vmul.f32 v56, v21;
	v21 =	vmul.f32 $3.872983460e+00, v21;
	v20 =	vor.u32 v3, v20;
	[tilespmem:v29+s26+$0x0] =	vst.idx.msk $0xffff, v60  }
0xec: {  	v63 =	vsub.f32 v55, v54;
	[tilespmem:v23+s26+$0x0] =	vst.idx.msk $0xffff, v61;
	v30 =	vmul.f32 $2.236068010e+00, v30  }
0xed: {  	v21 =	vmul.f32 v21, v22;
	[tilespmem:v26+s26+$0x0] =	vst.idx.msk $0xffff, v62  }
0xee: {  	s13 =	smul.u32 $0x384, s8;
	v22 =	vmul.f32 $1.936491730e+00, v63;
	[tilespmem:v27+s26+$0x0] =	vst.idx.msk $0xffff, v30  }
0xef: {  	s1 =	sadd.s32 s9, s1;
	[tilespmem:v28+s26+$0x0] =	vst.idx.msk $0xffff, v21  }
0xf0: {  	s8 =	simm.s32 $0x0;
	s1 =	smul.u32 $0x320, s1;
	s6 =	sadd.s32 s2, s13;
	[tilespmem:v20+s26+$0x0] =	vst.idx.msk $0xffff, v22  }
0xf1: {  	[hbm4b:s6+s8] =	stream.linear.scatter [tilespmem:s26], [sflag:$0x2], $0x1C20, $0x38;
	[tilespmem:$0x125C0] =	vst v63  }
0xf2: {  	_ =	swait.ge [sflag:s15], $0x1C20  }
0xf3: {  	s1 =	sshrl.u32 s1, $0x3;
	[sflag:s15] =	ssyncset.done $0x0  }
0xf4: {  	s1 =	sadd.s32 s5, s1;
	[sflag:s15] =	ssyncadd.s32 $0xFFFFE3E0  }
0xf5: {  	[tilespmem:s8], [sflag:$0x2] =	stream.linear.gather [hbm4b:s1+s8], $0x320, $0x38;
	[tilespmem:$0x125C0] =	vst v63  }
0xf6: {  	_ =	swait.ge [sflag:s15], $0x320  }
0xf7: {  	[sflag:s15] =	ssyncset.done $0x0  }
0xf8: {  	s14 =	sadd.s32 $0xC3500, s1;
	s1 =	simm.s32 $0x640;
	[sflag:s15] =	ssyncadd.s32 $0xFFFFFCE0  }
0xf9: {  	[tilespmem:s1], [sflag:$0x2] =	stream.linear.gather [hbm4b:s14+s8], $0x320, $0x38;
	[tilespmem:$0x125C0] =	vst v63  }
0xfa: {  	_ =	swait.ge [sflag:s15], $0x320  }
0xfb: {  	[sflag:s15] =	ssyncset.done $0x0  }
0xfc: {  	v20 =	vmov s8;
	[sflag:s15] =	ssyncadd.s32 $0xFFFFFCE0  }
0xfd: {  	v20 =	vshll.u32 v20, $0x1;
	v21 =	vld [tilespmem:s8+$0x0]  }
0xfe: {  	v20 =	vor.u32 v0, v20;
	_ =	sdelay $0x3  }
0xff: {  	v21 =	vshll.u32 v21, $0x1  }
0x100: {  	[tilespmem:v20+s16+$0x0] =	vst.idx.msk $0xffff, v21  }
0x101: {  	v21 =	vld [tilespmem:s1+$0x0];
	_ =	sdelay $0x4  }
0x102: {  	s11 =	simm.s32 $0x10;
	s12 =	simm.s32 $0x20;
	v21 =	vshll.u32 v21, $0x1  }
.LBB2_9:
0x103: {  	s8 =	sadd.s32 $0x10, s8  }
0x104: {  	v22 =	vmov s11;
	[tilespmem:v20+s17+$0x0] =	vst.idx.msk $0xffff, v21;
	s1 =	sadd.s32 $0x10, s1;
	s11 =	smov.u32 s12;
	s6 =	sadd.s32 $0x10, s12  }
0x105: {  	p0 =	sne.s32 s12, $0x310;
	v20 =	vshll.u32 v22, $0x1;
	v21 =	vld [tilespmem:s8+$0x0]  }
0x106: {  	v20 =	vor.u32 v0, v20;
	_ =	sdelay $0x3  }
0x107: {  	v21 =	vshll.u32 v21, $0x1  }
0x108: {  	[tilespmem:v20+s16+$0x0] =	vst.idx.msk $0xffff, v21  }
0x109: {  	v21 =	vld [tilespmem:s1+$0x0]  }
.Ltmp3:
0x10a: {  	(pc) =	sbr.rel @p0 .LBB2_9-.Ltmp3, $2  }
0x10b: {  	_ =	sdelay $0x2  }
0x10c: {  	s12 =	smov.u32 s6;
	v21 =	vshll.u32 v21, $0x1  }
0x10d: {  	_ =	sdelay $0x3  }
0x10e: {  	v22 =	vmov s11;
	[tilespmem:v20+s17+$0x0] =	vst.idx.msk $0xffff, v21;
	s6 =	sadd.s32 $0x10, s8  }
0x10f: {  	v20 =	vshll.u32 v22, $0x1;
	v21 =	vld [tilespmem:s6+$0x0]  }
0x110: {  	v20 =	vor.u32 v0, v20;
	_ =	sdelay $0x3  }
0x111: {  	v21 =	vshll.u32 v21, $0x1  }
0x112: {  	s1 =	sadd.s32 $0x10, s1;
	[tilespmem:v20+s16+$0x0] =	vst.idx.msk $0xffff, v21  }
0x113: {  	v21 =	vld [tilespmem:s1+$0x0];
	_ =	sdelay $0x4  }
0x114: {  	v21 =	vshll.u32 v21, $0x1  }
0x115: {  	[tilespmem:v20+s17+$0x0] =	vst.idx.msk $0xffff, v21  }
0x116: {  	[tilespmem:s19], [sflag:$0x1] =	stream.indirect.gather [hbm4b:s7+s18], $0x4, s16, s18, $0xb8;
	[tilespmem:$0x125C0] =	vst v63  }
0x117: {  	s1 =	simm.s32 $0x0  }
0x118: {  	v20 =	vmov s1;
	[tilespmem:s20], [sflag:$0x1] =	stream.indirect.gather [hbm4b:s7+s18], $0x4, s17, s18, $0xb8;
	[tilespmem:$0x125C0] =	vst v63  }
0x119: {  	v20 =	vshll.u32 v20, $0x3;
	_ =	swait.ge [sflag:s25], $0x1900  }
0x11a: {  	v20 =	vor.u32 v1, v20;
	[sflag:s25] =	ssyncset.done $0x0  }
0x11b: {  	[sflag:s25] =	ssyncadd.s32 $0xFFFFE700  }
0x11c: {  	v21 =	vor.u32 $0x1, v20;
	_ =	swait.ge [sflag:s25], $0x1900  }
0x11d: {  	[sflag:s25] =	ssyncset.done $0x0  }
0x11e: {  	v22 =	vor.u32 $0x2, v20;
	[sflag:s25] =	ssyncadd.s32 $0xFFFFE700  }
0x11f: {  	v23 =	vld.idx.msk [tilespmem:v20+s23+$0x0], $0xffff  }
0x120: {  	v20 =	vld.idx.msk [tilespmem:v20+s24+$0x0], $0xffff  }
0x121: {  	v24 =	vld.idx.msk [tilespmem:v21+s23+$0x0], $0xffff  }
0x122: {  	v21 =	vld.idx.msk [tilespmem:v21+s24+$0x0], $0xffff  }
0x123: {  	v25 =	vld.idx.msk [tilespmem:v22+s24+$0x0], $0xffff  }
0x124: {  	v26 =	vld.idx.msk [tilespmem:v22+s23+$0x0], $0xffff;
	_ =	sdelay $0x2  }
0x125: {  	v22 =	vsub.f32 v23, v20;
	v21 =	vsub.f32 v24, v21;
	_ =	sdelay $0x1  }
0x126: {  	v24 =	vsub.f32 v26, v25;
	v20 =	vmul.f32 v22, v22;
	v23 =	vmul.f32 v21, v21;
	_ =	sdelay $0x1  }
0x127: {  	v20 =	vadd.f32 v23, v20;
	v23 =	vmul.f32 v24, v24;
	_ =	sdelay $0x1  }
0x128: {  	v20 =	vadd.f32 v23, v20;
	_ =	sdelay $0x1  }
0x129: {  	v23 =	vshra.s32 v20, $0x1;
	v25 =	vmul.f32 $5.000000000e-01, v20  }
0x12a: {  	v20 =	vsub.s32 $0x5F3759DF, v23  }
0x12b: {  	v23 =	vmul.f32 v20, v25;
	_ =	sdelay $0x1  }
0x12c: {  	v23 =	vmul.f32 v20, v23;
	_ =	sdelay $0x1  }
0x12d: {  	v23 =	vsub.f32 $1.500000000e+00, v23;
	_ =	sdelay $0x1  }
0x12e: {  	v23 =	vmul.f32 v20, v23;
	_ =	sdelay $0x1  }
0x12f: {  	v20 =	vmul.f32 v23, v25;
	_ =	sdelay $0x1  }
0x130: {  	v20 =	vmul.f32 v20, v23;
	_ =	sdelay $0x1  }
0x131: {  	v26 =	vsub.f32 $1.500000000e+00, v20  }
0x132: {  	v27 =	vadd.s32 s1, v13  }
0x133: {  	v31 =	vadd.s32 s1, v11;
	v34 =	vadd.s32 s1, v5;
	v26 =	vmul.f32 v26, v23  }
0x134: {  	v28 =	vand.u32 $0x7FF8, v27;
	v27 =	vadd.s32 s1, v17;
	v31 =	vand.u32 $0x7FF8, v31  }
0x135: {  	v30 =	vand.u32 $0x7FF8, v27;
	v27 =	vadd.s32 s1, v9;
	v25 =	vmul.f32 v26, v25  }
0x136: {  	v31 =	vor.u32 v12, v31;
	v32 =	vor.u32 v14, v28;
	v27 =	vand.u32 $0x7FF8, v27  }
0x137: {  	v27 =	vor.u32 v10, v27;
	v23 =	vadd.s32 s1, v15;
	v25 =	vmul.f32 v25, v26  }
0x138: {  	v20 =	vadd.s32 s1, v7;
	v29 =	vand.u32 $0x7FF8, v23;
	v23 =	vadd.s32 s1, v19  }
0x139: {  	s14 =	simm.s32 $0x10;
	v20 =	vand.u32 $0x7FF8, v20;
	v23 =	vand.u32 $0x7FF8, v23;
	v33 =	vsub.f32 $1.500000000e+00, v25  }
0x13a: {  	v29 =	vor.u32 v16, v29;
	v25 =	vor.u32 v18, v30;
	v30 =	vmov s14  }
0x13b: {  	v28 =	vshll.u32 v30, $0x3;
	v33 =	vmul.f32 v33, v26;
	v26 =	vadd.s32 s1, v2  }
0x13c: {  	v23 =	vor.u32 v3, v23;
	v28 =	vor.u32 v1, v28;
	v35 =	vand.u32 $0x7FF8, v26  }
0x13d: {  	s8 =	simm.s32 $0x20;
	v30 =	vor.u32 $0x1, v28;
	v26 =	vor.u32 $0x2, v28;
	v33 =	vmin.f32 v33, $9.999999950e+11  }
.LBB2_11:
0x13e: {  	p0 =	sne.s32 s8, $0x310  }
0x13f: {  	v22 =	vmul.f32 v33, v22;
	v24 =	vmul.f32 v33, v24;
	v35 =	vor.u32 v3, v35;
	s1 =	sadd.s32 $0x90, s1;
	s11 =	smov.u32 s8;
	s8 =	sadd.s32 $0x10, s8  }
0x140: {  	v34 =	vand.u32 $0x7FF8, v34;
	v37 =	vor.u32 v8, v20;
	v36 =	vadd.s32 s1, v7  }
0x141: {  	v34 =	vor.u32 v6, v34;
	v38 =	vmul.f32 v22, v22;
	v39 =	vmul.f32 v24, v24  }
0x142: {  	v21 =	vmul.f32 v33, v21;
	v20 =	vand.u32 $0x7FF8, v36;
	v33 =	vmul.f32 $3.872983460e+00, v22  }
0x143: {  	v22 =	vmul.f32 $1.732050780e+00, v22;
	v36 =	vmul.f32 $1.732050780e+00, v24;
	v40 =	vadd.f32 v39, v38  }
0x144: {  	v41 =	vmul.f32 $1.732050780e+00, v21;
	v42 =	vmul.f32 v33, v24;
	v38 =	vsub.f32 v39, v38;
	[tilespmem:v35+s28+$0x0] =	vst.idx.msk $0xffff, v4  }
0x145: {  	v39 =	vmul.f32 v21, v21;
	v35 =	vadd.s32 s1, v13;
	v40 =	vmul.f32 $5.000000000e-01, v40  }
0x146: {  	v33 =	vmul.f32 v33, v21;
	v21 =	vmul.f32 $3.872983460e+00, v21;
	v35 =	vand.u32 $0x7FF8, v35;
	[tilespmem:v34+s28+$0x0] =	vst.idx.msk $0xffff, v22  }
0x147: {  	v22 =	vadd.s32 s1, v15;
	v34 =	vadd.s32 s1, v17;
	v39 =	vsub.f32 v39, v40;
	[tilespmem:v37+s28+$0x0] =	vst.idx.msk $0xffff, v41  }
0x148: {  	v21 =	vmul.f32 v21, v24;
	v37 =	vand.u32 $0x7FF8, v22;
	v34 =	vand.u32 $0x7FF8, v34;
	[tilespmem:v27+s28+$0x0] =	vst.idx.msk $0xffff, v36  }
0x149: {  	v22 =	vadd.s32 s1, v19;
	v24 =	vmul.f32 $2.236068010e+00, v39;
	[tilespmem:v31+s28+$0x0] =	vst.idx.msk $0xffff, v42  }
0x14a: {  	v31 =	vand.u32 $0x7FF8, v22;
	[tilespmem:v32+s28+$0x0] =	vst.idx.msk $0xffff, v33  }
0x14b: {  	v22 =	vmul.f32 $1.936491730e+00, v38;
	[tilespmem:v29+s28+$0x0] =	vst.idx.msk $0xffff, v24  }
0x14c: {  	[tilespmem:v25+s28+$0x0] =	vst.idx.msk $0xffff, v21  }
0x14d: {  	[tilespmem:v23+s28+$0x0] =	vst.idx.msk $0xffff, v22  }
0x14e: {  	v21 =	vld.idx.msk [tilespmem:v28+s23+$0x0], $0xffff  }
0x14f: {  	v22 =	vld.idx.msk [tilespmem:v28+s24+$0x0], $0xffff  }
0x150: {  	v23 =	vld.idx.msk [tilespmem:v30+s23+$0x0], $0xffff  }
0x151: {  	v24 =	vld.idx.msk [tilespmem:v30+s24+$0x0], $0xffff  }
0x152: {  	v25 =	vld.idx.msk [tilespmem:v26+s24+$0x0], $0xffff  }
0x153: {  	v26 =	vld.idx.msk [tilespmem:v26+s23+$0x0], $0xffff;
	_ =	sdelay $0x1  }
0x154: {  	v22 =	vsub.f32 v21, v22;
	_ =	sdelay $0x1  }
0x155: {  	v21 =	vsub.f32 v23, v24;
	_ =	sdelay $0x1  }
0x156: {  	v23 =	vmul.f32 v22, v22;
	v24 =	vsub.f32 v26, v25;
	v25 =	vmul.f32 v21, v21;
	_ =	sdelay $0x1  }
0x157: {  	v23 =	vadd.f32 v25, v23;
	v25 =	vmul.f32 v24, v24;
	_ =	sdelay $0x1  }
0x158: {  	v23 =	vadd.f32 v25, v23;
	_ =	sdelay $0x1  }
0x159: {  	v25 =	vshra.s32 v23, $0x1;
	v23 =	vmul.f32 $5.000000000e-01, v23  }
0x15a: {  	v25 =	vsub.s32 $0x5F3759DF, v25  }
0x15b: {  	v26 =	vmul.f32 v25, v23;
	_ =	sdelay $0x1  }
0x15c: {  	v26 =	vmul.f32 v25, v26;
	_ =	sdelay $0x1  }
0x15d: {  	v26 =	vsub.f32 $1.500000000e+00, v26;
	_ =	sdelay $0x1  }
0x15e: {  	v25 =	vmul.f32 v25, v26;
	_ =	sdelay $0x1  }
0x15f: {  	v26 =	vmul.f32 v25, v23;
	_ =	sdelay $0x1  }
0x160: {  	v26 =	vmul.f32 v26, v25;
	_ =	sdelay $0x1  }
0x161: {  	v26 =	vsub.f32 $1.500000000e+00, v26;
	_ =	sdelay $0x1  }
0x162: {  	v26 =	vmul.f32 v26, v25;
	_ =	sdelay $0x1  }
0x163: {  	v23 =	vmul.f32 v26, v23  }
0x164: {  	v25 =	vadd.s32 s1, v9  }
0x165: {  	v28 =	vmul.f32 v23, v26;
	v23 =	vand.u32 $0x7FF8, v25;
	v25 =	vadd.s32 s1, v11  }
0x166: {  	v27 =	vor.u32 v10, v23;
	v25 =	vand.u32 $0x7FF8, v25;
	v23 =	vor.u32 v3, v31  }
.Ltmp4:
0x167: {  	v28 =	vsub.f32 $1.500000000e+00, v28;
	v31 =	vor.u32 v12, v25;
	v25 =	vor.u32 v18, v34;
	(pc) =	sbr.rel @p0 .LBB2_11-.Ltmp4, $4  }
0x168: {  	v32 =	vor.u32 v14, v35;
	v29 =	vor.u32 v16, v37;
	v30 =	vmov s11  }
0x169: {  	v30 =	vshll.u32 v30, $0x3;
	v33 =	vmul.f32 v28, v26;
	v26 =	vadd.s32 s1, v2  }
0x16a: {  	v34 =	vadd.s32 s1, v5;
	v28 =	vor.u32 v1, v30;
	v35 =	vand.u32 $0x7FF8, v26  }
0x16b: {  	v30 =	vor.u32 $0x1, v28;
	v26 =	vor.u32 $0x2, v28;
	v33 =	vmin.f32 v33, $9.999999950e+11  }
0x16c: {  	v22 =	vmul.f32 v33, v22;
	v24 =	vmul.f32 v33, v24  }
0x16d: {  	v35 =	vor.u32 v3, v35;
	v34 =	vand.u32 $0x7FF8, v34  }
0x16e: {  	v34 =	vor.u32 v6, v34;
	v36 =	vmul.f32 v22, v22;
	v37 =	vmul.f32 v24, v24  }
0x16f: {  	v20 =	vor.u32 v8, v20;
	v21 =	vmul.f32 v33, v21  }
0x170: {  	v58 =	vmul.f32 $3.872983460e+00, v22;
	v38 =	vadd.f32 v37, v36  }
0x171: {  	v22 =	vmul.f32 $1.732050780e+00, v22;
	v39 =	vmul.f32 $1.732050780e+00, v21  }
0x172: {  	v59 =	vmul.f32 v21, v21;
	[tilespmem:v35+s28+$0x0] =	vst.idx.msk $0xffff, v4;
	v38 =	vmul.f32 $5.000000000e-01, v38  }
0x173: {  	v40 =	vmul.f32 $1.732050780e+00, v24;
	[tilespmem:v34+s28+$0x0] =	vst.idx.msk $0xffff, v22  }
0x174: {  	v60 =	vmul.f32 v58, v24;
	[tilespmem:v20+s28+$0x0] =	vst.idx.msk $0xffff, v39;
	v61 =	vsub.f32 v59, v38  }
0x175: {  	v20 =	vmul.f32 v58, v21;
	v21 =	vmul.f32 $3.872983460e+00, v21;
	[tilespmem:v27+s28+$0x0] =	vst.idx.msk $0xffff, v40  }
0x176: {  	v62 =	vsub.f32 v37, v36;
	[tilespmem:v31+s28+$0x0] =	vst.idx.msk $0xffff, v60;
	v63 =	vmul.f32 $2.236068010e+00, v61  }
0x177: {  	v21 =	vmul.f32 v21, v24;
	[tilespmem:v32+s28+$0x0] =	vst.idx.msk $0xffff, v20  }
0x178: {  	v20 =	vmul.f32 $1.936491730e+00, v62;
	[tilespmem:v29+s28+$0x0] =	vst.idx.msk $0xffff, v63  }
0x179: {  	[tilespmem:v25+s28+$0x0] =	vst.idx.msk $0xffff, v21  }
0x17a: {  	[tilespmem:v23+s28+$0x0] =	vst.idx.msk $0xffff, v20  }
0x17b: {  	v20 =	vld.idx.msk [tilespmem:v28+s23+$0x0], $0xffff  }
0x17c: {  	v21 =	vld.idx.msk [tilespmem:v28+s24+$0x0], $0xffff  }
0x17d: {  	v22 =	vld.idx.msk [tilespmem:v30+s23+$0x0], $0xffff  }
0x17e: {  	v23 =	vld.idx.msk [tilespmem:v30+s24+$0x0], $0xffff  }
0x17f: {  	v36 =	vld.idx.msk [tilespmem:v26+s24+$0x0], $0xffff  }
0x180: {  	v25 =	vld.idx.msk [tilespmem:v26+s23+$0x0], $0xffff;
	_ =	sdelay $0x2  }
0x181: {  	v20 =	vsub.f32 v20, v21;
	v37 =	vsub.f32 v22, v23;
	_ =	sdelay $0x1  }
0x182: {  	v38 =	vsub.f32 v25, v36;
	v39 =	vmul.f32 v20, v20;
	v40 =	vmul.f32 v37, v37;
	_ =	sdelay $0x1  }
0x183: {  	v41 =	vmul.f32 v38, v38;
	v23 =	vadd.f32 v40, v39;
	_ =	sdelay $0x1  }
0x184: {  	v23 =	vadd.f32 v41, v23;
	_ =	sdelay $0x1  }
0x185: {  	v24 =	vshra.s32 v23, $0x1;
	v23 =	vmul.f32 $5.000000000e-01, v23  }
0x186: {  	v24 =	vsub.s32 $0x5F3759DF, v24  }
0x187: {  	v42 =	vmul.f32 v24, v23;
	_ =	sdelay $0x1  }
0x188: {  	v25 =	vmul.f32 v24, v42;
	_ =	sdelay $0x1  }
0x189: {  	v25 =	vsub.f32 $1.500000000e+00, v25;
	_ =	sdelay $0x1  }
0x18a: {  	v24 =	vmul.f32 v24, v25;
	_ =	sdelay $0x1  }
0x18b: {  	v25 =	vmul.f32 v24, v23;
	_ =	sdelay $0x1  }
0x18c: {  	v25 =	vmul.f32 v25, v24;
	_ =	sdelay $0x1  }
0x18d: {  	v25 =	vsub.f32 $1.500000000e+00, v25;
	_ =	sdelay $0x1  }
0x18e: {  	v24 =	vmul.f32 v25, v24;
	_ =	sdelay $0x1  }
0x18f: {  	v23 =	vmul.f32 v24, v23;
	_ =	sdelay $0x1  }
0x190: {  	s1 =	sadd.s32 $0x90, s1;
	v23 =	vmul.f32 v23, v24  }
0x191: {  	v43 =	vadd.s32 s1, v7  }
0x192: {  	v44 =	vadd.s32 s1, v13;
	v45 =	vadd.s32 s1, v15;
	v23 =	vsub.f32 $1.500000000e+00, v23  }
0x193: {  	v46 =	vadd.s32 s1, v17;
	v47 =	vadd.s32 s1, v19;
	v48 =	vadd.s32 s1, v9  }
0x194: {  	v49 =	vadd.s32 s1, v2;
	v51 =	vadd.s32 s1, v11;
	v23 =	vmul.f32 v23, v24  }
0x195: {  	v50 =	vadd.s32 s1, v5;
	v54 =	vand.u32 $0x7FF8, v51;
	v27 =	vand.u32 $0x7FF8, v45  }
0x196: {  	v31 =	vand.u32 $0x7FF8, v50;
	v29 =	vand.u32 $0x7FF8, v48;
	v23 =	vmin.f32 v23, $9.999999950e+11  }
0x197: {  	v30 =	vand.u32 $0x7FF8, v49;
	v20 =	vmul.f32 v23, v20;
	v22 =	vmul.f32 v23, v38  }
0x198: {  	v31 =	vor.u32 v6, v31;
	v29 =	vor.u32 v10, v29;
	v30 =	vor.u32 v3, v30  }
0x199: {  	v25 =	vand.u32 $0x7FF8, v43;
	v52 =	vmul.f32 v20, v20;
	v53 =	vmul.f32 v22, v22  }
0x19a: {  	v26 =	vand.u32 $0x7FF8, v44;
	v25 =	vor.u32 v8, v25;
	v21 =	vmul.f32 v23, v37  }
0x19b: {  	v28 =	vand.u32 $0x7FF8, v46;
	v55 =	vmul.f32 $3.872983460e+00, v20;
	v56 =	vadd.f32 v53, v52  }
0x19c: {  	v23 =	vor.u32 v12, v54;
	v20 =	vmul.f32 $1.732050780e+00, v20;
	v57 =	vmul.f32 $1.732050780e+00, v21  }
0x19d: {  	v26 =	vor.u32 v14, v26;
	[tilespmem:v30+s28+$0x0] =	vst.idx.msk $0xffff, v4;
	v58 =	vmul.f32 v21, v21;
	v35 =	vmul.f32 $5.000000000e-01, v56  }
0x19e: {  	v27 =	vor.u32 v16, v27;
	v28 =	vor.u32 v18, v28;
	v59 =	vmul.f32 $1.732050780e+00, v22;
	[tilespmem:v31+s28+$0x0] =	vst.idx.msk $0xffff, v20  }
0x19f: {  	v20 =	vand.u32 $0x7FF8, v47;
	v60 =	vmul.f32 v55, v22;
	[tilespmem:v25+s28+$0x0] =	vst.idx.msk $0xffff, v57;
	v30 =	vsub.f32 v58, v35  }
0x1a0: {  	v61 =	vmul.f32 v55, v21;
	v21 =	vmul.f32 $3.872983460e+00, v21;
	v20 =	vor.u32 v3, v20;
	[tilespmem:v29+s28+$0x0] =	vst.idx.msk $0xffff, v59  }
0x1a1: {  	v62 =	vsub.f32 v53, v52;
	[tilespmem:v23+s28+$0x0] =	vst.idx.msk $0xffff, v60;
	v30 =	vmul.f32 $2.236068010e+00, v30  }
0x1a2: {  	v21 =	vmul.f32 v21, v22;
	[tilespmem:v26+s28+$0x0] =	vst.idx.msk $0xffff, v61  }
0x1a3: {  	s0 =	smul.u32 $0x384, s0;
	s31 =	sadd.s32 $0x1, s31;
	v63 =	vmul.f32 $1.936491730e+00, v62;
	[tilespmem:v27+s28+$0x0] =	vst.idx.msk $0xffff, v30  }
0x1a4: {  	p0 =	sne.s32 s31, $0x7C;
	[tilespmem:v28+s28+$0x0] =	vst.idx.msk $0xffff, v21  }
.Ltmp5:
0x1a5: {  	s0 =	sadd.s32 s2, s0;
	[tilespmem:v20+s28+$0x0] =	vst.idx.msk $0xffff, v63;
	(pc) =	sbr.rel @p0 .LBB2_4-.Ltmp5, $4  }
0x1a6: {  	[hbm4b:s0+s3] =	stream.linear.scatter [tilespmem:s28], [sflag:$0x2], $0x1C20, $0x38;
	[tilespmem:$0x125C0] =	vst v63  }
0x1a7: {  	_ =	swait.ge [sflag:s15], $0x1C20  }
0x1a8: {  	[sflag:s15] =	ssyncset.done $0x0  }
0x1a9: {  	[sflag:s15] =	ssyncadd.s32 $0xFFFFE3E0  }
0x1aa: {  	s6 =	simm.s32 $0x0;
	s0 =	simm.s32 $0x320  }
0x1ab: {  	[tilespmem:s0], [sflag:$0x2] =	stream.linear.gather [hbm4b:s10+s6], $0x320, $0x38;
	[tilespmem:$0x125C0] =	vst v63  }
0x1ac: {  	_ =	swait.ge [sflag:s15], $0x320  }
0x1ad: {  	[sflag:s15] =	ssyncset.done $0x0  }
0x1ae: {  	s1 =	simm.s32 $0x960;
	s8 =	rddreg [dreg:$0x5];
	[sflag:s15] =	ssyncadd.s32 $0xFFFFFCE0  }
0x1af: {  	[tilespmem:s1], [sflag:$0x2] =	stream.linear.gather [hbm4b:s8+s6], $0x320, $0x38;
	[tilespmem:$0x125C0] =	vst v63  }
0x1b0: {  	_ =	swait.ge [sflag:s15], $0x320  }
0x1b1: {  	[sflag:s15] =	ssyncset.done $0x0  }
0x1b2: {  	v20 =	vmov s6;
	[sflag:s15] =	ssyncadd.s32 $0xFFFFFCE0  }
0x1b3: {  	v20 =	vshll.u32 v20, $0x1;
	v21 =	vld [tilespmem:s0+$0x0]  }
0x1b4: {  	v20 =	vor.u32 v0, v20;
	_ =	sdelay $0x3  }
0x1b5: {  	v21 =	vshll.u32 v21, $0x1  }
0x1b6: {  	[tilespmem:v20+s21+$0x0] =	vst.idx.msk $0xffff, v21  }
0x1b7: {  	v21 =	vld [tilespmem:s1+$0x0];
	_ =	sdelay $0x4  }
0x1b8: {  	s11 =	simm.s32 $0x20;
	s8 =	simm.s32 $0x10;
	v21 =	vshll.u32 v21, $0x1  }
.LBB2_14:
0x1b9: {  	s0 =	sadd.s32 $0x10, s0  }
0x1ba: {  	v22 =	vmov s8;
	[tilespmem:v20+s22+$0x0] =	vst.idx.msk $0xffff, v21;
	s1 =	sadd.s32 $0x10, s1;
	s8 =	smov.u32 s11;
	s6 =	sadd.s32 $0x10, s11  }
0x1bb: {  	p0 =	sne.s32 s11, $0x310;
	v20 =	vshll.u32 v22, $0x1;
	v21 =	vld [tilespmem:s0+$0x0]  }
0x1bc: {  	v20 =	vor.u32 v0, v20;
	_ =	sdelay $0x3  }
0x1bd: {  	v21 =	vshll.u32 v21, $0x1  }
0x1be: {  	[tilespmem:v20+s21+$0x0] =	vst.idx.msk $0xffff, v21  }
0x1bf: {  	v21 =	vld [tilespmem:s1+$0x0]  }
.Ltmp6:
0x1c0: {  	(pc) =	sbr.rel @p0 .LBB2_14-.Ltmp6, $2  }
0x1c1: {  	_ =	sdelay $0x2  }
0x1c2: {  	s11 =	smov.u32 s6;
	v21 =	vshll.u32 v21, $0x1  }
0x1c3: {  	_ =	sdelay $0x3  }
0x1c4: {  	v22 =	vmov s8;
	[tilespmem:v20+s22+$0x0] =	vst.idx.msk $0xffff, v21;
	s0 =	sadd.s32 $0x10, s0  }
0x1c5: {  	v20 =	vshll.u32 v22, $0x1;
	v21 =	vld [tilespmem:s0+$0x0]  }
0x1c6: {  	v20 =	vor.u32 v0, v20;
	_ =	sdelay $0x3  }
0x1c7: {  	v21 =	vshll.u32 v21, $0x1  }
0x1c8: {  	s14 =	sadd.s32 $0x10, s1;
	[tilespmem:v20+s21+$0x0] =	vst.idx.msk $0xffff, v21  }
0x1c9: {  	v21 =	vld [tilespmem:s14+$0x0];
	_ =	sdelay $0x4  }
0x1ca: {  	v21 =	vshll.u32 v21, $0x1  }
0x1cb: {  	[tilespmem:v20+s22+$0x0] =	vst.idx.msk $0xffff, v21  }
0x1cc: {  	[tilespmem:s23], [sflag:$0x1] =	stream.indirect.gather [hbm4b:s7+s18], $0x4, s21, s18, $0xb8;
	[tilespmem:$0x125C0] =	vst v63  }
0x1cd: {  	s0 =	simm.s32 $0x0  }
0x1ce: {  	v20 =	vmov s0;
	[tilespmem:s24], [sflag:$0x1] =	stream.indirect.gather [hbm4b:s7+s18], $0x4, s22, s18, $0xb8;
	[tilespmem:$0x125C0] =	vst v63  }
0x1cf: {  	v20 =	vshll.u32 v20, $0x3;
	_ =	swait.ge [sflag:s25], $0x1900  }
0x1d0: {  	v20 =	vor.u32 v1, v20;
	[sflag:s25] =	ssyncset.done $0x0  }
0x1d1: {  	[sflag:s25] =	ssyncadd.s32 $0xFFFFE700  }
0x1d2: {  	v21 =	vor.u32 $0x1, v20;
	_ =	swait.ge [sflag:s25], $0x1900  }
0x1d3: {  	[sflag:s25] =	ssyncset.done $0x0  }
0x1d4: {  	v22 =	vor.u32 $0x2, v20;
	[sflag:s25] =	ssyncadd.s32 $0xFFFFE700  }
0x1d5: {  	v23 =	vld.idx.msk [tilespmem:v20+s19+$0x0], $0xffff  }
0x1d6: {  	v20 =	vld.idx.msk [tilespmem:v20+s20+$0x0], $0xffff  }
0x1d7: {  	v24 =	vld.idx.msk [tilespmem:v21+s19+$0x0], $0xffff  }
0x1d8: {  	v21 =	vld.idx.msk [tilespmem:v21+s20+$0x0], $0xffff  }
0x1d9: {  	v25 =	vld.idx.msk [tilespmem:v22+s20+$0x0], $0xffff  }
0x1da: {  	v26 =	vld.idx.msk [tilespmem:v22+s19+$0x0], $0xffff;
	_ =	sdelay $0x2  }
0x1db: {  	v22 =	vsub.f32 v23, v20;
	v21 =	vsub.f32 v24, v21;
	_ =	sdelay $0x1  }
0x1dc: {  	v24 =	vsub.f32 v26, v25;
	v20 =	vmul.f32 v22, v22;
	v23 =	vmul.f32 v21, v21;
	_ =	sdelay $0x1  }
0x1dd: {  	v20 =	vadd.f32 v23, v20;
	v23 =	vmul.f32 v24, v24;
	_ =	sdelay $0x1  }
0x1de: {  	v20 =	vadd.f32 v23, v20;
	_ =	sdelay $0x1  }
0x1df: {  	v23 =	vshra.s32 v20, $0x1;
	v25 =	vmul.f32 $5.000000000e-01, v20  }
0x1e0: {  	v20 =	vsub.s32 $0x5F3759DF, v23  }
0x1e1: {  	v23 =	vmul.f32 v20, v25;
	_ =	sdelay $0x1  }
0x1e2: {  	v23 =	vmul.f32 v20, v23;
	_ =	sdelay $0x1  }
0x1e3: {  	v23 =	vsub.f32 $1.500000000e+00, v23;
	_ =	sdelay $0x1  }
0x1e4: {  	v23 =	vmul.f32 v20, v23;
	_ =	sdelay $0x1  }
0x1e5: {  	v20 =	vmul.f32 v23, v25;
	_ =	sdelay $0x1  }
0x1e6: {  	v20 =	vmul.f32 v20, v23;
	_ =	sdelay $0x1  }
0x1e7: {  	v26 =	vsub.f32 $1.500000000e+00, v20  }
0x1e8: {  	v27 =	vadd.s32 s0, v13  }
0x1e9: {  	v31 =	vadd.s32 s0, v11;
	v34 =	vadd.s32 s0, v5;
	v26 =	vmul.f32 v26, v23  }
0x1ea: {  	v28 =	vand.u32 $0x7FF8, v27;
	v27 =	vadd.s32 s0, v17;
	v31 =	vand.u32 $0x7FF8, v31  }
0x1eb: {  	v30 =	vand.u32 $0x7FF8, v27;
	v27 =	vadd.s32 s0, v9;
	v25 =	vmul.f32 v26, v25  }
0x1ec: {  	v31 =	vor.u32 v12, v31;
	v32 =	vor.u32 v14, v28;
	v27 =	vand.u32 $0x7FF8, v27  }
0x1ed: {  	v27 =	vor.u32 v10, v27;
	v23 =	vadd.s32 s0, v15;
	v25 =	vmul.f32 v25, v26  }
0x1ee: {  	v20 =	vadd.s32 s0, v7;
	v29 =	vand.u32 $0x7FF8, v23;
	v23 =	vadd.s32 s0, v19  }
0x1ef: {  	s31 =	simm.s32 $0x10;
	v20 =	vand.u32 $0x7FF8, v20;
	v23 =	vand.u32 $0x7FF8, v23;
	v33 =	vsub.f32 $1.500000000e+00, v25  }
0x1f0: {  	v29 =	vor.u32 v16, v29;
	v25 =	vor.u32 v18, v30;
	v30 =	vmov s31  }
0x1f1: {  	v28 =	vshll.u32 v30, $0x3;
	v33 =	vmul.f32 v33, v26;
	v26 =	vadd.s32 s0, v2  }
0x1f2: {  	v23 =	vor.u32 v3, v23;
	v28 =	vor.u32 v1, v28;
	v35 =	vand.u32 $0x7FF8, v26  }
0x1f3: {  	s1 =	simm.s32 $0x20;
	v30 =	vor.u32 $0x1, v28;
	v26 =	vor.u32 $0x2, v28;
	v33 =	vmin.f32 v33, $9.999999950e+11  }
.LBB2_16:
0x1f4: {  	p0 =	sne.s32 s1, $0x310  }
0x1f5: {  	v22 =	vmul.f32 v33, v22;
	v24 =	vmul.f32 v33, v24;
	v35 =	vor.u32 v3, v35;
	s0 =	sadd.s32 $0x90, s0;
	s8 =	smov.u32 s1;
	s1 =	sadd.s32 $0x10, s1  }
0x1f6: {  	v34 =	vand.u32 $0x7FF8, v34;
	v37 =	vor.u32 v8, v20;
	v36 =	vadd.s32 s0, v7  }
0x1f7: {  	v34 =	vor.u32 v6, v34;
	v38 =	vmul.f32 v22, v22;
	v39 =	vmul.f32 v24, v24  }
0x1f8: {  	v21 =	vmul.f32 v33, v21;
	v20 =	vand.u32 $0x7FF8, v36;
	v33 =	vmul.f32 $3.872983460e+00, v22  }
0x1f9: {  	v22 =	vmul.f32 $1.732050780e+00, v22;
	v36 =	vmul.f32 $1.732050780e+00, v24;
	v40 =	vadd.f32 v39, v38  }
0x1fa: {  	v41 =	vmul.f32 $1.732050780e+00, v21;
	v42 =	vmul.f32 v33, v24;
	v38 =	vsub.f32 v39, v38;
	[tilespmem:v35+s26+$0x0] =	vst.idx.msk $0xffff, v4  }
0x1fb: {  	v39 =	vmul.f32 v21, v21;
	v35 =	vadd.s32 s0, v13;
	v40 =	vmul.f32 $5.000000000e-01, v40  }
0x1fc: {  	v33 =	vmul.f32 v33, v21;
	v21 =	vmul.f32 $3.872983460e+00, v21;
	v35 =	vand.u32 $0x7FF8, v35;
	[tilespmem:v34+s26+$0x0] =	vst.idx.msk $0xffff, v22  }
0x1fd: {  	v22 =	vadd.s32 s0, v15;
	v34 =	vadd.s32 s0, v17;
	v39 =	vsub.f32 v39, v40;
	[tilespmem:v37+s26+$0x0] =	vst.idx.msk $0xffff, v41  }
0x1fe: {  	v21 =	vmul.f32 v21, v24;
	v37 =	vand.u32 $0x7FF8, v22;
	v34 =	vand.u32 $0x7FF8, v34;
	[tilespmem:v27+s26+$0x0] =	vst.idx.msk $0xffff, v36  }
0x1ff: {  	v22 =	vadd.s32 s0, v19;
	v24 =	vmul.f32 $2.236068010e+00, v39;
	[tilespmem:v31+s26+$0x0] =	vst.idx.msk $0xffff, v42  }
0x200: {  	v31 =	vand.u32 $0x7FF8, v22;
	[tilespmem:v32+s26+$0x0] =	vst.idx.msk $0xffff, v33  }
0x201: {  	v22 =	vmul.f32 $1.936491730e+00, v38;
	[tilespmem:v29+s26+$0x0] =	vst.idx.msk $0xffff, v24  }
0x202: {  	[tilespmem:v25+s26+$0x0] =	vst.idx.msk $0xffff, v21  }
0x203: {  	[tilespmem:v23+s26+$0x0] =	vst.idx.msk $0xffff, v22  }
0x204: {  	v21 =	vld.idx.msk [tilespmem:v28+s19+$0x0], $0xffff  }
0x205: {  	v22 =	vld.idx.msk [tilespmem:v28+s20+$0x0], $0xffff  }
0x206: {  	v23 =	vld.idx.msk [tilespmem:v30+s19+$0x0], $0xffff  }
0x207: {  	v24 =	vld.idx.msk [tilespmem:v30+s20+$0x0], $0xffff  }
0x208: {  	v25 =	vld.idx.msk [tilespmem:v26+s20+$0x0], $0xffff  }
0x209: {  	v26 =	vld.idx.msk [tilespmem:v26+s19+$0x0], $0xffff;
	_ =	sdelay $0x1  }
0x20a: {  	v22 =	vsub.f32 v21, v22;
	_ =	sdelay $0x1  }
0x20b: {  	v21 =	vsub.f32 v23, v24;
	_ =	sdelay $0x1  }
0x20c: {  	v23 =	vmul.f32 v22, v22;
	v24 =	vsub.f32 v26, v25;
	v25 =	vmul.f32 v21, v21;
	_ =	sdelay $0x1  }
0x20d: {  	v23 =	vadd.f32 v25, v23;
	v25 =	vmul.f32 v24, v24;
	_ =	sdelay $0x1  }
0x20e: {  	v23 =	vadd.f32 v25, v23;
	_ =	sdelay $0x1  }
0x20f: {  	v25 =	vshra.s32 v23, $0x1;
	v23 =	vmul.f32 $5.000000000e-01, v23  }
0x210: {  	v25 =	vsub.s32 $0x5F3759DF, v25  }
0x211: {  	v26 =	vmul.f32 v25, v23;
	_ =	sdelay $0x1  }
0x212: {  	v26 =	vmul.f32 v25, v26;
	_ =	sdelay $0x1  }
0x213: {  	v26 =	vsub.f32 $1.500000000e+00, v26;
	_ =	sdelay $0x1  }
0x214: {  	v25 =	vmul.f32 v25, v26;
	_ =	sdelay $0x1  }
0x215: {  	v26 =	vmul.f32 v25, v23;
	_ =	sdelay $0x1  }
0x216: {  	v26 =	vmul.f32 v26, v25;
	_ =	sdelay $0x1  }
0x217: {  	v26 =	vsub.f32 $1.500000000e+00, v26;
	_ =	sdelay $0x1  }
0x218: {  	v26 =	vmul.f32 v26, v25;
	_ =	sdelay $0x1  }
0x219: {  	v23 =	vmul.f32 v26, v23  }
0x21a: {  	v25 =	vadd.s32 s0, v9  }
0x21b: {  	v28 =	vmul.f32 v23, v26;
	v23 =	vand.u32 $0x7FF8, v25;
	v25 =	vadd.s32 s0, v11  }
0x21c: {  	v27 =	vor.u32 v10, v23;
	v25 =	vand.u32 $0x7FF8, v25;
	v23 =	vor.u32 v3, v31  }
.Ltmp7:
0x21d: {  	v28 =	vsub.f32 $1.500000000e+00, v28;
	v31 =	vor.u32 v12, v25;
	v25 =	vor.u32 v18, v34;
	(pc) =	sbr.rel @p0 .LBB2_16-.Ltmp7, $4  }
0x21e: {  	v32 =	vor.u32 v14, v35;
	v29 =	vor.u32 v16, v37;
	v30 =	vmov s8  }
0x21f: {  	v30 =	vshll.u32 v30, $0x3;
	v33 =	vmul.f32 v28, v26;
	v26 =	vadd.s32 s0, v2  }
0x220: {  	v34 =	vadd.s32 s0, v5;
	v28 =	vor.u32 v1, v30;
	v35 =	vand.u32 $0x7FF8, v26  }
0x221: {  	v30 =	vor.u32 $0x1, v28;
	v26 =	vor.u32 $0x2, v28;
	v33 =	vmin.f32 v33, $9.999999950e+11  }
0x222: {  	v22 =	vmul.f32 v33, v22;
	v24 =	vmul.f32 v33, v24  }
0x223: {  	v35 =	vor.u32 v3, v35;
	v34 =	vand.u32 $0x7FF8, v34  }
0x224: {  	v34 =	vor.u32 v6, v34;
	v36 =	vmul.f32 v22, v22;
	v37 =	vmul.f32 v24, v24  }
0x225: {  	v20 =	vor.u32 v8, v20;
	v21 =	vmul.f32 v33, v21  }
0x226: {  	v52 =	vmul.f32 $3.872983460e+00, v22;
	v38 =	vadd.f32 v37, v36  }
0x227: {  	v22 =	vmul.f32 $1.732050780e+00, v22;
	v39 =	vmul.f32 $1.732050780e+00, v21  }
0x228: {  	v53 =	vmul.f32 v21, v21;
	[tilespmem:v35+s26+$0x0] =	vst.idx.msk $0xffff, v4;
	v38 =	vmul.f32 $5.000000000e-01, v38  }
0x229: {  	v40 =	vmul.f32 $1.732050780e+00, v24;
	[tilespmem:v34+s26+$0x0] =	vst.idx.msk $0xffff, v22  }
0x22a: {  	v22 =	vmul.f32 v52, v24;
	[tilespmem:v20+s26+$0x0] =	vst.idx.msk $0xffff, v39;
	v54 =	vsub.f32 v53, v38  }
0x22b: {  	v20 =	vmul.f32 v52, v21;
	v21 =	vmul.f32 $3.872983460e+00, v21;
	[tilespmem:v27+s26+$0x0] =	vst.idx.msk $0xffff, v40  }
0x22c: {  	v27 =	vsub.f32 v37, v36;
	[tilespmem:v31+s26+$0x0] =	vst.idx.msk $0xffff, v22;
	v55 =	vmul.f32 $2.236068010e+00, v54  }
0x22d: {  	v21 =	vmul.f32 v21, v24;
	[tilespmem:v32+s26+$0x0] =	vst.idx.msk $0xffff, v20  }
0x22e: {  	v20 =	vmul.f32 $1.936491730e+00, v27;
	[tilespmem:v29+s26+$0x0] =	vst.idx.msk $0xffff, v55  }
0x22f: {  	[tilespmem:v25+s26+$0x0] =	vst.idx.msk $0xffff, v21  }
0x230: {  	[tilespmem:v23+s26+$0x0] =	vst.idx.msk $0xffff, v20  }
0x231: {  	v20 =	vld.idx.msk [tilespmem:v28+s19+$0x0], $0xffff  }
0x232: {  	v21 =	vld.idx.msk [tilespmem:v28+s20+$0x0], $0xffff  }
0x233: {  	v22 =	vld.idx.msk [tilespmem:v30+s19+$0x0], $0xffff  }
0x234: {  	v23 =	vld.idx.msk [tilespmem:v30+s20+$0x0], $0xffff  }
0x235: {  	v24 =	vld.idx.msk [tilespmem:v26+s20+$0x0], $0xffff  }
0x236: {  	v25 =	vld.idx.msk [tilespmem:v26+s19+$0x0], $0xffff;
	_ =	sdelay $0x2  }
0x237: {  	v20 =	vsub.f32 v20, v21;
	v21 =	vsub.f32 v22, v23;
	_ =	sdelay $0x1  }
0x238: {  	v22 =	vsub.f32 v25, v24;
	v23 =	vmul.f32 v20, v20;
	v24 =	vmul.f32 v21, v21;
	_ =	sdelay $0x1  }
0x239: {  	v23 =	vadd.f32 v24, v23;
	v24 =	vmul.f32 v22, v22;
	_ =	sdelay $0x1  }
0x23a: {  	v23 =	vadd.f32 v24, v23;
	_ =	sdelay $0x1  }
0x23b: {  	v24 =	vshra.s32 v23, $0x1;
	v23 =	vmul.f32 $5.000000000e-01, v23  }
0x23c: {  	v24 =	vsub.s32 $0x5F3759DF, v24  }
0x23d: {  	v25 =	vmul.f32 v24, v23;
	_ =	sdelay $0x1  }
0x23e: {  	v25 =	vmul.f32 v24, v25;
	_ =	sdelay $0x1  }
0x23f: {  	v25 =	vsub.f32 $1.500000000e+00, v25;
	_ =	sdelay $0x1  }
0x240: {  	v24 =	vmul.f32 v24, v25;
	_ =	sdelay $0x1  }
0x241: {  	v25 =	vmul.f32 v24, v23;
	_ =	sdelay $0x1  }
0x242: {  	v25 =	vmul.f32 v25, v24;
	_ =	sdelay $0x1  }
0x243: {  	v25 =	vsub.f32 $1.500000000e+00, v25;
	_ =	sdelay $0x1  }
0x244: {  	v24 =	vmul.f32 v25, v24;
	_ =	sdelay $0x1  }
0x245: {  	v23 =	vmul.f32 v24, v23;
	_ =	sdelay $0x1  }
0x246: {  	s0 =	sadd.s32 $0x90, s0;
	v23 =	vmul.f32 v23, v24  }
0x247: {  	v56 =	vadd.s32 s0, v11  }
0x248: {  	v31 =	vadd.s32 s0, v5;
	v27 =	vadd.s32 s0, v15;
	v23 =	vsub.f32 $1.500000000e+00, v23  }
0x249: {  	v31 =	vand.u32 $0x7FF8, v31;
	v27 =	vand.u32 $0x7FF8, v27;
	v29 =	vadd.s32 s0, v9  }
0x24a: {  	v31 =	vor.u32 v6, v31;
	v29 =	vand.u32 $0x7FF8, v29;
	v23 =	vmul.f32 v23, v24  }
0x24b: {  	v27 =	vor.u32 v16, v27;
	v29 =	vor.u32 v10, v29;
	v26 =	vadd.s32 s0, v13  }
0x24c: {  	v28 =	vadd.s32 s0, v17;
	v30 =	vadd.s32 s0, v2;
	v23 =	vmin.f32 v23, $9.999999950e+11  }
0x24d: {  	v30 =	vand.u32 $0x7FF8, v30;
	v20 =	vmul.f32 v23, v20;
	v22 =	vmul.f32 v23, v22  }
0x24e: {  	v26 =	vand.u32 $0x7FF8, v26;
	v30 =	vor.u32 v3, v30;
	v25 =	vadd.s32 s0, v7  }
0x24f: {  	v25 =	vand.u32 $0x7FF8, v25;
	v57 =	vmul.f32 v20, v20;
	v58 =	vmul.f32 v22, v22  }
0x250: {  	v28 =	vand.u32 $0x7FF8, v28;
	v25 =	vor.u32 v8, v25;
	v21 =	vmul.f32 v23, v21  }
0x251: {  	v23 =	vand.u32 $0x7FF8, v56;
	v59 =	vmul.f32 $3.872983460e+00, v20;
	v60 =	vadd.f32 v58, v57  }
0x252: {  	v23 =	vor.u32 v12, v23;
	v20 =	vmul.f32 $1.732050780e+00, v20;
	v61 =	vmul.f32 $1.732050780e+00, v21  }
0x253: {  	v26 =	vor.u32 v14, v26;
	[tilespmem:v30+s26+$0x0] =	vst.idx.msk $0xffff, v4;
	v30 =	vmul.f32 v21, v21;
	v35 =	vmul.f32 $5.000000000e-01, v60  }
0x254: {  	v28 =	vor.u32 v18, v28;
	v24 =	vadd.s32 s0, v19;
	v62 =	vmul.f32 $1.732050780e+00, v22;
	[tilespmem:v31+s26+$0x0] =	vst.idx.msk $0xffff, v20  }
0x255: {  	v20 =	vand.u32 $0x7FF8, v24;
	v24 =	vmul.f32 v59, v22;
	[tilespmem:v25+s26+$0x0] =	vst.idx.msk $0xffff, v61;
	v30 =	vsub.f32 v30, v35  }
0x256: {  	v20 =	vor.u32 v3, v20;
	v25 =	vmul.f32 v59, v21;
	v21 =	vmul.f32 $3.872983460e+00, v21;
	[tilespmem:v29+s26+$0x0] =	vst.idx.msk $0xffff, v62  }
0x257: {  	v29 =	vsub.f32 v58, v57;
	[tilespmem:v23+s26+$0x0] =	vst.idx.msk $0xffff, v24;
	v30 =	vmul.f32 $2.236068010e+00, v30  }
0x258: {  	v21 =	vmul.f32 v21, v22;
	[tilespmem:v26+s26+$0x0] =	vst.idx.msk $0xffff, v25  }
0x259: {  	v22 =	vmul.f32 $1.936491730e+00, v29;
	[tilespmem:v27+s26+$0x0] =	vst.idx.msk $0xffff, v30  }
0x25a: {  	[tilespmem:v28+s26+$0x0] =	vst.idx.msk $0xffff, v21  }
0x25b: {  	s1 =	rddreg [dreg:$0x6];
	s0 =	simm.s32 $0x0;
	[tilespmem:v20+s26+$0x0] =	vst.idx.msk $0xffff, v22  }
0x25c: {  	[hbm4b:s1+s0] =	stream.linear.scatter [tilespmem:s26], [sflag:$0x2], $0x1C20, $0x38;
	[tilespmem:$0x125C0] =	vst v63  }
0x25d: {  	_ =	swait.ge [sflag:s15], $0x1C20  }
0x25e: {  	[sflag:s15] =	ssyncset.done $0x0  }
0x25f: {  	v20 =	vmov s0;
	[sflag:s15] =	ssyncadd.s32 $0xFFFFE3E0  }
0x260: {  	v20 =	vshll.u32 v20, $0x3;
	_ =	swait.ge [sflag:s25], $0x1900  }
0x261: {  	v20 =	vor.u32 v1, v20;
	[sflag:s25] =	ssyncset.done $0x0  }
0x262: {  	[sflag:s25] =	ssyncadd.s32 $0xFFFFE700  }
0x263: {  	v21 =	vor.u32 $0x1, v20;
	_ =	swait.ge [sflag:s25], $0x1900  }
0x264: {  	[sflag:s25] =	ssyncset.done $0x0  }
0x265: {  	v22 =	vor.u32 $0x2, v20;
	[sflag:s25] =	ssyncadd.s32 $0xFFFFE700  }
0x266: {  	v23 =	vld.idx.msk [tilespmem:v20+s23+$0x0], $0xffff  }
0x267: {  	v20 =	vld.idx.msk [tilespmem:v20+s24+$0x0], $0xffff  }
0x268: {  	v24 =	vld.idx.msk [tilespmem:v21+s23+$0x0], $0xffff  }
0x269: {  	v21 =	vld.idx.msk [tilespmem:v21+s24+$0x0], $0xffff  }
0x26a: {  	v25 =	vld.idx.msk [tilespmem:v22+s24+$0x0], $0xffff  }
0x26b: {  	v26 =	vld.idx.msk [tilespmem:v22+s23+$0x0], $0xffff;
	_ =	sdelay $0x2  }
0x26c: {  	v22 =	vsub.f32 v23, v20;
	v21 =	vsub.f32 v24, v21;
	_ =	sdelay $0x1  }
0x26d: {  	v24 =	vsub.f32 v26, v25;
	v20 =	vmul.f32 v22, v22;
	v23 =	vmul.f32 v21, v21;
	_ =	sdelay $0x1  }
0x26e: {  	v20 =	vadd.f32 v23, v20;
	v23 =	vmul.f32 v24, v24;
	_ =	sdelay $0x1  }
0x26f: {  	v20 =	vadd.f32 v23, v20;
	_ =	sdelay $0x1  }
0x270: {  	v23 =	vshra.s32 v20, $0x1;
	v25 =	vmul.f32 $5.000000000e-01, v20  }
0x271: {  	v20 =	vsub.s32 $0x5F3759DF, v23  }
0x272: {  	v23 =	vmul.f32 v20, v25;
	_ =	sdelay $0x1  }
0x273: {  	v23 =	vmul.f32 v20, v23;
	_ =	sdelay $0x1  }
0x274: {  	v23 =	vsub.f32 $1.500000000e+00, v23;
	_ =	sdelay $0x1  }
0x275: {  	v23 =	vmul.f32 v20, v23;
	_ =	sdelay $0x1  }
0x276: {  	v20 =	vmul.f32 v23, v25;
	_ =	sdelay $0x1  }
0x277: {  	v20 =	vmul.f32 v20, v23;
	_ =	sdelay $0x1  }
0x278: {  	v26 =	vsub.f32 $1.500000000e+00, v20  }
0x279: {  	v34 =	vadd.s32 s0, v5  }
0x27a: {  	v31 =	vadd.s32 s0, v11;
	v27 =	vadd.s32 s0, v13;
	v26 =	vmul.f32 v26, v23  }
0x27b: {  	v31 =	vand.u32 $0x7FF8, v31;
	v28 =	vand.u32 $0x7FF8, v27;
	v27 =	vadd.s32 s0, v17  }
0x27c: {  	v30 =	vand.u32 $0x7FF8, v27;
	v27 =	vadd.s32 s0, v9;
	v25 =	vmul.f32 v26, v25  }
0x27d: {  	v31 =	vor.u32 v12, v31;
	v32 =	vor.u32 v14, v28;
	v27 =	vand.u32 $0x7FF8, v27  }
0x27e: {  	v27 =	vor.u32 v10, v27;
	v23 =	vadd.s32 s0, v15;
	v25 =	vmul.f32 v25, v26  }
0x27f: {  	v20 =	vadd.s32 s0, v7;
	v29 =	vand.u32 $0x7FF8, v23;
	v23 =	vadd.s32 s0, v19  }
0x280: {  	s31 =	simm.s32 $0x10;
	v20 =	vand.u32 $0x7FF8, v20;
	v23 =	vand.u32 $0x7FF8, v23;
	v63 =	vsub.f32 $1.500000000e+00, v25  }
0x281: {  	v29 =	vor.u32 v16, v29;
	v25 =	vor.u32 v18, v30;
	v30 =	vmov s31  }
0x282: {  	v28 =	vshll.u32 v30, $0x3;
	v33 =	vmul.f32 v63, v26;
	v26 =	vadd.s32 s0, v2  }
0x283: {  	v23 =	vor.u32 v3, v23;
	v28 =	vor.u32 v1, v28;
	v35 =	vand.u32 $0x7FF8, v26  }
0x284: {  	s1 =	simm.s32 $0x20;
	v30 =	vor.u32 $0x1, v28;
	v26 =	vor.u32 $0x2, v28;
	v33 =	vmin.f32 v33, $9.999999950e+11  }
.LBB2_18:
0x285: {  	p0 =	sne.s32 s1, $0x310  }
0x286: {  	v22 =	vmul.f32 v33, v22;
	v24 =	vmul.f32 v33, v24;
	v35 =	vor.u32 v3, v35;
	s0 =	sadd.s32 $0x90, s0;
	s8 =	smov.u32 s1;
	s1 =	sadd.s32 $0x10, s1  }
0x287: {  	v34 =	vand.u32 $0x7FF8, v34;
	v37 =	vor.u32 v8, v20;
	v36 =	vadd.s32 s0, v7  }
0x288: {  	v34 =	vor.u32 v6, v34;
	v38 =	vmul.f32 v22, v22;
	v39 =	vmul.f32 v24, v24  }
0x289: {  	v21 =	vmul.f32 v33, v21;
	v20 =	vand.u32 $0x7FF8, v36;
	v33 =	vmul.f32 $3.872983460e+00, v22  }
0x28a: {  	v22 =	vmul.f32 $1.732050780e+00, v22;
	v36 =	vmul.f32 $1.732050780e+00, v24;
	v40 =	vadd.f32 v39, v38  }
0x28b: {  	v41 =	vmul.f32 $1.732050780e+00, v21;
	v42 =	vmul.f32 v33, v24;
	v38 =	vsub.f32 v39, v38;
	[tilespmem:v35+s28+$0x0] =	vst.idx.msk $0xffff, v4  }
0x28c: {  	v39 =	vmul.f32 v21, v21;
	v35 =	vadd.s32 s0, v13;
	v40 =	vmul.f32 $5.000000000e-01, v40  }
0x28d: {  	v33 =	vmul.f32 v33, v21;
	v21 =	vmul.f32 $3.872983460e+00, v21;
	v35 =	vand.u32 $0x7FF8, v35;
	[tilespmem:v34+s28+$0x0] =	vst.idx.msk $0xffff, v22  }
0x28e: {  	v22 =	vadd.s32 s0, v15;
	v34 =	vadd.s32 s0, v17;
	v39 =	vsub.f32 v39, v40;
	[tilespmem:v37+s28+$0x0] =	vst.idx.msk $0xffff, v41  }
0x28f: {  	v21 =	vmul.f32 v21, v24;
	v37 =	vand.u32 $0x7FF8, v22;
	v34 =	vand.u32 $0x7FF8, v34;
	[tilespmem:v27+s28+$0x0] =	vst.idx.msk $0xffff, v36  }
0x290: {  	v22 =	vadd.s32 s0, v19;
	v24 =	vmul.f32 $2.236068010e+00, v39;
	[tilespmem:v31+s28+$0x0] =	vst.idx.msk $0xffff, v42  }
0x291: {  	v31 =	vand.u32 $0x7FF8, v22;
	[tilespmem:v32+s28+$0x0] =	vst.idx.msk $0xffff, v33  }
0x292: {  	v22 =	vmul.f32 $1.936491730e+00, v38;
	[tilespmem:v29+s28+$0x0] =	vst.idx.msk $0xffff, v24  }
0x293: {  	[tilespmem:v25+s28+$0x0] =	vst.idx.msk $0xffff, v21  }
0x294: {  	[tilespmem:v23+s28+$0x0] =	vst.idx.msk $0xffff, v22  }
0x295: {  	v21 =	vld.idx.msk [tilespmem:v28+s23+$0x0], $0xffff  }
0x296: {  	v22 =	vld.idx.msk [tilespmem:v28+s24+$0x0], $0xffff  }
0x297: {  	v23 =	vld.idx.msk [tilespmem:v30+s23+$0x0], $0xffff  }
0x298: {  	v24 =	vld.idx.msk [tilespmem:v30+s24+$0x0], $0xffff  }
0x299: {  	v25 =	vld.idx.msk [tilespmem:v26+s24+$0x0], $0xffff  }
0x29a: {  	v26 =	vld.idx.msk [tilespmem:v26+s23+$0x0], $0xffff;
	_ =	sdelay $0x1  }
0x29b: {  	v22 =	vsub.f32 v21, v22;
	_ =	sdelay $0x1  }
0x29c: {  	v21 =	vsub.f32 v23, v24;
	_ =	sdelay $0x1  }
0x29d: {  	v23 =	vmul.f32 v22, v22;
	v24 =	vsub.f32 v26, v25;
	v25 =	vmul.f32 v21, v21;
	_ =	sdelay $0x1  }
0x29e: {  	v23 =	vadd.f32 v25, v23;
	v25 =	vmul.f32 v24, v24;
	_ =	sdelay $0x1  }
0x29f: {  	v23 =	vadd.f32 v25, v23;
	_ =	sdelay $0x1  }
0x2a0: {  	v25 =	vshra.s32 v23, $0x1;
	v23 =	vmul.f32 $5.000000000e-01, v23  }
0x2a1: {  	v25 =	vsub.s32 $0x5F3759DF, v25  }
0x2a2: {  	v26 =	vmul.f32 v25, v23;
	_ =	sdelay $0x1  }
0x2a3: {  	v26 =	vmul.f32 v25, v26;
	_ =	sdelay $0x1  }
0x2a4: {  	v26 =	vsub.f32 $1.500000000e+00, v26;
	_ =	sdelay $0x1  }
0x2a5: {  	v25 =	vmul.f32 v25, v26;
	_ =	sdelay $0x1  }
0x2a6: {  	v26 =	vmul.f32 v25, v23;
	_ =	sdelay $0x1  }
0x2a7: {  	v26 =	vmul.f32 v26, v25;
	_ =	sdelay $0x1  }
0x2a8: {  	v26 =	vsub.f32 $1.500000000e+00, v26;
	_ =	sdelay $0x1  }
0x2a9: {  	v26 =	vmul.f32 v26, v25;
	_ =	sdelay $0x1  }
0x2aa: {  	v23 =	vmul.f32 v26, v23  }
0x2ab: {  	v25 =	vadd.s32 s0, v9  }
0x2ac: {  	v28 =	vmul.f32 v23, v26;
	v23 =	vand.u32 $0x7FF8, v25;
	v25 =	vadd.s32 s0, v11  }
0x2ad: {  	v27 =	vor.u32 v10, v23;
	v25 =	vand.u32 $0x7FF8, v25;
	v23 =	vor.u32 v3, v31  }
.Ltmp8:
0x2ae: {  	v28 =	vsub.f32 $1.500000000e+00, v28;
	v31 =	vor.u32 v12, v25;
	v25 =	vor.u32 v18, v34;
	(pc) =	sbr.rel @p0 .LBB2_18-.Ltmp8, $4  }
0x2af: {  	v32 =	vor.u32 v14, v35;
	v29 =	vor.u32 v16, v37;
	v30 =	vmov s8  }
0x2b0: {  	v30 =	vshll.u32 v30, $0x3;
	v33 =	vmul.f32 v28, v26;
	v26 =	vadd.s32 s0, v2  }
0x2b1: {  	v34 =	vadd.s32 s0, v5;
	v28 =	vor.u32 v1, v30;
	v35 =	vand.u32 $0x7FF8, v26  }
0x2b2: {  	v30 =	vor.u32 $0x1, v28;
	v26 =	vor.u32 $0x2, v28;
	v33 =	vmin.f32 v33, $9.999999950e+11  }
0x2b3: {  	v22 =	vmul.f32 v33, v22;
	v24 =	vmul.f32 v33, v24  }
0x2b4: {  	v35 =	vor.u32 v3, v35;
	v34 =	vand.u32 $0x7FF8, v34  }
0x2b5: {  	v34 =	vor.u32 v6, v34;
	v36 =	vmul.f32 v22, v22;
	v37 =	vmul.f32 v24, v24  }
0x2b6: {  	v20 =	vor.u32 v8, v20;
	v21 =	vmul.f32 v33, v21  }
0x2b7: {  	v58 =	vmul.f32 $3.872983460e+00, v22;
	v38 =	vadd.f32 v37, v36  }
0x2b8: {  	v22 =	vmul.f32 $1.732050780e+00, v22;
	v39 =	vmul.f32 $1.732050780e+00, v21  }
0x2b9: {  	v59 =	vmul.f32 v21, v21;
	[tilespmem:v35+s28+$0x0] =	vst.idx.msk $0xffff, v4;
	v38 =	vmul.f32 $5.000000000e-01, v38  }
0x2ba: {  	v40 =	vmul.f32 $1.732050780e+00, v24;
	[tilespmem:v34+s28+$0x0] =	vst.idx.msk $0xffff, v22  }
0x2bb: {  	v60 =	vmul.f32 v58, v24;
	[tilespmem:v20+s28+$0x0] =	vst.idx.msk $0xffff, v39;
	v61 =	vsub.f32 v59, v38  }
0x2bc: {  	v20 =	vmul.f32 v58, v21;
	v21 =	vmul.f32 $3.872983460e+00, v21;
	[tilespmem:v27+s28+$0x0] =	vst.idx.msk $0xffff, v40  }
0x2bd: {  	v62 =	vsub.f32 v37, v36;
	[tilespmem:v31+s28+$0x0] =	vst.idx.msk $0xffff, v60;
	v63 =	vmul.f32 $2.236068010e+00, v61  }
0x2be: {  	v21 =	vmul.f32 v21, v24;
	[tilespmem:v32+s28+$0x0] =	vst.idx.msk $0xffff, v20  }
0x2bf: {  	v20 =	vmul.f32 $1.936491730e+00, v62;
	[tilespmem:v29+s28+$0x0] =	vst.idx.msk $0xffff, v63  }
0x2c0: {  	[tilespmem:v25+s28+$0x0] =	vst.idx.msk $0xffff, v21  }
0x2c1: {  	[tilespmem:v23+s28+$0x0] =	vst.idx.msk $0xffff, v20  }
0x2c2: {  	v20 =	vld.idx.msk [tilespmem:v28+s23+$0x0], $0xffff  }
0x2c3: {  	v21 =	vld.idx.msk [tilespmem:v28+s24+$0x0], $0xffff  }
0x2c4: {  	v22 =	vld.idx.msk [tilespmem:v30+s23+$0x0], $0xffff  }
0x2c5: {  	v23 =	vld.idx.msk [tilespmem:v30+s24+$0x0], $0xffff  }
0x2c6: {  	v36 =	vld.idx.msk [tilespmem:v26+s24+$0x0], $0xffff  }
0x2c7: {  	v25 =	vld.idx.msk [tilespmem:v26+s23+$0x0], $0xffff;
	_ =	sdelay $0x2  }
0x2c8: {  	v20 =	vsub.f32 v20, v21;
	v37 =	vsub.f32 v22, v23;
	_ =	sdelay $0x1  }
0x2c9: {  	v38 =	vsub.f32 v25, v36;
	v39 =	vmul.f32 v20, v20;
	v40 =	vmul.f32 v37, v37;
	_ =	sdelay $0x1  }
0x2ca: {  	v41 =	vmul.f32 v38, v38;
	v23 =	vadd.f32 v40, v39;
	_ =	sdelay $0x1  }
0x2cb: {  	v23 =	vadd.f32 v41, v23;
	_ =	sdelay $0x1  }
0x2cc: {  	v24 =	vshra.s32 v23, $0x1;
	v23 =	vmul.f32 $5.000000000e-01, v23  }
0x2cd: {  	v24 =	vsub.s32 $0x5F3759DF, v24  }
0x2ce: {  	v42 =	vmul.f32 v24, v23;
	_ =	sdelay $0x1  }
0x2cf: {  	v25 =	vmul.f32 v24, v42;
	_ =	sdelay $0x1  }
0x2d0: {  	v25 =	vsub.f32 $1.500000000e+00, v25;
	_ =	sdelay $0x1  }
0x2d1: {  	v24 =	vmul.f32 v24, v25;
	_ =	sdelay $0x1  }
0x2d2: {  	v25 =	vmul.f32 v24, v23;
	_ =	sdelay $0x1  }
0x2d3: {  	v25 =	vmul.f32 v25, v24;
	_ =	sdelay $0x1  }
0x2d4: {  	v25 =	vsub.f32 $1.500000000e+00, v25;
	_ =	sdelay $0x1  }
0x2d5: {  	v24 =	vmul.f32 v25, v24;
	_ =	sdelay $0x1  }
0x2d6: {  	v23 =	vmul.f32 v24, v23;
	_ =	sdelay $0x1  }
0x2d7: {  	s0 =	sadd.s32 $0x90, s0;
	v23 =	vmul.f32 v23, v24  }
0x2d8: {  	v43 =	vadd.s32 s0, v7  }
0x2d9: {  	v44 =	vadd.s32 s0, v13;
	v45 =	vadd.s32 s0, v15;
	v23 =	vsub.f32 $1.500000000e+00, v23  }
0x2da: {  	v46 =	vadd.s32 s0, v17;
	v47 =	vadd.s32 s0, v19;
	v48 =	vadd.s32 s0, v9  }
0x2db: {  	v49 =	vadd.s32 s0, v2;
	v51 =	vadd.s32 s0, v11;
	v23 =	vmul.f32 v23, v24  }
0x2dc: {  	v50 =	vadd.s32 s0, v5;
	v54 =	vand.u32 $0x7FF8, v51;
	v27 =	vand.u32 $0x7FF8, v45  }
0x2dd: {  	v31 =	vand.u32 $0x7FF8, v50;
	v29 =	vand.u32 $0x7FF8, v48;
	v23 =	vmin.f32 v23, $9.999999950e+11  }
0x2de: {  	v30 =	vand.u32 $0x7FF8, v49;
	v20 =	vmul.f32 v23, v20;
	v22 =	vmul.f32 v23, v38  }
0x2df: {  	v31 =	vor.u32 v6, v31;
	v29 =	vor.u32 v10, v29;
	v30 =	vor.u32 v3, v30  }
0x2e0: {  	v25 =	vand.u32 $0x7FF8, v43;
	v52 =	vmul.f32 v20, v20;
	v53 =	vmul.f32 v22, v22  }
0x2e1: {  	v26 =	vand.u32 $0x7FF8, v44;
	v25 =	vor.u32 v8, v25;
	v21 =	vmul.f32 v23, v37  }
0x2e2: {  	v28 =	vand.u32 $0x7FF8, v46;
	v55 =	vmul.f32 $3.872983460e+00, v20;
	v56 =	vadd.f32 v53, v52  }
0x2e3: {  	v23 =	vor.u32 v12, v54;
	v20 =	vmul.f32 $1.732050780e+00, v20;
	v57 =	vmul.f32 $1.732050780e+00, v21  }
0x2e4: {  	v26 =	vor.u32 v14, v26;
	[tilespmem:v30+s28+$0x0] =	vst.idx.msk $0xffff, v4;
	v58 =	vmul.f32 v21, v21;
	v35 =	vmul.f32 $5.000000000e-01, v56  }
0x2e5: {  	v27 =	vor.u32 v16, v27;
	v28 =	vor.u32 v18, v28;
	v59 =	vmul.f32 $1.732050780e+00, v22;
	[tilespmem:v31+s28+$0x0] =	vst.idx.msk $0xffff, v20  }
0x2e6: {  	v20 =	vand.u32 $0x7FF8, v47;
	v60 =	vmul.f32 v55, v22;
	[tilespmem:v25+s28+$0x0] =	vst.idx.msk $0xffff, v57;
	v30 =	vsub.f32 v58, v35  }
0x2e7: {  	v61 =	vmul.f32 v55, v21;
	v21 =	vmul.f32 $3.872983460e+00, v21;
	v20 =	vor.u32 v3, v20;
	[tilespmem:v29+s28+$0x0] =	vst.idx.msk $0xffff, v59  }
0x2e8: {  	v62 =	vsub.f32 v53, v52;
	[tilespmem:v23+s28+$0x0] =	vst.idx.msk $0xffff, v60;
	v30 =	vmul.f32 $2.236068010e+00, v30  }
0x2e9: {  	v21 =	vmul.f32 v21, v22;
	[tilespmem:v26+s28+$0x0] =	vst.idx.msk $0xffff, v61  }
0x2ea: {  	v63 =	vmul.f32 $1.936491730e+00, v62;
	[tilespmem:v27+s28+$0x0] =	vst.idx.msk $0xffff, v30  }
0x2eb: {  	[tilespmem:v28+s28+$0x0] =	vst.idx.msk $0xffff, v21  }
0x2ec: {  	s14 =	rddreg [dreg:$0x7];
	[tilespmem:v20+s28+$0x0] =	vst.idx.msk $0xffff, v63  }
0x2ed: {  	[hbm4b:s14+s3] =	stream.linear.scatter [tilespmem:s28], [sflag:$0x2], $0x1C20, $0x38;
	[tilespmem:$0x125C0] =	vst v63  }
0x2ee: {  	_ =	swait.ge [sflag:s15], $0x1C20  }
0x2ef: {  	s29 =	sadd.s32 $0x1, s29;
	s31 =	rddreg [dreg:$0x8]  }
0x2f0: {  	p0 =	sne.s32 s29, s31  }
.Ltmp9:
0x2f1: {  	_ = 	snop;
	(pc) =	sbr.rel @p0 .LBB2_1-.Ltmp9, $3  }
0x2f2: {  	_ =	sdelay $0x1  }
0x2f3: {  	[sflag:s15] =	ssyncset.done $0x0  }
0x2f4: {  	[sflag:s15] =	ssyncadd.s32 $0xFFFFE3E0  }
0x2f5: {  	_ =	sfence.sel $0x180000  }
0x2f6: {  	[bflag:$0x0] =	sbarrier.arrive $0xFFFF  }
0x2f7: {  	_ =	strace $0x9000004A  }
0x2f8: {  	s0 =	stileid.u32;
	[bflag:$0x2] =	sbarrier.arrive $0xFFFF  }
0x2f9: {  	p0 =	sne.s32 s0, $0x0;
	s0 =	rddreg [dreg:$0x2]  }
0x2fa: {  	s0 =	sadd.s32 @!p0 $0x100000, s0  }
0x2fb: {  	[sflag:s0] =	ssyncadd.tile.s32 @!p0 $0x1;
	_ =	shalt  }
.Lfunc_end2:
_tile_overlayer_lowered:
.L_overlay_start_2:
0x2fc: {  	(tag) =	ssettag $0x2  }
0x2fd: {  	s0 =	rddreg [dreg:$0x0];
	s2 =	stileid.u32  }
0x2fe: {  	s1 =	rddreg [dreg:$0x1];
	p0 =	sne.s32 s2, $0x0  }
0x2ff: {  	s3 =	rddreg [dreg:$0x2];
	[bflag:$0x3] =	sbarrier.arrive $0xFFFF;
	s2 =	simm.s32 @!p0 $0x1C02  }
0x300: {  	[timem:s3], [sflag:s2] =	dma.local @!p0 [hbm:s0], s1  }
0x301: {  	s0 =	simm.s32 @!p0 $0x2  }
0x302: {  	_ =	swait.ge @!p0 [sflag:s0], s1  }
0x303: {  	s1 =	ssub.s32 @!p0 $0x0, s1;
	[sflag:s0] =	ssyncset.done @!p0 $0x0  }
0x304: {  	[sflag:s0] =	ssyncadd.s32 @!p0 s1  }
0x305: {  	[bflag:$0x3] =	sbarrier.arrive $0xFFFF  }
0x306: {  	_ =	shalt  }

// kernel: sparse-core-data-format-call.1.cloned.1.call-start
scs
called_computation.1_lowered:
.L_overlay_start_0:
0x0: {  	s1 =	sld [smem:$0x3FD9]  }
0x1: {  	s2 =	sld [smem:$0x3FFE];
	_ =	sdelay $0x1  }
0x2: {  	s3 =	srdreg.scid  }
0x3: {  	s0 =	sand.u32 $0x1, s3  }
0x4: {  	s17 =	sshll.u32 s0, $0xA;
	s1 =	sadd.s32 s2, s1  }
0x5: {  	s1 =	sadd.s32 s1, s17  }
0x6: {  	[smem:$0x3FC6] =	sst s1  }
0x7: {  	_ = 	snop  }
0x8: {  	(tm) =	ssettm $0x1  }
0x9: {  	s18 =	sld [smem:$0x3FFB];
	_ =	sdelay $0x3  }
0xa: {  	_ =	strace s18  }
0xb: {  	s1 =	sld [smem:$0x3FFC];
	_ =	sdelay $0x3  }
0xc: {  	_ =	strace s1  }
0xd: {  	s1 =	sld [smem:$0x3FFD];
	_ =	sdelay $0x3  }
0xe: {  	_ =	strace s1  }
0xf: {  	_ =	strace $0x8FFFFFFF  }
0x10: {  	s19 =	sld [smem:$0x3FDB];
	_ =	sdelay $0x1  }
0x11: {  	s20 =	simm.s32 $_scs_section_size  }
0x12: {  	s4 =	simm.s32 $_size__tile_overlayer_lowered;
	s5 =	simm.s32 $_tile_overlayer_lowered  }
0x13: {  	s23 =	simm.s32 $0x1BFF;
	s22 =	sshll.u32 s5, $0x1;
	s1 =	sadd.s32 s20, s19  }
0x14: {  	s6 =	simm.s32 $0x0;
	s21 =	sshll.u32 s4, $0x1;
	s4 =	sadd.s32 s22, s1  }
0x15: {  	[timem:s6], [sflag:s23] =	dma.local [hbm:s4], s21  }
0x16: {  	_ =	swait.ge [sflag:s23], s21  }
0x17: {  	s2 =	ssub.s32 $0x0, s21;
	[sflag:s23] =	ssyncset.done $0x0  }
0x18: {  	[sflag:s23] =	ssyncadd.s32 s2;
	_ =	sdelay $0x1  }
0x19: {  	s24 =	simm.s32 $0x1B8B  }
0x1a: {  	_ =	swait.ge [sflag:s24], $0x1  }
0x1b: {  	[sflag:s24] =	ssyncset.done $0x0  }
0x1c: {  	s26 =	simm.s32 $0x1B8E;
	s25 =	sld [smem:$0x3FFE];
	[sflag:s24] =	ssyncadd.s32 $0xFFFFFFFF  }
0x1d: {  	s27 =	simm.s32 $execute0_lowered;
	[smem:$0x3FD2] =	sst s26  }
0x1e: {  	s4 =	sshll.u32 s27, $0x1;
	_ =	strace $0x80000046;
	[dreg:$0x1] =	wrdreg $0xFFFFFFFF  }
0x1f: {  	s28 =	simm.s32 $_size_execute0_lowered;
	s1 =	sadd.s32 s1, s4;
	[dreg:$0x0] =	wrdreg $0x0  }
0x20: {  	s4 =	sshll.u32 s28, $0x1;
	[dreg:$0x2] =	wrdreg s1  }
0x21: {  	[dreg:$0x3] =	wrdreg s4  }
0x22: {  	[dreg:$0x4] =	wrdreg $0xC0  }
0x23: {  	_ =	task [dreg:s6], $0x5FFFF  }
0x24: {  	[dreg:$0x1] =	wrdreg $0xFFFFFFFF  }
0x25: {  	[dreg:$0x0] =	wrdreg $0x60  }
0x26: {  	[dreg:$0x2] =	wrdreg s25  }
0x27: {  	[dreg:$0x3] =	wrdreg $0x9  }
0x28: {  	_ =	task.clear_ibuf [dreg:s6], $0x4FFFF;
	_ =	strace $0x90000046  }
0x29: {  	s29 =	simm.s32 $0x9;
	_ =	strace $0x80000048  }
0x2a: {  	_ =	swait.ge [sflag:s29], $0x1  }
0x2b: {  	[sflag:s29] =	ssyncadd.s32 $0xFFFFFFFF  }
0x2c: {  	_ =	strace $0x90000048  }
0x2d: {  	_ =	sfence  }
0x2e: {  	s30 =	sld [smem:$0x0];
	_ =	sdelay $0x2  }
0x2f: {  	s31 =	sshll.u32 s3, $0xD;
	s3 =	sshrl.u32 s3, $0x2  }
0x30: {  	s2 =	sand.u32 $0x4000, s31;
	s1 =	sadd.s32 s3, s30  }
0x31: {  	s0 =	sor.u32 s2, s0;
	s1 =	sshll.u32 s1, $0x11  }
0x32: {  	s0 =	sor.u32 s1, s0  }
0x33: {  	s0 =	sadd.s32 $0x8F2B, s0  }
0x34: {  	[sflag:s0] =	ssyncadd.remote.s32 $0x1  }
0x35: {  	_ =	sfence.sel $0xFFFF  }
0x36: {  	[dreg:$0x0] =	wrdreg $0xFFFFFFFF;
	(pc) =	sbr.abs _section_cstart, $3  }
0x37: {  	[dreg:$0x1] =	wrdreg $0xFFFFFFFF  }
0x38: {  	_ =	task.clear_ibuf [dreg:s6], $0x2FFFF;
	_ =	strace $0x9FFFFFFF  }
0x39: {  	(tm) =	ssettm $0x7FFFFFFF  }
tec
execute0_lowered:
.L_overlay_start_1:
0x0: {  	(tag) =	ssettag $0x1  }
0x1: {  	s1 =	srdreg.scid  }
0x2: {  	s0 =	stileid.u32;
	s6 =	rddreg [dreg:$0x0];
	s31 =	simm.s32 $0x2  }
0x3: {  	s10 =	simm.s32 $0x0;
	s14 =	simm.s32 $0x0;
	s15 =	simm.s32 $0x0  }
0x4: {  	s11 =	simm.s32 $0x0;
	s13 =	simm.s32 $0x0;
	s2 =	sand.u32 $0x1, s1  }
0x5: {  	s3 =	sshll.u32 s0, $0x7;
	s1 =	rddreg [dreg:$0x1];
	_ =	strace $0x80000047  }
0x6: {  	s4 =	ssub.s32 $0xC300, s3;
	s5 =	ssub.s32 $0x2, s2;
	s8 =	sshll.u32 s2, $0x4  }
.Ltmp0:
0x7: {  	s4 =	sshrl.u32 s4, $0xB;
	s7 =	sshrl.u32 s5, $0x1;
	(pc) =	sbr.rel .LBB1_1-.Ltmp0, $4  }
0x8: {  	s12 =	smov.u32 s3;
	s9 =	sadd.s32 $0x1, s4;
	s5 =	ssub.s32 s5, s7  }
0x9: {  	s30 =	sadd.s32 s8, s6;
	s4 =	simm.s32 $0x1;
	s5 =	smul.u32 s9, s5  }
0xa: {  	s6 =	sadd.s32 $0x187800, s6;
	s7 =	sadd.s32 $0xE00, s30;
	[sflag:s4] =	ssyncpa.u1 $0x0  }
0xb: {  	s9 =	simm.s32 $0x0;
	[sflag:s31] =	ssyncpa.u1 $0x0;
	s8 =	sadd.s32 $0x1, s5  }
.LBB1_4:
0xc: {  	s21 =	simm.s32 $0x0  }
.LBB1_8:
0xd: {  	_ =	sdelay $0x3  }
0xe: {  	v6 =	vld [tilespmem:s18+$0xFFFFFFC0];
	[tilespmem:v0+s20+$0x30 ss:$0x1] =	vst.idx.msk @p0 $0xffff, v2  }
0xf: {  	v58 =	vld [tilespmem:s18+$0xFFFFFFD0];
	[tilespmem:v0+s20+$0x40 ss:$0x1] =	vst.idx.msk @p0 $0xffff, v3;
	s21 =	sadd.s32 @p0 $0x80, s21  }
0x10: {  	v59 =	vld [tilespmem:s18+$0xFFFFFFE0];
	[tilespmem:v0+s20+$0x50 ss:$0x1] =	vst.idx.msk @p0 $0xffff, v5;
	s19 =	smov.u32 @p0 s21  }
0x11: {  	v60 =	vld [tilespmem:s18+$0xFFFFFFF0];
	[tilespmem:v0+s20+$0x60 ss:$0x1] =	vst.idx.msk @p0 $0xffff, v4;
	s19 =	sand.u32 $0x3F80, s19  }
0x12: {  	v61 =	vld [tilespmem:s18+$0x0];
	[tilespmem:v0+s19+$0x70 ss:$0x1] =	vst.idx.msk $0xffff, v1  }
0x13: {  	v62 =	vld [tilespmem:s18+$0x10];
	[tilespmem:v0+s19+$0x0 ss:$0x1] =	vst.idx.msk $0xffff, v6  }
0x14: {  	v63 =	vld [tilespmem:s18+$0x20];
	[tilespmem:v0+s19+$0x10 ss:$0x1] =	vst.idx.msk $0xffff, v58  }
0x15: {  	[tilespmem:v0+s19+$0x20 ss:$0x1] =	vst.idx.msk $0xffff, v59  }
0x16: {  	[tilespmem:v0+s19+$0x30 ss:$0x1] =	vst.idx.msk $0xffff, v60  }
0x17: {  	[tilespmem:v0+s19+$0x40 ss:$0x1] =	vst.idx.msk $0xffff, v61  }
0x18: {  	[tilespmem:v0+s19+$0x50 ss:$0x1] =	vst.idx.msk $0xffff, v62  }
0x19: {  	[tilespmem:v0+s19+$0x60 ss:$0x1] =	vst.idx.msk $0xffff, v63  }
.LBB1_9:
0x1a: {  	s18 =	sand.u32 $0x1FFFFFF, s11  }
0x1b: {  	s19 =	smulhi.u32 $0x14F8B59, s18;
	_ =	sdelay $0x1  }
0x1c: {  	s19 =	sshrl.u32 s19, $0x8  }
0x1d: {  	s19 =	smul.u32 $0xC350, s19  }
0x1e: {  	s15 =	smul.u32 $0xC3500, s15  }
0x1f: {  	s18 =	ssub.s32 s18, s19  }
0x20: {  	s15 =	sadd.s32 s6, s15;
	s18 =	sshll.u32 s18, $0x4  }
0x21: {  	s15 =	sadd.s32 s18, s15  }
0x22: {  	[hbm4b:s15+s9] =	stream.linear.scatter [tilespmem:s17], [sflag:$0x2], s16, $0x38;
	[tilespmem:$0x10000] =	vst v63  }
.LBB1_10:
0x23: {  	p0 =	slt.u32 s13, $0x2  }
0x24: {  	p1 =	sgt.s32 @!p0 s14, $0xC2D0  }
0x25: {  	s15 =	smov.u32 s14;
	s16 =	sshra.s32 @!p0 s14, $0x1F;
	p1 =	por !p1, p0  }
0x26: {  	s14 =	sand.u32 @!p0 s16, s14;
	s15 =	simm.s32 @p1 $0xC2D0  }
0x27: {  	s14 =	ssub.s32 @!p0 s15, s14  }
0x28: {  	s14 =	sadd.s32 @!p0 $0xFFFF3D30, s14  }
0x29: {  	s15 =	sshll.u32 @!p0 s14, $0x7  }
0x2a: {  	p1 =	sgt.s32 @!p0 s14, $0x7F;
	s14 =	ssub.s32 @!p0 $0x4000, s15  }
0x2b: {  	s16 =	sadd.s32 $0x800, s12;
	p1 =	por !p1, p0;
	s14 =	sand.u32 @!p0 $0x3FFFFF80, s14  }
0x2c: {  	s14 =	simm.s32 @!p1 $0x0;
	p1 =	sgt.s32 s16, $0xC34F  }
0x2d: {  	s16 =	smov.u32 @p1 s3;
	p1 =	sne.s32 s13, s8  }
.Ltmp1:
0x2e: {  	_ = 	snop;
	(pc) =	sbr.rel @!p1 .LBB1_11-.Ltmp1, $4  }
0x2f: {  	s10 =	sadd.s32 $0x4000, s10;
	s15 =	simm.s32 @!p0 $0x2  }
0x30: {  	_ =	swait.ge @!p0 [sflag:s15], s14;
	s17 =	ssub.s32 @!p0 $0x0, s14;
	s14 =	smov.u32 s11  }
0x31: {  	s13 =	sadd.s32 $0x1, s13;
	s11 =	smov.u32 s12;
	[sflag:s15] =	ssyncset.done @!p0 $0x0  }
0x32: {  	s12 =	smov.u32 s16;
	[sflag:s15] =	ssyncadd.s32 @!p0 s17;
	s15 =	smov.u32 s2  }
.LBB1_1:
0x33: {  	p0 =	sge.u32 s13, s5  }
0x34: {  	p1 =	sgt.s32 @!p0 s12, $0xC2D0  }
0x35: {  	s16 =	smov.u32 s12;
	s17 =	sshra.s32 @!p0 s12, $0x1F;
	p1 =	por !p1, p0  }
0x36: {  	s17 =	sand.u32 @!p0 s17, s12;
	s16 =	simm.s32 @p1 $0xC2D0  }
0x37: {  	s16 =	ssub.s32 @!p0 s16, s17  }
0x38: {  	s31 =	sadd.s32 $0xFFFFFFFF, s13;
	s18 =	sxor.u32 @!p0 $0xFFFFFFFF, s13;
	s16 =	sadd.s32 @!p0 $0xFFFF3D30, s16  }
0x39: {  	s19 =	simm.s32 @!p0 $0x80;
	s20 =	simm.s32 @!p0 $0x100;
	s17 =	sshll.u32 @!p0 s16, $0x7  }
0x3a: {  	p1 =	sgt.s32 @!p0 s16, $0x7F;
	s16 =	ssub.s32 @!p0 $0x4000, s17;
	s17 =	sshll.u32 @!p0 s18, $0xE  }
0x3b: {  	p1 =	por !p1, p0;
	s18 =	sshll.u32 @!p0 s12, $0x5;
	s16 =	sand.u32 @!p0 $0x3FFFFF80, s16  }
0x3c: {  	s17 =	sand.u32 @!p0 $0x4000, s17;
	s18 =	sadd.s32 @!p0 s18, s7;
	s16 =	simm.s32 @!p1 $0x0  }
0x3d: {  	[tilespmem:s17], [sflag:$0x1] =	stream.strided.gather @!p0 [hbm4b:s18+s19], s16, s20, s19, $0x38;
	[tilespmem:$0x10000] =	vst v63  }
0x3e: {  	p0 =	sge.u32 s31, s5  }
.Ltmp2:
0x3f: {  	_ = 	snop;
	(pc) =	sbr.rel @p0 .LBB1_10-.Ltmp2, $1  }
0x40: {  	_ =	sdelay $0x3  }
0x41: {  	p0 =	sgt.s32 s11, $0xC2D0;
	s16 =	smov.u32 s11;
	s17 =	sshra.s32 s11, $0x1F  }
0x42: {  	s16 =	simm.s32 @!p0 $0xC2D0;
	s17 =	sand.u32 s17, s11  }
0x43: {  	s16 =	ssub.s32 s16, s17  }
0x44: {  	s16 =	sadd.s32 $0xFFFF3D30, s16  }
0x45: {  	s30 =	sshll.u32 s16, $0x7  }
0x46: {  	s17 =	ssub.s32 $0x4000, s30  }
0x47: {  	p0 =	sgt.s32 s16, $0x7F;
	s16 =	sand.u32 $0x3FFFFF80, s17;
	s17 =	sadd.s32 $0x80, s11  }
0x48: {  	s16 =	simm.s32 @p0 $0x0;
	p0 =	slt.s32 s17, $0xC350  }
0x49: {  	s17 =	simm.s32 @!p0 $0xC350  }
0x4a: {  	s20 =	ssub.s32 s17, s11  }
0x4b: {  	p0 =	slt.s32 s20, $0x1  }
.Ltmp3:
0x4c: {  	_ = 	snop;
	(pc) =	sbr.rel @p0 .LBB1_9-.Ltmp3, $4  }
0x4d: {  	_ = 	snop  }
0x4e: {  	s19 =	sshll.u32 s13, $0xE;
	_ =	swait.ge [sflag:s4], s16  }
0x4f: {  	s31 =	sand.u32 $0x4000, s19;
	s18 =	ssub.s32 $0x0, s16;
	[sflag:s4] =	ssyncset.done $0x0  }
0x50: {  	s17 =	sor.u32 $0x8000, s31;
	[sflag:s4] =	ssyncadd.s32 s18  }
0x51: {  	p1 =	sne.s32 s20, $0x1  }
.Ltmp4:
0x52: {  	v0 =	vmov s17;
	(pc) =	sbr.rel @!p1 .LBB1_4-.Ltmp4, $4  }
0x53: {  	_ = 	snop  }
0x54: {  	s18 =	sand.u32 $0x4000, s10  }
0x55: {  	s18 =	sor.u32 $0x40, s18  }
0x56: {  	s19 =	simm.s32 $0x0;
	s21 =	sadd.s32 $0xFFFFFFFF, s20;
	p0 =	por $0x0, $0x0;
	v1 =	vld [tilespmem:s18+$0x30]  }
0x57: {  	v4 =	vld [tilespmem:s18+$0xFFFFFFC0]  }
0x58: {  	v6 =	vld [tilespmem:s18+$0xFFFFFFD0]  }
0x59: {  	v7 =	vld [tilespmem:s18+$0xFFFFFFE0];
	p1 =	sne.s32 s21, $0x1  }
.Ltmp5:
0x5a: {  	v2 =	vld [tilespmem:s18+$0xFFFFFFF0];
	s20 =	sand.u32 $0x3F80, s19;
	(pc) =	sbr.rel @!p1 .LBB1_6-.Ltmp5, $4  }
0x5b: {  	v3 =	vld [tilespmem:s18+$0x0];
	[tilespmem:v0+s20+$0x70 ss:$0x1] =	vst.idx.msk $0xffff, v1  }
0x5c: {  	v5 =	vld [tilespmem:s18+$0x10];
	[tilespmem:v0+s20+$0x0 ss:$0x1] =	vst.idx.msk $0xffff, v4  }
0x5d: {  	v4 =	vld [tilespmem:s18+$0x20];
	[tilespmem:v0+s20+$0x10 ss:$0x1] =	vst.idx.msk $0xffff, v6;
	s18 =	sadd.s32 $0x80, s18  }
0x5e: {  	s22 =	sadd.s32 $0xFFFFFFFF, s21;
	p0 =	por $0x1, $0x1;
	s21 =	simm.s32 $0x0;
	[tilespmem:v0+s20+$0x20 ss:$0x1] =	vst.idx.msk $0xffff, v7;
	v1 =	vld [tilespmem:s18+$0x30]  }
.LBB1_7:
0x5f: {  	p1 =	sne.s32 s22, $0x1;
	v6 =	vld [tilespmem:s18+$0xFFFFFFC0];
	[tilespmem:v0+s20+$0x30 ss:$0x1] =	vst.idx.msk $0xffff, v2  }
0x60: {  	v7 =	vld [tilespmem:s18+$0xFFFFFFD0];
	[tilespmem:v0+s20+$0x40 ss:$0x1] =	vst.idx.msk $0xffff, v3  }
0x61: {  	s21 =	sadd.s32 $0x80, s21;
	v8 =	vld [tilespmem:s18+$0xFFFFFFE0];
	[tilespmem:v0+s20+$0x50 ss:$0x1] =	vst.idx.msk $0xffff, v5  }
.Ltmp6:
0x62: {  	v2 =	vld [tilespmem:s18+$0xFFFFFFF0];
	[tilespmem:v0+s20+$0x60 ss:$0x1] =	vst.idx.msk $0xffff, v4;
	s20 =	sand.u32 $0x3F80, s21;
	(pc) =	sbr.rel @p1 .LBB1_7-.Ltmp6, $4  }
0x63: {  	v3 =	vld [tilespmem:s18+$0x0];
	[tilespmem:v0+s20+$0x70 ss:$0x1] =	vst.idx.msk $0xffff, v1  }
0x64: {  	[tilespmem:v0+s20+$0x0 ss:$0x1] =	vst.idx.msk $0xffff, v6;
	v5 =	vld [tilespmem:s18+$0x10]  }
0x65: {  	[tilespmem:v0+s20+$0x10 ss:$0x1] =	vst.idx.msk $0xffff, v7;
	v4 =	vld [tilespmem:s18+$0x20];
	s18 =	sadd.s32 $0x80, s18  }
0x66: {  	s22 =	sadd.s32 $0xFFFFFFFF, s22;
	v1 =	vld [tilespmem:s18+$0x30];
	[tilespmem:v0+s20+$0x20 ss:$0x1] =	vst.idx.msk $0xffff, v8  }
.Ltmp7:
0x67: {  	_ = 	snop;
	(pc) =	sbr.rel .LBB1_8-.Ltmp7, $1  }
0x68: {  	_ =	sdelay $0x3  }
.LBB1_6:
.Ltmp8:
0x69: {  	(pc) =	sbr.rel .LBB1_8-.Ltmp8, $2  }
0x6a: {  	_ =	sdelay $0x2  }
0x6b: {  	s21 =	simm.s32 $0x0  }
.LBB1_11:
0x6c: {  	_ =	sfence.sel $0x180000  }
0x6d: {  	s2 =	simm.s32 $0x1;
	[bflag:$0x0] =	sbarrier.arrive $0xFFFF  }
0x6e: {  	s31 =	simm.s32 $0x2;
	[sflag:s2] =	ssyncpa.u1 $0x1  }
0x6f: {  	[sflag:s31] =	ssyncpa.u1 $0x1  }
0x70: {  	p0 =	sne.s32 s0, $0x0;
	_ =	strace $0x90000047  }
0x71: {  	s0 =	sadd.s32 @!p0 $0x100000, s1;
	[bflag:$0x2] =	sbarrier.arrive $0xFFFF  }
0x72: {  	[sflag:s0] =	ssyncadd.tile.s32 @!p0 $0x1;
	_ =	shalt  }
.Lfunc_end1:
_tile_overlayer_lowered:
.L_overlay_start_2:
0x73: {  	(tag) =	ssettag $0x2  }
0x74: {  	s0 =	rddreg [dreg:$0x0];
	s2 =	stileid.u32  }
0x75: {  	s1 =	rddreg [dreg:$0x1];
	p0 =	sne.s32 s2, $0x0  }
0x76: {  	s3 =	rddreg [dreg:$0x2];
	[bflag:$0x3] =	sbarrier.arrive $0xFFFF;
	s2 =	simm.s32 @!p0 $0x1C01  }
0x77: {  	[timem:s3], [sflag:s2] =	dma.local @!p0 [hbm:s0], s1  }
0x78: {  	s0 =	simm.s32 @!p0 $0x1  }
0x79: {  	_ =	swait.ge @!p0 [sflag:s0], s1  }
0x7a: {  	s1 =	ssub.s32 @!p0 $0x0, s1;
	[sflag:s0] =	ssyncset.done @!p0 $0x0  }
0x7b: {  	[sflag:s0] =	ssyncadd.s32 @!p0 s1  }
0x7c: {  	[bflag:$0x3] =	sbarrier.arrive $0xFFFF  }
0x7d: {  	_ =	shalt  }

// kernel: sparse-core-data-format-call.cloned.1.call-start
scs
called_computation_lowered:
.L_overlay_start_0:
0x0: {  	s2 =	sld [smem:$0x3FD9]  }
0x1: {  	s3 =	sld [smem:$0x3FFE];
	_ =	sdelay $0x1  }
0x2: {  	s1 =	srdreg.scid  }
0x3: {  	s0 =	sand.u32 $0x1, s1  }
0x4: {  	s18 =	sshll.u32 s0, $0xA;
	s2 =	sadd.s32 s3, s2  }
0x5: {  	s2 =	sadd.s32 s2, s18  }
0x6: {  	[smem:$0x3FC6] =	sst s2  }
0x7: {  	_ = 	snop  }
0x8: {  	s2 =	sld [smem:$0x3FD0];
	(tm) =	ssettm $0x1  }
0x9: {  	s19 =	sld [smem:$0x3FFB];
	_ =	sdelay $0x3  }
0xa: {  	_ =	strace s19  }
0xb: {  	s3 =	sld [smem:$0x3FFC];
	_ =	sdelay $0x3  }
0xc: {  	_ =	strace s3  }
0xd: {  	s3 =	sld [smem:$0x3FFD];
	_ =	sdelay $0x3  }
0xe: {  	_ =	strace s3  }
0xf: {  	_ =	strace $0x8FFFFFFF  }
0x10: {  	s20 =	sld [smem:$0x3FDB];
	_ =	sdelay $0x1  }
0x11: {  	s4 =	simm.s32 $_scs_section_size  }
0x12: {  	s5 =	simm.s32 $_size__tile_overlayer_lowered;
	s6 =	simm.s32 $_tile_overlayer_lowered  }
0x13: {  	s23 =	simm.s32 $0x1BFF;
	s22 =	sshll.u32 s6, $0x1;
	s3 =	sadd.s32 s4, s20  }
0x14: {  	s7 =	simm.s32 $0x0;
	s21 =	sshll.u32 s5, $0x1;
	s5 =	sadd.s32 s22, s3  }
0x15: {  	[timem:s7], [sflag:s23] =	dma.local [hbm:s5], s21  }
0x16: {  	_ =	swait.ge [sflag:s23], s21  }
0x17: {  	s4 =	ssub.s32 $0x0, s21;
	[sflag:s23] =	ssyncset.done $0x0  }
0x18: {  	[sflag:s23] =	ssyncadd.s32 s4;
	_ =	sdelay $0x1  }
0x19: {  	s24 =	simm.s32 $0x1B8B  }
0x1a: {  	_ =	swait.ge [sflag:s24], $0x1  }
0x1b: {  	[sflag:s24] =	ssyncset.done $0x0  }
0x1c: {  	s26 =	simm.s32 $0x1B8E;
	s25 =	sld [smem:$0x3FFE];
	[sflag:s24] =	ssyncadd.s32 $0xFFFFFFFF  }
0x1d: {  	s27 =	simm.s32 $execute0_lowered;
	[smem:$0x3FD2] =	sst s26  }
0x1e: {  	s5 =	sshll.u32 s27, $0x1;
	_ =	strace $0x8000004C;
	[dreg:$0x1] =	wrdreg $0xFFFFFFFF  }
0x1f: {  	s28 =	simm.s32 $_size_execute0_lowered;
	s3 =	sadd.s32 s3, s5;
	[dreg:$0x0] =	wrdreg $0x0  }
0x20: {  	s5 =	sshll.u32 s28, $0x1;
	[dreg:$0x2] =	wrdreg s3  }
0x21: {  	[dreg:$0x3] =	wrdreg s5  }
0x22: {  	[dreg:$0x4] =	wrdreg $0xC0  }
0x23: {  	_ =	task [dreg:s7], $0x5FFFF  }
0x24: {  	[dreg:$0x1] =	wrdreg $0xFFFFFFFF  }
0x25: {  	[dreg:$0x0] =	wrdreg $0x60  }
0x26: {  	[dreg:$0x2] =	wrdreg s25  }
0x27: {  	[dreg:$0x3] =	wrdreg s2  }
0x28: {  	[dreg:$0x4] =	wrdreg $0x9  }
0x29: {  	_ =	task.clear_ibuf [dreg:s7], $0x5FFFF;
	_ =	strace $0x9000004C  }
0x2a: {  	s29 =	simm.s32 $0x9;
	_ =	strace $0x8000004E  }
0x2b: {  	_ =	swait.ge [sflag:s29], $0x1  }
0x2c: {  	[sflag:s29] =	ssyncadd.s32 $0xFFFFFFFF  }
0x2d: {  	_ =	strace $0x9000004E  }
0x2e: {  	_ =	sfence  }
0x2f: {  	s30 =	sld [smem:$0x0];
	_ =	sdelay $0x2  }
0x30: {  	s31 =	sshll.u32 s1, $0xD;
	s1 =	sshrl.u32 s1, $0x2  }
0x31: {  	s3 =	sand.u32 $0x4000, s31;
	s1 =	sadd.s32 s1, s30  }
0x32: {  	s0 =	sor.u32 s3, s0;
	s1 =	sshll.u32 s1, $0x11  }
0x33: {  	s0 =	sor.u32 s1, s0  }
0x34: {  	s0 =	sadd.s32 $0x8F2B, s0  }
0x35: {  	[sflag:s0] =	ssyncadd.remote.s32 $0x1  }
0x36: {  	_ =	sfence.sel $0xFFFF  }
0x37: {  	[dreg:$0x0] =	wrdreg $0xFFFFFFFF;
	(pc) =	sbr.abs _section_cstart, $3  }
0x38: {  	[dreg:$0x1] =	wrdreg $0xFFFFFFFF  }
0x39: {  	_ =	task.clear_ibuf [dreg:s7], $0x2FFFF;
	_ =	strace $0x9FFFFFFF  }
0x3a: {  	(tm) =	ssettm $0x7FFFFFFF  }
0x3b: {  	_ =	shalt  }
tec
execute0_lowered:
.L_overlay_start_1:
0x0: {  	(tag) =	ssettag $0x1  }
0x1: {  	s0 =	srdreg.scid  }
0x2: {  	s5 =	rddreg [dreg:$0x0];
	s1 =	sshll.u32 s0, $0x4  }
0x3: {  	s2 =	rddreg [dreg:$0x1];
	s0 =	stileid.u32;
	s1 =	sand.u32 $0x10, s1  }
0x4: {  	s4 =	simm.s32 $0x1;
	s8 =	simm.s32 $0x2;
	s1 =	sor.u32 s0, s1  }
0x5: {  	s12 =	simm.s32 $0x0;
	s9 =	simm.s32 $0x0;
	s3 =	sshll.u32 s1, $0x7  }
0x6: {  	s11 =	simm.s32 $0x0;
	s5 =	sadd.s32 $0xE00, s5;
	s6 =	ssub.s32 $0x61A800, s3  }
.Ltmp0:
0x7: {  	s1 =	rddreg [dreg:$0x2];
	s7 =	sand.u32 $0xF80, s6;
	(pc) =	sbr.rel .LBB1_1-.Ltmp0, $4  }
0x8: {  	_ =	strace $0x8000004D;
	p0 =	sne.s32 s7, $0x0;
	s7 =	simm.s32 $0x1  }
0x9: {  	[sflag:s4] =	ssyncpa.u1 $0x0;
	s6 =	sshrl.u32 s6, $0xC;
	s7 =	simm.s32 @!p0 $0x0  }
0xa: {  	s10 =	smov.u32 s3;
	[sflag:s8] =	ssyncpa.u1 $0x0;
	s6 =	sadd.s32 s7, s6  }
0xb: {  	s8 =	simm.s32 $0x30D4000;
	p0 =	por $0x0, $0x0;
	s7 =	sadd.s32 $0x1, s6  }
.LBB1_4:
0xc: {  	s15 =	sshll.u32 s9, $0x3;
	p1 =	sgt.s32 s9, $0x61A780  }
0xd: {  	s17 =	smov.u32 s9;
	s18 =	sshra.s32 s9, $0x1F;
	s16 =	sshrl.u32 s15, $0xB  }
0xe: {  	s17 =	simm.s32 @!p1 $0x61A780;
	s18 =	sand.u32 s18, s9;
	s16 =	smulhi.u32 $0x14F8B6, s16  }
0xf: {  	s19 =	sand.u32 $0x7F, s9;
	s15 =	sand.u32 $0xFFFFFC00, s15;
	s17 =	ssub.s32 s17, s18  }
0x10: {  	s17 =	sadd.s32 $0xFF9E5880, s17;
	s26 =	smul.u32 $0x61A800, s16  }
0x11: {  	s15 =	sor.u32 s19, s15;
	s16 =	sand.u32 $0xF, s16;
	s27 =	sshll.u32 s17, $0x6  }
0x12: {  	s28 =	ssub.s32 $0x2000, s27;
	s16 =	smul.u32 $0xC3500, s16;
	s15 =	ssub.s32 s15, s26  }
0x13: {  	p1 =	sgt.s32 s17, $0x7F;
	s17 =	sshrl.u32 s28, $0x2;
	s29 =	sand.u32 $0x7, s15  }
0x14: {  	s15 =	sshrl.u32 s15, $0x3;
	s16 =	sadd.s32 s2, s16;
	s18 =	sshll.u32 s29, $0x12  }
0x15: {  	[tilespmem:s14+$0x0 ss:$0x81] =	vst.msk $0xffff, v0;
	s17 =	simm.s32 @p1 $0x0;
	s30 =	sadd.s32 s15, s16;
	s31 =	sor.u32 $0x400, s18  }
0x16: {  	[hbm4b:s30+s31] =	stream.strided.scatter [tilespmem:s13], [sflag:$0x2], s17, s8, s31, $0x20;
	[tilespmem:$0x4040] =	vst v63  }
.LBB1_5:
0x17: {  	p1 =	slt.u32 s11, $0x2  }
0x18: {  	p2 =	sgt.s32 @!p1 s12, $0x61A780  }
0x19: {  	s13 =	smov.u32 s12;
	s14 =	sshra.s32 @!p1 s12, $0x1F;
	p2 =	por !p2, p1  }
0x1a: {  	s12 =	sand.u32 @!p1 s14, s12;
	s13 =	simm.s32 @p2 $0x61A780  }
0x1b: {  	s12 =	ssub.s32 @!p1 s13, s12  }
0x1c: {  	s12 =	sadd.s32 @!p1 $0xFF9E5880, s12  }
0x1d: {  	s13 =	sshll.u32 @!p1 s12, $0x6  }
0x1e: {  	p2 =	sgt.s32 @!p1 s12, $0x7F;
	s12 =	ssub.s32 @!p1 $0x2000, s13  }
0x1f: {  	s14 =	sadd.s32 $0x1000, s10;
	p2 =	por !p2, p1;
	s12 =	sshrl.u32 @!p1 s12, $0x2  }
0x20: {  	s12 =	simm.s32 @!p2 $0x0;
	p2 =	sgt.s32 s14, $0x61A7FF  }
0x21: {  	s14 =	smov.u32 @p2 s3;
	p2 =	sne.s32 s11, s7  }
.Ltmp1:
0x22: {  	_ = 	snop;
	(pc) =	sbr.rel @!p2 .LBB1_6-.Ltmp1, $4  }
0x23: {  	s13 =	simm.s32 @!p1 $0x2  }
0x24: {  	p0 =	por !p0, !p0;
	_ =	swait.ge @!p1 [sflag:s13], s12;
	s15 =	ssub.s32 @!p1 $0x0, s12  }
0x25: {  	s12 =	smov.u32 s9;
	s11 =	sadd.s32 $0x1, s11;
	[sflag:s13] =	ssyncset.done @!p1 $0x0  }
0x26: {  	s9 =	smov.u32 s10;
	s10 =	smov.u32 s14;
	[sflag:s13] =	ssyncadd.s32 @!p1 s15  }
.LBB1_1:
0x27: {  	p1 =	sge.u32 s11, s6  }
0x28: {  	s13 =	sand.u32 @!p1 $0x1FFFFFF, s10  }
0x29: {  	s14 =	smulhi.u32 @!p1 $0x14F8B59, s13;
	_ =	sdelay $0x1  }
0x2a: {  	s14 =	sshrl.u32 @!p1 s14, $0xF  }
0x2b: {  	s14 =	smul.u32 @!p1 $0x61A800, s14;
	_ =	sdelay $0x1  }
0x2c: {  	s31 =	sadd.s32 $0xFFFFFFFF, s11;
	s15 =	sxor.u32 @!p1 $0xFFFFFFFF, s11;
	s13 =	ssub.s32 @!p1 s13, s14  }
0x2d: {  	s16 =	simm.s32 @!p1 $0x80;
	s15 =	sshll.u32 @!p1 s15, $0xC;
	s13 =	sshll.u32 @!p1 s13, $0x4  }
0x2e: {  	s14 =	sand.u32 @!p1 $0x1000, s15;
	s15 =	simm.s32 @!p1 $0x20;
	s13 =	sadd.s32 @!p1 s5, s13  }
0x2f: {  	[tilespmem:s14], [sflag:$0x1] =	stream.strided.gather @!p1 [hbm4b:s13+s15], $0x1000, s16, s15, $0x38;
	[tilespmem:$0x4040] =	vst v63  }
0x30: {  	p1 =	sge.u32 s31, s6  }
.Ltmp2:
0x31: {  	_ = 	snop;
	(pc) =	sbr.rel @p1 .LBB1_5-.Ltmp2, $1  }
0x32: {  	_ =	sdelay $0x3  }
0x33: {  	s13 =	simm.s32 $0x1  }
0x34: {  	_ =	swait.ge [sflag:s4], $0x1000;
	s13 =	simm.s32 @!p0 $0x0  }
0x35: {  	[sflag:s4] =	ssyncset.done $0x0;
	s14 =	sshll.u32 s13, $0xC  }
0x36: {  	[sflag:s4] =	ssyncadd.s32 $0xFFFFF000;
	s17 =	sor.u32 $0x10, s14  }
0x37: {  	s13 =	smul.u32 $0x4080, s13;
	v1 =	vld [tilespmem:s17+$0x0]  }
0x38: {  	s30 =	sand.u32 $0x1, s11;
	v0 =	vld [tilespmem:s17+$0xFFFFFFF0]  }
0x39: {  	s14 =	smul.u32 $0x4080, s30;
	s13 =	sshrl.u32 s13, $0x2  }
0x3a: {  	s15 =	sor.u32 $0x2000, s13  }
0x3b: {  	s31 =	sshrl.u32 s14, $0x2;
	s14 =	sadd.s32 $0x0, s15  }
0x3c: {  	s16 =	simm.s32 $0x4;
	s17 =	sadd.s32 $0x20, s17;
	s13 =	sor.u32 $0x2000, s31;
	[tilespmem:s14+$0x810 ss:$0x81] =	vst.msk $0xffff, v1  }
.LBB1_3:
0x3d: {  	v1 =	vld [tilespmem:s17+$0x0];
	p1 =	sne.s32 s16, $0x1FC;
	[tilespmem:s14+$0x0 ss:$0x81] =	vst.msk $0xffff, v0;
	s14 =	smov.u32 s16;
	s16 =	sadd.s32 $0x4, s16  }
.Ltmp3:
0x3e: {  	v0 =	vld [tilespmem:s17+$0xFFFFFFF0];
	(pc) =	sbr.rel @p1 .LBB1_3-.Ltmp3, $4  }
0x3f: {  	_ = 	snop  }
0x40: {  	s14 =	sshra.s32 s14, $0x2  }
0x41: {  	s14 =	sadd.s32 s14, s15  }
0x42: {  	s17 =	sadd.s32 $0x20, s17;
	[tilespmem:s14+$0x810 ss:$0x81] =	vst.msk $0xffff, v1  }
.Ltmp4:
0x43: {  	_ = 	snop;
	(pc) =	sbr.rel .LBB1_4-.Ltmp4, $1  }
0x44: {  	_ =	sdelay $0x3  }
.LBB1_6:
0x45: {  	_ =	sfence.sel $0x180000  }
0x46: {  	s2 =	simm.s32 $0x1;
	[bflag:$0x0] =	sbarrier.arrive $0xFFFF  }
0x47: {  	s31 =	simm.s32 $0x2;
	[sflag:s2] =	ssyncpa.u1 $0x1  }
0x48: {  	[sflag:s31] =	ssyncpa.u1 $0x1  }
0x49: {  	p0 =	sne.s32 s0, $0x0;
	_ =	strace $0x9000004D  }
0x4a: {  	s0 =	sadd.s32 @!p0 $0x100000, s1;
	[bflag:$0x2] =	sbarrier.arrive $0xFFFF  }
0x4b: {  	[sflag:s0] =	ssyncadd.tile.s32 @!p0 $0x1;
	_ =	shalt  }
.Lfunc_end1:
_tile_overlayer_lowered:
.L_overlay_start_2:
0x4c: {  	(tag) =	ssettag $0x2  }
0x4d: {  	s0 =	rddreg [dreg:$0x0];
	s2 =	stileid.u32  }
0x4e: {  	s1 =	rddreg [dreg:$0x1];
	p0 =	sne.s32 s2, $0x0  }
0x4f: {  	s3 =	rddreg [dreg:$0x2];
	[bflag:$0x3] =	sbarrier.arrive $0xFFFF;
	s2 =	simm.s32 @!p0 $0x1C01  }
0x50: {  	[timem:s3], [sflag:s2] =	dma.local @!p0 [hbm:s0], s1  }
0x51: {  	s0 =	simm.s32 @!p0 $0x1  }
0x52: {  	_ =	swait.ge @!p0 [sflag:s0], s1  }
0x53: {  	s1 =	ssub.s32 @!p0 $0x0, s1;
	[sflag:s0] =	ssyncset.done @!p0 $0x0  }
0x54: {  	[sflag:s0] =	ssyncadd.s32 @!p0 s1  }
0x55: {  	[bflag:$0x3] =	sbarrier.arrive $0xFFFF  }
0x56: {  	_ =	shalt  }

</sc_bundles>
